<compile_context>
chip_gen: v7x
topology: tpu7x:2x2x1
jax: 0.10.2.dev20260603
libtpu: 0.0.44.dev20260713+nightly
codegen_flags: <defaults>
</compile_context>

<pallas_src>
import functools

import jax
import jax.numpy as jnp
from jax import lax
from jax.experimental import pallas as pl
from jax.experimental.pallas import tpu as pltpu
from jax.experimental.pallas import tpu_sc as plsc

H = 128
L = 16
NK = H // L


def _proj_body(zs_ref, zc_ref, w1t_ref, w1b_ref, b1_ref, a_ref, b_ref):
    a_ref[...] = (
        jnp.dot(zs_ref[...], w1t_ref[...], preferred_element_type=jnp.float32)
        + b1_ref[...]
    )
    b_ref[...] = jnp.dot(zc_ref[...], w1b_ref[...], preferred_element_type=jnp.float32)


def _project(zs, zc, w1t, w1b, b1):
    n_s, _ = zs.shape
    n_c, _ = zc.shape
    return pl.pallas_call(
        _proj_body,
        out_shape=(
            jax.ShapeDtypeStruct((n_s, H), jnp.float32),
            jax.ShapeDtypeStruct((n_c, H), jnp.float32),
        ),
    )(zs, zc, w1t, w1b, b1.reshape(1, H))


def _make_edge_kernel(n_edges, chunk, nw):
    per_w = n_edges // nw
    n_chunks = per_w // chunk
    assert n_chunks % 3 == 2 and n_chunks >= 5
    n_trips = (n_chunks - 2) // 3
    mesh = plsc.VectorSubcoreMesh(core_axis_name="c", subcore_axis_name="s")
    nc = mesh.num_cores

    @functools.partial(
        pl.kernel,
        mesh=mesh,
        out_type=jax.ShapeDtypeStruct((n_edges,), jnp.float32),
        compiler_params=pltpu.CompilerParams(needs_layout_passes=False),
        scratch_types=[
            pltpu.VMEM((per_w,), jnp.int32),
            pltpu.VMEM((per_w,), jnp.int32),
            [pltpu.VMEM((chunk, H), jnp.float32)] * 3,
            pltpu.VMEM((chunk * L,), jnp.float32),
            pltpu.VMEM((per_w,), jnp.float32),
            pltpu.VMEM((H,), jnp.float32),
            pltpu.VMEM((L,), jnp.float32),
            [pltpu.SemaphoreType.DMA] * 3,
            [pltpu.SemaphoreType.DMA] * 3,
        ],
    )
    def edge_kernel(a_hbm, b_hbm, row_hbm, col_hbm, w2_hbm, b2_hbm, out_hbm,
                    idxr, idxc, rows, accv, outv, w2v, b2v, sema, semb):
        wid = lax.axis_index("s") * nc + lax.axis_index("c")
        base = wid * per_w
        pltpu.sync_copy(w2_hbm, w2v)
        pltpu.sync_copy(b2_hbm, b2v)
        pltpu.sync_copy(row_hbm.at[pl.ds(base, per_w)], idxr)
        pltpu.sync_copy(col_hbm.at[pl.ds(base, per_w)], idxc)
        wvecs = [w2v[pl.ds(L * k, L)] for k in range(NK)]
        b2lane = b2v[...]
        lanes = lax.iota(jnp.int32, L)

        def issue_a(c, s):
            pltpu.async_copy(
                a_hbm.at[idxr.at[pl.ds(c * chunk, chunk)]], rows[s], sema[s]
            )

        def issue_b(c, s):
            pltpu.async_copy(
                b_hbm.at[idxc.at[pl.ds(c * chunk, chunk)]], rows[s], semb[s],
                add=True,
            )

        def wait_a(s):
            pltpu.make_async_copy(a_hbm, rows[s], sema[s]).wait()

        def wait_b(s):
            pltpu.make_async_copy(b_hbm, rows[s], semb[s]).wait()

        def compute(c, s):
            rx = rows[s]

            def edge_body(e, ecarry):
                acc = b2lane
                for k in range(NK):
                    xv = rx[e, pl.ds(L * k, L)]
                    acc = acc + jnp.maximum(xv, 0.0) * wvecs[k]
                accv[pl.ds(e * L, L)] = acc
                return ecarry

            lax.fori_loop(0, chunk, edge_body, 0, unroll=4)

            def group_body(g, gcarry):
                flat = (lanes + g * L) * L
                tot = plsc.load_gather(accv, [flat])
                for j in range(1, L):
                    tot = tot + plsc.load_gather(accv, [flat + j])
                outv[pl.ds(c * chunk + g * L, L)] = tot
                return gcarry

            lax.fori_loop(0, chunk // L, group_body, 0, unroll=2)

        def step(c, s):
            s1, s2 = (s + 1) % 3, (s + 2) % 3
            wait_a(s1)
            issue_b(c + 1, s1)
            issue_a(c + 2, s2)
            wait_b(s)
            compute(c, s)

        issue_a(0, 0)
        issue_a(1, 1)
        wait_a(0)
        issue_b(0, 0)

        def trip_body(p, carry):
            c0 = 3 * p
            step(c0, 0)
            step(c0 + 1, 1)
            step(c0 + 2, 2)
            return carry

        lax.fori_loop(0, n_trips, trip_body, 0)
        c0 = n_chunks - 2
        s = c0 % 3
        s1 = (s + 1) % 3
        wait_a(s1)
        issue_b(c0 + 1, s1)
        wait_b(s)
        compute(c0, s)
        wait_b(s1)
        compute(c0 + 1, s1)
        pltpu.sync_copy(outv, out_hbm.at[pl.ds(base, per_w)])

    return edge_kernel


def kernel(z_student, z_course, edge_label_index, W1, b1, W2, b2):
    row = edge_label_index[0].astype(jnp.int32)
    col = edge_label_index[1].astype(jnp.int32)
    w1t = W1[:H]
    w1b = W1[H:]
    a_tab, b_tab = _project(z_student, z_course, w1t, w1b, b1)

    n_edges = row.shape[0]
    info = plsc.get_sparse_core_info()
    nw = info.num_cores * info.num_subcores
    chunk = 80
    edge_fn = _make_edge_kernel(n_edges, chunk, nw)

    w2_flat = W2.reshape(H)
    b2_pad = jnp.zeros((L,), jnp.float32).at[0].set(b2[0])
    return edge_fn(a_tab, b_tab, row, col, w2_flat, b2_pad)

# --- scband reference (transcript-rebuilt; emitter-appended) ---
"""Pipeline reference for scband-edge-decoder-77343771066809 (READ-ONLY COPY).

The authoritative reference and input builder live on the scoring server;
editing this copy changes nothing except your own understanding.
"""

import jax, jax.numpy as jnp
import numpy as np

N_STUDENT = 10000
N_COURSE = 10000
E = 320000
H = 128

def setup_inputs(seed: int = 0) -> dict:
    key = jax.random.key(seed)
    ks = jax.random.split(key, 7)
    z_student = jax.random.normal(ks[0], (N_STUDENT, H), dtype=jnp.float32)
    z_course = jax.random.normal(ks[1], (N_COURSE, H), dtype=jnp.float32)
    row = jax.random.randint(ks[2], (E,), 0, N_STUDENT, dtype=jnp.int64)
    col = jax.random.randint(ks[3], (E,), 0, N_COURSE, dtype=jnp.int64)
    edge_label_index = jnp.stack([row, col], axis=0)
    W1 = jax.random.normal(ks[4], (2 * H, H), dtype=jnp.float32) * (1.0 / np.sqrt(2 * H))
    b1 = jnp.zeros((H,), dtype=jnp.float32)
    W2 = jax.random.normal(ks[5], (H, 1), dtype=jnp.float32) * (1.0 / np.sqrt(H))
    b2 = jnp.zeros((1,), dtype=jnp.float32)
    return {"z_student": z_student, "z_course": z_course, "edge_label_index": edge_label_index,
            "W1": W1, "b1": b1, "W2": W2, "b2": b2}

def reference(z_student, z_course, edge_label_index, W1, b1, W2, b2):
    row = edge_label_index[0]
    col = edge_label_index[1]
    # gather source/dst node embeddings per labeled edge (SparseCore gather)
    z = jnp.concatenate([jnp.take(z_student, row, axis=0), jnp.take(z_course, col, axis=0)], axis=-1)
    z = jax.nn.relu(z @ W1 + b1)
    z = z @ W2 + b2
    return z.reshape(-1)

if __name__ == "__main__":
    import jax
    _d = setup_inputs()
    print(jax.jit(kernel)(*tuple(_d.values())))

</pallas_src>

<mosaic_0001>
#map = affine_map<(d0, d1) -> (0, 0)>
#map1 = affine_map<(d0, d1) -> (0)>
module attributes {stable_mosaic.version = 14 : i64} {
  func.func @edge_kernel(%arg0: i32, %arg1: i32, %arg2: memref<10000x128xf32, #tpu.memory_space<hbm>>, %arg3: memref<10000x128xf32, #tpu.memory_space<hbm>>, %arg4: memref<320000xi32, #tpu.memory_space<hbm>>, %arg5: memref<320000xi32, #tpu.memory_space<hbm>>, %arg6: memref<128xf32, #tpu.memory_space<hbm>>, %arg7: memref<16xf32, #tpu.memory_space<hbm>>, %arg8: memref<320000xf32, #tpu.memory_space<hbm>>, %arg9: memref<10000xi32, #tpu.memory_space<vmem>>, %arg10: memref<10000xi32, #tpu.memory_space<vmem>>, %arg11: memref<80x128xf32, #tpu.memory_space<vmem>>, %arg12: memref<80x128xf32, #tpu.memory_space<vmem>>, %arg13: memref<80x128xf32, #tpu.memory_space<vmem>>, %arg14: memref<1280xf32, #tpu.memory_space<vmem>>, %arg15: memref<10000xf32, #tpu.memory_space<vmem>>, %arg16: memref<128xf32, #tpu.memory_space<vmem>>, %arg17: memref<16xf32, #tpu.memory_space<vmem>>, %arg18: memref<!tpu.dma_semaphore, #tpu.memory_space<semaphore_mem>>, %arg19: memref<!tpu.dma_semaphore, #tpu.memory_space<semaphore_mem>>, %arg20: memref<!tpu.dma_semaphore, #tpu.memory_space<semaphore_mem>>, %arg21: memref<!tpu.dma_semaphore, #tpu.memory_space<semaphore_mem>>, %arg22: memref<!tpu.dma_semaphore, #tpu.memory_space<semaphore_mem>>, %arg23: memref<!tpu.dma_semaphore, #tpu.memory_space<semaphore_mem>>) attributes {dimension_semantics = [#tpu.dimension_semantics<core_parallel>, #tpu.dimension_semantics<subcore_parallel>], iteration_bounds = array<i64: 2, 16>, scalar_prefetch = 0 : i64, scratch_operands = 15 : i64, tpu.core_type = #tpu.core_type<sc_vector_subcore>, window_params = [{transform_indices = #map}, {transform_indices = #map}, {transform_indices = #map1}, {transform_indices = #map1}, {transform_indices = #map1}, {transform_indices = #map1}, {transform_indices = #map1}]} {
    %mul3A = arith.constant 2 : i32
    %mul3A_0 = arith.muli %arg1, %mul3A : i32
    %add3A = arith.addi %mul3A_0, %arg0 : i32
    %mul3A_1 = arith.constant 10000 : i32
    %mul3A_2 = arith.muli %add3A, %mul3A_1 : i32
    "tpu.region"() ({
      %run_scoped3A = tpu.sem_alloc : memref<!tpu.dma_semaphore, #tpu.memory_space<semaphore_mem>>
      tpu.enqueue_dma source(%arg6 : memref<128xf32, #tpu.memory_space<hbm>>) target(%arg16 : memref<128xf32, #tpu.memory_space<vmem>>) target_semaphore(%run_scoped3A : memref<!tpu.dma_semaphore, #tpu.memory_space<semaphore_mem>>)
      tpu.wait_dma2 semaphore(%run_scoped3A : memref<!tpu.dma_semaphore, #tpu.memory_space<semaphore_mem>>) src(%arg6 : memref<128xf32, #tpu.memory_space<hbm>>) dst(%arg16 : memref<128xf32, #tpu.memory_space<vmem>>)
      tpu.yield
    }) : () -> ()
    "tpu.region"() ({
      %run_scoped3A = tpu.sem_alloc : memref<!tpu.dma_semaphore, #tpu.memory_space<semaphore_mem>>
      tpu.enqueue_dma source(%arg7 : memref<16xf32, #tpu.memory_space<hbm>>) target(%arg17 : memref<16xf32, #tpu.memory_space<vmem>>) target_semaphore(%run_scoped3A : memref<!tpu.dma_semaphore, #tpu.memory_space<semaphore_mem>>)
      tpu.wait_dma2 semaphore(%run_scoped3A : memref<!tpu.dma_semaphore, #tpu.memory_space<semaphore_mem>>) src(%arg7 : memref<16xf32, #tpu.memory_space<hbm>>) dst(%arg17 : memref<16xf32, #tpu.memory_space<vmem>>)
      tpu.yield
    }) : () -> ()
    "tpu.region"() ({
      %run_scoped3A = tpu.sem_alloc : memref<!tpu.dma_semaphore, #tpu.memory_space<semaphore_mem>>
      %dma_start3A_248 = tpu.memref_slice %arg4[%mul3A_2] : memref<320000xi32, #tpu.memory_space<hbm>> -> memref<10000xi32, #tpu.memory_space<hbm>>
      %dma_start3A_249 = tpu.memref_slice %arg4[%mul3A_2] : memref<320000xi32, #tpu.memory_space<hbm>> -> memref<10000xi32, #tpu.memory_space<hbm>>
      tpu.enqueue_dma source(%dma_start3A_249 : memref<10000xi32, #tpu.memory_space<hbm>>) target(%arg9 : memref<10000xi32, #tpu.memory_space<vmem>>) target_semaphore(%run_scoped3A : memref<!tpu.dma_semaphore, #tpu.memory_space<semaphore_mem>>)
      %dma_wait3A = tpu.memref_slice %arg4[%mul3A_2] : memref<320000xi32, #tpu.memory_space<hbm>> -> memref<10000xi32, #tpu.memory_space<hbm>>
      %dma_wait3A_250 = tpu.memref_slice %arg4[%mul3A_2] : memref<320000xi32, #tpu.memory_space<hbm>> -> memref<10000xi32, #tpu.memory_space<hbm>>
      tpu.wait_dma2 semaphore(%run_scoped3A : memref<!tpu.dma_semaphore, #tpu.memory_space<semaphore_mem>>) src(%dma_wait3A_250 : memref<10000xi32, #tpu.memory_space<hbm>>) dst(%arg9 : memref<10000xi32, #tpu.memory_space<vmem>>)
      tpu.yield
    }) : () -> ()
    "tpu.region"() ({
      %run_scoped3A = tpu.sem_alloc : memref<!tpu.dma_semaphore, #tpu.memory_space<semaphore_mem>>
      %dma_start3A_248 = tpu.memref_slice %arg5[%mul3A_2] : memref<320000xi32, #tpu.memory_space<hbm>> -> memref<10000xi32, #tpu.memory_space<hbm>>
      %dma_start3A_249 = tpu.memref_slice %arg5[%mul3A_2] : memref<320000xi32, #tpu.memory_space<hbm>> -> memref<10000xi32, #tpu.memory_space<hbm>>
      tpu.enqueue_dma source(%dma_start3A_249 : memref<10000xi32, #tpu.memory_space<hbm>>) target(%arg10 : memref<10000xi32, #tpu.memory_space<vmem>>) target_semaphore(%run_scoped3A : memref<!tpu.dma_semaphore, #tpu.memory_space<semaphore_mem>>)
      %dma_wait3A = tpu.memref_slice %arg5[%mul3A_2] : memref<320000xi32, #tpu.memory_space<hbm>> -> memref<10000xi32, #tpu.memory_space<hbm>>
      %dma_wait3A_250 = tpu.memref_slice %arg5[%mul3A_2] : memref<320000xi32, #tpu.memory_space<hbm>> -> memref<10000xi32, #tpu.memory_space<hbm>>
      tpu.wait_dma2 semaphore(%run_scoped3A : memref<!tpu.dma_semaphore, #tpu.memory_space<semaphore_mem>>) src(%dma_wait3A_250 : memref<10000xi32, #tpu.memory_space<hbm>>) dst(%arg10 : memref<10000xi32, #tpu.memory_space<vmem>>)
      tpu.yield
    }) : () -> ()
    %get3A = arith.constant 0 : index
    %get3A_3 = tpu.vector_load %arg16[%get3A] {strides = array<i32>} : memref<128xf32, #tpu.memory_space<vmem>>, vector<16xf32>,
    %get3A_4 = arith.constant 16 : index
    %get3A_5 = tpu.vector_load %arg16[%get3A_4] {strides = array<i32>} : memref<128xf32, #tpu.memory_space<vmem>>, vector<16xf32>,
    %get3A_6 = arith.constant 32 : index
    %get3A_7 = tpu.vector_load %arg16[%get3A_6] {strides = array<i32>} : memref<128xf32, #tpu.memory_space<vmem>>, vector<16xf32>,
    %get3A_8 = arith.constant 48 : index
    %get3A_9 = tpu.vector_load %arg16[%get3A_8] {strides = array<i32>} : memref<128xf32, #tpu.memory_space<vmem>>, vector<16xf32>,
    %get3A_10 = arith.constant 64 : index
    %get3A_11 = tpu.vector_load %arg16[%get3A_10] {strides = array<i32>} : memref<128xf32, #tpu.memory_space<vmem>>, vector<16xf32>,
    %get3A_12 = arith.constant 80 : index
    %get3A_13 = tpu.vector_load %arg16[%get3A_12] {strides = array<i32>} : memref<128xf32, #tpu.memory_space<vmem>>, vector<16xf32>,
    %get3A_14 = arith.constant 96 : index
    %get3A_15 = tpu.vector_load %arg16[%get3A_14] {strides = array<i32>} : memref<128xf32, #tpu.memory_space<vmem>>, vector<16xf32>,
    %get3A_16 = arith.constant 112 : index
    %get3A_17 = tpu.vector_load %arg16[%get3A_16] {strides = array<i32>} : memref<128xf32, #tpu.memory_space<vmem>>, vector<16xf32>,
    %get3A_18 = arith.constant 0 : index
    %get3A_19 = tpu.vector_load %arg17[%get3A_18] {strides = array<i32>} : memref<16xf32, #tpu.memory_space<vmem>>, vector<16xf32>,
    %iota3A = tpu.iota {dimensions = array<i32: 0>} : vector<16xi32>
    %dma_start3A = arith.constant 0 : i32
    %dma_start3A_20 = tpu.memref_slice %arg9[%dma_start3A] : memref<10000xi32, #tpu.memory_space<vmem>> -> memref<80xi32, #tpu.memory_space<vmem>>
    %dma_start3A_21 = arith.constant 0 : i32
    %dma_start3A_22 = arith.constant 0 : i32
    %dma_start3A_23 = tpu.memref_slice %arg2[%dma_start3A_21, %dma_start3A_22] : memref<10000x128xf32, #tpu.memory_space<hbm>> -> memref<10000x128xf32, #tpu.memory_space<hbm>>
    tpu.enqueue_indirect_dma source(%dma_start3A_23 : memref<10000x128xf32, #tpu.memory_space<hbm>>) target(%arg11 : memref<80x128xf32, #tpu.memory_space<vmem>>) offsets(%dma_start3A_20 : memref<80xi32, #tpu.memory_space<vmem>>) semaphore(%arg18 : memref<!tpu.dma_semaphore, #tpu.memory_space<semaphore_mem>>)
    %dma_start3A_24 = arith.constant 80 : i32
    %dma_start3A_25 = tpu.memref_slice %arg9[%dma_start3A_24] : memref<10000xi32, #tpu.memory_space<vmem>> -> memref<80xi32, #tpu.memory_space<vmem>>
    %dma_start3A_26 = arith.constant 0 : i32
    %dma_start3A_27 = arith.constant 0 : i32
    %dma_start3A_28 = tpu.memref_slice %arg2[%dma_start3A_26, %dma_start3A_27] : memref<10000x128xf32, #tpu.memory_space<hbm>> -> memref<10000x128xf32, #tpu.memory_space<hbm>>
    tpu.enqueue_indirect_dma source(%dma_start3A_28 : memref<10000x128xf32, #tpu.memory_space<hbm>>) target(%arg12 : memref<80x128xf32, #tpu.memory_space<vmem>>) offsets(%dma_start3A_25 : memref<80xi32, #tpu.memory_space<vmem>>) semaphore(%arg19 : memref<!tpu.dma_semaphore, #tpu.memory_space<semaphore_mem>>)
    tpu.wait_dma2 semaphore(%arg18 : memref<!tpu.dma_semaphore, #tpu.memory_space<semaphore_mem>>) src(%arg2 : memref<10000x128xf32, #tpu.memory_space<hbm>>) dst(%arg11 : memref<80x128xf32, #tpu.memory_space<vmem>>)
    %dma_start3A_29 = arith.constant 0 : i32
    %dma_start3A_30 = tpu.memref_slice %arg10[%dma_start3A_29] : memref<10000xi32, #tpu.memory_space<vmem>> -> memref<80xi32, #tpu.memory_space<vmem>>
    %dma_start3A_31 = arith.constant 0 : i32
    %dma_start3A_32 = arith.constant 0 : i32
    %dma_start3A_33 = tpu.memref_slice %arg3[%dma_start3A_31, %dma_start3A_32] : memref<10000x128xf32, #tpu.memory_space<hbm>> -> memref<10000x128xf32, #tpu.memory_space<hbm>>
    tpu.enqueue_indirect_dma source(%dma_start3A_33 : memref<10000x128xf32, #tpu.memory_space<hbm>>) target(%arg11 : memref<80x128xf32, #tpu.memory_space<vmem>>) offsets(%dma_start3A_30 : memref<80xi32, #tpu.memory_space<vmem>>) semaphore(%arg21 : memref<!tpu.dma_semaphore, #tpu.memory_space<semaphore_mem>>) {add = true}
    %scan3A = arith.constant 0 : i32
    %scan3A_34 = arith.constant 0 : i32
    %scan3A_35 = arith.constant 41 : i32
    %scan3A_36 = arith.addi %scan3A_34, %scan3A_35 : i32
    %scan3A_37 = arith.constant 1 : i32
    scf.for %scan3A_248 = %scan3A_34 to %scan3A_36 step %scan3A_37  : i32 {
      %mul3A_249 = arith.constant 3 : i32
      %mul3A_250 = arith.muli %mul3A_249, %scan3A_248 : i32
      tpu.wait_dma2 semaphore(%arg19 : memref<!tpu.dma_semaphore, #tpu.memory_space<semaphore_mem>>) src(%arg2 : memref<10000x128xf32, #tpu.memory_space<hbm>>) dst(%arg12 : memref<80x128xf32, #tpu.memory_space<vmem>>)
      %add3A_251 = arith.constant 1 : i32
      %add3A_252 = arith.addi %mul3A_250, %add3A_251 : i32
      %mul3A_253 = arith.constant 80 : i32
      %mul3A_254 = arith.muli %add3A_252, %mul3A_253 : i32
      %dma_start3A_255 = tpu.memref_slice %arg10[%mul3A_254] : memref<10000xi32, #tpu.memory_space<vmem>> -> memref<80xi32, #tpu.memory_space<vmem>>
      %dma_start3A_256 = arith.constant 0 : i32
      %dma_start3A_257 = arith.constant 0 : i32
      %dma_start3A_258 = tpu.memref_slice %arg3[%dma_start3A_256, %dma_start3A_257] : memref<10000x128xf32, #tpu.memory_space<hbm>> -> memref<10000x128xf32, #tpu.memory_space<hbm>>
      tpu.enqueue_indirect_dma source(%dma_start3A_258 : memref<10000x128xf32, #tpu.memory_space<hbm>>) target(%arg12 : memref<80x128xf32, #tpu.memory_space<vmem>>) offsets(%dma_start3A_255 : memref<80xi32, #tpu.memory_space<vmem>>) semaphore(%arg22 : memref<!tpu.dma_semaphore, #tpu.memory_space<semaphore_mem>>) {add = true}
      %add3A_259 = arith.constant 2 : i32
      %add3A_260 = arith.addi %mul3A_250, %add3A_259 : i32
      %mul3A_261 = arith.constant 80 : i32
      %mul3A_262 = arith.muli %add3A_260, %mul3A_261 : i32
      %dma_start3A_263 = tpu.memref_slice %arg9[%mul3A_262] : memref<10000xi32, #tpu.memory_space<vmem>> -> memref<80xi32, #tpu.memory_space<vmem>>
      %dma_start3A_264 = arith.constant 0 : i32
      %dma_start3A_265 = arith.constant 0 : i32
      %dma_start3A_266 = tpu.memref_slice %arg2[%dma_start3A_264, %dma_start3A_265] : memref<10000x128xf32, #tpu.memory_space<hbm>> -> memref<10000x128xf32, #tpu.memory_space<hbm>>
      tpu.enqueue_indirect_dma source(%dma_start3A_266 : memref<10000x128xf32, #tpu.memory_space<hbm>>) target(%arg13 : memref<80x128xf32, #tpu.memory_space<vmem>>) offsets(%dma_start3A_263 : memref<80xi32, #tpu.memory_space<vmem>>) semaphore(%arg20 : memref<!tpu.dma_semaphore, #tpu.memory_space<semaphore_mem>>)
      tpu.wait_dma2 semaphore(%arg21 : memref<!tpu.dma_semaphore, #tpu.memory_space<semaphore_mem>>) src(%arg3 : memref<10000x128xf32, #tpu.memory_space<hbm>>) dst(%arg11 : memref<80x128xf32, #tpu.memory_space<vmem>>)
      %scan3A_267 = arith.constant 0 : i32
      %scan3A_268 = arith.constant 0 : i32
      %scan3A_269 = arith.constant 80 : i32
      %scan3A_270 = arith.addi %scan3A_268, %scan3A_269 : i32
      %scan3A_271 = arith.constant 4 : i32
      scf.for %scan3A_615 = %scan3A_268 to %scan3A_270 step %scan3A_271  : i32 {
        %get3A_616 = arith.index_cast %scan3A_615 : i32 to index
        %get3A_617 = arith.constant 0 : index
        %get3A_618 = tpu.vector_load %arg11[%get3A_616, %get3A_617] {strides = array<i32>} : memref<80x128xf32, #tpu.memory_space<vmem>>, vector<16xf32>,
        %max3A = arith.constant 0.000000e+00 : f32
        %max3A_619 = vector.broadcast %max3A : f32 to vector<16xf32>
        %max3A_620 = arith.maximumf %get3A_618, %max3A_619 : vector<16xf32>
        %mul3A_621 = arith.mulf %max3A_620, %get3A_3 : vector<16xf32>
        %add3A_622 = arith.addf %get3A_19, %mul3A_621 : vector<16xf32>
        %get3A_623 = arith.index_cast %scan3A_615 : i32 to index
        %get3A_624 = arith.constant 16 : index
        %get3A_625 = tpu.vector_load %arg11[%get3A_623, %get3A_624] {strides = array<i32>} : memref<80x128xf32, #tpu.memory_space<vmem>>, vector<16xf32>,
        %max3A_626 = arith.constant 0.000000e+00 : f32
        %max3A_627 = vector.broadcast %max3A_626 : f32 to vector<16xf32>
        %max3A_628 = arith.maximumf %get3A_625, %max3A_627 : vector<16xf32>
        %mul3A_629 = arith.mulf %max3A_628, %get3A_5 : vector<16xf32>
        %add3A_630 = arith.addf %add3A_622, %mul3A_629 : vector<16xf32>
        %get3A_631 = arith.index_cast %scan3A_615 : i32 to index
        %get3A_632 = arith.constant 32 : index
        %get3A_633 = tpu.vector_load %arg11[%get3A_631, %get3A_632] {strides = array<i32>} : memref<80x128xf32, #tpu.memory_space<vmem>>, vector<16xf32>,
        %max3A_634 = arith.constant 0.000000e+00 : f32
        %max3A_635 = vector.broadcast %max3A_634 : f32 to vector<16xf32>
        %max3A_636 = arith.maximumf %get3A_633, %max3A_635 : vector<16xf32>
        %mul3A_637 = arith.mulf %max3A_636, %get3A_7 : vector<16xf32>
        %add3A_638 = arith.addf %add3A_630, %mul3A_637 : vector<16xf32>
        %get3A_639 = arith.index_cast %scan3A_615 : i32 to index
        %get3A_640 = arith.constant 48 : index
        %get3A_641 = tpu.vector_load %arg11[%get3A_639, %get3A_640] {strides = array<i32>} : memref<80x128xf32, #tpu.memory_space<vmem>>, vector<16xf32>,
        %max3A_642 = arith.constant 0.000000e+00 : f32
        %max3A_643 = vector.broadcast %max3A_642 : f32 to vector<16xf32>
        %max3A_644 = arith.maximumf %get3A_641, %max3A_643 : vector<16xf32>
        %mul3A_645 = arith.mulf %max3A_644, %get3A_9 : vector<16xf32>
        %add3A_646 = arith.addf %add3A_638, %mul3A_645 : vector<16xf32>
        %get3A_647 = arith.index_cast %scan3A_615 : i32 to index
        %get3A_648 = arith.constant 64 : index
        %get3A_649 = tpu.vector_load %arg11[%get3A_647, %get3A_648] {strides = array<i32>} : memref<80x128xf32, #tpu.memory_space<vmem>>, vector<16xf32>,
        %max3A_650 = arith.constant 0.000000e+00 : f32
        %max3A_651 = vector.broadcast %max3A_650 : f32 to vector<16xf32>
        %max3A_652 = arith.maximumf %get3A_649, %max3A_651 : vector<16xf32>
        %mul3A_653 = arith.mulf %max3A_652, %get3A_11 : vector<16xf32>
        %add3A_654 = arith.addf %add3A_646, %mul3A_653 : vector<16xf32>
        %get3A_655 = arith.index_cast %scan3A_615 : i32 to index
        %get3A_656 = arith.constant 80 : index
        %get3A_657 = tpu.vector_load %arg11[%get3A_655, %get3A_656] {strides = array<i32>} : memref<80x128xf32, #tpu.memory_space<vmem>>, vector<16xf32>,
        %max3A_658 = arith.constant 0.000000e+00 : f32
        %max3A_659 = vector.broadcast %max3A_658 : f32 to vector<16xf32>
        %max3A_660 = arith.maximumf %get3A_657, %max3A_659 : vector<16xf32>
        %mul3A_661 = arith.mulf %max3A_660, %get3A_13 : vector<16xf32>
        %add3A_662 = arith.addf %add3A_654, %mul3A_661 : vector<16xf32>
        %get3A_663 = arith.index_cast %scan3A_615 : i32 to index
        %get3A_664 = arith.constant 96 : index
        %get3A_665 = tpu.vector_load %arg11[%get3A_663, %get3A_664] {strides = array<i32>} : memref<80x128xf32, #tpu.memory_space<vmem>>, vector<16xf32>,
        %max3A_666 = arith.constant 0.000000e+00 : f32
        %max3A_667 = vector.broadcast %max3A_666 : f32 to vector<16xf32>
        %max3A_668 = arith.maximumf %get3A_665, %max3A_667 : vector<16xf32>
        %mul3A_669 = arith.mulf %max3A_668, %get3A_15 : vector<16xf32>
        %add3A_670 = arith.addf %add3A_662, %mul3A_669 : vector<16xf32>
        %get3A_671 = arith.index_cast %scan3A_615 : i32 to index
        %get3A_672 = arith.constant 112 : index
        %get3A_673 = tpu.vector_load %arg11[%get3A_671, %get3A_672] {strides = array<i32>} : memref<80x128xf32, #tpu.memory_space<vmem>>, vector<16xf32>,
        %max3A_674 = arith.constant 0.000000e+00 : f32
        %max3A_675 = vector.broadcast %max3A_674 : f32 to vector<16xf32>
        %max3A_676 = arith.maximumf %get3A_673, %max3A_675 : vector<16xf32>
        %mul3A_677 = arith.mulf %max3A_676, %get3A_17 : vector<16xf32>
        %add3A_678 = arith.addf %add3A_670, %mul3A_677 : vector<16xf32>
        %mul3A_679 = arith.constant 16 : i32
        %mul3A_680 = arith.muli %scan3A_615, %mul3A_679 : i32
        %swap3A_681 = arith.index_cast %mul3A_680 : i32 to index
        %swap3A_682 = tpu.vector_load %arg14[%swap3A_681] {strides = array<i32>} : memref<1280xf32, #tpu.memory_space<vmem>>, vector<16xf32>,
        tpu.vector_store %arg14[%swap3A_681], %add3A_678 {strides = array<i32>} : memref<1280xf32, #tpu.memory_space<vmem>>, vector<16xf32>,
        %scan3A_683 = arith.constant 1 : i32
        %scan3A_684 = arith.addi %scan3A_615, %scan3A_683 : i32
        %get3A_685 = arith.index_cast %scan3A_684 : i32 to index
        %get3A_686 = arith.constant 0 : index
        %get3A_687 = tpu.vector_load %arg11[%get3A_685, %get3A_686] {strides = array<i32>} : memref<80x128xf32, #tpu.memory_space<vmem>>, vector<16xf32>,
        %max3A_688 = arith.constant 0.000000e+00 : f32
        %max3A_689 = vector.broadcast %max3A_688 : f32 to vector<16xf32>
        %max3A_690 = arith.maximumf %get3A_687, %max3A_689 : vector<16xf32>
        %mul3A_691 = arith.mulf %max3A_690, %get3A_3 : vector<16xf32>
        %add3A_692 = arith.addf %get3A_19, %mul3A_691 : vector<16xf32>
        %get3A_693 = arith.index_cast %scan3A_684 : i32 to index
        %get3A_694 = arith.constant 16 : index
        %get3A_695 = tpu.vector_load %arg11[%get3A_693, %get3A_694] {strides = array<i32>} : memref<80x128xf32, #tpu.memory_space<vmem>>, vector<16xf32>,
        %max3A_696 = arith.constant 0.000000e+00 : f32
        %max3A_697 = vector.broadcast %max3A_696 : f32 to vector<16xf32>
        %max3A_698 = arith.maximumf %get3A_695, %max3A_697 : vector<16xf32>
        %mul3A_699 = arith.mulf %max3A_698, %get3A_5 : vector<16xf32>
        %add3A_700 = arith.addf %add3A_692, %mul3A_699 : vector<16xf32>
        %get3A_701 = arith.index_cast %scan3A_684 : i32 to index
        %get3A_702 = arith.constant 32 : index
        %get3A_703 = tpu.vector_load %arg11[%get3A_701, %get3A_702] {strides = array<i32>} : memref<80x128xf32, #tpu.memory_space<vmem>>, vector<16xf32>,
        %max3A_704 = arith.constant 0.000000e+00 : f32
        %max3A_705 = vector.broadcast %max3A_704 : f32 to vector<16xf32>
        %max3A_706 = arith.maximumf %get3A_703, %max3A_705 : vector<16xf32>
        %mul3A_707 = arith.mulf %max3A_706, %get3A_7 : vector<16xf32>
        %add3A_708 = arith.addf %add3A_700, %mul3A_707 : vector<16xf32>
        %get3A_709 = arith.index_cast %scan3A_684 : i32 to index
        %get3A_710 = arith.constant 48 : index
        %get3A_711 = tpu.vector_load %arg11[%get3A_709, %get3A_710] {strides = array<i32>} : memref<80x128xf32, #tpu.memory_space<vmem>>, vector<16xf32>,
        %max3A_712 = arith.constant 0.000000e+00 : f32
        %max3A_713 = vector.broadcast %max3A_712 : f32 to vector<16xf32>
        %max3A_714 = arith.maximumf %get3A_711, %max3A_713 : vector<16xf32>
        %mul3A_715 = arith.mulf %max3A_714, %get3A_9 : vector<16xf32>
        %add3A_716 = arith.addf %add3A_708, %mul3A_715 : vector<16xf32>
        %get3A_717 = arith.index_cast %scan3A_684 : i32 to index
        %get3A_718 = arith.constant 64 : index
        %get3A_719 = tpu.vector_load %arg11[%get3A_717, %get3A_718] {strides = array<i32>} : memref<80x128xf32, #tpu.memory_space<vmem>>, vector<16xf32>,
        %max3A_720 = arith.constant 0.000000e+00 : f32
        %max3A_721 = vector.broadcast %max3A_720 : f32 to vector<16xf32>
        %max3A_722 = arith.maximumf %get3A_719, %max3A_721 : vector<16xf32>
        %mul3A_723 = arith.mulf %max3A_722, %get3A_11 : vector<16xf32>
        %add3A_724 = arith.addf %add3A_716, %mul3A_723 : vector<16xf32>
        %get3A_725 = arith.index_cast %scan3A_684 : i32 to index
        %get3A_726 = arith.constant 80 : index
        %get3A_727 = tpu.vector_load %arg11[%get3A_725, %get3A_726] {strides = array<i32>} : memref<80x128xf32, #tpu.memory_space<vmem>>, vector<16xf32>,
        %max3A_728 = arith.constant 0.000000e+00 : f32
        %max3A_729 = vector.broadcast %max3A_728 : f32 to vector<16xf32>
        %max3A_730 = arith.maximumf %get3A_727, %max3A_729 : vector<16xf32>
        %mul3A_731 = arith.mulf %max3A_730, %get3A_13 : vector<16xf32>
        %add3A_732 = arith.addf %add3A_724, %mul3A_731 : vector<16xf32>
        %get3A_733 = arith.index_cast %scan3A_684 : i32 to index
        %get3A_734 = arith.constant 96 : index
        %get3A_735 = tpu.vector_load %arg11[%get3A_733, %get3A_734] {strides = array<i32>} : memref<80x128xf32, #tpu.memory_space<vmem>>, vector<16xf32>,
        %max3A_736 = arith.constant 0.000000e+00 : f32
        %max3A_737 = vector.broadcast %max3A_736 : f32 to vector<16xf32>
        %max3A_738 = arith.maximumf %get3A_735, %max3A_737 : vector<16xf32>
        %mul3A_739 = arith.mulf %max3A_738, %get3A_15 : vector<16xf32>
        %add3A_740 = arith.addf %add3A_732, %mul3A_739 : vector<16xf32>
        %get3A_741 = arith.index_cast %scan3A_684 : i32 to index
        %get3A_742 = arith.constant 112 : index
        %get3A_743 = tpu.vector_load %arg11[%get3A_741, %get3A_742] {strides = array<i32>} : memref<80x128xf32, #tpu.memory_space<vmem>>, vector<16xf32>,
        %max3A_744 = arith.constant 0.000000e+00 : f32
        %max3A_745 = vector.broadcast %max3A_744 : f32 to vector<16xf32>
        %max3A_746 = arith.maximumf %get3A_743, %max3A_745 : vector<16xf32>
        %mul3A_747 = arith.mulf %max3A_746, %get3A_17 : vector<16xf32>
        %add3A_748 = arith.addf %add3A_740, %mul3A_747 : vector<16xf32>
        %mul3A_749 = arith.constant 16 : i32
        %mul3A_750 = arith.muli %scan3A_684, %mul3A_749 : i32
        %swap3A_751 = arith.index_cast %mul3A_750 : i32 to index
        %swap3A_752 = tpu.vector_load %arg14[%swap3A_751] {strides = array<i32>} : memref<1280xf32, #tpu.memory_space<vmem>>, vector<16xf32>,
        tpu.vector_store %arg14[%swap3A_751], %add3A_748 {strides = array<i32>} : memref<1280xf32, #tpu.memory_space<vmem>>, vector<16xf32>,
        %scan3A_753 = arith.constant 2 : i32
        %scan3A_754 = arith.addi %scan3A_615, %scan3A_753 : i32
        %get3A_755 = arith.index_cast %scan3A_754 : i32 to index
        %get3A_756 = arith.constant 0 : index
        %get3A_757 = tpu.vector_load %arg11[%get3A_755, %get3A_756] {strides = array<i32>} : memref<80x128xf32, #tpu.memory_space<vmem>>, vector<16xf32>,
        %max3A_758 = arith.constant 0.000000e+00 : f32
        %max3A_759 = vector.broadcast %max3A_758 : f32 to vector<16xf32>
        %max3A_760 = arith.maximumf %get3A_757, %max3A_759 : vector<16xf32>
        %mul3A_761 = arith.mulf %max3A_760, %get3A_3 : vector<16xf32>
        %add3A_762 = arith.addf %get3A_19, %mul3A_761 : vector<16xf32>
        %get3A_763 = arith.index_cast %scan3A_754 : i32 to index
        %get3A_764 = arith.constant 16 : index
        %get3A_765 = tpu.vector_load %arg11[%get3A_763, %get3A_764] {strides = array<i32>} : memref<80x128xf32, #tpu.memory_space<vmem>>, vector<16xf32>,
        %max3A_766 = arith.constant 0.000000e+00 : f32
        %max3A_767 = vector.broadcast %max3A_766 : f32 to vector<16xf32>
        %max3A_768 = arith.maximumf %get3A_765, %max3A_767 : vector<16xf32>
        %mul3A_769 = arith.mulf %max3A_768, %get3A_5 : vector<16xf32>
        %add3A_770 = arith.addf %add3A_762, %mul3A_769 : vector<16xf32>
        %get3A_771 = arith.index_cast %scan3A_754 : i32 to index
        %get3A_772 = arith.constant 32 : index
        %get3A_773 = tpu.vector_load %arg11[%get3A_771, %get3A_772] {strides = array<i32>} : memref<80x128xf32, #tpu.memory_space<vmem>>, vector<16xf32>,
        %max3A_774 = arith.constant 0.000000e+00 : f32
        %max3A_775 = vector.broadcast %max3A_774 : f32 to vector<16xf32>
        %max3A_776 = arith.maximumf %get3A_773, %max3A_775 : vector<16xf32>
        %mul3A_777 = arith.mulf %max3A_776, %get3A_7 : vector<16xf32>
        %add3A_778 = arith.addf %add3A_770, %mul3A_777 : vector<16xf32>
        %get3A_779 = arith.index_cast %scan3A_754 : i32 to index
        %get3A_780 = arith.constant 48 : index
        %get3A_781 = tpu.vector_load %arg11[%get3A_779, %get3A_780] {strides = array<i32>} : memref<80x128xf32, #tpu.memory_space<vmem>>, vector<16xf32>,
        %max3A_782 = arith.constant 0.000000e+00 : f32
        %max3A_783 = vector.broadcast %max3A_782 : f32 to vector<16xf32>
        %max3A_784 = arith.maximumf %get3A_781, %max3A_783 : vector<16xf32>
        %mul3A_785 = arith.mulf %max3A_784, %get3A_9 : vector<16xf32>
        %add3A_786 = arith.addf %add3A_778, %mul3A_785 : vector<16xf32>
        %get3A_787 = arith.index_cast %scan3A_754 : i32 to index
        %get3A_788 = arith.constant 64 : index
        %get3A_789 = tpu.vector_load %arg11[%get3A_787, %get3A_788] {strides = array<i32>} : memref<80x128xf32, #tpu.memory_space<vmem>>, vector<16xf32>,
        %max3A_790 = arith.constant 0.000000e+00 : f32
        %max3A_791 = vector.broadcast %max3A_790 : f32 to vector<16xf32>
        %max3A_792 = arith.maximumf %get3A_789, %max3A_791 : vector<16xf32>
        %mul3A_793 = arith.mulf %max3A_792, %get3A_11 : vector<16xf32>
        %add3A_794 = arith.addf %add3A_786, %mul3A_793 : vector<16xf32>
        %get3A_795 = arith.index_cast %scan3A_754 : i32 to index
        %get3A_796 = arith.constant 80 : index
        %get3A_797 = tpu.vector_load %arg11[%get3A_795, %get3A_796] {strides = array<i32>} : memref<80x128xf32, #tpu.memory_space<vmem>>, vector<16xf32>,
        %max3A_798 = arith.constant 0.000000e+00 : f32
        %max3A_799 = vector.broadcast %max3A_798 : f32 to vector<16xf32>
        %max3A_800 = arith.maximumf %get3A_797, %max3A_799 : vector<16xf32>
        %mul3A_801 = arith.mulf %max3A_800, %get3A_13 : vector<16xf32>
        %add3A_802 = arith.addf %add3A_794, %mul3A_801 : vector<16xf32>
        %get3A_803 = arith.index_cast %scan3A_754 : i32 to index
        %get3A_804 = arith.constant 96 : index
        %get3A_805 = tpu.vector_load %arg11[%get3A_803, %get3A_804] {strides = array<i32>} : memref<80x128xf32, #tpu.memory_space<vmem>>, vector<16xf32>,
        %max3A_806 = arith.constant 0.000000e+00 : f32
        %max3A_807 = vector.broadcast %max3A_806 : f32 to vector<16xf32>
        %max3A_808 = arith.maximumf %get3A_805, %max3A_807 : vector<16xf32>
        %mul3A_809 = arith.mulf %max3A_808, %get3A_15 : vector<16xf32>
        %add3A_810 = arith.addf %add3A_802, %mul3A_809 : vector<16xf32>
        %get3A_811 = arith.index_cast %scan3A_754 : i32 to index
        %get3A_812 = arith.constant 112 : index
        %get3A_813 = tpu.vector_load %arg11[%get3A_811, %get3A_812] {strides = array<i32>} : memref<80x128xf32, #tpu.memory_space<vmem>>, vector<16xf32>,
        %max3A_814 = arith.constant 0.000000e+00 : f32
        %max3A_815 = vector.broadcast %max3A_814 : f32 to vector<16xf32>
        %max3A_816 = arith.maximumf %get3A_813, %max3A_815 : vector<16xf32>
        %mul3A_817 = arith.mulf %max3A_816, %get3A_17 : vector<16xf32>
        %add3A_818 = arith.addf %add3A_810, %mul3A_817 : vector<16xf32>
        %mul3A_819 = arith.constant 16 : i32
        %mul3A_820 = arith.muli %scan3A_754, %mul3A_819 : i32
        %swap3A_821 = arith.index_cast %mul3A_820 : i32 to index
        %swap3A_822 = tpu.vector_load %arg14[%swap3A_821] {strides = array<i32>} : memref<1280xf32, #tpu.memory_space<vmem>>, vector<16xf32>,
        tpu.vector_store %arg14[%swap3A_821], %add3A_818 {strides = array<i32>} : memref<1280xf32, #tpu.memory_space<vmem>>, vector<16xf32>,
        %scan3A_823 = arith.constant 3 : i32
        %scan3A_824 = arith.addi %scan3A_615, %scan3A_823 : i32
        %get3A_825 = arith.index_cast %scan3A_824 : i32 to index
        %get3A_826 = arith.constant 0 : index
        %get3A_827 = tpu.vector_load %arg11[%get3A_825, %get3A_826] {strides = array<i32>} : memref<80x128xf32, #tpu.memory_space<vmem>>, vector<16xf32>,
        %max3A_828 = arith.constant 0.000000e+00 : f32
        %max3A_829 = vector.broadcast %max3A_828 : f32 to vector<16xf32>
        %max3A_830 = arith.maximumf %get3A_827, %max3A_829 : vector<16xf32>
        %mul3A_831 = arith.mulf %max3A_830, %get3A_3 : vector<16xf32>
        %add3A_832 = arith.addf %get3A_19, %mul3A_831 : vector<16xf32>
        %get3A_833 = arith.index_cast %scan3A_824 : i32 to index
        %get3A_834 = arith.constant 16 : index
        %get3A_835 = tpu.vector_load %arg11[%get3A_833, %get3A_834] {strides = array<i32>} : memref<80x128xf32, #tpu.memory_space<vmem>>, vector<16xf32>,
        %max3A_836 = arith.constant 0.000000e+00 : f32
        %max3A_837 = vector.broadcast %max3A_836 : f32 to vector<16xf32>
        %max3A_838 = arith.maximumf %get3A_835, %max3A_837 : vector<16xf32>
        %mul3A_839 = arith.mulf %max3A_838, %get3A_5 : vector<16xf32>
        %add3A_840 = arith.addf %add3A_832, %mul3A_839 : vector<16xf32>
        %get3A_841 = arith.index_cast %scan3A_824 : i32 to index
        %get3A_842 = arith.constant 32 : index
        %get3A_843 = tpu.vector_load %arg11[%get3A_841, %get3A_842] {strides = array<i32>} : memref<80x128xf32, #tpu.memory_space<vmem>>, vector<16xf32>,
        %max3A_844 = arith.constant 0.000000e+00 : f32
        %max3A_845 = vector.broadcast %max3A_844 : f32 to vector<16xf32>
        %max3A_846 = arith.maximumf %get3A_843, %max3A_845 : vector<16xf32>
        %mul3A_847 = arith.mulf %max3A_846, %get3A_7 : vector<16xf32>
        %add3A_848 = arith.addf %add3A_840, %mul3A_847 : vector<16xf32>
        %get3A_849 = arith.index_cast %scan3A_824 : i32 to index
        %get3A_850 = arith.constant 48 : index
        %get3A_851 = tpu.vector_load %arg11[%get3A_849, %get3A_850] {strides = array<i32>} : memref<80x128xf32, #tpu.memory_space<vmem>>, vector<16xf32>,
        %max3A_852 = arith.constant 0.000000e+00 : f32
        %max3A_853 = vector.broadcast %max3A_852 : f32 to vector<16xf32>
        %max3A_854 = arith.maximumf %get3A_851, %max3A_853 : vector<16xf32>
        %mul3A_855 = arith.mulf %max3A_854, %get3A_9 : vector<16xf32>
        %add3A_856 = arith.addf %add3A_848, %mul3A_855 : vector<16xf32>
        %get3A_857 = arith.index_cast %scan3A_824 : i32 to index
        %get3A_858 = arith.constant 64 : index
        %get3A_859 = tpu.vector_load %arg11[%get3A_857, %get3A_858] {strides = array<i32>} : memref<80x128xf32, #tpu.memory_space<vmem>>, vector<16xf32>,
        %max3A_860 = arith.constant 0.000000e+00 : f32
        %max3A_861 = vector.broadcast %max3A_860 : f32 to vector<16xf32>
        %max3A_862 = arith.maximumf %get3A_859, %max3A_861 : vector<16xf32>
        %mul3A_863 = arith.mulf %max3A_862, %get3A_11 : vector<16xf32>
        %add3A_864 = arith.addf %add3A_856, %mul3A_863 : vector<16xf32>
        %get3A_865 = arith.index_cast %scan3A_824 : i32 to index
        %get3A_866 = arith.constant 80 : index
        %get3A_867 = tpu.vector_load %arg11[%get3A_865, %get3A_866] {strides = array<i32>} : memref<80x128xf32, #tpu.memory_space<vmem>>, vector<16xf32>,
        %max3A_868 = arith.constant 0.000000e+00 : f32
        %max3A_869 = vector.broadcast %max3A_868 : f32 to vector<16xf32>
        %max3A_870 = arith.maximumf %get3A_867, %max3A_869 : vector<16xf32>
        %mul3A_871 = arith.mulf %max3A_870, %get3A_13 : vector<16xf32>
        %add3A_872 = arith.addf %add3A_864, %mul3A_871 : vector<16xf32>
        %get3A_873 = arith.index_cast %scan3A_824 : i32 to index
        %get3A_874 = arith.constant 96 : index
        %get3A_875 = tpu.vector_load %arg11[%get3A_873, %get3A_874] {strides = array<i32>} : memref<80x128xf32, #tpu.memory_space<vmem>>, vector<16xf32>,
        %max3A_876 = arith.constant 0.000000e+00 : f32
        %max3A_877 = vector.broadcast %max3A_876 : f32 to vector<16xf32>
        %max3A_878 = arith.maximumf %get3A_875, %max3A_877 : vector<16xf32>
        %mul3A_879 = arith.mulf %max3A_878, %get3A_15 : vector<16xf32>
        %add3A_880 = arith.addf %add3A_872, %mul3A_879 : vector<16xf32>
        %get3A_881 = arith.index_cast %scan3A_824 : i32 to index
        %get3A_882 = arith.constant 112 : index
        %get3A_883 = tpu.vector_load %arg11[%get3A_881, %get3A_882] {strides = array<i32>} : memref<80x128xf32, #tpu.memory_space<vmem>>, vector<16xf32>,
        %max3A_884 = arith.constant 0.000000e+00 : f32
        %max3A_885 = vector.broadcast %max3A_884 : f32 to vector<16xf32>
        %max3A_886 = arith.maximumf %get3A_883, %max3A_885 : vector<16xf32>
        %mul3A_887 = arith.mulf %max3A_886, %get3A_17 : vector<16xf32>
        %add3A_888 = arith.addf %add3A_880, %mul3A_887 : vector<16xf32>
        %mul3A_889 = arith.constant 16 : i32
        %mul3A_890 = arith.muli %scan3A_824, %mul3A_889 : i32
        %swap3A_891 = arith.index_cast %mul3A_890 : i32 to index
        %swap3A_892 = tpu.vector_load %arg14[%swap3A_891] {strides = array<i32>} : memref<1280xf32, #tpu.memory_space<vmem>>, vector<16xf32>,
        tpu.vector_store %arg14[%swap3A_891], %add3A_888 {strides = array<i32>} : memref<1280xf32, #tpu.memory_space<vmem>>, vector<16xf32>,
      }
      %scan3A_272 = arith.constant 80 : i32
      %scan3A_273 = arith.constant 0 : i32
      %scan3A_274 = arith.constant 0 : i32
      %scan3A_275 = arith.constant 4 : i32
      %scan3A_276 = arith.addi %scan3A_274, %scan3A_275 : i32
      %scan3A_277 = arith.constant 2 : i32
      scf.for %scan3A_615 = %scan3A_274 to %scan3A_276 step %scan3A_277  : i32 {
        %mul3A_616 = arith.constant 16 : i32
        %mul3A_617 = arith.muli %scan3A_615, %mul3A_616 : i32
        %add3A_618 = vector.broadcast %mul3A_617 : i32 to vector<16xi32>
        %add3A_619 = arith.addi %iota3A, %add3A_618 : vector<16xi32>
        %mul3A_620 = arith.constant 16 : i32
        %mul3A_621 = vector.broadcast %mul3A_620 : i32 to vector<16xi32>
        %mul3A_622 = arith.muli %add3A_619, %mul3A_621 : vector<16xi32>
        %gather3A_623 = tpu.vector_load_idx %arg14[%mul3A_622] : memref<1280xf32, #tpu.memory_space<vmem>>[vector<16xi32>], vector<16xf32>,
        %add3A_624 = arith.constant 1 : i32
        %add3A_625 = vector.broadcast %add3A_624 : i32 to vector<16xi32>
        %add3A_626 = arith.addi %mul3A_622, %add3A_625 : vector<16xi32>
        %gather3A_627 = tpu.vector_load_idx %arg14[%add3A_626] : memref<1280xf32, #tpu.memory_space<vmem>>[vector<16xi32>], vector<16xf32>,
        %add3A_628 = arith.addf %gather3A_623, %gather3A_627 : vector<16xf32>
        %add3A_629 = arith.constant 2 : i32
        %add3A_630 = vector.broadcast %add3A_629 : i32 to vector<16xi32>
        %add3A_631 = arith.addi %mul3A_622, %add3A_630 : vector<16xi32>
        %gather3A_632 = tpu.vector_load_idx %arg14[%add3A_631] : memref<1280xf32, #tpu.memory_space<vmem>>[vector<16xi32>], vector<16xf32>,
        %add3A_633 = arith.addf %add3A_628, %gather3A_632 : vector<16xf32>
        %add3A_634 = arith.constant 3 : i32
        %add3A_635 = vector.broadcast %add3A_634 : i32 to vector<16xi32>
        %add3A_636 = arith.addi %mul3A_622, %add3A_635 : vector<16xi32>
        %gather3A_637 = tpu.vector_load_idx %arg14[%add3A_636] : memref<1280xf32, #tpu.memory_space<vmem>>[vector<16xi32>], vector<16xf32>,
        %add3A_638 = arith.addf %add3A_633, %gather3A_637 : vector<16xf32>
        %add3A_639 = arith.constant 4 : i32
        %add3A_640 = vector.broadcast %add3A_639 : i32 to vector<16xi32>
        %add3A_641 = arith.addi %mul3A_622, %add3A_640 : vector<16xi32>
        %gather3A_642 = tpu.vector_load_idx %arg14[%add3A_641] : memref<1280xf32, #tpu.memory_space<vmem>>[vector<16xi32>], vector<16xf32>,
        %add3A_643 = arith.addf %add3A_638, %gather3A_642 : vector<16xf32>
        %add3A_644 = arith.constant 5 : i32
        %add3A_645 = vector.broadcast %add3A_644 : i32 to vector<16xi32>
        %add3A_646 = arith.addi %mul3A_622, %add3A_645 : vector<16xi32>
        %gather3A_647 = tpu.vector_load_idx %arg14[%add3A_646] : memref<1280xf32, #tpu.memory_space<vmem>>[vector<16xi32>], vector<16xf32>,
        %add3A_648 = arith.addf %add3A_643, %gather3A_647 : vector<16xf32>
        %add3A_649 = arith.constant 6 : i32
        %add3A_650 = vector.broadcast %add3A_649 : i32 to vector<16xi32>
        %add3A_651 = arith.addi %mul3A_622, %add3A_650 : vector<16xi32>
        %gather3A_652 = tpu.vector_load_idx %arg14[%add3A_651] : memref<1280xf32, #tpu.memory_space<vmem>>[vector<16xi32>], vector<16xf32>,
        %add3A_653 = arith.addf %add3A_648, %gather3A_652 : vector<16xf32>
        %add3A_654 = arith.constant 7 : i32
        %add3A_655 = vector.broadcast %add3A_654 : i32 to vector<16xi32>
        %add3A_656 = arith.addi %mul3A_622, %add3A_655 : vector<16xi32>
        %gather3A_657 = tpu.vector_load_idx %arg14[%add3A_656] : memref<1280xf32, #tpu.memory_space<vmem>>[vector<16xi32>], vector<16xf32>,
        %add3A_658 = arith.addf %add3A_653, %gather3A_657 : vector<16xf32>
        %add3A_659 = arith.constant 8 : i32
        %add3A_660 = vector.broadcast %add3A_659 : i32 to vector<16xi32>
        %add3A_661 = arith.addi %mul3A_622, %add3A_660 : vector<16xi32>
        %gather3A_662 = tpu.vector_load_idx %arg14[%add3A_661] : memref<1280xf32, #tpu.memory_space<vmem>>[vector<16xi32>], vector<16xf32>,
        %add3A_663 = arith.addf %add3A_658, %gather3A_662 : vector<16xf32>
        %add3A_664 = arith.constant 9 : i32
        %add3A_665 = vector.broadcast %add3A_664 : i32 to vector<16xi32>
        %add3A_666 = arith.addi %mul3A_622, %add3A_665 : vector<16xi32>
        %gather3A_667 = tpu.vector_load_idx %arg14[%add3A_666] : memref<1280xf32, #tpu.memory_space<vmem>>[vector<16xi32>], vector<16xf32>,
        %add3A_668 = arith.addf %add3A_663, %gather3A_667 : vector<16xf32>
        %add3A_669 = arith.constant 10 : i32
        %add3A_670 = vector.broadcast %add3A_669 : i32 to vector<16xi32>
        %add3A_671 = arith.addi %mul3A_622, %add3A_670 : vector<16xi32>
        %gather3A_672 = tpu.vector_load_idx %arg14[%add3A_671] : memref<1280xf32, #tpu.memory_space<vmem>>[vector<16xi32>], vector<16xf32>,
        %add3A_673 = arith.addf %add3A_668, %gather3A_672 : vector<16xf32>
        %add3A_674 = arith.constant 11 : i32
        %add3A_675 = vector.broadcast %add3A_674 : i32 to vector<16xi32>
        %add3A_676 = arith.addi %mul3A_622, %add3A_675 : vector<16xi32>
        %gather3A_677 = tpu.vector_load_idx %arg14[%add3A_676] : memref<1280xf32, #tpu.memory_space<vmem>>[vector<16xi32>], vector<16xf32>,
        %add3A_678 = arith.addf %add3A_673, %gather3A_677 : vector<16xf32>
        %add3A_679 = arith.constant 12 : i32
        %add3A_680 = vector.broadcast %add3A_679 : i32 to vector<16xi32>
        %add3A_681 = arith.addi %mul3A_622, %add3A_680 : vector<16xi32>
        %gather3A_682 = tpu.vector_load_idx %arg14[%add3A_681] : memref<1280xf32, #tpu.memory_space<vmem>>[vector<16xi32>], vector<16xf32>,
        %add3A_683 = arith.addf %add3A_678, %gather3A_682 : vector<16xf32>
        %add3A_684 = arith.constant 13 : i32
        %add3A_685 = vector.broadcast %add3A_684 : i32 to vector<16xi32>
        %add3A_686 = arith.addi %mul3A_622, %add3A_685 : vector<16xi32>
        %gather3A_687 = tpu.vector_load_idx %arg14[%add3A_686] : memref<1280xf32, #tpu.memory_space<vmem>>[vector<16xi32>], vector<16xf32>,
        %add3A_688 = arith.addf %add3A_683, %gather3A_687 : vector<16xf32>
        %add3A_689 = arith.constant 14 : i32
        %add3A_690 = vector.broadcast %add3A_689 : i32 to vector<16xi32>
        %add3A_691 = arith.addi %mul3A_622, %add3A_690 : vector<16xi32>
        %gather3A_692 = tpu.vector_load_idx %arg14[%add3A_691] : memref<1280xf32, #tpu.memory_space<vmem>>[vector<16xi32>], vector<16xf32>,
        %add3A_693 = arith.addf %add3A_688, %gather3A_692 : vector<16xf32>
        %add3A_694 = arith.constant 15 : i32
        %add3A_695 = vector.broadcast %add3A_694 : i32 to vector<16xi32>
        %add3A_696 = arith.addi %mul3A_622, %add3A_695 : vector<16xi32>
        %gather3A_697 = tpu.vector_load_idx %arg14[%add3A_696] : memref<1280xf32, #tpu.memory_space<vmem>>[vector<16xi32>], vector<16xf32>,
        %add3A_698 = arith.addf %add3A_693, %gather3A_697 : vector<16xf32>
        %mul3A_699 = arith.constant 80 : i32
        %mul3A_700 = arith.muli %mul3A_250, %mul3A_699 : i32
        %mul3A_701 = arith.constant 16 : i32
        %mul3A_702 = arith.muli %scan3A_615, %mul3A_701 : i32
        %add3A_703 = arith.addi %mul3A_700, %mul3A_702 : i32
        %swap3A_704 = arith.index_cast %add3A_703 : i32 to index
        %swap3A_705 = tpu.vector_load %arg15[%swap3A_704] {strides = array<i32>} : memref<10000xf32, #tpu.memory_space<vmem>>, vector<16xf32>,
        tpu.vector_store %arg15[%swap3A_704], %add3A_698 {strides = array<i32>} : memref<10000xf32, #tpu.memory_space<vmem>>, vector<16xf32>,
        %scan3A_706 = arith.constant 1 : i32
        %scan3A_707 = arith.addi %scan3A_615, %scan3A_706 : i32
        %mul3A_708 = arith.constant 16 : i32
        %mul3A_709 = arith.muli %scan3A_707, %mul3A_708 : i32
        %add3A_710 = vector.broadcast %mul3A_709 : i32 to vector<16xi32>
        %add3A_711 = arith.addi %iota3A, %add3A_710 : vector<16xi32>
        %mul3A_712 = arith.constant 16 : i32
        %mul3A_713 = vector.broadcast %mul3A_712 : i32 to vector<16xi32>
        %mul3A_714 = arith.muli %add3A_711, %mul3A_713 : vector<16xi32>
        %gather3A_715 = tpu.vector_load_idx %arg14[%mul3A_714] : memref<1280xf32, #tpu.memory_space<vmem>>[vector<16xi32>], vector<16xf32>,
        %add3A_716 = arith.constant 1 : i32
        %add3A_717 = vector.broadcast %add3A_716 : i32 to vector<16xi32>
        %add3A_718 = arith.addi %mul3A_714, %add3A_717 : vector<16xi32>
        %gather3A_719 = tpu.vector_load_idx %arg14[%add3A_718] : memref<1280xf32, #tpu.memory_space<vmem>>[vector<16xi32>], vector<16xf32>,
        %add3A_720 = arith.addf %gather3A_715, %gather3A_719 : vector<16xf32>
        %add3A_721 = arith.constant 2 : i32
        %add3A_722 = vector.broadcast %add3A_721 : i32 to vector<16xi32>
        %add3A_723 = arith.addi %mul3A_714, %add3A_722 : vector<16xi32>
        %gather3A_724 = tpu.vector_load_idx %arg14[%add3A_723] : memref<1280xf32, #tpu.memory_space<vmem>>[vector<16xi32>], vector<16xf32>,
        %add3A_725 = arith.addf %add3A_720, %gather3A_724 : vector<16xf32>
        %add3A_726 = arith.constant 3 : i32
        %add3A_727 = vector.broadcast %add3A_726 : i32 to vector<16xi32>
        %add3A_728 = arith.addi %mul3A_714, %add3A_727 : vector<16xi32>
        %gather3A_729 = tpu.vector_load_idx %arg14[%add3A_728] : memref<1280xf32, #tpu.memory_space<vmem>>[vector<16xi32>], vector<16xf32>,
        %add3A_730 = arith.addf %add3A_725, %gather3A_729 : vector<16xf32>
        %add3A_731 = arith.constant 4 : i32
        %add3A_732 = vector.broadcast %add3A_731 : i32 to vector<16xi32>
        %add3A_733 = arith.addi %mul3A_714, %add3A_732 : vector<16xi32>
        %gather3A_734 = tpu.vector_load_idx %arg14[%add3A_733] : memref<1280xf32, #tpu.memory_space<vmem>>[vector<16xi32>], vector<16xf32>,
        %add3A_735 = arith.addf %add3A_730, %gather3A_734 : vector<16xf32>
        %add3A_736 = arith.constant 5 : i32
        %add3A_737 = vector.broadcast %add3A_736 : i32 to vector<16xi32>
        %add3A_738 = arith.addi %mul3A_714, %add3A_737 : vector<16xi32>
        %gather3A_739 = tpu.vector_load_idx %arg14[%add3A_738] : memref<1280xf32, #tpu.memory_space<vmem>>[vector<16xi32>], vector<16xf32>,
        %add3A_740 = arith.addf %add3A_735, %gather3A_739 : vector<16xf32>
        %add3A_741 = arith.constant 6 : i32
        %add3A_742 = vector.broadcast %add3A_741 : i32 to vector<16xi32>
        %add3A_743 = arith.addi %mul3A_714, %add3A_742 : vector<16xi32>
        %gather3A_744 = tpu.vector_load_idx %arg14[%add3A_743] : memref<1280xf32, #tpu.memory_space<vmem>>[vector<16xi32>], vector<16xf32>,
        %add3A_745 = arith.addf %add3A_740, %gather3A_744 : vector<16xf32>
        %add3A_746 = arith.constant 7 : i32
        %add3A_747 = vector.broadcast %add3A_746 : i32 to vector<16xi32>
        %add3A_748 = arith.addi %mul3A_714, %add3A_747 : vector<16xi32>
        %gather3A_749 = tpu.vector_load_idx %arg14[%add3A_748] : memref<1280xf32, #tpu.memory_space<vmem>>[vector<16xi32>], vector<16xf32>,
        %add3A_750 = arith.addf %add3A_745, %gather3A_749 : vector<16xf32>
        %add3A_751 = arith.constant 8 : i32
        %add3A_752 = vector.broadcast %add3A_751 : i32 to vector<16xi32>
        %add3A_753 = arith.addi %mul3A_714, %add3A_752 : vector<16xi32>
        %gather3A_754 = tpu.vector_load_idx %arg14[%add3A_753] : memref<1280xf32, #tpu.memory_space<vmem>>[vector<16xi32>], vector<16xf32>,
        %add3A_755 = arith.addf %add3A_750, %gather3A_754 : vector<16xf32>
        %add3A_756 = arith.constant 9 : i32
        %add3A_757 = vector.broadcast %add3A_756 : i32 to vector<16xi32>
        %add3A_758 = arith.addi %mul3A_714, %add3A_757 : vector<16xi32>
        %gather3A_759 = tpu.vector_load_idx %arg14[%add3A_758] : memref<1280xf32, #tpu.memory_space<vmem>>[vector<16xi32>], vector<16xf32>,
        %add3A_760 = arith.addf %add3A_755, %gather3A_759 : vector<16xf32>
        %add3A_761 = arith.constant 10 : i32
        %add3A_762 = vector.broadcast %add3A_761 : i32 to vector<16xi32>
        %add3A_763 = arith.addi %mul3A_714, %add3A_762 : vector<16xi32>
        %gather3A_764 = tpu.vector_load_idx %arg14[%add3A_763] : memref<1280xf32, #tpu.memory_space<vmem>>[vector<16xi32>], vector<16xf32>,
        %add3A_765 = arith.addf %add3A_760, %gather3A_764 : vector<16xf32>
        %add3A_766 = arith.constant 11 : i32
        %add3A_767 = vector.broadcast %add3A_766 : i32 to vector<16xi32>
        %add3A_768 = arith.addi %mul3A_714, %add3A_767 : vector<16xi32>
        %gather3A_769 = tpu.vector_load_idx %arg14[%add3A_768] : memref<1280xf32, #tpu.memory_space<vmem>>[vector<16xi32>], vector<16xf32>,
        %add3A_770 = arith.addf %add3A_765, %gather3A_769 : vector<16xf32>
        %add3A_771 = arith.constant 12 : i32
        %add3A_772 = vector.broadcast %add3A_771 : i32 to vector<16xi32>
        %add3A_773 = arith.addi %mul3A_714, %add3A_772 : vector<16xi32>
        %gather3A_774 = tpu.vector_load_idx %arg14[%add3A_773] : memref<1280xf32, #tpu.memory_space<vmem>>[vector<16xi32>], vector<16xf32>,
        %add3A_775 = arith.addf %add3A_770, %gather3A_774 : vector<16xf32>
        %add3A_776 = arith.constant 13 : i32
        %add3A_777 = vector.broadcast %add3A_776 : i32 to vector<16xi32>
        %add3A_778 = arith.addi %mul3A_714, %add3A_777 : vector<16xi32>
        %gather3A_779 = tpu.vector_load_idx %arg14[%add3A_778] : memref<1280xf32, #tpu.memory_space<vmem>>[vector<16xi32>], vector<16xf32>,
        %add3A_780 = arith.addf %add3A_775, %gather3A_779 : vector<16xf32>
        %add3A_781 = arith.constant 14 : i32
        %add3A_782 = vector.broadcast %add3A_781 : i32 to vector<16xi32>
        %add3A_783 = arith.addi %mul3A_714, %add3A_782 : vector<16xi32>
        %gather3A_784 = tpu.vector_load_idx %arg14[%add3A_783] : memref<1280xf32, #tpu.memory_space<vmem>>[vector<16xi32>], vector<16xf32>,
        %add3A_785 = arith.addf %add3A_780, %gather3A_784 : vector<16xf32>
        %add3A_786 = arith.constant 15 : i32
        %add3A_787 = vector.broadcast %add3A_786 : i32 to vector<16xi32>
        %add3A_788 = arith.addi %mul3A_714, %add3A_787 : vector<16xi32>
        %gather3A_789 = tpu.vector_load_idx %arg14[%add3A_788] : memref<1280xf32, #tpu.memory_space<vmem>>[vector<16xi32>], vector<16xf32>,
        %add3A_790 = arith.addf %add3A_785, %gather3A_789 : vector<16xf32>
        %mul3A_791 = arith.constant 80 : i32
        %mul3A_792 = arith.muli %mul3A_250, %mul3A_791 : i32
        %mul3A_793 = arith.constant 16 : i32
        %mul3A_794 = arith.muli %scan3A_707, %mul3A_793 : i32
        %add3A_795 = arith.addi %mul3A_792, %mul3A_794 : i32
        %swap3A_796 = arith.index_cast %add3A_795 : i32 to index
        %swap3A_797 = tpu.vector_load %arg15[%swap3A_796] {strides = array<i32>} : memref<10000xf32, #tpu.memory_space<vmem>>, vector<16xf32>,
        tpu.vector_store %arg15[%swap3A_796], %add3A_790 {strides = array<i32>} : memref<10000xf32, #tpu.memory_space<vmem>>, vector<16xf32>,
      }
      %scan3A_278 = arith.constant 4 : i32
      %scan3A_279 = arith.addi %scan3A_274, %scan3A_278 : i32
      %mul3A_280 = arith.constant 16 : i32
      %mul3A_281 = arith.muli %scan3A_279, %mul3A_280 : i32
      %add3A_282 = vector.broadcast %mul3A_281 : i32 to vector<16xi32>
      %add3A_283 = arith.addi %iota3A, %add3A_282 : vector<16xi32>
      %mul3A_284 = arith.constant 16 : i32
      %mul3A_285 = vector.broadcast %mul3A_284 : i32 to vector<16xi32>
      %mul3A_286 = arith.muli %add3A_283, %mul3A_285 : vector<16xi32>
      %gather3A_287 = tpu.vector_load_idx %arg14[%mul3A_286] : memref<1280xf32, #tpu.memory_space<vmem>>[vector<16xi32>], vector<16xf32>,
      %add3A_288 = arith.constant 1 : i32
      %add3A_289 = vector.broadcast %add3A_288 : i32 to vector<16xi32>
      %add3A_290 = arith.addi %mul3A_286, %add3A_289 : vector<16xi32>
      %gather3A_291 = tpu.vector_load_idx %arg14[%add3A_290] : memref<1280xf32, #tpu.memory_space<vmem>>[vector<16xi32>], vector<16xf32>,
      %add3A_292 = arith.addf %gather3A_287, %gather3A_291 : vector<16xf32>
      %add3A_293 = arith.constant 2 : i32
      %add3A_294 = vector.broadcast %add3A_293 : i32 to vector<16xi32>
      %add3A_295 = arith.addi %mul3A_286, %add3A_294 : vector<16xi32>
      %gather3A_296 = tpu.vector_load_idx %arg14[%add3A_295] : memref<1280xf32, #tpu.memory_space<vmem>>[vector<16xi32>], vector<16xf32>,
      %add3A_297 = arith.addf %add3A_292, %gather3A_296 : vector<16xf32>
      %add3A_298 = arith.constant 3 : i32
      %add3A_299 = vector.broadcast %add3A_298 : i32 to vector<16xi32>
      %add3A_300 = arith.addi %mul3A_286, %add3A_299 : vector<16xi32>
      %gather3A_301 = tpu.vector_load_idx %arg14[%add3A_300] : memref<1280xf32, #tpu.memory_space<vmem>>[vector<16xi32>], vector<16xf32>,
      %add3A_302 = arith.addf %add3A_297, %gather3A_301 : vector<16xf32>
      %add3A_303 = arith.constant 4 : i32
      %add3A_304 = vector.broadcast %add3A_303 : i32 to vector<16xi32>
      %add3A_305 = arith.addi %mul3A_286, %add3A_304 : vector<16xi32>
      %gather3A_306 = tpu.vector_load_idx %arg14[%add3A_305] : memref<1280xf32, #tpu.memory_space<vmem>>[vector<16xi32>], vector<16xf32>,
      %add3A_307 = arith.addf %add3A_302, %gather3A_306 : vector<16xf32>
      %add3A_308 = arith.constant 5 : i32
      %add3A_309 = vector.broadcast %add3A_308 : i32 to vector<16xi32>
      %add3A_310 = arith.addi %mul3A_286, %add3A_309 : vector<16xi32>
      %gather3A_311 = tpu.vector_load_idx %arg14[%add3A_310] : memref<1280xf32, #tpu.memory_space<vmem>>[vector<16xi32>], vector<16xf32>,
      %add3A_312 = arith.addf %add3A_307, %gather3A_311 : vector<16xf32>
      %add3A_313 = arith.constant 6 : i32
      %add3A_314 = vector.broadcast %add3A_313 : i32 to vector<16xi32>
      %add3A_315 = arith.addi %mul3A_286, %add3A_314 : vector<16xi32>
      %gather3A_316 = tpu.vector_load_idx %arg14[%add3A_315] : memref<1280xf32, #tpu.memory_space<vmem>>[vector<16xi32>], vector<16xf32>,
      %add3A_317 = arith.addf %add3A_312, %gather3A_316 : vector<16xf32>
      %add3A_318 = arith.constant 7 : i32
      %add3A_319 = vector.broadcast %add3A_318 : i32 to vector<16xi32>
      %add3A_320 = arith.addi %mul3A_286, %add3A_319 : vector<16xi32>
      %gather3A_321 = tpu.vector_load_idx %arg14[%add3A_320] : memref<1280xf32, #tpu.memory_space<vmem>>[vector<16xi32>], vector<16xf32>,
      %add3A_322 = arith.addf %add3A_317, %gather3A_321 : vector<16xf32>
      %add3A_323 = arith.constant 8 : i32
      %add3A_324 = vector.broadcast %add3A_323 : i32 to vector<16xi32>
      %add3A_325 = arith.addi %mul3A_286, %add3A_324 : vector<16xi32>
      %gather3A_326 = tpu.vector_load_idx %arg14[%add3A_325] : memref<1280xf32, #tpu.memory_space<vmem>>[vector<16xi32>], vector<16xf32>,
      %add3A_327 = arith.addf %add3A_322, %gather3A_326 : vector<16xf32>
      %add3A_328 = arith.constant 9 : i32
      %add3A_329 = vector.broadcast %add3A_328 : i32 to vector<16xi32>
      %add3A_330 = arith.addi %mul3A_286, %add3A_329 : vector<16xi32>
      %gather3A_331 = tpu.vector_load_idx %arg14[%add3A_330] : memref<1280xf32, #tpu.memory_space<vmem>>[vector<16xi32>], vector<16xf32>,
      %add3A_332 = arith.addf %add3A_327, %gather3A_331 : vector<16xf32>
      %add3A_333 = arith.constant 10 : i32
      %add3A_334 = vector.broadcast %add3A_333 : i32 to vector<16xi32>
      %add3A_335 = arith.addi %mul3A_286, %add3A_334 : vector<16xi32>
      %gather3A_336 = tpu.vector_load_idx %arg14[%add3A_335] : memref<1280xf32, #tpu.memory_space<vmem>>[vector<16xi32>], vector<16xf32>,
      %add3A_337 = arith.addf %add3A_332, %gather3A_336 : vector<16xf32>
      %add3A_338 = arith.constant 11 : i32
      %add3A_339 = vector.broadcast %add3A_338 : i32 to vector<16xi32>
      %add3A_340 = arith.addi %mul3A_286, %add3A_339 : vector<16xi32>
      %gather3A_341 = tpu.vector_load_idx %arg14[%add3A_340] : memref<1280xf32, #tpu.memory_space<vmem>>[vector<16xi32>], vector<16xf32>,
      %add3A_342 = arith.addf %add3A_337, %gather3A_341 : vector<16xf32>
      %add3A_343 = arith.constant 12 : i32
      %add3A_344 = vector.broadcast %add3A_343 : i32 to vector<16xi32>
      %add3A_345 = arith.addi %mul3A_286, %add3A_344 : vector<16xi32>
      %gather3A_346 = tpu.vector_load_idx %arg14[%add3A_345] : memref<1280xf32, #tpu.memory_space<vmem>>[vector<16xi32>], vector<16xf32>,
      %add3A_347 = arith.addf %add3A_342, %gather3A_346 : vector<16xf32>
      %add3A_348 = arith.constant 13 : i32
      %add3A_349 = vector.broadcast %add3A_348 : i32 to vector<16xi32>
      %add3A_350 = arith.addi %mul3A_286, %add3A_349 : vector<16xi32>
      %gather3A_351 = tpu.vector_load_idx %arg14[%add3A_350] : memref<1280xf32, #tpu.memory_space<vmem>>[vector<16xi32>], vector<16xf32>,
      %add3A_352 = arith.addf %add3A_347, %gather3A_351 : vector<16xf32>
      %add3A_353 = arith.constant 14 : i32
      %add3A_354 = vector.broadcast %add3A_353 : i32 to vector<16xi32>
      %add3A_355 = arith.addi %mul3A_286, %add3A_354 : vector<16xi32>
      %gather3A_356 = tpu.vector_load_idx %arg14[%add3A_355] : memref<1280xf32, #tpu.memory_space<vmem>>[vector<16xi32>], vector<16xf32>,
      %add3A_357 = arith.addf %add3A_352, %gather3A_356 : vector<16xf32>
      %add3A_358 = arith.constant 15 : i32
      %add3A_359 = vector.broadcast %add3A_358 : i32 to vector<16xi32>
      %add3A_360 = arith.addi %mul3A_286, %add3A_359 : vector<16xi32>
      %gather3A_361 = tpu.vector_load_idx %arg14[%add3A_360] : memref<1280xf32, #tpu.memory_space<vmem>>[vector<16xi32>], vector<16xf32>,
      %add3A_362 = arith.addf %add3A_357, %gather3A_361 : vector<16xf32>
      %mul3A_363 = arith.constant 80 : i32
      %mul3A_364 = arith.muli %mul3A_250, %mul3A_363 : i32
      %mul3A_365 = arith.constant 16 : i32
      %mul3A_366 = arith.muli %scan3A_279, %mul3A_365 : i32
      %add3A_367 = arith.addi %mul3A_364, %mul3A_366 : i32
      %swap3A_368 = arith.index_cast %add3A_367 : i32 to index
      %swap3A_369 = tpu.vector_load %arg15[%swap3A_368] {strides = array<i32>} : memref<10000xf32, #tpu.memory_space<vmem>>, vector<16xf32>,
      tpu.vector_store %arg15[%swap3A_368], %add3A_362 {strides = array<i32>} : memref<10000xf32, #tpu.memory_space<vmem>>, vector<16xf32>,
      %scan3A_370 = arith.constant 5 : i32
      %add3A_371 = arith.constant 1 : i32
      %add3A_372 = arith.addi %mul3A_250, %add3A_371 : i32
      tpu.wait_dma2 semaphore(%arg20 : memref<!tpu.dma_semaphore, #tpu.memory_space<semaphore_mem>>) src(%arg2 : memref<10000x128xf32, #tpu.memory_space<hbm>>) dst(%arg13 : memref<80x128xf32, #tpu.memory_space<vmem>>)
      %add3A_373 = arith.constant 1 : i32
      %add3A_374 = arith.addi %add3A_372, %add3A_373 : i32
      %mul3A_375 = arith.constant 80 : i32
      %mul3A_376 = arith.muli %add3A_374, %mul3A_375 : i32
      %dma_start3A_377 = tpu.memref_slice %arg10[%mul3A_376] : memref<10000xi32, #tpu.memory_space<vmem>> -> memref<80xi32, #tpu.memory_space<vmem>>
      %dma_start3A_378 = arith.constant 0 : i32
      %dma_start3A_379 = arith.constant 0 : i32
      %dma_start3A_380 = tpu.memref_slice %arg3[%dma_start3A_378, %dma_start3A_379] : memref<10000x128xf32, #tpu.memory_space<hbm>> -> memref<10000x128xf32, #tpu.memory_space<hbm>>
      tpu.enqueue_indirect_dma source(%dma_start3A_380 : memref<10000x128xf32, #tpu.memory_space<hbm>>) target(%arg13 : memref<80x128xf32, #tpu.memory_space<vmem>>) offsets(%dma_start3A_377 : memref<80xi32, #tpu.memory_space<vmem>>) semaphore(%arg23 : memref<!tpu.dma_semaphore, #tpu.memory_space<semaphore_mem>>) {add = true}
      %add3A_381 = arith.constant 2 : i32
      %add3A_382 = arith.addi %add3A_372, %add3A_381 : i32
      %mul3A_383 = arith.constant 80 : i32
      %mul3A_384 = arith.muli %add3A_382, %mul3A_383 : i32
      %dma_start3A_385 = tpu.memref_slice %arg9[%mul3A_384] : memref<10000xi32, #tpu.memory_space<vmem>> -> memref<80xi32, #tpu.memory_space<vmem>>
      %dma_start3A_386 = arith.constant 0 : i32
      %dma_start3A_387 = arith.constant 0 : i32
      %dma_start3A_388 = tpu.memref_slice %arg2[%dma_start3A_386, %dma_start3A_387] : memref<10000x128xf32, #tpu.memory_space<hbm>> -> memref<10000x128xf32, #tpu.memory_space<hbm>>
      tpu.enqueue_indirect_dma source(%dma_start3A_388 : memref<10000x128xf32, #tpu.memory_space<hbm>>) target(%arg11 : memref<80x128xf32, #tpu.memory_space<vmem>>) offsets(%dma_start3A_385 : memref<80xi32, #tpu.memory_space<vmem>>) semaphore(%arg18 : memref<!tpu.dma_semaphore, #tpu.memory_space<semaphore_mem>>)
      tpu.wait_dma2 semaphore(%arg22 : memref<!tpu.dma_semaphore, #tpu.memory_space<semaphore_mem>>) src(%arg3 : memref<10000x128xf32, #tpu.memory_space<hbm>>) dst(%arg12 : memref<80x128xf32, #tpu.memory_space<vmem>>)
      %scan3A_389 = arith.constant 0 : i32
      %scan3A_390 = arith.constant 0 : i32
      %scan3A_391 = arith.constant 80 : i32
      %scan3A_392 = arith.addi %scan3A_390, %scan3A_391 : i32
      %scan3A_393 = arith.constant 4 : i32
      scf.for %scan3A_615 = %scan3A_390 to %scan3A_392 step %scan3A_393  : i32 {
        %get3A_616 = arith.index_cast %scan3A_615 : i32 to index
        %get3A_617 = arith.constant 0 : index
        %get3A_618 = tpu.vector_load %arg12[%get3A_616, %get3A_617] {strides = array<i32>} : memref<80x128xf32, #tpu.memory_space<vmem>>, vector<16xf32>,
        %max3A = arith.constant 0.000000e+00 : f32
        %max3A_619 = vector.broadcast %max3A : f32 to vector<16xf32>
        %max3A_620 = arith.maximumf %get3A_618, %max3A_619 : vector<16xf32>
        %mul3A_621 = arith.mulf %max3A_620, %get3A_3 : vector<16xf32>
        %add3A_622 = arith.addf %get3A_19, %mul3A_621 : vector<16xf32>
        %get3A_623 = arith.index_cast %scan3A_615 : i32 to index
        %get3A_624 = arith.constant 16 : index
        %get3A_625 = tpu.vector_load %arg12[%get3A_623, %get3A_624] {strides = array<i32>} : memref<80x128xf32, #tpu.memory_space<vmem>>, vector<16xf32>,
        %max3A_626 = arith.constant 0.000000e+00 : f32
        %max3A_627 = vector.broadcast %max3A_626 : f32 to vector<16xf32>
        %max3A_628 = arith.maximumf %get3A_625, %max3A_627 : vector<16xf32>
        %mul3A_629 = arith.mulf %max3A_628, %get3A_5 : vector<16xf32>
        %add3A_630 = arith.addf %add3A_622, %mul3A_629 : vector<16xf32>
        %get3A_631 = arith.index_cast %scan3A_615 : i32 to index
        %get3A_632 = arith.constant 32 : index
        %get3A_633 = tpu.vector_load %arg12[%get3A_631, %get3A_632] {strides = array<i32>} : memref<80x128xf32, #tpu.memory_space<vmem>>, vector<16xf32>,
        %max3A_634 = arith.constant 0.000000e+00 : f32
        %max3A_635 = vector.broadcast %max3A_634 : f32 to vector<16xf32>
        %max3A_636 = arith.maximumf %get3A_633, %max3A_635 : vector<16xf32>
        %mul3A_637 = arith.mulf %max3A_636, %get3A_7 : vector<16xf32>
        %add3A_638 = arith.addf %add3A_630, %mul3A_637 : vector<16xf32>
        %get3A_639 = arith.index_cast %scan3A_615 : i32 to index
        %get3A_640 = arith.constant 48 : index
        %get3A_641 = tpu.vector_load %arg12[%get3A_639, %get3A_640] {strides = array<i32>} : memref<80x128xf32, #tpu.memory_space<vmem>>, vector<16xf32>,
        %max3A_642 = arith.constant 0.000000e+00 : f32
        %max3A_643 = vector.broadcast %max3A_642 : f32 to vector<16xf32>
        %max3A_644 = arith.maximumf %get3A_641, %max3A_643 : vector<16xf32>
        %mul3A_645 = arith.mulf %max3A_644, %get3A_9 : vector<16xf32>
        %add3A_646 = arith.addf %add3A_638, %mul3A_645 : vector<16xf32>
        %get3A_647 = arith.index_cast %scan3A_615 : i32 to index
        %get3A_648 = arith.constant 64 : index
        %get3A_649 = tpu.vector_load %arg12[%get3A_647, %get3A_648] {strides = array<i32>} : memref<80x128xf32, #tpu.memory_space<vmem>>, vector<16xf32>,
        %max3A_650 = arith.constant 0.000000e+00 : f32
        %max3A_651 = vector.broadcast %max3A_650 : f32 to vector<16xf32>
        %max3A_652 = arith.maximumf %get3A_649, %max3A_651 : vector<16xf32>
        %mul3A_653 = arith.mulf %max3A_652, %get3A_11 : vector<16xf32>
        %add3A_654 = arith.addf %add3A_646, %mul3A_653 : vector<16xf32>
        %get3A_655 = arith.index_cast %scan3A_615 : i32 to index
        %get3A_656 = arith.constant 80 : index
        %get3A_657 = tpu.vector_load %arg12[%get3A_655, %get3A_656] {strides = array<i32>} : memref<80x128xf32, #tpu.memory_space<vmem>>, vector<16xf32>,
        %max3A_658 = arith.constant 0.000000e+00 : f32
        %max3A_659 = vector.broadcast %max3A_658 : f32 to vector<16xf32>
        %max3A_660 = arith.maximumf %get3A_657, %max3A_659 : vector<16xf32>
        %mul3A_661 = arith.mulf %max3A_660, %get3A_13 : vector<16xf32>
        %add3A_662 = arith.addf %add3A_654, %mul3A_661 : vector<16xf32>
        %get3A_663 = arith.index_cast %scan3A_615 : i32 to index
        %get3A_664 = arith.constant 96 : index
        %get3A_665 = tpu.vector_load %arg12[%get3A_663, %get3A_664] {strides = array<i32>} : memref<80x128xf32, #tpu.memory_space<vmem>>, vector<16xf32>,
        %max3A_666 = arith.constant 0.000000e+00 : f32
        %max3A_667 = vector.broadcast %max3A_666 : f32 to vector<16xf32>
        %max3A_668 = arith.maximumf %get3A_665, %max3A_667 : vector<16xf32>
        %mul3A_669 = arith.mulf %max3A_668, %get3A_15 : vector<16xf32>
        %add3A_670 = arith.addf %add3A_662, %mul3A_669 : vector<16xf32>
        %get3A_671 = arith.index_cast %scan3A_615 : i32 to index
        %get3A_672 = arith.constant 112 : index
        %get3A_673 = tpu.vector_load %arg12[%get3A_671, %get3A_672] {strides = array<i32>} : memref<80x128xf32, #tpu.memory_space<vmem>>, vector<16xf32>,
        %max3A_674 = arith.constant 0.000000e+00 : f32
        %max3A_675 = vector.broadcast %max3A_674 : f32 to vector<16xf32>
        %max3A_676 = arith.maximumf %get3A_673, %max3A_675 : vector<16xf32>
        %mul3A_677 = arith.mulf %max3A_676, %get3A_17 : vector<16xf32>
        %add3A_678 = arith.addf %add3A_670, %mul3A_677 : vector<16xf32>
        %mul3A_679 = arith.constant 16 : i32
        %mul3A_680 = arith.muli %scan3A_615, %mul3A_679 : i32
        %swap3A_681 = arith.index_cast %mul3A_680 : i32 to index
        %swap3A_682 = tpu.vector_load %arg14[%swap3A_681] {strides = array<i32>} : memref<1280xf32, #tpu.memory_space<vmem>>, vector<16xf32>,
        tpu.vector_store %arg14[%swap3A_681], %add3A_678 {strides = array<i32>} : memref<1280xf32, #tpu.memory_space<vmem>>, vector<16xf32>,
        %scan3A_683 = arith.constant 1 : i32
        %scan3A_684 = arith.addi %scan3A_615, %scan3A_683 : i32
        %get3A_685 = arith.index_cast %scan3A_684 : i32 to index
        %get3A_686 = arith.constant 0 : index
        %get3A_687 = tpu.vector_load %arg12[%get3A_685, %get3A_686] {strides = array<i32>} : memref<80x128xf32, #tpu.memory_space<vmem>>, vector<16xf32>,
        %max3A_688 = arith.constant 0.000000e+00 : f32
        %max3A_689 = vector.broadcast %max3A_688 : f32 to vector<16xf32>
        %max3A_690 = arith.maximumf %get3A_687, %max3A_689 : vector<16xf32>
        %mul3A_691 = arith.mulf %max3A_690, %get3A_3 : vector<16xf32>
        %add3A_692 = arith.addf %get3A_19, %mul3A_691 : vector<16xf32>
        %get3A_693 = arith.index_cast %scan3A_684 : i32 to index
        %get3A_694 = arith.constant 16 : index
        %get3A_695 = tpu.vector_load %arg12[%get3A_693, %get3A_694] {strides = array<i32>} : memref<80x128xf32, #tpu.memory_space<vmem>>, vector<16xf32>,
        %max3A_696 = arith.constant 0.000000e+00 : f32
        %max3A_697 = vector.broadcast %max3A_696 : f32 to vector<16xf32>
        %max3A_698 = arith.maximumf %get3A_695, %max3A_697 : vector<16xf32>
        %mul3A_699 = arith.mulf %max3A_698, %get3A_5 : vector<16xf32>
        %add3A_700 = arith.addf %add3A_692, %mul3A_699 : vector<16xf32>
        %get3A_701 = arith.index_cast %scan3A_684 : i32 to index
        %get3A_702 = arith.constant 32 : index
        %get3A_703 = tpu.vector_load %arg12[%get3A_701, %get3A_702] {strides = array<i32>} : memref<80x128xf32, #tpu.memory_space<vmem>>, vector<16xf32>,
        %max3A_704 = arith.constant 0.000000e+00 : f32
        %max3A_705 = vector.broadcast %max3A_704 : f32 to vector<16xf32>
        %max3A_706 = arith.maximumf %get3A_703, %max3A_705 : vector<16xf32>
        %mul3A_707 = arith.mulf %max3A_706, %get3A_7 : vector<16xf32>
        %add3A_708 = arith.addf %add3A_700, %mul3A_707 : vector<16xf32>
        %get3A_709 = arith.index_cast %scan3A_684 : i32 to index
        %get3A_710 = arith.constant 48 : index
        %get3A_711 = tpu.vector_load %arg12[%get3A_709, %get3A_710] {strides = array<i32>} : memref<80x128xf32, #tpu.memory_space<vmem>>, vector<16xf32>,
        %max3A_712 = arith.constant 0.000000e+00 : f32
        %max3A_713 = vector.broadcast %max3A_712 : f32 to vector<16xf32>
        %max3A_714 = arith.maximumf %get3A_711, %max3A_713 : vector<16xf32>
        %mul3A_715 = arith.mulf %max3A_714, %get3A_9 : vector<16xf32>
        %add3A_716 = arith.addf %add3A_708, %mul3A_715 : vector<16xf32>
        %get3A_717 = arith.index_cast %scan3A_684 : i32 to index
        %get3A_718 = arith.constant 64 : index
        %get3A_719 = tpu.vector_load %arg12[%get3A_717, %get3A_718] {strides = array<i32>} : memref<80x128xf32, #tpu.memory_space<vmem>>, vector<16xf32>,
        %max3A_720 = arith.constant 0.000000e+00 : f32
        %max3A_721 = vector.broadcast %max3A_720 : f32 to vector<16xf32>
        %max3A_722 = arith.maximumf %get3A_719, %max3A_721 : vector<16xf32>
        %mul3A_723 = arith.mulf %max3A_722, %get3A_11 : vector<16xf32>
        %add3A_724 = arith.addf %add3A_716, %mul3A_723 : vector<16xf32>
        %get3A_725 = arith.index_cast %scan3A_684 : i32 to index
        %get3A_726 = arith.constant 80 : index
        %get3A_727 = tpu.vector_load %arg12[%get3A_725, %get3A_726] {strides = array<i32>} : memref<80x128xf32, #tpu.memory_space<vmem>>, vector<16xf32>,
        %max3A_728 = arith.constant 0.000000e+00 : f32
        %max3A_729 = vector.broadcast %max3A_728 : f32 to vector<16xf32>
        %max3A_730 = arith.maximumf %get3A_727, %max3A_729 : vector<16xf32>
        %mul3A_731 = arith.mulf %max3A_730, %get3A_13 : vector<16xf32>
        %add3A_732 = arith.addf %add3A_724, %mul3A_731 : vector<16xf32>
        %get3A_733 = arith.index_cast %scan3A_684 : i32 to index
        %get3A_734 = arith.constant 96 : index
        %get3A_735 = tpu.vector_load %arg12[%get3A_733, %get3A_734] {strides = array<i32>} : memref<80x128xf32, #tpu.memory_space<vmem>>, vector<16xf32>,
        %max3A_736 = arith.constant 0.000000e+00 : f32
        %max3A_737 = vector.broadcast %max3A_736 : f32 to vector<16xf32>
        %max3A_738 = arith.maximumf %get3A_735, %max3A_737 : vector<16xf32>
        %mul3A_739 = arith.mulf %max3A_738, %get3A_15 : vector<16xf32>
        %add3A_740 = arith.addf %add3A_732, %mul3A_739 : vector<16xf32>
        %get3A_741 = arith.index_cast %scan3A_684 : i32 to index
        %get3A_742 = arith.constant 112 : index
        %get3A_743 = tpu.vector_load %arg12[%get3A_741, %get3A_742] {strides = array<i32>} : memref<80x128xf32, #tpu.memory_space<vmem>>, vector<16xf32>,
        %max3A_744 = arith.constant 0.000000e+00 : f32
        %max3A_745 = vector.broadcast %max3A_744 : f32 to vector<16xf32>
        %max3A_746 = arith.maximumf %get3A_743, %max3A_745 : vector<16xf32>
        %mul3A_747 = arith.mulf %max3A_746, %get3A_17 : vector<16xf32>
        %add3A_748 = arith.addf %add3A_740, %mul3A_747 : vector<16xf32>
        %mul3A_749 = arith.constant 16 : i32
        %mul3A_750 = arith.muli %scan3A_684, %mul3A_749 : i32
        %swap3A_751 = arith.index_cast %mul3A_750 : i32 to index
        %swap3A_752 = tpu.vector_load %arg14[%swap3A_751] {strides = array<i32>} : memref<1280xf32, #tpu.memory_space<vmem>>, vector<16xf32>,
        tpu.vector_store %arg14[%swap3A_751], %add3A_748 {strides = array<i32>} : memref<1280xf32, #tpu.memory_space<vmem>>, vector<16xf32>,
        %scan3A_753 = arith.constant 2 : i32
        %scan3A_754 = arith.addi %scan3A_615, %scan3A_753 : i32
        %get3A_755 = arith.index_cast %scan3A_754 : i32 to index
        %get3A_756 = arith.constant 0 : index
        %get3A_757 = tpu.vector_load %arg12[%get3A_755, %get3A_756] {strides = array<i32>} : memref<80x128xf32, #tpu.memory_space<vmem>>, vector<16xf32>,
        %max3A_758 = arith.constant 0.000000e+00 : f32
        %max3A_759 = vector.broadcast %max3A_758 : f32 to vector<16xf32>
        %max3A_760 = arith.maximumf %get3A_757, %max3A_759 : vector<16xf32>
        %mul3A_761 = arith.mulf %max3A_760, %get3A_3 : vector<16xf32>
        %add3A_762 = arith.addf %get3A_19, %mul3A_761 : vector<16xf32>
        %get3A_763 = arith.index_cast %scan3A_754 : i32 to index
        %get3A_764 = arith.constant 16 : index
        %get3A_765 = tpu.vector_load %arg12[%get3A_763, %get3A_764] {strides = array<i32>} : memref<80x128xf32, #tpu.memory_space<vmem>>, vector<16xf32>,
        %max3A_766 = arith.constant 0.000000e+00 : f32
        %max3A_767 = vector.broadcast %max3A_766 : f32 to vector<16xf32>
        %max3A_768 = arith.maximumf %get3A_765, %max3A_767 : vector<16xf32>
        %mul3A_769 = arith.mulf %max3A_768, %get3A_5 : vector<16xf32>
        %add3A_770 = arith.addf %add3A_762, %mul3A_769 : vector<16xf32>
        %get3A_771 = arith.index_cast %scan3A_754 : i32 to index
        %get3A_772 = arith.constant 32 : index
        %get3A_773 = tpu.vector_load %arg12[%get3A_771, %get3A_772] {strides = array<i32>} : memref<80x128xf32, #tpu.memory_space<vmem>>, vector<16xf32>,
        %max3A_774 = arith.constant 0.000000e+00 : f32
        %max3A_775 = vector.broadcast %max3A_774 : f32 to vector<16xf32>
        %max3A_776 = arith.maximumf %get3A_773, %max3A_775 : vector<16xf32>
        %mul3A_777 = arith.mulf %max3A_776, %get3A_7 : vector<16xf32>
        %add3A_778 = arith.addf %add3A_770, %mul3A_777 : vector<16xf32>
        %get3A_779 = arith.index_cast %scan3A_754 : i32 to index
        %get3A_780 = arith.constant 48 : index
        %get3A_781 = tpu.vector_load %arg12[%get3A_779, %get3A_780] {strides = array<i32>} : memref<80x128xf32, #tpu.memory_space<vmem>>, vector<16xf32>,
        %max3A_782 = arith.constant 0.000000e+00 : f32
        %max3A_783 = vector.broadcast %max3A_782 : f32 to vector<16xf32>
        %max3A_784 = arith.maximumf %get3A_781, %max3A_783 : vector<16xf32>
        %mul3A_785 = arith.mulf %max3A_784, %get3A_9 : vector<16xf32>
        %add3A_786 = arith.addf %add3A_778, %mul3A_785 : vector<16xf32>
        %get3A_787 = arith.index_cast %scan3A_754 : i32 to index
        %get3A_788 = arith.constant 64 : index
        %get3A_789 = tpu.vector_load %arg12[%get3A_787, %get3A_788] {strides = array<i32>} : memref<80x128xf32, #tpu.memory_space<vmem>>, vector<16xf32>,
        %max3A_790 = arith.constant 0.000000e+00 : f32
        %max3A_791 = vector.broadcast %max3A_790 : f32 to vector<16xf32>
        %max3A_792 = arith.maximumf %get3A_789, %max3A_791 : vector<16xf32>
        %mul3A_793 = arith.mulf %max3A_792, %get3A_11 : vector<16xf32>
        %add3A_794 = arith.addf %add3A_786, %mul3A_793 : vector<16xf32>
        %get3A_795 = arith.index_cast %scan3A_754 : i32 to index
        %get3A_796 = arith.constant 80 : index
        %get3A_797 = tpu.vector_load %arg12[%get3A_795, %get3A_796] {strides = array<i32>} : memref<80x128xf32, #tpu.memory_space<vmem>>, vector<16xf32>,
        %max3A_798 = arith.constant 0.000000e+00 : f32
        %max3A_799 = vector.broadcast %max3A_798 : f32 to vector<16xf32>
        %max3A_800 = arith.maximumf %get3A_797, %max3A_799 : vector<16xf32>
        %mul3A_801 = arith.mulf %max3A_800, %get3A_13 : vector<16xf32>
        %add3A_802 = arith.addf %add3A_794, %mul3A_801 : vector<16xf32>
        %get3A_803 = arith.index_cast %scan3A_754 : i32 to index
        %get3A_804 = arith.constant 96 : index
        %get3A_805 = tpu.vector_load %arg12[%get3A_803, %get3A_804] {strides = array<i32>} : memref<80x128xf32, #tpu.memory_space<vmem>>, vector<16xf32>,
        %max3A_806 = arith.constant 0.000000e+00 : f32
        %max3A_807 = vector.broadcast %max3A_806 : f32 to vector<16xf32>
        %max3A_808 = arith.maximumf %get3A_805, %max3A_807 : vector<16xf32>
        %mul3A_809 = arith.mulf %max3A_808, %get3A_15 : vector<16xf32>
        %add3A_810 = arith.addf %add3A_802, %mul3A_809 : vector<16xf32>
        %get3A_811 = arith.index_cast %scan3A_754 : i32 to index
        %get3A_812 = arith.constant 112 : index
        %get3A_813 = tpu.vector_load %arg12[%get3A_811, %get3A_812] {strides = array<i32>} : memref<80x128xf32, #tpu.memory_space<vmem>>, vector<16xf32>,
        %max3A_814 = arith.constant 0.000000e+00 : f32
        %max3A_815 = vector.broadcast %max3A_814 : f32 to vector<16xf32>
        %max3A_816 = arith.maximumf %get3A_813, %max3A_815 : vector<16xf32>
        %mul3A_817 = arith.mulf %max3A_816, %get3A_17 : vector<16xf32>
        %add3A_818 = arith.addf %add3A_810, %mul3A_817 : vector<16xf32>
        %mul3A_819 = arith.constant 16 : i32
        %mul3A_820 = arith.muli %scan3A_754, %mul3A_819 : i32
        %swap3A_821 = arith.index_cast %mul3A_820 : i32 to index
        %swap3A_822 = tpu.vector_load %arg14[%swap3A_821] {strides = array<i32>} : memref<1280xf32, #tpu.memory_space<vmem>>, vector<16xf32>,
        tpu.vector_store %arg14[%swap3A_821], %add3A_818 {strides = array<i32>} : memref<1280xf32, #tpu.memory_space<vmem>>, vector<16xf32>,
        %scan3A_823 = arith.constant 3 : i32
        %scan3A_824 = arith.addi %scan3A_615, %scan3A_823 : i32
        %get3A_825 = arith.index_cast %scan3A_824 : i32 to index
        %get3A_826 = arith.constant 0 : index
        %get3A_827 = tpu.vector_load %arg12[%get3A_825, %get3A_826] {strides = array<i32>} : memref<80x128xf32, #tpu.memory_space<vmem>>, vector<16xf32>,
        %max3A_828 = arith.constant 0.000000e+00 : f32
        %max3A_829 = vector.broadcast %max3A_828 : f32 to vector<16xf32>
        %max3A_830 = arith.maximumf %get3A_827, %max3A_829 : vector<16xf32>
        %mul3A_831 = arith.mulf %max3A_830, %get3A_3 : vector<16xf32>
        %add3A_832 = arith.addf %get3A_19, %mul3A_831 : vector<16xf32>
        %get3A_833 = arith.index_cast %scan3A_824 : i32 to index
        %get3A_834 = arith.constant 16 : index
        %get3A_835 = tpu.vector_load %arg12[%get3A_833, %get3A_834] {strides = array<i32>} : memref<80x128xf32, #tpu.memory_space<vmem>>, vector<16xf32>,
        %max3A_836 = arith.constant 0.000000e+00 : f32
        %max3A_837 = vector.broadcast %max3A_836 : f32 to vector<16xf32>
        %max3A_838 = arith.maximumf %get3A_835, %max3A_837 : vector<16xf32>
        %mul3A_839 = arith.mulf %max3A_838, %get3A_5 : vector<16xf32>
        %add3A_840 = arith.addf %add3A_832, %mul3A_839 : vector<16xf32>
        %get3A_841 = arith.index_cast %scan3A_824 : i32 to index
        %get3A_842 = arith.constant 32 : index
        %get3A_843 = tpu.vector_load %arg12[%get3A_841, %get3A_842] {strides = array<i32>} : memref<80x128xf32, #tpu.memory_space<vmem>>, vector<16xf32>,
        %max3A_844 = arith.constant 0.000000e+00 : f32
        %max3A_845 = vector.broadcast %max3A_844 : f32 to vector<16xf32>
        %max3A_846 = arith.maximumf %get3A_843, %max3A_845 : vector<16xf32>
        %mul3A_847 = arith.mulf %max3A_846, %get3A_7 : vector<16xf32>
        %add3A_848 = arith.addf %add3A_840, %mul3A_847 : vector<16xf32>
        %get3A_849 = arith.index_cast %scan3A_824 : i32 to index
        %get3A_850 = arith.constant 48 : index
        %get3A_851 = tpu.vector_load %arg12[%get3A_849, %get3A_850] {strides = array<i32>} : memref<80x128xf32, #tpu.memory_space<vmem>>, vector<16xf32>,
        %max3A_852 = arith.constant 0.000000e+00 : f32
        %max3A_853 = vector.broadcast %max3A_852 : f32 to vector<16xf32>
        %max3A_854 = arith.maximumf %get3A_851, %max3A_853 : vector<16xf32>
        %mul3A_855 = arith.mulf %max3A_854, %get3A_9 : vector<16xf32>
        %add3A_856 = arith.addf %add3A_848, %mul3A_855 : vector<16xf32>
        %get3A_857 = arith.index_cast %scan3A_824 : i32 to index
        %get3A_858 = arith.constant 64 : index
        %get3A_859 = tpu.vector_load %arg12[%get3A_857, %get3A_858] {strides = array<i32>} : memref<80x128xf32, #tpu.memory_space<vmem>>, vector<16xf32>,
        %max3A_860 = arith.constant 0.000000e+00 : f32
        %max3A_861 = vector.broadcast %max3A_860 : f32 to vector<16xf32>
        %max3A_862 = arith.maximumf %get3A_859, %max3A_861 : vector<16xf32>
        %mul3A_863 = arith.mulf %max3A_862, %get3A_11 : vector<16xf32>
        %add3A_864 = arith.addf %add3A_856, %mul3A_863 : vector<16xf32>
        %get3A_865 = arith.index_cast %scan3A_824 : i32 to index
        %get3A_866 = arith.constant 80 : index
        %get3A_867 = tpu.vector_load %arg12[%get3A_865, %get3A_866] {strides = array<i32>} : memref<80x128xf32, #tpu.memory_space<vmem>>, vector<16xf32>,
        %max3A_868 = arith.constant 0.000000e+00 : f32
        %max3A_869 = vector.broadcast %max3A_868 : f32 to vector<16xf32>
        %max3A_870 = arith.maximumf %get3A_867, %max3A_869 : vector<16xf32>
        %mul3A_871 = arith.mulf %max3A_870, %get3A_13 : vector<16xf32>
        %add3A_872 = arith.addf %add3A_864, %mul3A_871 : vector<16xf32>
        %get3A_873 = arith.index_cast %scan3A_824 : i32 to index
        %get3A_874 = arith.constant 96 : index
        %get3A_875 = tpu.vector_load %arg12[%get3A_873, %get3A_874] {strides = array<i32>} : memref<80x128xf32, #tpu.memory_space<vmem>>, vector<16xf32>,
        %max3A_876 = arith.constant 0.000000e+00 : f32
        %max3A_877 = vector.broadcast %max3A_876 : f32 to vector<16xf32>
        %max3A_878 = arith.maximumf %get3A_875, %max3A_877 : vector<16xf32>
        %mul3A_879 = arith.mulf %max3A_878, %get3A_15 : vector<16xf32>
        %add3A_880 = arith.addf %add3A_872, %mul3A_879 : vector<16xf32>
        %get3A_881 = arith.index_cast %scan3A_824 : i32 to index
        %get3A_882 = arith.constant 112 : index
        %get3A_883 = tpu.vector_load %arg12[%get3A_881, %get3A_882] {strides = array<i32>} : memref<80x128xf32, #tpu.memory_space<vmem>>, vector<16xf32>,
        %max3A_884 = arith.constant 0.000000e+00 : f32
        %max3A_885 = vector.broadcast %max3A_884 : f32 to vector<16xf32>
        %max3A_886 = arith.maximumf %get3A_883, %max3A_885 : vector<16xf32>
        %mul3A_887 = arith.mulf %max3A_886, %get3A_17 : vector<16xf32>
        %add3A_888 = arith.addf %add3A_880, %mul3A_887 : vector<16xf32>
        %mul3A_889 = arith.constant 16 : i32
        %mul3A_890 = arith.muli %scan3A_824, %mul3A_889 : i32
        %swap3A_891 = arith.index_cast %mul3A_890 : i32 to index
        %swap3A_892 = tpu.vector_load %arg14[%swap3A_891] {strides = array<i32>} : memref<1280xf32, #tpu.memory_space<vmem>>, vector<16xf32>,
        tpu.vector_store %arg14[%swap3A_891], %add3A_888 {strides = array<i32>} : memref<1280xf32, #tpu.memory_space<vmem>>, vector<16xf32>,
      }
      %scan3A_394 = arith.constant 80 : i32
      %scan3A_395 = arith.constant 0 : i32
      %scan3A_396 = arith.constant 0 : i32
      %scan3A_397 = arith.constant 4 : i32
      %scan3A_398 = arith.addi %scan3A_396, %scan3A_397 : i32
      %scan3A_399 = arith.constant 2 : i32
      scf.for %scan3A_615 = %scan3A_396 to %scan3A_398 step %scan3A_399  : i32 {
        %mul3A_616 = arith.constant 16 : i32
        %mul3A_617 = arith.muli %scan3A_615, %mul3A_616 : i32
        %add3A_618 = vector.broadcast %mul3A_617 : i32 to vector<16xi32>
        %add3A_619 = arith.addi %iota3A, %add3A_618 : vector<16xi32>
        %mul3A_620 = arith.constant 16 : i32
        %mul3A_621 = vector.broadcast %mul3A_620 : i32 to vector<16xi32>
        %mul3A_622 = arith.muli %add3A_619, %mul3A_621 : vector<16xi32>
        %gather3A_623 = tpu.vector_load_idx %arg14[%mul3A_622] : memref<1280xf32, #tpu.memory_space<vmem>>[vector<16xi32>], vector<16xf32>,
        %add3A_624 = arith.constant 1 : i32
        %add3A_625 = vector.broadcast %add3A_624 : i32 to vector<16xi32>
        %add3A_626 = arith.addi %mul3A_622, %add3A_625 : vector<16xi32>
        %gather3A_627 = tpu.vector_load_idx %arg14[%add3A_626] : memref<1280xf32, #tpu.memory_space<vmem>>[vector<16xi32>], vector<16xf32>,
        %add3A_628 = arith.addf %gather3A_623, %gather3A_627 : vector<16xf32>
        %add3A_629 = arith.constant 2 : i32
        %add3A_630 = vector.broadcast %add3A_629 : i32 to vector<16xi32>
        %add3A_631 = arith.addi %mul3A_622, %add3A_630 : vector<16xi32>
        %gather3A_632 = tpu.vector_load_idx %arg14[%add3A_631] : memref<1280xf32, #tpu.memory_space<vmem>>[vector<16xi32>], vector<16xf32>,
        %add3A_633 = arith.addf %add3A_628, %gather3A_632 : vector<16xf32>
        %add3A_634 = arith.constant 3 : i32
        %add3A_635 = vector.broadcast %add3A_634 : i32 to vector<16xi32>
        %add3A_636 = arith.addi %mul3A_622, %add3A_635 : vector<16xi32>
        %gather3A_637 = tpu.vector_load_idx %arg14[%add3A_636] : memref<1280xf32, #tpu.memory_space<vmem>>[vector<16xi32>], vector<16xf32>,
        %add3A_638 = arith.addf %add3A_633, %gather3A_637 : vector<16xf32>
        %add3A_639 = arith.constant 4 : i32
        %add3A_640 = vector.broadcast %add3A_639 : i32 to vector<16xi32>
        %add3A_641 = arith.addi %mul3A_622, %add3A_640 : vector<16xi32>
        %gather3A_642 = tpu.vector_load_idx %arg14[%add3A_641] : memref<1280xf32, #tpu.memory_space<vmem>>[vector<16xi32>], vector<16xf32>,
        %add3A_643 = arith.addf %add3A_638, %gather3A_642 : vector<16xf32>
        %add3A_644 = arith.constant 5 : i32
        %add3A_645 = vector.broadcast %add3A_644 : i32 to vector<16xi32>
        %add3A_646 = arith.addi %mul3A_622, %add3A_645 : vector<16xi32>
        %gather3A_647 = tpu.vector_load_idx %arg14[%add3A_646] : memref<1280xf32, #tpu.memory_space<vmem>>[vector<16xi32>], vector<16xf32>,
        %add3A_648 = arith.addf %add3A_643, %gather3A_647 : vector<16xf32>
        %add3A_649 = arith.constant 6 : i32
        %add3A_650 = vector.broadcast %add3A_649 : i32 to vector<16xi32>
        %add3A_651 = arith.addi %mul3A_622, %add3A_650 : vector<16xi32>
        %gather3A_652 = tpu.vector_load_idx %arg14[%add3A_651] : memref<1280xf32, #tpu.memory_space<vmem>>[vector<16xi32>], vector<16xf32>,
        %add3A_653 = arith.addf %add3A_648, %gather3A_652 : vector<16xf32>
        %add3A_654 = arith.constant 7 : i32
        %add3A_655 = vector.broadcast %add3A_654 : i32 to vector<16xi32>
        %add3A_656 = arith.addi %mul3A_622, %add3A_655 : vector<16xi32>
        %gather3A_657 = tpu.vector_load_idx %arg14[%add3A_656] : memref<1280xf32, #tpu.memory_space<vmem>>[vector<16xi32>], vector<16xf32>,
        %add3A_658 = arith.addf %add3A_653, %gather3A_657 : vector<16xf32>
        %add3A_659 = arith.constant 8 : i32
        %add3A_660 = vector.broadcast %add3A_659 : i32 to vector<16xi32>
        %add3A_661 = arith.addi %mul3A_622, %add3A_660 : vector<16xi32>
        %gather3A_662 = tpu.vector_load_idx %arg14[%add3A_661] : memref<1280xf32, #tpu.memory_space<vmem>>[vector<16xi32>], vector<16xf32>,
        %add3A_663 = arith.addf %add3A_658, %gather3A_662 : vector<16xf32>
        %add3A_664 = arith.constant 9 : i32
        %add3A_665 = vector.broadcast %add3A_664 : i32 to vector<16xi32>
        %add3A_666 = arith.addi %mul3A_622, %add3A_665 : vector<16xi32>
        %gather3A_667 = tpu.vector_load_idx %arg14[%add3A_666] : memref<1280xf32, #tpu.memory_space<vmem>>[vector<16xi32>], vector<16xf32>,
        %add3A_668 = arith.addf %add3A_663, %gather3A_667 : vector<16xf32>
        %add3A_669 = arith.constant 10 : i32
        %add3A_670 = vector.broadcast %add3A_669 : i32 to vector<16xi32>
        %add3A_671 = arith.addi %mul3A_622, %add3A_670 : vector<16xi32>
        %gather3A_672 = tpu.vector_load_idx %arg14[%add3A_671] : memref<1280xf32, #tpu.memory_space<vmem>>[vector<16xi32>], vector<16xf32>,
        %add3A_673 = arith.addf %add3A_668, %gather3A_672 : vector<16xf32>
        %add3A_674 = arith.constant 11 : i32
        %add3A_675 = vector.broadcast %add3A_674 : i32 to vector<16xi32>
        %add3A_676 = arith.addi %mul3A_622, %add3A_675 : vector<16xi32>
        %gather3A_677 = tpu.vector_load_idx %arg14[%add3A_676] : memref<1280xf32, #tpu.memory_space<vmem>>[vector<16xi32>], vector<16xf32>,
        %add3A_678 = arith.addf %add3A_673, %gather3A_677 : vector<16xf32>
        %add3A_679 = arith.constant 12 : i32
        %add3A_680 = vector.broadcast %add3A_679 : i32 to vector<16xi32>
        %add3A_681 = arith.addi %mul3A_622, %add3A_680 : vector<16xi32>
        %gather3A_682 = tpu.vector_load_idx %arg14[%add3A_681] : memref<1280xf32, #tpu.memory_space<vmem>>[vector<16xi32>], vector<16xf32>,
        %add3A_683 = arith.addf %add3A_678, %gather3A_682 : vector<16xf32>
        %add3A_684 = arith.constant 13 : i32
        %add3A_685 = vector.broadcast %add3A_684 : i32 to vector<16xi32>
        %add3A_686 = arith.addi %mul3A_622, %add3A_685 : vector<16xi32>
        %gather3A_687 = tpu.vector_load_idx %arg14[%add3A_686] : memref<1280xf32, #tpu.memory_space<vmem>>[vector<16xi32>], vector<16xf32>,
        %add3A_688 = arith.addf %add3A_683, %gather3A_687 : vector<16xf32>
        %add3A_689 = arith.constant 14 : i32
        %add3A_690 = vector.broadcast %add3A_689 : i32 to vector<16xi32>
        %add3A_691 = arith.addi %mul3A_622, %add3A_690 : vector<16xi32>
        %gather3A_692 = tpu.vector_load_idx %arg14[%add3A_691] : memref<1280xf32, #tpu.memory_space<vmem>>[vector<16xi32>], vector<16xf32>,
        %add3A_693 = arith.addf %add3A_688, %gather3A_692 : vector<16xf32>
        %add3A_694 = arith.constant 15 : i32
        %add3A_695 = vector.broadcast %add3A_694 : i32 to vector<16xi32>
        %add3A_696 = arith.addi %mul3A_622, %add3A_695 : vector<16xi32>
        %gather3A_697 = tpu.vector_load_idx %arg14[%add3A_696] : memref<1280xf32, #tpu.memory_space<vmem>>[vector<16xi32>], vector<16xf32>,
        %add3A_698 = arith.addf %add3A_693, %gather3A_697 : vector<16xf32>
        %mul3A_699 = arith.constant 80 : i32
        %mul3A_700 = arith.muli %add3A_372, %mul3A_699 : i32
        %mul3A_701 = arith.constant 16 : i32
        %mul3A_702 = arith.muli %scan3A_615, %mul3A_701 : i32
        %add3A_703 = arith.addi %mul3A_700, %mul3A_702 : i32
        %swap3A_704 = arith.index_cast %add3A_703 : i32 to index
        %swap3A_705 = tpu.vector_load %arg15[%swap3A_704] {strides = array<i32>} : memref<10000xf32, #tpu.memory_space<vmem>>, vector<16xf32>,
        tpu.vector_store %arg15[%swap3A_704], %add3A_698 {strides = array<i32>} : memref<10000xf32, #tpu.memory_space<vmem>>, vector<16xf32>,
        %scan3A_706 = arith.constant 1 : i32
        %scan3A_707 = arith.addi %scan3A_615, %scan3A_706 : i32
        %mul3A_708 = arith.constant 16 : i32
        %mul3A_709 = arith.muli %scan3A_707, %mul3A_708 : i32
        %add3A_710 = vector.broadcast %mul3A_709 : i32 to vector<16xi32>
        %add3A_711 = arith.addi %iota3A, %add3A_710 : vector<16xi32>
        %mul3A_712 = arith.constant 16 : i32
        %mul3A_713 = vector.broadcast %mul3A_712 : i32 to vector<16xi32>
        %mul3A_714 = arith.muli %add3A_711, %mul3A_713 : vector<16xi32>
        %gather3A_715 = tpu.vector_load_idx %arg14[%mul3A_714] : memref<1280xf32, #tpu.memory_space<vmem>>[vector<16xi32>], vector<16xf32>,
        %add3A_716 = arith.constant 1 : i32
        %add3A_717 = vector.broadcast %add3A_716 : i32 to vector<16xi32>
        %add3A_718 = arith.addi %mul3A_714, %add3A_717 : vector<16xi32>
        %gather3A_719 = tpu.vector_load_idx %arg14[%add3A_718] : memref<1280xf32, #tpu.memory_space<vmem>>[vector<16xi32>], vector<16xf32>,
        %add3A_720 = arith.addf %gather3A_715, %gather3A_719 : vector<16xf32>
        %add3A_721 = arith.constant 2 : i32
        %add3A_722 = vector.broadcast %add3A_721 : i32 to vector<16xi32>
        %add3A_723 = arith.addi %mul3A_714, %add3A_722 : vector<16xi32>
        %gather3A_724 = tpu.vector_load_idx %arg14[%add3A_723] : memref<1280xf32, #tpu.memory_space<vmem>>[vector<16xi32>], vector<16xf32>,
        %add3A_725 = arith.addf %add3A_720, %gather3A_724 : vector<16xf32>
        %add3A_726 = arith.constant 3 : i32
        %add3A_727 = vector.broadcast %add3A_726 : i32 to vector<16xi32>
        %add3A_728 = arith.addi %mul3A_714, %add3A_727 : vector<16xi32>
        %gather3A_729 = tpu.vector_load_idx %arg14[%add3A_728] : memref<1280xf32, #tpu.memory_space<vmem>>[vector<16xi32>], vector<16xf32>,
        %add3A_730 = arith.addf %add3A_725, %gather3A_729 : vector<16xf32>
        %add3A_731 = arith.constant 4 : i32
        %add3A_732 = vector.broadcast %add3A_731 : i32 to vector<16xi32>
        %add3A_733 = arith.addi %mul3A_714, %add3A_732 : vector<16xi32>
        %gather3A_734 = tpu.vector_load_idx %arg14[%add3A_733] : memref<1280xf32, #tpu.memory_space<vmem>>[vector<16xi32>], vector<16xf32>,
        %add3A_735 = arith.addf %add3A_730, %gather3A_734 : vector<16xf32>
        %add3A_736 = arith.constant 5 : i32
        %add3A_737 = vector.broadcast %add3A_736 : i32 to vector<16xi32>
        %add3A_738 = arith.addi %mul3A_714, %add3A_737 : vector<16xi32>
        %gather3A_739 = tpu.vector_load_idx %arg14[%add3A_738] : memref<1280xf32, #tpu.memory_space<vmem>>[vector<16xi32>], vector<16xf32>,
        %add3A_740 = arith.addf %add3A_735, %gather3A_739 : vector<16xf32>
        %add3A_741 = arith.constant 6 : i32
        %add3A_742 = vector.broadcast %add3A_741 : i32 to vector<16xi32>
        %add3A_743 = arith.addi %mul3A_714, %add3A_742 : vector<16xi32>
        %gather3A_744 = tpu.vector_load_idx %arg14[%add3A_743] : memref<1280xf32, #tpu.memory_space<vmem>>[vector<16xi32>], vector<16xf32>,
        %add3A_745 = arith.addf %add3A_740, %gather3A_744 : vector<16xf32>
        %add3A_746 = arith.constant 7 : i32
        %add3A_747 = vector.broadcast %add3A_746 : i32 to vector<16xi32>
        %add3A_748 = arith.addi %mul3A_714, %add3A_747 : vector<16xi32>
        %gather3A_749 = tpu.vector_load_idx %arg14[%add3A_748] : memref<1280xf32, #tpu.memory_space<vmem>>[vector<16xi32>], vector<16xf32>,
        %add3A_750 = arith.addf %add3A_745, %gather3A_749 : vector<16xf32>
        %add3A_751 = arith.constant 8 : i32
        %add3A_752 = vector.broadcast %add3A_751 : i32 to vector<16xi32>
        %add3A_753 = arith.addi %mul3A_714, %add3A_752 : vector<16xi32>
        %gather3A_754 = tpu.vector_load_idx %arg14[%add3A_753] : memref<1280xf32, #tpu.memory_space<vmem>>[vector<16xi32>], vector<16xf32>,
        %add3A_755 = arith.addf %add3A_750, %gather3A_754 : vector<16xf32>
        %add3A_756 = arith.constant 9 : i32
        %add3A_757 = vector.broadcast %add3A_756 : i32 to vector<16xi32>
        %add3A_758 = arith.addi %mul3A_714, %add3A_757 : vector<16xi32>
        %gather3A_759 = tpu.vector_load_idx %arg14[%add3A_758] : memref<1280xf32, #tpu.memory_space<vmem>>[vector<16xi32>], vector<16xf32>,
        %add3A_760 = arith.addf %add3A_755, %gather3A_759 : vector<16xf32>
        %add3A_761 = arith.constant 10 : i32
        %add3A_762 = vector.broadcast %add3A_761 : i32 to vector<16xi32>
        %add3A_763 = arith.addi %mul3A_714, %add3A_762 : vector<16xi32>
        %gather3A_764 = tpu.vector_load_idx %arg14[%add3A_763] : memref<1280xf32, #tpu.memory_space<vmem>>[vector<16xi32>], vector<16xf32>,
        %add3A_765 = arith.addf %add3A_760, %gather3A_764 : vector<16xf32>
        %add3A_766 = arith.constant 11 : i32
        %add3A_767 = vector.broadcast %add3A_766 : i32 to vector<16xi32>
        %add3A_768 = arith.addi %mul3A_714, %add3A_767 : vector<16xi32>
        %gather3A_769 = tpu.vector_load_idx %arg14[%add3A_768] : memref<1280xf32, #tpu.memory_space<vmem>>[vector<16xi32>], vector<16xf32>,
        %add3A_770 = arith.addf %add3A_765, %gather3A_769 : vector<16xf32>
        %add3A_771 = arith.constant 12 : i32
        %add3A_772 = vector.broadcast %add3A_771 : i32 to vector<16xi32>
        %add3A_773 = arith.addi %mul3A_714, %add3A_772 : vector<16xi32>
        %gather3A_774 = tpu.vector_load_idx %arg14[%add3A_773] : memref<1280xf32, #tpu.memory_space<vmem>>[vector<16xi32>], vector<16xf32>,
        %add3A_775 = arith.addf %add3A_770, %gather3A_774 : vector<16xf32>
        %add3A_776 = arith.constant 13 : i32
        %add3A_777 = vector.broadcast %add3A_776 : i32 to vector<16xi32>
        %add3A_778 = arith.addi %mul3A_714, %add3A_777 : vector<16xi32>
        %gather3A_779 = tpu.vector_load_idx %arg14[%add3A_778] : memref<1280xf32, #tpu.memory_space<vmem>>[vector<16xi32>], vector<16xf32>,
        %add3A_780 = arith.addf %add3A_775, %gather3A_779 : vector<16xf32>
        %add3A_781 = arith.constant 14 : i32
        %add3A_782 = vector.broadcast %add3A_781 : i32 to vector<16xi32>
        %add3A_783 = arith.addi %mul3A_714, %add3A_782 : vector<16xi32>
        %gather3A_784 = tpu.vector_load_idx %arg14[%add3A_783] : memref<1280xf32, #tpu.memory_space<vmem>>[vector<16xi32>], vector<16xf32>,
        %add3A_785 = arith.addf %add3A_780, %gather3A_784 : vector<16xf32>
        %add3A_786 = arith.constant 15 : i32
        %add3A_787 = vector.broadcast %add3A_786 : i32 to vector<16xi32>
        %add3A_788 = arith.addi %mul3A_714, %add3A_787 : vector<16xi32>
        %gather3A_789 = tpu.vector_load_idx %arg14[%add3A_788] : memref<1280xf32, #tpu.memory_space<vmem>>[vector<16xi32>], vector<16xf32>,
        %add3A_790 = arith.addf %add3A_785, %gather3A_789 : vector<16xf32>
        %mul3A_791 = arith.constant 80 : i32
        %mul3A_792 = arith.muli %add3A_372, %mul3A_791 : i32
        %mul3A_793 = arith.constant 16 : i32
        %mul3A_794 = arith.muli %scan3A_707, %mul3A_793 : i32
        %add3A_795 = arith.addi %mul3A_792, %mul3A_794 : i32
        %swap3A_796 = arith.index_cast %add3A_795 : i32 to index
        %swap3A_797 = tpu.vector_load %arg15[%swap3A_796] {strides = array<i32>} : memref<10000xf32, #tpu.memory_space<vmem>>, vector<16xf32>,
        tpu.vector_store %arg15[%swap3A_796], %add3A_790 {strides = array<i32>} : memref<10000xf32, #tpu.memory_space<vmem>>, vector<16xf32>,
      }
      %scan3A_400 = arith.constant 4 : i32
      %scan3A_401 = arith.addi %scan3A_396, %scan3A_400 : i32
      %mul3A_402 = arith.constant 16 : i32
      %mul3A_403 = arith.muli %scan3A_401, %mul3A_402 : i32
      %add3A_404 = vector.broadcast %mul3A_403 : i32 to vector<16xi32>
      %add3A_405 = arith.addi %iota3A, %add3A_404 : vector<16xi32>
      %mul3A_406 = arith.constant 16 : i32
      %mul3A_407 = vector.broadcast %mul3A_406 : i32 to vector<16xi32>
      %mul3A_408 = arith.muli %add3A_405, %mul3A_407 : vector<16xi32>
      %gather3A_409 = tpu.vector_load_idx %arg14[%mul3A_408] : memref<1280xf32, #tpu.memory_space<vmem>>[vector<16xi32>], vector<16xf32>,
      %add3A_410 = arith.constant 1 : i32
      %add3A_411 = vector.broadcast %add3A_410 : i32 to vector<16xi32>
      %add3A_412 = arith.addi %mul3A_408, %add3A_411 : vector<16xi32>
      %gather3A_413 = tpu.vector_load_idx %arg14[%add3A_412] : memref<1280xf32, #tpu.memory_space<vmem>>[vector<16xi32>], vector<16xf32>,
      %add3A_414 = arith.addf %gather3A_409, %gather3A_413 : vector<16xf32>
      %add3A_415 = arith.constant 2 : i32
      %add3A_416 = vector.broadcast %add3A_415 : i32 to vector<16xi32>
      %add3A_417 = arith.addi %mul3A_408, %add3A_416 : vector<16xi32>
      %gather3A_418 = tpu.vector_load_idx %arg14[%add3A_417] : memref<1280xf32, #tpu.memory_space<vmem>>[vector<16xi32>], vector<16xf32>,
      %add3A_419 = arith.addf %add3A_414, %gather3A_418 : vector<16xf32>
      %add3A_420 = arith.constant 3 : i32
      %add3A_421 = vector.broadcast %add3A_420 : i32 to vector<16xi32>
      %add3A_422 = arith.addi %mul3A_408, %add3A_421 : vector<16xi32>
      %gather3A_423 = tpu.vector_load_idx %arg14[%add3A_422] : memref<1280xf32, #tpu.memory_space<vmem>>[vector<16xi32>], vector<16xf32>,
      %add3A_424 = arith.addf %add3A_419, %gather3A_423 : vector<16xf32>
      %add3A_425 = arith.constant 4 : i32
      %add3A_426 = vector.broadcast %add3A_425 : i32 to vector<16xi32>
      %add3A_427 = arith.addi %mul3A_408, %add3A_426 : vector<16xi32>
      %gather3A_428 = tpu.vector_load_idx %arg14[%add3A_427] : memref<1280xf32, #tpu.memory_space<vmem>>[vector<16xi32>], vector<16xf32>,
      %add3A_429 = arith.addf %add3A_424, %gather3A_428 : vector<16xf32>
      %add3A_430 = arith.constant 5 : i32
      %add3A_431 = vector.broadcast %add3A_430 : i32 to vector<16xi32>
      %add3A_432 = arith.addi %mul3A_408, %add3A_431 : vector<16xi32>
      %gather3A_433 = tpu.vector_load_idx %arg14[%add3A_432] : memref<1280xf32, #tpu.memory_space<vmem>>[vector<16xi32>], vector<16xf32>,
      %add3A_434 = arith.addf %add3A_429, %gather3A_433 : vector<16xf32>
      %add3A_435 = arith.constant 6 : i32
      %add3A_436 = vector.broadcast %add3A_435 : i32 to vector<16xi32>
      %add3A_437 = arith.addi %mul3A_408, %add3A_436 : vector<16xi32>
      %gather3A_438 = tpu.vector_load_idx %arg14[%add3A_437] : memref<1280xf32, #tpu.memory_space<vmem>>[vector<16xi32>], vector<16xf32>,
      %add3A_439 = arith.addf %add3A_434, %gather3A_438 : vector<16xf32>
      %add3A_440 = arith.constant 7 : i32
      %add3A_441 = vector.broadcast %add3A_440 : i32 to vector<16xi32>
      %add3A_442 = arith.addi %mul3A_408, %add3A_441 : vector<16xi32>
      %gather3A_443 = tpu.vector_load_idx %arg14[%add3A_442] : memref<1280xf32, #tpu.memory_space<vmem>>[vector<16xi32>], vector<16xf32>,
      %add3A_444 = arith.addf %add3A_439, %gather3A_443 : vector<16xf32>
      %add3A_445 = arith.constant 8 : i32
      %add3A_446 = vector.broadcast %add3A_445 : i32 to vector<16xi32>
      %add3A_447 = arith.addi %mul3A_408, %add3A_446 : vector<16xi32>
      %gather3A_448 = tpu.vector_load_idx %arg14[%add3A_447] : memref<1280xf32, #tpu.memory_space<vmem>>[vector<16xi32>], vector<16xf32>,
      %add3A_449 = arith.addf %add3A_444, %gather3A_448 : vector<16xf32>
      %add3A_450 = arith.constant 9 : i32
      %add3A_451 = vector.broadcast %add3A_450 : i32 to vector<16xi32>
      %add3A_452 = arith.addi %mul3A_408, %add3A_451 : vector<16xi32>
      %gather3A_453 = tpu.vector_load_idx %arg14[%add3A_452] : memref<1280xf32, #tpu.memory_space<vmem>>[vector<16xi32>], vector<16xf32>,
      %add3A_454 = arith.addf %add3A_449, %gather3A_453 : vector<16xf32>
      %add3A_455 = arith.constant 10 : i32
      %add3A_456 = vector.broadcast %add3A_455 : i32 to vector<16xi32>
      %add3A_457 = arith.addi %mul3A_408, %add3A_456 : vector<16xi32>
      %gather3A_458 = tpu.vector_load_idx %arg14[%add3A_457] : memref<1280xf32, #tpu.memory_space<vmem>>[vector<16xi32>], vector<16xf32>,
      %add3A_459 = arith.addf %add3A_454, %gather3A_458 : vector<16xf32>
      %add3A_460 = arith.constant 11 : i32
      %add3A_461 = vector.broadcast %add3A_460 : i32 to vector<16xi32>
      %add3A_462 = arith.addi %mul3A_408, %add3A_461 : vector<16xi32>
      %gather3A_463 = tpu.vector_load_idx %arg14[%add3A_462] : memref<1280xf32, #tpu.memory_space<vmem>>[vector<16xi32>], vector<16xf32>,
      %add3A_464 = arith.addf %add3A_459, %gather3A_463 : vector<16xf32>
      %add3A_465 = arith.constant 12 : i32
      %add3A_466 = vector.broadcast %add3A_465 : i32 to vector<16xi32>
      %add3A_467 = arith.addi %mul3A_408, %add3A_466 : vector<16xi32>
      %gather3A_468 = tpu.vector_load_idx %arg14[%add3A_467] : memref<1280xf32, #tpu.memory_space<vmem>>[vector<16xi32>], vector<16xf32>,
      %add3A_469 = arith.addf %add3A_464, %gather3A_468 : vector<16xf32>
      %add3A_470 = arith.constant 13 : i32
      %add3A_471 = vector.broadcast %add3A_470 : i32 to vector<16xi32>
      %add3A_472 = arith.addi %mul3A_408, %add3A_471 : vector<16xi32>
      %gather3A_473 = tpu.vector_load_idx %arg14[%add3A_472] : memref<1280xf32, #tpu.memory_space<vmem>>[vector<16xi32>], vector<16xf32>,
      %add3A_474 = arith.addf %add3A_469, %gather3A_473 : vector<16xf32>
      %add3A_475 = arith.constant 14 : i32
      %add3A_476 = vector.broadcast %add3A_475 : i32 to vector<16xi32>
      %add3A_477 = arith.addi %mul3A_408, %add3A_476 : vector<16xi32>
      %gather3A_478 = tpu.vector_load_idx %arg14[%add3A_477] : memref<1280xf32, #tpu.memory_space<vmem>>[vector<16xi32>], vector<16xf32>,
      %add3A_479 = arith.addf %add3A_474, %gather3A_478 : vector<16xf32>
      %add3A_480 = arith.constant 15 : i32
      %add3A_481 = vector.broadcast %add3A_480 : i32 to vector<16xi32>
      %add3A_482 = arith.addi %mul3A_408, %add3A_481 : vector<16xi32>
      %gather3A_483 = tpu.vector_load_idx %arg14[%add3A_482] : memref<1280xf32, #tpu.memory_space<vmem>>[vector<16xi32>], vector<16xf32>,
      %add3A_484 = arith.addf %add3A_479, %gather3A_483 : vector<16xf32>
      %mul3A_485 = arith.constant 80 : i32
      %mul3A_486 = arith.muli %add3A_372, %mul3A_485 : i32
      %mul3A_487 = arith.constant 16 : i32
      %mul3A_488 = arith.muli %scan3A_401, %mul3A_487 : i32
      %add3A_489 = arith.addi %mul3A_486, %mul3A_488 : i32
      %swap3A_490 = arith.index_cast %add3A_489 : i32 to index
      %swap3A_491 = tpu.vector_load %arg15[%swap3A_490] {strides = array<i32>} : memref<10000xf32, #tpu.memory_space<vmem>>, vector<16xf32>,
      tpu.vector_store %arg15[%swap3A_490], %add3A_484 {strides = array<i32>} : memref<10000xf32, #tpu.memory_space<vmem>>, vector<16xf32>,
      %scan3A_492 = arith.constant 5 : i32
      %add3A_493 = arith.constant 2 : i32
      %add3A_494 = arith.addi %mul3A_250, %add3A_493 : i32
      tpu.wait_dma2 semaphore(%arg18 : memref<!tpu.dma_semaphore, #tpu.memory_space<semaphore_mem>>) src(%arg2 : memref<10000x128xf32, #tpu.memory_space<hbm>>) dst(%arg11 : memref<80x128xf32, #tpu.memory_space<vmem>>)
      %add3A_495 = arith.constant 1 : i32
      %add3A_496 = arith.addi %add3A_494, %add3A_495 : i32
      %mul3A_497 = arith.constant 80 : i32
      %mul3A_498 = arith.muli %add3A_496, %mul3A_497 : i32
      %dma_start3A_499 = tpu.memref_slice %arg10[%mul3A_498] : memref<10000xi32, #tpu.memory_space<vmem>> -> memref<80xi32, #tpu.memory_space<vmem>>
      %dma_start3A_500 = arith.constant 0 : i32
      %dma_start3A_501 = arith.constant 0 : i32
      %dma_start3A_502 = tpu.memref_slice %arg3[%dma_start3A_500, %dma_start3A_501] : memref<10000x128xf32, #tpu.memory_space<hbm>> -> memref<10000x128xf32, #tpu.memory_space<hbm>>
      tpu.enqueue_indirect_dma source(%dma_start3A_502 : memref<10000x128xf32, #tpu.memory_space<hbm>>) target(%arg11 : memref<80x128xf32, #tpu.memory_space<vmem>>) offsets(%dma_start3A_499 : memref<80xi32, #tpu.memory_space<vmem>>) semaphore(%arg21 : memref<!tpu.dma_semaphore, #tpu.memory_space<semaphore_mem>>) {add = true}
      %add3A_503 = arith.constant 2 : i32
      %add3A_504 = arith.addi %add3A_494, %add3A_503 : i32
      %mul3A_505 = arith.constant 80 : i32
      %mul3A_506 = arith.muli %add3A_504, %mul3A_505 : i32
      %dma_start3A_507 = tpu.memref_slice %arg9[%mul3A_506] : memref<10000xi32, #tpu.memory_space<vmem>> -> memref<80xi32, #tpu.memory_space<vmem>>
      %dma_start3A_508 = arith.constant 0 : i32
      %dma_start3A_509 = arith.constant 0 : i32
      %dma_start3A_510 = tpu.memref_slice %arg2[%dma_start3A_508, %dma_start3A_509] : memref<10000x128xf32, #tpu.memory_space<hbm>> -> memref<10000x128xf32, #tpu.memory_space<hbm>>
      tpu.enqueue_indirect_dma source(%dma_start3A_510 : memref<10000x128xf32, #tpu.memory_space<hbm>>) target(%arg12 : memref<80x128xf32, #tpu.memory_space<vmem>>) offsets(%dma_start3A_507 : memref<80xi32, #tpu.memory_space<vmem>>) semaphore(%arg19 : memref<!tpu.dma_semaphore, #tpu.memory_space<semaphore_mem>>)
      tpu.wait_dma2 semaphore(%arg23 : memref<!tpu.dma_semaphore, #tpu.memory_space<semaphore_mem>>) src(%arg3 : memref<10000x128xf32, #tpu.memory_space<hbm>>) dst(%arg13 : memref<80x128xf32, #tpu.memory_space<vmem>>)
      %scan3A_511 = arith.constant 0 : i32
      %scan3A_512 = arith.constant 0 : i32
      %scan3A_513 = arith.constant 80 : i32
      %scan3A_514 = arith.addi %scan3A_512, %scan3A_513 : i32
      %scan3A_515 = arith.constant 4 : i32
      scf.for %scan3A_615 = %scan3A_512 to %scan3A_514 step %scan3A_515  : i32 {
        %get3A_616 = arith.index_cast %scan3A_615 : i32 to index
        %get3A_617 = arith.constant 0 : index
        %get3A_618 = tpu.vector_load %arg13[%get3A_616, %get3A_617] {strides = array<i32>} : memref<80x128xf32, #tpu.memory_space<vmem>>, vector<16xf32>,
        %max3A = arith.constant 0.000000e+00 : f32
        %max3A_619 = vector.broadcast %max3A : f32 to vector<16xf32>
        %max3A_620 = arith.maximumf %get3A_618, %max3A_619 : vector<16xf32>
        %mul3A_621 = arith.mulf %max3A_620, %get3A_3 : vector<16xf32>
        %add3A_622 = arith.addf %get3A_19, %mul3A_621 : vector<16xf32>
        %get3A_623 = arith.index_cast %scan3A_615 : i32 to index
        %get3A_624 = arith.constant 16 : index
        %get3A_625 = tpu.vector_load %arg13[%get3A_623, %get3A_624] {strides = array<i32>} : memref<80x128xf32, #tpu.memory_space<vmem>>, vector<16xf32>,
        %max3A_626 = arith.constant 0.000000e+00 : f32
        %max3A_627 = vector.broadcast %max3A_626 : f32 to vector<16xf32>
        %max3A_628 = arith.maximumf %get3A_625, %max3A_627 : vector<16xf32>
        %mul3A_629 = arith.mulf %max3A_628, %get3A_5 : vector<16xf32>
        %add3A_630 = arith.addf %add3A_622, %mul3A_629 : vector<16xf32>
        %get3A_631 = arith.index_cast %scan3A_615 : i32 to index
        %get3A_632 = arith.constant 32 : index
        %get3A_633 = tpu.vector_load %arg13[%get3A_631, %get3A_632] {strides = array<i32>} : memref<80x128xf32, #tpu.memory_space<vmem>>, vector<16xf32>,
        %max3A_634 = arith.constant 0.000000e+00 : f32
        %max3A_635 = vector.broadcast %max3A_634 : f32 to vector<16xf32>
        %max3A_636 = arith.maximumf %get3A_633, %max3A_635 : vector<16xf32>
        %mul3A_637 = arith.mulf %max3A_636, %get3A_7 : vector<16xf32>
        %add3A_638 = arith.addf %add3A_630, %mul3A_637 : vector<16xf32>
        %get3A_639 = arith.index_cast %scan3A_615 : i32 to index
        %get3A_640 = arith.constant 48 : index
        %get3A_641 = tpu.vector_load %arg13[%get3A_639, %get3A_640] {strides = array<i32>} : memref<80x128xf32, #tpu.memory_space<vmem>>, vector<16xf32>,
        %max3A_642 = arith.constant 0.000000e+00 : f32
        %max3A_643 = vector.broadcast %max3A_642 : f32 to vector<16xf32>
        %max3A_644 = arith.maximumf %get3A_641, %max3A_643 : vector<16xf32>
        %mul3A_645 = arith.mulf %max3A_644, %get3A_9 : vector<16xf32>
        %add3A_646 = arith.addf %add3A_638, %mul3A_645 : vector<16xf32>
        %get3A_647 = arith.index_cast %scan3A_615 : i32 to index
        %get3A_648 = arith.constant 64 : index
        %get3A_649 = tpu.vector_load %arg13[%get3A_647, %get3A_648] {strides = array<i32>} : memref<80x128xf32, #tpu.memory_space<vmem>>, vector<16xf32>,
        %max3A_650 = arith.constant 0.000000e+00 : f32
        %max3A_651 = vector.broadcast %max3A_650 : f32 to vector<16xf32>
        %max3A_652 = arith.maximumf %get3A_649, %max3A_651 : vector<16xf32>
        %mul3A_653 = arith.mulf %max3A_652, %get3A_11 : vector<16xf32>
        %add3A_654 = arith.addf %add3A_646, %mul3A_653 : vector<16xf32>
        %get3A_655 = arith.index_cast %scan3A_615 : i32 to index
        %get3A_656 = arith.constant 80 : index
        %get3A_657 = tpu.vector_load %arg13[%get3A_655, %get3A_656] {strides = array<i32>} : memref<80x128xf32, #tpu.memory_space<vmem>>, vector<16xf32>,
        %max3A_658 = arith.constant 0.000000e+00 : f32
        %max3A_659 = vector.broadcast %max3A_658 : f32 to vector<16xf32>
        %max3A_660 = arith.maximumf %get3A_657, %max3A_659 : vector<16xf32>
        %mul3A_661 = arith.mulf %max3A_660, %get3A_13 : vector<16xf32>
        %add3A_662 = arith.addf %add3A_654, %mul3A_661 : vector<16xf32>
        %get3A_663 = arith.index_cast %scan3A_615 : i32 to index
        %get3A_664 = arith.constant 96 : index
        %get3A_665 = tpu.vector_load %arg13[%get3A_663, %get3A_664] {strides = array<i32>} : memref<80x128xf32, #tpu.memory_space<vmem>>, vector<16xf32>,
        %max3A_666 = arith.constant 0.000000e+00 : f32
        %max3A_667 = vector.broadcast %max3A_666 : f32 to vector<16xf32>
        %max3A_668 = arith.maximumf %get3A_665, %max3A_667 : vector<16xf32>
        %mul3A_669 = arith.mulf %max3A_668, %get3A_15 : vector<16xf32>
        %add3A_670 = arith.addf %add3A_662, %mul3A_669 : vector<16xf32>
        %get3A_671 = arith.index_cast %scan3A_615 : i32 to index
        %get3A_672 = arith.constant 112 : index
        %get3A_673 = tpu.vector_load %arg13[%get3A_671, %get3A_672] {strides = array<i32>} : memref<80x128xf32, #tpu.memory_space<vmem>>, vector<16xf32>,
        %max3A_674 = arith.constant 0.000000e+00 : f32
        %max3A_675 = vector.broadcast %max3A_674 : f32 to vector<16xf32>
        %max3A_676 = arith.maximumf %get3A_673, %max3A_675 : vector<16xf32>
        %mul3A_677 = arith.mulf %max3A_676, %get3A_17 : vector<16xf32>
        %add3A_678 = arith.addf %add3A_670, %mul3A_677 : vector<16xf32>
        %mul3A_679 = arith.constant 16 : i32
        %mul3A_680 = arith.muli %scan3A_615, %mul3A_679 : i32
        %swap3A_681 = arith.index_cast %mul3A_680 : i32 to index
        %swap3A_682 = tpu.vector_load %arg14[%swap3A_681] {strides = array<i32>} : memref<1280xf32, #tpu.memory_space<vmem>>, vector<16xf32>,
        tpu.vector_store %arg14[%swap3A_681], %add3A_678 {strides = array<i32>} : memref<1280xf32, #tpu.memory_space<vmem>>, vector<16xf32>,
        %scan3A_683 = arith.constant 1 : i32
        %scan3A_684 = arith.addi %scan3A_615, %scan3A_683 : i32
        %get3A_685 = arith.index_cast %scan3A_684 : i32 to index
        %get3A_686 = arith.constant 0 : index
        %get3A_687 = tpu.vector_load %arg13[%get3A_685, %get3A_686] {strides = array<i32>} : memref<80x128xf32, #tpu.memory_space<vmem>>, vector<16xf32>,
        %max3A_688 = arith.constant 0.000000e+00 : f32
        %max3A_689 = vector.broadcast %max3A_688 : f32 to vector<16xf32>
        %max3A_690 = arith.maximumf %get3A_687, %max3A_689 : vector<16xf32>
        %mul3A_691 = arith.mulf %max3A_690, %get3A_3 : vector<16xf32>
        %add3A_692 = arith.addf %get3A_19, %mul3A_691 : vector<16xf32>
        %get3A_693 = arith.index_cast %scan3A_684 : i32 to index
        %get3A_694 = arith.constant 16 : index
        %get3A_695 = tpu.vector_load %arg13[%get3A_693, %get3A_694] {strides = array<i32>} : memref<80x128xf32, #tpu.memory_space<vmem>>, vector<16xf32>,
        %max3A_696 = arith.constant 0.000000e+00 : f32
        %max3A_697 = vector.broadcast %max3A_696 : f32 to vector<16xf32>
        %max3A_698 = arith.maximumf %get3A_695, %max3A_697 : vector<16xf32>
        %mul3A_699 = arith.mulf %max3A_698, %get3A_5 : vector<16xf32>
        %add3A_700 = arith.addf %add3A_692, %mul3A_699 : vector<16xf32>
        %get3A_701 = arith.index_cast %scan3A_684 : i32 to index
        %get3A_702 = arith.constant 32 : index
        %get3A_703 = tpu.vector_load %arg13[%get3A_701, %get3A_702] {strides = array<i32>} : memref<80x128xf32, #tpu.memory_space<vmem>>, vector<16xf32>,
        %max3A_704 = arith.constant 0.000000e+00 : f32
        %max3A_705 = vector.broadcast %max3A_704 : f32 to vector<16xf32>
        %max3A_706 = arith.maximumf %get3A_703, %max3A_705 : vector<16xf32>
        %mul3A_707 = arith.mulf %max3A_706, %get3A_7 : vector<16xf32>
        %add3A_708 = arith.addf %add3A_700, %mul3A_707 : vector<16xf32>
        %get3A_709 = arith.index_cast %scan3A_684 : i32 to index
        %get3A_710 = arith.constant 48 : index
        %get3A_711 = tpu.vector_load %arg13[%get3A_709, %get3A_710] {strides = array<i32>} : memref<80x128xf32, #tpu.memory_space<vmem>>, vector<16xf32>,
        %max3A_712 = arith.constant 0.000000e+00 : f32
        %max3A_713 = vector.broadcast %max3A_712 : f32 to vector<16xf32>
        %max3A_714 = arith.maximumf %get3A_711, %max3A_713 : vector<16xf32>
        %mul3A_715 = arith.mulf %max3A_714, %get3A_9 : vector<16xf32>
        %add3A_716 = arith.addf %add3A_708, %mul3A_715 : vector<16xf32>
        %get3A_717 = arith.index_cast %scan3A_684 : i32 to index
        %get3A_718 = arith.constant 64 : index
        %get3A_719 = tpu.vector_load %arg13[%get3A_717, %get3A_718] {strides = array<i32>} : memref<80x128xf32, #tpu.memory_space<vmem>>, vector<16xf32>,
        %max3A_720 = arith.constant 0.000000e+00 : f32
        %max3A_721 = vector.broadcast %max3A_720 : f32 to vector<16xf32>
        %max3A_722 = arith.maximumf %get3A_719, %max3A_721 : vector<16xf32>
        %mul3A_723 = arith.mulf %max3A_722, %get3A_11 : vector<16xf32>
        %add3A_724 = arith.addf %add3A_716, %mul3A_723 : vector<16xf32>
        %get3A_725 = arith.index_cast %scan3A_684 : i32 to index
        %get3A_726 = arith.constant 80 : index
        %get3A_727 = tpu.vector_load %arg13[%get3A_725, %get3A_726] {strides = array<i32>} : memref<80x128xf32, #tpu.memory_space<vmem>>, vector<16xf32>,
        %max3A_728 = arith.constant 0.000000e+00 : f32
        %max3A_729 = vector.broadcast %max3A_728 : f32 to vector<16xf32>
        %max3A_730 = arith.maximumf %get3A_727, %max3A_729 : vector<16xf32>
        %mul3A_731 = arith.mulf %max3A_730, %get3A_13 : vector<16xf32>
        %add3A_732 = arith.addf %add3A_724, %mul3A_731 : vector<16xf32>
        %get3A_733 = arith.index_cast %scan3A_684 : i32 to index
        %get3A_734 = arith.constant 96 : index
        %get3A_735 = tpu.vector_load %arg13[%get3A_733, %get3A_734] {strides = array<i32>} : memref<80x128xf32, #tpu.memory_space<vmem>>, vector<16xf32>,
        %max3A_736 = arith.constant 0.000000e+00 : f32
        %max3A_737 = vector.broadcast %max3A_736 : f32 to vector<16xf32>
        %max3A_738 = arith.maximumf %get3A_735, %max3A_737 : vector<16xf32>
        %mul3A_739 = arith.mulf %max3A_738, %get3A_15 : vector<16xf32>
        %add3A_740 = arith.addf %add3A_732, %mul3A_739 : vector<16xf32>
        %get3A_741 = arith.index_cast %scan3A_684 : i32 to index
        %get3A_742 = arith.constant 112 : index
        %get3A_743 = tpu.vector_load %arg13[%get3A_741, %get3A_742] {strides = array<i32>} : memref<80x128xf32, #tpu.memory_space<vmem>>, vector<16xf32>,
        %max3A_744 = arith.constant 0.000000e+00 : f32
        %max3A_745 = vector.broadcast %max3A_744 : f32 to vector<16xf32>
        %max3A_746 = arith.maximumf %get3A_743, %max3A_745 : vector<16xf32>
        %mul3A_747 = arith.mulf %max3A_746, %get3A_17 : vector<16xf32>
        %add3A_748 = arith.addf %add3A_740, %mul3A_747 : vector<16xf32>
        %mul3A_749 = arith.constant 16 : i32
        %mul3A_750 = arith.muli %scan3A_684, %mul3A_749 : i32
        %swap3A_751 = arith.index_cast %mul3A_750 : i32 to index
        %swap3A_752 = tpu.vector_load %arg14[%swap3A_751] {strides = array<i32>} : memref<1280xf32, #tpu.memory_space<vmem>>, vector<16xf32>,
        tpu.vector_store %arg14[%swap3A_751], %add3A_748 {strides = array<i32>} : memref<1280xf32, #tpu.memory_space<vmem>>, vector<16xf32>,
        %scan3A_753 = arith.constant 2 : i32
        %scan3A_754 = arith.addi %scan3A_615, %scan3A_753 : i32
        %get3A_755 = arith.index_cast %scan3A_754 : i32 to index
        %get3A_756 = arith.constant 0 : index
        %get3A_757 = tpu.vector_load %arg13[%get3A_755, %get3A_756] {strides = array<i32>} : memref<80x128xf32, #tpu.memory_space<vmem>>, vector<16xf32>,
        %max3A_758 = arith.constant 0.000000e+00 : f32
        %max3A_759 = vector.broadcast %max3A_758 : f32 to vector<16xf32>
        %max3A_760 = arith.maximumf %get3A_757, %max3A_759 : vector<16xf32>
        %mul3A_761 = arith.mulf %max3A_760, %get3A_3 : vector<16xf32>
        %add3A_762 = arith.addf %get3A_19, %mul3A_761 : vector<16xf32>
        %get3A_763 = arith.index_cast %scan3A_754 : i32 to index
        %get3A_764 = arith.constant 16 : index
        %get3A_765 = tpu.vector_load %arg13[%get3A_763, %get3A_764] {strides = array<i32>} : memref<80x128xf32, #tpu.memory_space<vmem>>, vector<16xf32>,
        %max3A_766 = arith.constant 0.000000e+00 : f32
        %max3A_767 = vector.broadcast %max3A_766 : f32 to vector<16xf32>
        %max3A_768 = arith.maximumf %get3A_765, %max3A_767 : vector<16xf32>
        %mul3A_769 = arith.mulf %max3A_768, %get3A_5 : vector<16xf32>
        %add3A_770 = arith.addf %add3A_762, %mul3A_769 : vector<16xf32>
        %get3A_771 = arith.index_cast %scan3A_754 : i32 to index
        %get3A_772 = arith.constant 32 : index
        %get3A_773 = tpu.vector_load %arg13[%get3A_771, %get3A_772] {strides = array<i32>} : memref<80x128xf32, #tpu.memory_space<vmem>>, vector<16xf32>,
        %max3A_774 = arith.constant 0.000000e+00 : f32
        %max3A_775 = vector.broadcast %max3A_774 : f32 to vector<16xf32>
        %max3A_776 = arith.maximumf %get3A_773, %max3A_775 : vector<16xf32>
        %mul3A_777 = arith.mulf %max3A_776, %get3A_7 : vector<16xf32>
        %add3A_778 = arith.addf %add3A_770, %mul3A_777 : vector<16xf32>
        %get3A_779 = arith.index_cast %scan3A_754 : i32 to index
        %get3A_780 = arith.constant 48 : index
        %get3A_781 = tpu.vector_load %arg13[%get3A_779, %get3A_780] {strides = array<i32>} : memref<80x128xf32, #tpu.memory_space<vmem>>, vector<16xf32>,
        %max3A_782 = arith.constant 0.000000e+00 : f32
        %max3A_783 = vector.broadcast %max3A_782 : f32 to vector<16xf32>
        %max3A_784 = arith.maximumf %get3A_781, %max3A_783 : vector<16xf32>
        %mul3A_785 = arith.mulf %max3A_784, %get3A_9 : vector<16xf32>
        %add3A_786 = arith.addf %add3A_778, %mul3A_785 : vector<16xf32>
        %get3A_787 = arith.index_cast %scan3A_754 : i32 to index
        %get3A_788 = arith.constant 64 : index
        %get3A_789 = tpu.vector_load %arg13[%get3A_787, %get3A_788] {strides = array<i32>} : memref<80x128xf32, #tpu.memory_space<vmem>>, vector<16xf32>,
        %max3A_790 = arith.constant 0.000000e+00 : f32
        %max3A_791 = vector.broadcast %max3A_790 : f32 to vector<16xf32>
        %max3A_792 = arith.maximumf %get3A_789, %max3A_791 : vector<16xf32>
        %mul3A_793 = arith.mulf %max3A_792, %get3A_11 : vector<16xf32>
        %add3A_794 = arith.addf %add3A_786, %mul3A_793 : vector<16xf32>
        %get3A_795 = arith.index_cast %scan3A_754 : i32 to index
        %get3A_796 = arith.constant 80 : index
        %get3A_797 = tpu.vector_load %arg13[%get3A_795, %get3A_796] {strides = array<i32>} : memref<80x128xf32, #tpu.memory_space<vmem>>, vector<16xf32>,
        %max3A_798 = arith.constant 0.000000e+00 : f32
        %max3A_799 = vector.broadcast %max3A_798 : f32 to vector<16xf32>
        %max3A_800 = arith.maximumf %get3A_797, %max3A_799 : vector<16xf32>
        %mul3A_801 = arith.mulf %max3A_800, %get3A_13 : vector<16xf32>
        %add3A_802 = arith.addf %add3A_794, %mul3A_801 : vector<16xf32>
        %get3A_803 = arith.index_cast %scan3A_754 : i32 to index
        %get3A_804 = arith.constant 96 : index
        %get3A_805 = tpu.vector_load %arg13[%get3A_803, %get3A_804] {strides = array<i32>} : memref<80x128xf32, #tpu.memory_space<vmem>>, vector<16xf32>,
        %max3A_806 = arith.constant 0.000000e+00 : f32
        %max3A_807 = vector.broadcast %max3A_806 : f32 to vector<16xf32>
        %max3A_808 = arith.maximumf %get3A_805, %max3A_807 : vector<16xf32>
        %mul3A_809 = arith.mulf %max3A_808, %get3A_15 : vector<16xf32>
        %add3A_810 = arith.addf %add3A_802, %mul3A_809 : vector<16xf32>
        %get3A_811 = arith.index_cast %scan3A_754 : i32 to index
        %get3A_812 = arith.constant 112 : index
        %get3A_813 = tpu.vector_load %arg13[%get3A_811, %get3A_812] {strides = array<i32>} : memref<80x128xf32, #tpu.memory_space<vmem>>, vector<16xf32>,
        %max3A_814 = arith.constant 0.000000e+00 : f32
        %max3A_815 = vector.broadcast %max3A_814 : f32 to vector<16xf32>
        %max3A_816 = arith.maximumf %get3A_813, %max3A_815 : vector<16xf32>
        %mul3A_817 = arith.mulf %max3A_816, %get3A_17 : vector<16xf32>
        %add3A_818 = arith.addf %add3A_810, %mul3A_817 : vector<16xf32>
        %mul3A_819 = arith.constant 16 : i32
        %mul3A_820 = arith.muli %scan3A_754, %mul3A_819 : i32
        %swap3A_821 = arith.index_cast %mul3A_820 : i32 to index
        %swap3A_822 = tpu.vector_load %arg14[%swap3A_821] {strides = array<i32>} : memref<1280xf32, #tpu.memory_space<vmem>>, vector<16xf32>,
        tpu.vector_store %arg14[%swap3A_821], %add3A_818 {strides = array<i32>} : memref<1280xf32, #tpu.memory_space<vmem>>, vector<16xf32>,
        %scan3A_823 = arith.constant 3 : i32
        %scan3A_824 = arith.addi %scan3A_615, %scan3A_823 : i32
        %get3A_825 = arith.index_cast %scan3A_824 : i32 to index
        %get3A_826 = arith.constant 0 : index
        %get3A_827 = tpu.vector_load %arg13[%get3A_825, %get3A_826] {strides = array<i32>} : memref<80x128xf32, #tpu.memory_space<vmem>>, vector<16xf32>,
        %max3A_828 = arith.constant 0.000000e+00 : f32
        %max3A_829 = vector.broadcast %max3A_828 : f32 to vector<16xf32>
        %max3A_830 = arith.maximumf %get3A_827, %max3A_829 : vector<16xf32>
        %mul3A_831 = arith.mulf %max3A_830, %get3A_3 : vector<16xf32>
        %add3A_832 = arith.addf %get3A_19, %mul3A_831 : vector<16xf32>
        %get3A_833 = arith.index_cast %scan3A_824 : i32 to index
        %get3A_834 = arith.constant 16 : index
        %get3A_835 = tpu.vector_load %arg13[%get3A_833, %get3A_834] {strides = array<i32>} : memref<80x128xf32, #tpu.memory_space<vmem>>, vector<16xf32>,
        %max3A_836 = arith.constant 0.000000e+00 : f32
        %max3A_837 = vector.broadcast %max3A_836 : f32 to vector<16xf32>
        %max3A_838 = arith.maximumf %get3A_835, %max3A_837 : vector<16xf32>
        %mul3A_839 = arith.mulf %max3A_838, %get3A_5 : vector<16xf32>
        %add3A_840 = arith.addf %add3A_832, %mul3A_839 : vector<16xf32>
        %get3A_841 = arith.index_cast %scan3A_824 : i32 to index
        %get3A_842 = arith.constant 32 : index
        %get3A_843 = tpu.vector_load %arg13[%get3A_841, %get3A_842] {strides = array<i32>} : memref<80x128xf32, #tpu.memory_space<vmem>>, vector<16xf32>,
        %max3A_844 = arith.constant 0.000000e+00 : f32
        %max3A_845 = vector.broadcast %max3A_844 : f32 to vector<16xf32>
        %max3A_846 = arith.maximumf %get3A_843, %max3A_845 : vector<16xf32>
        %mul3A_847 = arith.mulf %max3A_846, %get3A_7 : vector<16xf32>
        %add3A_848 = arith.addf %add3A_840, %mul3A_847 : vector<16xf32>
        %get3A_849 = arith.index_cast %scan3A_824 : i32 to index
        %get3A_850 = arith.constant 48 : index
        %get3A_851 = tpu.vector_load %arg13[%get3A_849, %get3A_850] {strides = array<i32>} : memref<80x128xf32, #tpu.memory_space<vmem>>, vector<16xf32>,
        %max3A_852 = arith.constant 0.000000e+00 : f32
        %max3A_853 = vector.broadcast %max3A_852 : f32 to vector<16xf32>
        %max3A_854 = arith.maximumf %get3A_851, %max3A_853 : vector<16xf32>
        %mul3A_855 = arith.mulf %max3A_854, %get3A_9 : vector<16xf32>
        %add3A_856 = arith.addf %add3A_848, %mul3A_855 : vector<16xf32>
        %get3A_857 = arith.index_cast %scan3A_824 : i32 to index
        %get3A_858 = arith.constant 64 : index
        %get3A_859 = tpu.vector_load %arg13[%get3A_857, %get3A_858] {strides = array<i32>} : memref<80x128xf32, #tpu.memory_space<vmem>>, vector<16xf32>,
        %max3A_860 = arith.constant 0.000000e+00 : f32
        %max3A_861 = vector.broadcast %max3A_860 : f32 to vector<16xf32>
        %max3A_862 = arith.maximumf %get3A_859, %max3A_861 : vector<16xf32>
        %mul3A_863 = arith.mulf %max3A_862, %get3A_11 : vector<16xf32>
        %add3A_864 = arith.addf %add3A_856, %mul3A_863 : vector<16xf32>
        %get3A_865 = arith.index_cast %scan3A_824 : i32 to index
        %get3A_866 = arith.constant 80 : index
        %get3A_867 = tpu.vector_load %arg13[%get3A_865, %get3A_866] {strides = array<i32>} : memref<80x128xf32, #tpu.memory_space<vmem>>, vector<16xf32>,
        %max3A_868 = arith.constant 0.000000e+00 : f32
        %max3A_869 = vector.broadcast %max3A_868 : f32 to vector<16xf32>
        %max3A_870 = arith.maximumf %get3A_867, %max3A_869 : vector<16xf32>
        %mul3A_871 = arith.mulf %max3A_870, %get3A_13 : vector<16xf32>
        %add3A_872 = arith.addf %add3A_864, %mul3A_871 : vector<16xf32>
        %get3A_873 = arith.index_cast %scan3A_824 : i32 to index
        %get3A_874 = arith.constant 96 : index
        %get3A_875 = tpu.vector_load %arg13[%get3A_873, %get3A_874] {strides = array<i32>} : memref<80x128xf32, #tpu.memory_space<vmem>>, vector<16xf32>,
        %max3A_876 = arith.constant 0.000000e+00 : f32
        %max3A_877 = vector.broadcast %max3A_876 : f32 to vector<16xf32>
        %max3A_878 = arith.maximumf %get3A_875, %max3A_877 : vector<16xf32>
        %mul3A_879 = arith.mulf %max3A_878, %get3A_15 : vector<16xf32>
        %add3A_880 = arith.addf %add3A_872, %mul3A_879 : vector<16xf32>
        %get3A_881 = arith.index_cast %scan3A_824 : i32 to index
        %get3A_882 = arith.constant 112 : index
        %get3A_883 = tpu.vector_load %arg13[%get3A_881, %get3A_882] {strides = array<i32>} : memref<80x128xf32, #tpu.memory_space<vmem>>, vector<16xf32>,
        %max3A_884 = arith.constant 0.000000e+00 : f32
        %max3A_885 = vector.broadcast %max3A_884 : f32 to vector<16xf32>
        %max3A_886 = arith.maximumf %get3A_883, %max3A_885 : vector<16xf32>
        %mul3A_887 = arith.mulf %max3A_886, %get3A_17 : vector<16xf32>
        %add3A_888 = arith.addf %add3A_880, %mul3A_887 : vector<16xf32>
        %mul3A_889 = arith.constant 16 : i32
        %mul3A_890 = arith.muli %scan3A_824, %mul3A_889 : i32
        %swap3A_891 = arith.index_cast %mul3A_890 : i32 to index
        %swap3A_892 = tpu.vector_load %arg14[%swap3A_891] {strides = array<i32>} : memref<1280xf32, #tpu.memory_space<vmem>>, vector<16xf32>,
        tpu.vector_store %arg14[%swap3A_891], %add3A_888 {strides = array<i32>} : memref<1280xf32, #tpu.memory_space<vmem>>, vector<16xf32>,
      }
      %scan3A_516 = arith.constant 80 : i32
      %scan3A_517 = arith.constant 0 : i32
      %scan3A_518 = arith.constant 0 : i32
      %scan3A_519 = arith.constant 4 : i32
      %scan3A_520 = arith.addi %scan3A_518, %scan3A_519 : i32
      %scan3A_521 = arith.constant 2 : i32
      scf.for %scan3A_615 = %scan3A_518 to %scan3A_520 step %scan3A_521  : i32 {
        %mul3A_616 = arith.constant 16 : i32
        %mul3A_617 = arith.muli %scan3A_615, %mul3A_616 : i32
        %add3A_618 = vector.broadcast %mul3A_617 : i32 to vector<16xi32>
        %add3A_619 = arith.addi %iota3A, %add3A_618 : vector<16xi32>
        %mul3A_620 = arith.constant 16 : i32
        %mul3A_621 = vector.broadcast %mul3A_620 : i32 to vector<16xi32>
        %mul3A_622 = arith.muli %add3A_619, %mul3A_621 : vector<16xi32>
        %gather3A_623 = tpu.vector_load_idx %arg14[%mul3A_622] : memref<1280xf32, #tpu.memory_space<vmem>>[vector<16xi32>], vector<16xf32>,
        %add3A_624 = arith.constant 1 : i32
        %add3A_625 = vector.broadcast %add3A_624 : i32 to vector<16xi32>
        %add3A_626 = arith.addi %mul3A_622, %add3A_625 : vector<16xi32>
        %gather3A_627 = tpu.vector_load_idx %arg14[%add3A_626] : memref<1280xf32, #tpu.memory_space<vmem>>[vector<16xi32>], vector<16xf32>,
        %add3A_628 = arith.addf %gather3A_623, %gather3A_627 : vector<16xf32>
        %add3A_629 = arith.constant 2 : i32
        %add3A_630 = vector.broadcast %add3A_629 : i32 to vector<16xi32>
        %add3A_631 = arith.addi %mul3A_622, %add3A_630 : vector<16xi32>
        %gather3A_632 = tpu.vector_load_idx %arg14[%add3A_631] : memref<1280xf32, #tpu.memory_space<vmem>>[vector<16xi32>], vector<16xf32>,
        %add3A_633 = arith.addf %add3A_628, %gather3A_632 : vector<16xf32>
        %add3A_634 = arith.constant 3 : i32
        %add3A_635 = vector.broadcast %add3A_634 : i32 to vector<16xi32>
        %add3A_636 = arith.addi %mul3A_622, %add3A_635 : vector<16xi32>
        %gather3A_637 = tpu.vector_load_idx %arg14[%add3A_636] : memref<1280xf32, #tpu.memory_space<vmem>>[vector<16xi32>], vector<16xf32>,
        %add3A_638 = arith.addf %add3A_633, %gather3A_637 : vector<16xf32>
        %add3A_639 = arith.constant 4 : i32
        %add3A_640 = vector.broadcast %add3A_639 : i32 to vector<16xi32>
        %add3A_641 = arith.addi %mul3A_622, %add3A_640 : vector<16xi32>
        %gather3A_642 = tpu.vector_load_idx %arg14[%add3A_641] : memref<1280xf32, #tpu.memory_space<vmem>>[vector<16xi32>], vector<16xf32>,
        %add3A_643 = arith.addf %add3A_638, %gather3A_642 : vector<16xf32>
        %add3A_644 = arith.constant 5 : i32
        %add3A_645 = vector.broadcast %add3A_644 : i32 to vector<16xi32>
        %add3A_646 = arith.addi %mul3A_622, %add3A_645 : vector<16xi32>
        %gather3A_647 = tpu.vector_load_idx %arg14[%add3A_646] : memref<1280xf32, #tpu.memory_space<vmem>>[vector<16xi32>], vector<16xf32>,
        %add3A_648 = arith.addf %add3A_643, %gather3A_647 : vector<16xf32>
        %add3A_649 = arith.constant 6 : i32
        %add3A_650 = vector.broadcast %add3A_649 : i32 to vector<16xi32>
        %add3A_651 = arith.addi %mul3A_622, %add3A_650 : vector<16xi32>
        %gather3A_652 = tpu.vector_load_idx %arg14[%add3A_651] : memref<1280xf32, #tpu.memory_space<vmem>>[vector<16xi32>], vector<16xf32>,
        %add3A_653 = arith.addf %add3A_648, %gather3A_652 : vector<16xf32>
        %add3A_654 = arith.constant 7 : i32
        %add3A_655 = vector.broadcast %add3A_654 : i32 to vector<16xi32>
        %add3A_656 = arith.addi %mul3A_622, %add3A_655 : vector<16xi32>
        %gather3A_657 = tpu.vector_load_idx %arg14[%add3A_656] : memref<1280xf32, #tpu.memory_space<vmem>>[vector<16xi32>], vector<16xf32>,
        %add3A_658 = arith.addf %add3A_653, %gather3A_657 : vector<16xf32>
        %add3A_659 = arith.constant 8 : i32
        %add3A_660 = vector.broadcast %add3A_659 : i32 to vector<16xi32>
        %add3A_661 = arith.addi %mul3A_622, %add3A_660 : vector<16xi32>
        %gather3A_662 = tpu.vector_load_idx %arg14[%add3A_661] : memref<1280xf32, #tpu.memory_space<vmem>>[vector<16xi32>], vector<16xf32>,
        %add3A_663 = arith.addf %add3A_658, %gather3A_662 : vector<16xf32>
        %add3A_664 = arith.constant 9 : i32
        %add3A_665 = vector.broadcast %add3A_664 : i32 to vector<16xi32>
        %add3A_666 = arith.addi %mul3A_622, %add3A_665 : vector<16xi32>
        %gather3A_667 = tpu.vector_load_idx %arg14[%add3A_666] : memref<1280xf32, #tpu.memory_space<vmem>>[vector<16xi32>], vector<16xf32>,
        %add3A_668 = arith.addf %add3A_663, %gather3A_667 : vector<16xf32>
        %add3A_669 = arith.constant 10 : i32
        %add3A_670 = vector.broadcast %add3A_669 : i32 to vector<16xi32>
        %add3A_671 = arith.addi %mul3A_622, %add3A_670 : vector<16xi32>
        %gather3A_672 = tpu.vector_load_idx %arg14[%add3A_671] : memref<1280xf32, #tpu.memory_space<vmem>>[vector<16xi32>], vector<16xf32>,
        %add3A_673 = arith.addf %add3A_668, %gather3A_672 : vector<16xf32>
        %add3A_674 = arith.constant 11 : i32
        %add3A_675 = vector.broadcast %add3A_674 : i32 to vector<16xi32>
        %add3A_676 = arith.addi %mul3A_622, %add3A_675 : vector<16xi32>
        %gather3A_677 = tpu.vector_load_idx %arg14[%add3A_676] : memref<1280xf32, #tpu.memory_space<vmem>>[vector<16xi32>], vector<16xf32>,
        %add3A_678 = arith.addf %add3A_673, %gather3A_677 : vector<16xf32>
        %add3A_679 = arith.constant 12 : i32
        %add3A_680 = vector.broadcast %add3A_679 : i32 to vector<16xi32>
        %add3A_681 = arith.addi %mul3A_622, %add3A_680 : vector<16xi32>
        %gather3A_682 = tpu.vector_load_idx %arg14[%add3A_681] : memref<1280xf32, #tpu.memory_space<vmem>>[vector<16xi32>], vector<16xf32>,
        %add3A_683 = arith.addf %add3A_678, %gather3A_682 : vector<16xf32>
        %add3A_684 = arith.constant 13 : i32
        %add3A_685 = vector.broadcast %add3A_684 : i32 to vector<16xi32>
        %add3A_686 = arith.addi %mul3A_622, %add3A_685 : vector<16xi32>
        %gather3A_687 = tpu.vector_load_idx %arg14[%add3A_686] : memref<1280xf32, #tpu.memory_space<vmem>>[vector<16xi32>], vector<16xf32>,
        %add3A_688 = arith.addf %add3A_683, %gather3A_687 : vector<16xf32>
        %add3A_689 = arith.constant 14 : i32
        %add3A_690 = vector.broadcast %add3A_689 : i32 to vector<16xi32>
        %add3A_691 = arith.addi %mul3A_622, %add3A_690 : vector<16xi32>
        %gather3A_692 = tpu.vector_load_idx %arg14[%add3A_691] : memref<1280xf32, #tpu.memory_space<vmem>>[vector<16xi32>], vector<16xf32>,
        %add3A_693 = arith.addf %add3A_688, %gather3A_692 : vector<16xf32>
        %add3A_694 = arith.constant 15 : i32
        %add3A_695 = vector.broadcast %add3A_694 : i32 to vector<16xi32>
        %add3A_696 = arith.addi %mul3A_622, %add3A_695 : vector<16xi32>
        %gather3A_697 = tpu.vector_load_idx %arg14[%add3A_696] : memref<1280xf32, #tpu.memory_space<vmem>>[vector<16xi32>], vector<16xf32>,
        %add3A_698 = arith.addf %add3A_693, %gather3A_697 : vector<16xf32>
        %mul3A_699 = arith.constant 80 : i32
        %mul3A_700 = arith.muli %add3A_494, %mul3A_699 : i32
        %mul3A_701 = arith.constant 16 : i32
        %mul3A_702 = arith.muli %scan3A_615, %mul3A_701 : i32
        %add3A_703 = arith.addi %mul3A_700, %mul3A_702 : i32
        %swap3A_704 = arith.index_cast %add3A_703 : i32 to index
        %swap3A_705 = tpu.vector_load %arg15[%swap3A_704] {strides = array<i32>} : memref<10000xf32, #tpu.memory_space<vmem>>, vector<16xf32>,
        tpu.vector_store %arg15[%swap3A_704], %add3A_698 {strides = array<i32>} : memref<10000xf32, #tpu.memory_space<vmem>>, vector<16xf32>,
        %scan3A_706 = arith.constant 1 : i32
        %scan3A_707 = arith.addi %scan3A_615, %scan3A_706 : i32
        %mul3A_708 = arith.constant 16 : i32
        %mul3A_709 = arith.muli %scan3A_707, %mul3A_708 : i32
        %add3A_710 = vector.broadcast %mul3A_709 : i32 to vector<16xi32>
        %add3A_711 = arith.addi %iota3A, %add3A_710 : vector<16xi32>
        %mul3A_712 = arith.constant 16 : i32
        %mul3A_713 = vector.broadcast %mul3A_712 : i32 to vector<16xi32>
        %mul3A_714 = arith.muli %add3A_711, %mul3A_713 : vector<16xi32>
        %gather3A_715 = tpu.vector_load_idx %arg14[%mul3A_714] : memref<1280xf32, #tpu.memory_space<vmem>>[vector<16xi32>], vector<16xf32>,
        %add3A_716 = arith.constant 1 : i32
        %add3A_717 = vector.broadcast %add3A_716 : i32 to vector<16xi32>
        %add3A_718 = arith.addi %mul3A_714, %add3A_717 : vector<16xi32>
        %gather3A_719 = tpu.vector_load_idx %arg14[%add3A_718] : memref<1280xf32, #tpu.memory_space<vmem>>[vector<16xi32>], vector<16xf32>,
        %add3A_720 = arith.addf %gather3A_715, %gather3A_719 : vector<16xf32>
        %add3A_721 = arith.constant 2 : i32
        %add3A_722 = vector.broadcast %add3A_721 : i32 to vector<16xi32>
        %add3A_723 = arith.addi %mul3A_714, %add3A_722 : vector<16xi32>
        %gather3A_724 = tpu.vector_load_idx %arg14[%add3A_723] : memref<1280xf32, #tpu.memory_space<vmem>>[vector<16xi32>], vector<16xf32>,
        %add3A_725 = arith.addf %add3A_720, %gather3A_724 : vector<16xf32>
        %add3A_726 = arith.constant 3 : i32
        %add3A_727 = vector.broadcast %add3A_726 : i32 to vector<16xi32>
        %add3A_728 = arith.addi %mul3A_714, %add3A_727 : vector<16xi32>
        %gather3A_729 = tpu.vector_load_idx %arg14[%add3A_728] : memref<1280xf32, #tpu.memory_space<vmem>>[vector<16xi32>], vector<16xf32>,
        %add3A_730 = arith.addf %add3A_725, %gather3A_729 : vector<16xf32>
        %add3A_731 = arith.constant 4 : i32
        %add3A_732 = vector.broadcast %add3A_731 : i32 to vector<16xi32>
        %add3A_733 = arith.addi %mul3A_714, %add3A_732 : vector<16xi32>
        %gather3A_734 = tpu.vector_load_idx %arg14[%add3A_733] : memref<1280xf32, #tpu.memory_space<vmem>>[vector<16xi32>], vector<16xf32>,
        %add3A_735 = arith.addf %add3A_730, %gather3A_734 : vector<16xf32>
        %add3A_736 = arith.constant 5 : i32
        %add3A_737 = vector.broadcast %add3A_736 : i32 to vector<16xi32>
        %add3A_738 = arith.addi %mul3A_714, %add3A_737 : vector<16xi32>
        %gather3A_739 = tpu.vector_load_idx %arg14[%add3A_738] : memref<1280xf32, #tpu.memory_space<vmem>>[vector<16xi32>], vector<16xf32>,
        %add3A_740 = arith.addf %add3A_735, %gather3A_739 : vector<16xf32>
        %add3A_741 = arith.constant 6 : i32
        %add3A_742 = vector.broadcast %add3A_741 : i32 to vector<16xi32>
        %add3A_743 = arith.addi %mul3A_714, %add3A_742 : vector<16xi32>
        %gather3A_744 = tpu.vector_load_idx %arg14[%add3A_743] : memref<1280xf32, #tpu.memory_space<vmem>>[vector<16xi32>], vector<16xf32>,
        %add3A_745 = arith.addf %add3A_740, %gather3A_744 : vector<16xf32>
        %add3A_746 = arith.constant 7 : i32
        %add3A_747 = vector.broadcast %add3A_746 : i32 to vector<16xi32>
        %add3A_748 = arith.addi %mul3A_714, %add3A_747 : vector<16xi32>
        %gather3A_749 = tpu.vector_load_idx %arg14[%add3A_748] : memref<1280xf32, #tpu.memory_space<vmem>>[vector<16xi32>], vector<16xf32>,
        %add3A_750 = arith.addf %add3A_745, %gather3A_749 : vector<16xf32>
        %add3A_751 = arith.constant 8 : i32
        %add3A_752 = vector.broadcast %add3A_751 : i32 to vector<16xi32>
        %add3A_753 = arith.addi %mul3A_714, %add3A_752 : vector<16xi32>
        %gather3A_754 = tpu.vector_load_idx %arg14[%add3A_753] : memref<1280xf32, #tpu.memory_space<vmem>>[vector<16xi32>], vector<16xf32>,
        %add3A_755 = arith.addf %add3A_750, %gather3A_754 : vector<16xf32>
        %add3A_756 = arith.constant 9 : i32
        %add3A_757 = vector.broadcast %add3A_756 : i32 to vector<16xi32>
        %add3A_758 = arith.addi %mul3A_714, %add3A_757 : vector<16xi32>
        %gather3A_759 = tpu.vector_load_idx %arg14[%add3A_758] : memref<1280xf32, #tpu.memory_space<vmem>>[vector<16xi32>], vector<16xf32>,
        %add3A_760 = arith.addf %add3A_755, %gather3A_759 : vector<16xf32>
        %add3A_761 = arith.constant 10 : i32
        %add3A_762 = vector.broadcast %add3A_761 : i32 to vector<16xi32>
        %add3A_763 = arith.addi %mul3A_714, %add3A_762 : vector<16xi32>
        %gather3A_764 = tpu.vector_load_idx %arg14[%add3A_763] : memref<1280xf32, #tpu.memory_space<vmem>>[vector<16xi32>], vector<16xf32>,
        %add3A_765 = arith.addf %add3A_760, %gather3A_764 : vector<16xf32>
        %add3A_766 = arith.constant 11 : i32
        %add3A_767 = vector.broadcast %add3A_766 : i32 to vector<16xi32>
        %add3A_768 = arith.addi %mul3A_714, %add3A_767 : vector<16xi32>
        %gather3A_769 = tpu.vector_load_idx %arg14[%add3A_768] : memref<1280xf32, #tpu.memory_space<vmem>>[vector<16xi32>], vector<16xf32>,
        %add3A_770 = arith.addf %add3A_765, %gather3A_769 : vector<16xf32>
        %add3A_771 = arith.constant 12 : i32
        %add3A_772 = vector.broadcast %add3A_771 : i32 to vector<16xi32>
        %add3A_773 = arith.addi %mul3A_714, %add3A_772 : vector<16xi32>
        %gather3A_774 = tpu.vector_load_idx %arg14[%add3A_773] : memref<1280xf32, #tpu.memory_space<vmem>>[vector<16xi32>], vector<16xf32>,
        %add3A_775 = arith.addf %add3A_770, %gather3A_774 : vector<16xf32>
        %add3A_776 = arith.constant 13 : i32
        %add3A_777 = vector.broadcast %add3A_776 : i32 to vector<16xi32>
        %add3A_778 = arith.addi %mul3A_714, %add3A_777 : vector<16xi32>
        %gather3A_779 = tpu.vector_load_idx %arg14[%add3A_778] : memref<1280xf32, #tpu.memory_space<vmem>>[vector<16xi32>], vector<16xf32>,
        %add3A_780 = arith.addf %add3A_775, %gather3A_779 : vector<16xf32>
        %add3A_781 = arith.constant 14 : i32
        %add3A_782 = vector.broadcast %add3A_781 : i32 to vector<16xi32>
        %add3A_783 = arith.addi %mul3A_714, %add3A_782 : vector<16xi32>
        %gather3A_784 = tpu.vector_load_idx %arg14[%add3A_783] : memref<1280xf32, #tpu.memory_space<vmem>>[vector<16xi32>], vector<16xf32>,
        %add3A_785 = arith.addf %add3A_780, %gather3A_784 : vector<16xf32>
        %add3A_786 = arith.constant 15 : i32
        %add3A_787 = vector.broadcast %add3A_786 : i32 to vector<16xi32>
        %add3A_788 = arith.addi %mul3A_714, %add3A_787 : vector<16xi32>
        %gather3A_789 = tpu.vector_load_idx %arg14[%add3A_788] : memref<1280xf32, #tpu.memory_space<vmem>>[vector<16xi32>], vector<16xf32>,
        %add3A_790 = arith.addf %add3A_785, %gather3A_789 : vector<16xf32>
        %mul3A_791 = arith.constant 80 : i32
        %mul3A_792 = arith.muli %add3A_494, %mul3A_791 : i32
        %mul3A_793 = arith.constant 16 : i32
        %mul3A_794 = arith.muli %scan3A_707, %mul3A_793 : i32
        %add3A_795 = arith.addi %mul3A_792, %mul3A_794 : i32
        %swap3A_796 = arith.index_cast %add3A_795 : i32 to index
        %swap3A_797 = tpu.vector_load %arg15[%swap3A_796] {strides = array<i32>} : memref<10000xf32, #tpu.memory_space<vmem>>, vector<16xf32>,
        tpu.vector_store %arg15[%swap3A_796], %add3A_790 {strides = array<i32>} : memref<10000xf32, #tpu.memory_space<vmem>>, vector<16xf32>,
      }
      %scan3A_522 = arith.constant 4 : i32
      %scan3A_523 = arith.addi %scan3A_518, %scan3A_522 : i32
      %mul3A_524 = arith.constant 16 : i32
      %mul3A_525 = arith.muli %scan3A_523, %mul3A_524 : i32
      %add3A_526 = vector.broadcast %mul3A_525 : i32 to vector<16xi32>
      %add3A_527 = arith.addi %iota3A, %add3A_526 : vector<16xi32>
      %mul3A_528 = arith.constant 16 : i32
      %mul3A_529 = vector.broadcast %mul3A_528 : i32 to vector<16xi32>
      %mul3A_530 = arith.muli %add3A_527, %mul3A_529 : vector<16xi32>
      %gather3A_531 = tpu.vector_load_idx %arg14[%mul3A_530] : memref<1280xf32, #tpu.memory_space<vmem>>[vector<16xi32>], vector<16xf32>,
      %add3A_532 = arith.constant 1 : i32
      %add3A_533 = vector.broadcast %add3A_532 : i32 to vector<16xi32>
      %add3A_534 = arith.addi %mul3A_530, %add3A_533 : vector<16xi32>
      %gather3A_535 = tpu.vector_load_idx %arg14[%add3A_534] : memref<1280xf32, #tpu.memory_space<vmem>>[vector<16xi32>], vector<16xf32>,
      %add3A_536 = arith.addf %gather3A_531, %gather3A_535 : vector<16xf32>
      %add3A_537 = arith.constant 2 : i32
      %add3A_538 = vector.broadcast %add3A_537 : i32 to vector<16xi32>
      %add3A_539 = arith.addi %mul3A_530, %add3A_538 : vector<16xi32>
      %gather3A_540 = tpu.vector_load_idx %arg14[%add3A_539] : memref<1280xf32, #tpu.memory_space<vmem>>[vector<16xi32>], vector<16xf32>,
      %add3A_541 = arith.addf %add3A_536, %gather3A_540 : vector<16xf32>
      %add3A_542 = arith.constant 3 : i32
      %add3A_543 = vector.broadcast %add3A_542 : i32 to vector<16xi32>
      %add3A_544 = arith.addi %mul3A_530, %add3A_543 : vector<16xi32>
      %gather3A_545 = tpu.vector_load_idx %arg14[%add3A_544] : memref<1280xf32, #tpu.memory_space<vmem>>[vector<16xi32>], vector<16xf32>,
      %add3A_546 = arith.addf %add3A_541, %gather3A_545 : vector<16xf32>
      %add3A_547 = arith.constant 4 : i32
      %add3A_548 = vector.broadcast %add3A_547 : i32 to vector<16xi32>
      %add3A_549 = arith.addi %mul3A_530, %add3A_548 : vector<16xi32>
      %gather3A_550 = tpu.vector_load_idx %arg14[%add3A_549] : memref<1280xf32, #tpu.memory_space<vmem>>[vector<16xi32>], vector<16xf32>,
      %add3A_551 = arith.addf %add3A_546, %gather3A_550 : vector<16xf32>
      %add3A_552 = arith.constant 5 : i32
      %add3A_553 = vector.broadcast %add3A_552 : i32 to vector<16xi32>
      %add3A_554 = arith.addi %mul3A_530, %add3A_553 : vector<16xi32>
      %gather3A_555 = tpu.vector_load_idx %arg14[%add3A_554] : memref<1280xf32, #tpu.memory_space<vmem>>[vector<16xi32>], vector<16xf32>,
      %add3A_556 = arith.addf %add3A_551, %gather3A_555 : vector<16xf32>
      %add3A_557 = arith.constant 6 : i32
      %add3A_558 = vector.broadcast %add3A_557 : i32 to vector<16xi32>
      %add3A_559 = arith.addi %mul3A_530, %add3A_558 : vector<16xi32>
      %gather3A_560 = tpu.vector_load_idx %arg14[%add3A_559] : memref<1280xf32, #tpu.memory_space<vmem>>[vector<16xi32>], vector<16xf32>,
      %add3A_561 = arith.addf %add3A_556, %gather3A_560 : vector<16xf32>
      %add3A_562 = arith.constant 7 : i32
      %add3A_563 = vector.broadcast %add3A_562 : i32 to vector<16xi32>
      %add3A_564 = arith.addi %mul3A_530, %add3A_563 : vector<16xi32>
      %gather3A_565 = tpu.vector_load_idx %arg14[%add3A_564] : memref<1280xf32, #tpu.memory_space<vmem>>[vector<16xi32>], vector<16xf32>,
      %add3A_566 = arith.addf %add3A_561, %gather3A_565 : vector<16xf32>
      %add3A_567 = arith.constant 8 : i32
      %add3A_568 = vector.broadcast %add3A_567 : i32 to vector<16xi32>
      %add3A_569 = arith.addi %mul3A_530, %add3A_568 : vector<16xi32>
      %gather3A_570 = tpu.vector_load_idx %arg14[%add3A_569] : memref<1280xf32, #tpu.memory_space<vmem>>[vector<16xi32>], vector<16xf32>,
      %add3A_571 = arith.addf %add3A_566, %gather3A_570 : vector<16xf32>
      %add3A_572 = arith.constant 9 : i32
      %add3A_573 = vector.broadcast %add3A_572 : i32 to vector<16xi32>
      %add3A_574 = arith.addi %mul3A_530, %add3A_573 : vector<16xi32>
      %gather3A_575 = tpu.vector_load_idx %arg14[%add3A_574] : memref<1280xf32, #tpu.memory_space<vmem>>[vector<16xi32>], vector<16xf32>,
      %add3A_576 = arith.addf %add3A_571, %gather3A_575 : vector<16xf32>
      %add3A_577 = arith.constant 10 : i32
      %add3A_578 = vector.broadcast %add3A_577 : i32 to vector<16xi32>
      %add3A_579 = arith.addi %mul3A_530, %add3A_578 : vector<16xi32>
      %gather3A_580 = tpu.vector_load_idx %arg14[%add3A_579] : memref<1280xf32, #tpu.memory_space<vmem>>[vector<16xi32>], vector<16xf32>,
      %add3A_581 = arith.addf %add3A_576, %gather3A_580 : vector<16xf32>
      %add3A_582 = arith.constant 11 : i32
      %add3A_583 = vector.broadcast %add3A_582 : i32 to vector<16xi32>
      %add3A_584 = arith.addi %mul3A_530, %add3A_583 : vector<16xi32>
      %gather3A_585 = tpu.vector_load_idx %arg14[%add3A_584] : memref<1280xf32, #tpu.memory_space<vmem>>[vector<16xi32>], vector<16xf32>,
      %add3A_586 = arith.addf %add3A_581, %gather3A_585 : vector<16xf32>
      %add3A_587 = arith.constant 12 : i32
      %add3A_588 = vector.broadcast %add3A_587 : i32 to vector<16xi32>
      %add3A_589 = arith.addi %mul3A_530, %add3A_588 : vector<16xi32>
      %gather3A_590 = tpu.vector_load_idx %arg14[%add3A_589] : memref<1280xf32, #tpu.memory_space<vmem>>[vector<16xi32>], vector<16xf32>,
      %add3A_591 = arith.addf %add3A_586, %gather3A_590 : vector<16xf32>
      %add3A_592 = arith.constant 13 : i32
      %add3A_593 = vector.broadcast %add3A_592 : i32 to vector<16xi32>
      %add3A_594 = arith.addi %mul3A_530, %add3A_593 : vector<16xi32>
      %gather3A_595 = tpu.vector_load_idx %arg14[%add3A_594] : memref<1280xf32, #tpu.memory_space<vmem>>[vector<16xi32>], vector<16xf32>,
      %add3A_596 = arith.addf %add3A_591, %gather3A_595 : vector<16xf32>
      %add3A_597 = arith.constant 14 : i32
      %add3A_598 = vector.broadcast %add3A_597 : i32 to vector<16xi32>
      %add3A_599 = arith.addi %mul3A_530, %add3A_598 : vector<16xi32>
      %gather3A_600 = tpu.vector_load_idx %arg14[%add3A_599] : memref<1280xf32, #tpu.memory_space<vmem>>[vector<16xi32>], vector<16xf32>,
      %add3A_601 = arith.addf %add3A_596, %gather3A_600 : vector<16xf32>
      %add3A_602 = arith.constant 15 : i32
      %add3A_603 = vector.broadcast %add3A_602 : i32 to vector<16xi32>
      %add3A_604 = arith.addi %mul3A_530, %add3A_603 : vector<16xi32>
      %gather3A_605 = tpu.vector_load_idx %arg14[%add3A_604] : memref<1280xf32, #tpu.memory_space<vmem>>[vector<16xi32>], vector<16xf32>,
      %add3A_606 = arith.addf %add3A_601, %gather3A_605 : vector<16xf32>
      %mul3A_607 = arith.constant 80 : i32
      %mul3A_608 = arith.muli %add3A_494, %mul3A_607 : i32
      %mul3A_609 = arith.constant 16 : i32
      %mul3A_610 = arith.muli %scan3A_523, %mul3A_609 : i32
      %add3A_611 = arith.addi %mul3A_608, %mul3A_610 : i32
      %swap3A_612 = arith.index_cast %add3A_611 : i32 to index
      %swap3A_613 = tpu.vector_load %arg15[%swap3A_612] {strides = array<i32>} : memref<10000xf32, #tpu.memory_space<vmem>>, vector<16xf32>,
      tpu.vector_store %arg15[%swap3A_612], %add3A_606 {strides = array<i32>} : memref<10000xf32, #tpu.memory_space<vmem>>, vector<16xf32>,
      %scan3A_614 = arith.constant 5 : i32
    }
    %scan3A_38 = arith.constant 41 : i32
    tpu.wait_dma2 semaphore(%arg19 : memref<!tpu.dma_semaphore, #tpu.memory_space<semaphore_mem>>) src(%arg2 : memref<10000x128xf32, #tpu.memory_space<hbm>>) dst(%arg12 : memref<80x128xf32, #tpu.memory_space<vmem>>)
    %dma_start3A_39 = arith.constant 9920 : i32
    %dma_start3A_40 = tpu.memref_slice %arg10[%dma_start3A_39] : memref<10000xi32, #tpu.memory_space<vmem>> -> memref<80xi32, #tpu.memory_space<vmem>>
    %dma_start3A_41 = arith.constant 0 : i32
    %dma_start3A_42 = arith.constant 0 : i32
    %dma_start3A_43 = tpu.memref_slice %arg3[%dma_start3A_41, %dma_start3A_42] : memref<10000x128xf32, #tpu.memory_space<hbm>> -> memref<10000x128xf32, #tpu.memory_space<hbm>>
    tpu.enqueue_indirect_dma source(%dma_start3A_43 : memref<10000x128xf32, #tpu.memory_space<hbm>>) target(%arg12 : memref<80x128xf32, #tpu.memory_space<vmem>>) offsets(%dma_start3A_40 : memref<80xi32, #tpu.memory_space<vmem>>) semaphore(%arg22 : memref<!tpu.dma_semaphore, #tpu.memory_space<semaphore_mem>>) {add = true}
    tpu.wait_dma2 semaphore(%arg21 : memref<!tpu.dma_semaphore, #tpu.memory_space<semaphore_mem>>) src(%arg3 : memref<10000x128xf32, #tpu.memory_space<hbm>>) dst(%arg11 : memref<80x128xf32, #tpu.memory_space<vmem>>)
    %scan3A_44 = arith.constant 0 : i32
    %scan3A_45 = arith.constant 0 : i32
    %scan3A_46 = arith.constant 80 : i32
    %scan3A_47 = arith.addi %scan3A_45, %scan3A_46 : i32
    %scan3A_48 = arith.constant 4 : i32
    scf.for %scan3A_248 = %scan3A_45 to %scan3A_47 step %scan3A_48  : i32 {
      %get3A_249 = arith.index_cast %scan3A_248 : i32 to index
      %get3A_250 = arith.constant 0 : index
      %get3A_251 = tpu.vector_load %arg11[%get3A_249, %get3A_250] {strides = array<i32>} : memref<80x128xf32, #tpu.memory_space<vmem>>, vector<16xf32>,
      %max3A = arith.constant 0.000000e+00 : f32
      %max3A_252 = vector.broadcast %max3A : f32 to vector<16xf32>
      %max3A_253 = arith.maximumf %get3A_251, %max3A_252 : vector<16xf32>
      %mul3A_254 = arith.mulf %max3A_253, %get3A_3 : vector<16xf32>
      %add3A_255 = arith.addf %get3A_19, %mul3A_254 : vector<16xf32>
      %get3A_256 = arith.index_cast %scan3A_248 : i32 to index
      %get3A_257 = arith.constant 16 : index
      %get3A_258 = tpu.vector_load %arg11[%get3A_256, %get3A_257] {strides = array<i32>} : memref<80x128xf32, #tpu.memory_space<vmem>>, vector<16xf32>,
      %max3A_259 = arith.constant 0.000000e+00 : f32
      %max3A_260 = vector.broadcast %max3A_259 : f32 to vector<16xf32>
      %max3A_261 = arith.maximumf %get3A_258, %max3A_260 : vector<16xf32>
      %mul3A_262 = arith.mulf %max3A_261, %get3A_5 : vector<16xf32>
      %add3A_263 = arith.addf %add3A_255, %mul3A_262 : vector<16xf32>
      %get3A_264 = arith.index_cast %scan3A_248 : i32 to index
      %get3A_265 = arith.constant 32 : index
      %get3A_266 = tpu.vector_load %arg11[%get3A_264, %get3A_265] {strides = array<i32>} : memref<80x128xf32, #tpu.memory_space<vmem>>, vector<16xf32>,
      %max3A_267 = arith.constant 0.000000e+00 : f32
      %max3A_268 = vector.broadcast %max3A_267 : f32 to vector<16xf32>
      %max3A_269 = arith.maximumf %get3A_266, %max3A_268 : vector<16xf32>
      %mul3A_270 = arith.mulf %max3A_269, %get3A_7 : vector<16xf32>
      %add3A_271 = arith.addf %add3A_263, %mul3A_270 : vector<16xf32>
      %get3A_272 = arith.index_cast %scan3A_248 : i32 to index
      %get3A_273 = arith.constant 48 : index
      %get3A_274 = tpu.vector_load %arg11[%get3A_272, %get3A_273] {strides = array<i32>} : memref<80x128xf32, #tpu.memory_space<vmem>>, vector<16xf32>,
      %max3A_275 = arith.constant 0.000000e+00 : f32
      %max3A_276 = vector.broadcast %max3A_275 : f32 to vector<16xf32>
      %max3A_277 = arith.maximumf %get3A_274, %max3A_276 : vector<16xf32>
      %mul3A_278 = arith.mulf %max3A_277, %get3A_9 : vector<16xf32>
      %add3A_279 = arith.addf %add3A_271, %mul3A_278 : vector<16xf32>
      %get3A_280 = arith.index_cast %scan3A_248 : i32 to index
      %get3A_281 = arith.constant 64 : index
      %get3A_282 = tpu.vector_load %arg11[%get3A_280, %get3A_281] {strides = array<i32>} : memref<80x128xf32, #tpu.memory_space<vmem>>, vector<16xf32>,
      %max3A_283 = arith.constant 0.000000e+00 : f32
      %max3A_284 = vector.broadcast %max3A_283 : f32 to vector<16xf32>
      %max3A_285 = arith.maximumf %get3A_282, %max3A_284 : vector<16xf32>
      %mul3A_286 = arith.mulf %max3A_285, %get3A_11 : vector<16xf32>
      %add3A_287 = arith.addf %add3A_279, %mul3A_286 : vector<16xf32>
      %get3A_288 = arith.index_cast %scan3A_248 : i32 to index
      %get3A_289 = arith.constant 80 : index
      %get3A_290 = tpu.vector_load %arg11[%get3A_288, %get3A_289] {strides = array<i32>} : memref<80x128xf32, #tpu.memory_space<vmem>>, vector<16xf32>,
      %max3A_291 = arith.constant 0.000000e+00 : f32
      %max3A_292 = vector.broadcast %max3A_291 : f32 to vector<16xf32>
      %max3A_293 = arith.maximumf %get3A_290, %max3A_292 : vector<16xf32>
      %mul3A_294 = arith.mulf %max3A_293, %get3A_13 : vector<16xf32>
      %add3A_295 = arith.addf %add3A_287, %mul3A_294 : vector<16xf32>
      %get3A_296 = arith.index_cast %scan3A_248 : i32 to index
      %get3A_297 = arith.constant 96 : index
      %get3A_298 = tpu.vector_load %arg11[%get3A_296, %get3A_297] {strides = array<i32>} : memref<80x128xf32, #tpu.memory_space<vmem>>, vector<16xf32>,
      %max3A_299 = arith.constant 0.000000e+00 : f32
      %max3A_300 = vector.broadcast %max3A_299 : f32 to vector<16xf32>
      %max3A_301 = arith.maximumf %get3A_298, %max3A_300 : vector<16xf32>
      %mul3A_302 = arith.mulf %max3A_301, %get3A_15 : vector<16xf32>
      %add3A_303 = arith.addf %add3A_295, %mul3A_302 : vector<16xf32>
      %get3A_304 = arith.index_cast %scan3A_248 : i32 to index
      %get3A_305 = arith.constant 112 : index
      %get3A_306 = tpu.vector_load %arg11[%get3A_304, %get3A_305] {strides = array<i32>} : memref<80x128xf32, #tpu.memory_space<vmem>>, vector<16xf32>,
      %max3A_307 = arith.constant 0.000000e+00 : f32
      %max3A_308 = vector.broadcast %max3A_307 : f32 to vector<16xf32>
      %max3A_309 = arith.maximumf %get3A_306, %max3A_308 : vector<16xf32>
      %mul3A_310 = arith.mulf %max3A_309, %get3A_17 : vector<16xf32>
      %add3A_311 = arith.addf %add3A_303, %mul3A_310 : vector<16xf32>
      %mul3A_312 = arith.constant 16 : i32
      %mul3A_313 = arith.muli %scan3A_248, %mul3A_312 : i32
      %swap3A_314 = arith.index_cast %mul3A_313 : i32 to index
      %swap3A_315 = tpu.vector_load %arg14[%swap3A_314] {strides = array<i32>} : memref<1280xf32, #tpu.memory_space<vmem>>, vector<16xf32>,
      tpu.vector_store %arg14[%swap3A_314], %add3A_311 {strides = array<i32>} : memref<1280xf32, #tpu.memory_space<vmem>>, vector<16xf32>,
      %scan3A_316 = arith.constant 1 : i32
      %scan3A_317 = arith.addi %scan3A_248, %scan3A_316 : i32
      %get3A_318 = arith.index_cast %scan3A_317 : i32 to index
      %get3A_319 = arith.constant 0 : index
      %get3A_320 = tpu.vector_load %arg11[%get3A_318, %get3A_319] {strides = array<i32>} : memref<80x128xf32, #tpu.memory_space<vmem>>, vector<16xf32>,
      %max3A_321 = arith.constant 0.000000e+00 : f32
      %max3A_322 = vector.broadcast %max3A_321 : f32 to vector<16xf32>
      %max3A_323 = arith.maximumf %get3A_320, %max3A_322 : vector<16xf32>
      %mul3A_324 = arith.mulf %max3A_323, %get3A_3 : vector<16xf32>
      %add3A_325 = arith.addf %get3A_19, %mul3A_324 : vector<16xf32>
      %get3A_326 = arith.index_cast %scan3A_317 : i32 to index
      %get3A_327 = arith.constant 16 : index
      %get3A_328 = tpu.vector_load %arg11[%get3A_326, %get3A_327] {strides = array<i32>} : memref<80x128xf32, #tpu.memory_space<vmem>>, vector<16xf32>,
      %max3A_329 = arith.constant 0.000000e+00 : f32
      %max3A_330 = vector.broadcast %max3A_329 : f32 to vector<16xf32>
      %max3A_331 = arith.maximumf %get3A_328, %max3A_330 : vector<16xf32>
      %mul3A_332 = arith.mulf %max3A_331, %get3A_5 : vector<16xf32>
      %add3A_333 = arith.addf %add3A_325, %mul3A_332 : vector<16xf32>
      %get3A_334 = arith.index_cast %scan3A_317 : i32 to index
      %get3A_335 = arith.constant 32 : index
      %get3A_336 = tpu.vector_load %arg11[%get3A_334, %get3A_335] {strides = array<i32>} : memref<80x128xf32, #tpu.memory_space<vmem>>, vector<16xf32>,
      %max3A_337 = arith.constant 0.000000e+00 : f32
      %max3A_338 = vector.broadcast %max3A_337 : f32 to vector<16xf32>
      %max3A_339 = arith.maximumf %get3A_336, %max3A_338 : vector<16xf32>
      %mul3A_340 = arith.mulf %max3A_339, %get3A_7 : vector<16xf32>
      %add3A_341 = arith.addf %add3A_333, %mul3A_340 : vector<16xf32>
      %get3A_342 = arith.index_cast %scan3A_317 : i32 to index
      %get3A_343 = arith.constant 48 : index
      %get3A_344 = tpu.vector_load %arg11[%get3A_342, %get3A_343] {strides = array<i32>} : memref<80x128xf32, #tpu.memory_space<vmem>>, vector<16xf32>,
      %max3A_345 = arith.constant 0.000000e+00 : f32
      %max3A_346 = vector.broadcast %max3A_345 : f32 to vector<16xf32>
      %max3A_347 = arith.maximumf %get3A_344, %max3A_346 : vector<16xf32>
      %mul3A_348 = arith.mulf %max3A_347, %get3A_9 : vector<16xf32>
      %add3A_349 = arith.addf %add3A_341, %mul3A_348 : vector<16xf32>
      %get3A_350 = arith.index_cast %scan3A_317 : i32 to index
      %get3A_351 = arith.constant 64 : index
      %get3A_352 = tpu.vector_load %arg11[%get3A_350, %get3A_351] {strides = array<i32>} : memref<80x128xf32, #tpu.memory_space<vmem>>, vector<16xf32>,
      %max3A_353 = arith.constant 0.000000e+00 : f32
      %max3A_354 = vector.broadcast %max3A_353 : f32 to vector<16xf32>
      %max3A_355 = arith.maximumf %get3A_352, %max3A_354 : vector<16xf32>
      %mul3A_356 = arith.mulf %max3A_355, %get3A_11 : vector<16xf32>
      %add3A_357 = arith.addf %add3A_349, %mul3A_356 : vector<16xf32>
      %get3A_358 = arith.index_cast %scan3A_317 : i32 to index
      %get3A_359 = arith.constant 80 : index
      %get3A_360 = tpu.vector_load %arg11[%get3A_358, %get3A_359] {strides = array<i32>} : memref<80x128xf32, #tpu.memory_space<vmem>>, vector<16xf32>,
      %max3A_361 = arith.constant 0.000000e+00 : f32
      %max3A_362 = vector.broadcast %max3A_361 : f32 to vector<16xf32>
      %max3A_363 = arith.maximumf %get3A_360, %max3A_362 : vector<16xf32>
      %mul3A_364 = arith.mulf %max3A_363, %get3A_13 : vector<16xf32>
      %add3A_365 = arith.addf %add3A_357, %mul3A_364 : vector<16xf32>
      %get3A_366 = arith.index_cast %scan3A_317 : i32 to index
      %get3A_367 = arith.constant 96 : index
      %get3A_368 = tpu.vector_load %arg11[%get3A_366, %get3A_367] {strides = array<i32>} : memref<80x128xf32, #tpu.memory_space<vmem>>, vector<16xf32>,
      %max3A_369 = arith.constant 0.000000e+00 : f32
      %max3A_370 = vector.broadcast %max3A_369 : f32 to vector<16xf32>
      %max3A_371 = arith.maximumf %get3A_368, %max3A_370 : vector<16xf32>
      %mul3A_372 = arith.mulf %max3A_371, %get3A_15 : vector<16xf32>
      %add3A_373 = arith.addf %add3A_365, %mul3A_372 : vector<16xf32>
      %get3A_374 = arith.index_cast %scan3A_317 : i32 to index
      %get3A_375 = arith.constant 112 : index
      %get3A_376 = tpu.vector_load %arg11[%get3A_374, %get3A_375] {strides = array<i32>} : memref<80x128xf32, #tpu.memory_space<vmem>>, vector<16xf32>,
      %max3A_377 = arith.constant 0.000000e+00 : f32
      %max3A_378 = vector.broadcast %max3A_377 : f32 to vector<16xf32>
      %max3A_379 = arith.maximumf %get3A_376, %max3A_378 : vector<16xf32>
      %mul3A_380 = arith.mulf %max3A_379, %get3A_17 : vector<16xf32>
      %add3A_381 = arith.addf %add3A_373, %mul3A_380 : vector<16xf32>
      %mul3A_382 = arith.constant 16 : i32
      %mul3A_383 = arith.muli %scan3A_317, %mul3A_382 : i32
      %swap3A_384 = arith.index_cast %mul3A_383 : i32 to index
      %swap3A_385 = tpu.vector_load %arg14[%swap3A_384] {strides = array<i32>} : memref<1280xf32, #tpu.memory_space<vmem>>, vector<16xf32>,
      tpu.vector_store %arg14[%swap3A_384], %add3A_381 {strides = array<i32>} : memref<1280xf32, #tpu.memory_space<vmem>>, vector<16xf32>,
      %scan3A_386 = arith.constant 2 : i32
      %scan3A_387 = arith.addi %scan3A_248, %scan3A_386 : i32
      %get3A_388 = arith.index_cast %scan3A_387 : i32 to index
      %get3A_389 = arith.constant 0 : index
      %get3A_390 = tpu.vector_load %arg11[%get3A_388, %get3A_389] {strides = array<i32>} : memref<80x128xf32, #tpu.memory_space<vmem>>, vector<16xf32>,
      %max3A_391 = arith.constant 0.000000e+00 : f32
      %max3A_392 = vector.broadcast %max3A_391 : f32 to vector<16xf32>
      %max3A_393 = arith.maximumf %get3A_390, %max3A_392 : vector<16xf32>
      %mul3A_394 = arith.mulf %max3A_393, %get3A_3 : vector<16xf32>
      %add3A_395 = arith.addf %get3A_19, %mul3A_394 : vector<16xf32>
      %get3A_396 = arith.index_cast %scan3A_387 : i32 to index
      %get3A_397 = arith.constant 16 : index
      %get3A_398 = tpu.vector_load %arg11[%get3A_396, %get3A_397] {strides = array<i32>} : memref<80x128xf32, #tpu.memory_space<vmem>>, vector<16xf32>,
      %max3A_399 = arith.constant 0.000000e+00 : f32
      %max3A_400 = vector.broadcast %max3A_399 : f32 to vector<16xf32>
      %max3A_401 = arith.maximumf %get3A_398, %max3A_400 : vector<16xf32>
      %mul3A_402 = arith.mulf %max3A_401, %get3A_5 : vector<16xf32>
      %add3A_403 = arith.addf %add3A_395, %mul3A_402 : vector<16xf32>
      %get3A_404 = arith.index_cast %scan3A_387 : i32 to index
      %get3A_405 = arith.constant 32 : index
      %get3A_406 = tpu.vector_load %arg11[%get3A_404, %get3A_405] {strides = array<i32>} : memref<80x128xf32, #tpu.memory_space<vmem>>, vector<16xf32>,
      %max3A_407 = arith.constant 0.000000e+00 : f32
      %max3A_408 = vector.broadcast %max3A_407 : f32 to vector<16xf32>
      %max3A_409 = arith.maximumf %get3A_406, %max3A_408 : vector<16xf32>
      %mul3A_410 = arith.mulf %max3A_409, %get3A_7 : vector<16xf32>
      %add3A_411 = arith.addf %add3A_403, %mul3A_410 : vector<16xf32>
      %get3A_412 = arith.index_cast %scan3A_387 : i32 to index
      %get3A_413 = arith.constant 48 : index
      %get3A_414 = tpu.vector_load %arg11[%get3A_412, %get3A_413] {strides = array<i32>} : memref<80x128xf32, #tpu.memory_space<vmem>>, vector<16xf32>,
      %max3A_415 = arith.constant 0.000000e+00 : f32
      %max3A_416 = vector.broadcast %max3A_415 : f32 to vector<16xf32>
      %max3A_417 = arith.maximumf %get3A_414, %max3A_416 : vector<16xf32>
      %mul3A_418 = arith.mulf %max3A_417, %get3A_9 : vector<16xf32>
      %add3A_419 = arith.addf %add3A_411, %mul3A_418 : vector<16xf32>
      %get3A_420 = arith.index_cast %scan3A_387 : i32 to index
      %get3A_421 = arith.constant 64 : index
      %get3A_422 = tpu.vector_load %arg11[%get3A_420, %get3A_421] {strides = array<i32>} : memref<80x128xf32, #tpu.memory_space<vmem>>, vector<16xf32>,
      %max3A_423 = arith.constant 0.000000e+00 : f32
      %max3A_424 = vector.broadcast %max3A_423 : f32 to vector<16xf32>
      %max3A_425 = arith.maximumf %get3A_422, %max3A_424 : vector<16xf32>
      %mul3A_426 = arith.mulf %max3A_425, %get3A_11 : vector<16xf32>
      %add3A_427 = arith.addf %add3A_419, %mul3A_426 : vector<16xf32>
      %get3A_428 = arith.index_cast %scan3A_387 : i32 to index
      %get3A_429 = arith.constant 80 : index
      %get3A_430 = tpu.vector_load %arg11[%get3A_428, %get3A_429] {strides = array<i32>} : memref<80x128xf32, #tpu.memory_space<vmem>>, vector<16xf32>,
      %max3A_431 = arith.constant 0.000000e+00 : f32
      %max3A_432 = vector.broadcast %max3A_431 : f32 to vector<16xf32>
      %max3A_433 = arith.maximumf %get3A_430, %max3A_432 : vector<16xf32>
      %mul3A_434 = arith.mulf %max3A_433, %get3A_13 : vector<16xf32>
      %add3A_435 = arith.addf %add3A_427, %mul3A_434 : vector<16xf32>
      %get3A_436 = arith.index_cast %scan3A_387 : i32 to index
      %get3A_437 = arith.constant 96 : index
      %get3A_438 = tpu.vector_load %arg11[%get3A_436, %get3A_437] {strides = array<i32>} : memref<80x128xf32, #tpu.memory_space<vmem>>, vector<16xf32>,
      %max3A_439 = arith.constant 0.000000e+00 : f32
      %max3A_440 = vector.broadcast %max3A_439 : f32 to vector<16xf32>
      %max3A_441 = arith.maximumf %get3A_438, %max3A_440 : vector<16xf32>
      %mul3A_442 = arith.mulf %max3A_441, %get3A_15 : vector<16xf32>
      %add3A_443 = arith.addf %add3A_435, %mul3A_442 : vector<16xf32>
      %get3A_444 = arith.index_cast %scan3A_387 : i32 to index
      %get3A_445 = arith.constant 112 : index
      %get3A_446 = tpu.vector_load %arg11[%get3A_444, %get3A_445] {strides = array<i32>} : memref<80x128xf32, #tpu.memory_space<vmem>>, vector<16xf32>,
      %max3A_447 = arith.constant 0.000000e+00 : f32
      %max3A_448 = vector.broadcast %max3A_447 : f32 to vector<16xf32>
      %max3A_449 = arith.maximumf %get3A_446, %max3A_448 : vector<16xf32>
      %mul3A_450 = arith.mulf %max3A_449, %get3A_17 : vector<16xf32>
      %add3A_451 = arith.addf %add3A_443, %mul3A_450 : vector<16xf32>
      %mul3A_452 = arith.constant 16 : i32
      %mul3A_453 = arith.muli %scan3A_387, %mul3A_452 : i32
      %swap3A_454 = arith.index_cast %mul3A_453 : i32 to index
      %swap3A_455 = tpu.vector_load %arg14[%swap3A_454] {strides = array<i32>} : memref<1280xf32, #tpu.memory_space<vmem>>, vector<16xf32>,
      tpu.vector_store %arg14[%swap3A_454], %add3A_451 {strides = array<i32>} : memref<1280xf32, #tpu.memory_space<vmem>>, vector<16xf32>,
      %scan3A_456 = arith.constant 3 : i32
      %scan3A_457 = arith.addi %scan3A_248, %scan3A_456 : i32
      %get3A_458 = arith.index_cast %scan3A_457 : i32 to index
      %get3A_459 = arith.constant 0 : index
      %get3A_460 = tpu.vector_load %arg11[%get3A_458, %get3A_459] {strides = array<i32>} : memref<80x128xf32, #tpu.memory_space<vmem>>, vector<16xf32>,
      %max3A_461 = arith.constant 0.000000e+00 : f32
      %max3A_462 = vector.broadcast %max3A_461 : f32 to vector<16xf32>
      %max3A_463 = arith.maximumf %get3A_460, %max3A_462 : vector<16xf32>
      %mul3A_464 = arith.mulf %max3A_463, %get3A_3 : vector<16xf32>
      %add3A_465 = arith.addf %get3A_19, %mul3A_464 : vector<16xf32>
      %get3A_466 = arith.index_cast %scan3A_457 : i32 to index
      %get3A_467 = arith.constant 16 : index
      %get3A_468 = tpu.vector_load %arg11[%get3A_466, %get3A_467] {strides = array<i32>} : memref<80x128xf32, #tpu.memory_space<vmem>>, vector<16xf32>,
      %max3A_469 = arith.constant 0.000000e+00 : f32
      %max3A_470 = vector.broadcast %max3A_469 : f32 to vector<16xf32>
      %max3A_471 = arith.maximumf %get3A_468, %max3A_470 : vector<16xf32>
      %mul3A_472 = arith.mulf %max3A_471, %get3A_5 : vector<16xf32>
      %add3A_473 = arith.addf %add3A_465, %mul3A_472 : vector<16xf32>
      %get3A_474 = arith.index_cast %scan3A_457 : i32 to index
      %get3A_475 = arith.constant 32 : index
      %get3A_476 = tpu.vector_load %arg11[%get3A_474, %get3A_475] {strides = array<i32>} : memref<80x128xf32, #tpu.memory_space<vmem>>, vector<16xf32>,
      %max3A_477 = arith.constant 0.000000e+00 : f32
      %max3A_478 = vector.broadcast %max3A_477 : f32 to vector<16xf32>
      %max3A_479 = arith.maximumf %get3A_476, %max3A_478 : vector<16xf32>
      %mul3A_480 = arith.mulf %max3A_479, %get3A_7 : vector<16xf32>
      %add3A_481 = arith.addf %add3A_473, %mul3A_480 : vector<16xf32>
      %get3A_482 = arith.index_cast %scan3A_457 : i32 to index
      %get3A_483 = arith.constant 48 : index
      %get3A_484 = tpu.vector_load %arg11[%get3A_482, %get3A_483] {strides = array<i32>} : memref<80x128xf32, #tpu.memory_space<vmem>>, vector<16xf32>,
      %max3A_485 = arith.constant 0.000000e+00 : f32
      %max3A_486 = vector.broadcast %max3A_485 : f32 to vector<16xf32>
      %max3A_487 = arith.maximumf %get3A_484, %max3A_486 : vector<16xf32>
      %mul3A_488 = arith.mulf %max3A_487, %get3A_9 : vector<16xf32>
      %add3A_489 = arith.addf %add3A_481, %mul3A_488 : vector<16xf32>
      %get3A_490 = arith.index_cast %scan3A_457 : i32 to index
      %get3A_491 = arith.constant 64 : index
      %get3A_492 = tpu.vector_load %arg11[%get3A_490, %get3A_491] {strides = array<i32>} : memref<80x128xf32, #tpu.memory_space<vmem>>, vector<16xf32>,
      %max3A_493 = arith.constant 0.000000e+00 : f32
      %max3A_494 = vector.broadcast %max3A_493 : f32 to vector<16xf32>
      %max3A_495 = arith.maximumf %get3A_492, %max3A_494 : vector<16xf32>
      %mul3A_496 = arith.mulf %max3A_495, %get3A_11 : vector<16xf32>
      %add3A_497 = arith.addf %add3A_489, %mul3A_496 : vector<16xf32>
      %get3A_498 = arith.index_cast %scan3A_457 : i32 to index
      %get3A_499 = arith.constant 80 : index
      %get3A_500 = tpu.vector_load %arg11[%get3A_498, %get3A_499] {strides = array<i32>} : memref<80x128xf32, #tpu.memory_space<vmem>>, vector<16xf32>,
      %max3A_501 = arith.constant 0.000000e+00 : f32
      %max3A_502 = vector.broadcast %max3A_501 : f32 to vector<16xf32>
      %max3A_503 = arith.maximumf %get3A_500, %max3A_502 : vector<16xf32>
      %mul3A_504 = arith.mulf %max3A_503, %get3A_13 : vector<16xf32>
      %add3A_505 = arith.addf %add3A_497, %mul3A_504 : vector<16xf32>
      %get3A_506 = arith.index_cast %scan3A_457 : i32 to index
      %get3A_507 = arith.constant 96 : index
      %get3A_508 = tpu.vector_load %arg11[%get3A_506, %get3A_507] {strides = array<i32>} : memref<80x128xf32, #tpu.memory_space<vmem>>, vector<16xf32>,
      %max3A_509 = arith.constant 0.000000e+00 : f32
      %max3A_510 = vector.broadcast %max3A_509 : f32 to vector<16xf32>
      %max3A_511 = arith.maximumf %get3A_508, %max3A_510 : vector<16xf32>
      %mul3A_512 = arith.mulf %max3A_511, %get3A_15 : vector<16xf32>
      %add3A_513 = arith.addf %add3A_505, %mul3A_512 : vector<16xf32>
      %get3A_514 = arith.index_cast %scan3A_457 : i32 to index
      %get3A_515 = arith.constant 112 : index
      %get3A_516 = tpu.vector_load %arg11[%get3A_514, %get3A_515] {strides = array<i32>} : memref<80x128xf32, #tpu.memory_space<vmem>>, vector<16xf32>,
      %max3A_517 = arith.constant 0.000000e+00 : f32
      %max3A_518 = vector.broadcast %max3A_517 : f32 to vector<16xf32>
      %max3A_519 = arith.maximumf %get3A_516, %max3A_518 : vector<16xf32>
      %mul3A_520 = arith.mulf %max3A_519, %get3A_17 : vector<16xf32>
      %add3A_521 = arith.addf %add3A_513, %mul3A_520 : vector<16xf32>
      %mul3A_522 = arith.constant 16 : i32
      %mul3A_523 = arith.muli %scan3A_457, %mul3A_522 : i32
      %swap3A_524 = arith.index_cast %mul3A_523 : i32 to index
      %swap3A_525 = tpu.vector_load %arg14[%swap3A_524] {strides = array<i32>} : memref<1280xf32, #tpu.memory_space<vmem>>, vector<16xf32>,
      tpu.vector_store %arg14[%swap3A_524], %add3A_521 {strides = array<i32>} : memref<1280xf32, #tpu.memory_space<vmem>>, vector<16xf32>,
    }
    %scan3A_49 = arith.constant 80 : i32
    %scan3A_50 = arith.constant 0 : i32
    %scan3A_51 = arith.constant 0 : i32
    %scan3A_52 = arith.constant 4 : i32
    %scan3A_53 = arith.addi %scan3A_51, %scan3A_52 : i32
    %scan3A_54 = arith.constant 2 : i32
    scf.for %scan3A_248 = %scan3A_51 to %scan3A_53 step %scan3A_54  : i32 {
      %mul3A_249 = arith.constant 16 : i32
      %mul3A_250 = arith.muli %scan3A_248, %mul3A_249 : i32
      %add3A_251 = vector.broadcast %mul3A_250 : i32 to vector<16xi32>
      %add3A_252 = arith.addi %iota3A, %add3A_251 : vector<16xi32>
      %mul3A_253 = arith.constant 16 : i32
      %mul3A_254 = vector.broadcast %mul3A_253 : i32 to vector<16xi32>
      %mul3A_255 = arith.muli %add3A_252, %mul3A_254 : vector<16xi32>
      %gather3A_256 = tpu.vector_load_idx %arg14[%mul3A_255] : memref<1280xf32, #tpu.memory_space<vmem>>[vector<16xi32>], vector<16xf32>,
      %add3A_257 = arith.constant 1 : i32
      %add3A_258 = vector.broadcast %add3A_257 : i32 to vector<16xi32>
      %add3A_259 = arith.addi %mul3A_255, %add3A_258 : vector<16xi32>
      %gather3A_260 = tpu.vector_load_idx %arg14[%add3A_259] : memref<1280xf32, #tpu.memory_space<vmem>>[vector<16xi32>], vector<16xf32>,
      %add3A_261 = arith.addf %gather3A_256, %gather3A_260 : vector<16xf32>
      %add3A_262 = arith.constant 2 : i32
      %add3A_263 = vector.broadcast %add3A_262 : i32 to vector<16xi32>
      %add3A_264 = arith.addi %mul3A_255, %add3A_263 : vector<16xi32>
      %gather3A_265 = tpu.vector_load_idx %arg14[%add3A_264] : memref<1280xf32, #tpu.memory_space<vmem>>[vector<16xi32>], vector<16xf32>,
      %add3A_266 = arith.addf %add3A_261, %gather3A_265 : vector<16xf32>
      %add3A_267 = arith.constant 3 : i32
      %add3A_268 = vector.broadcast %add3A_267 : i32 to vector<16xi32>
      %add3A_269 = arith.addi %mul3A_255, %add3A_268 : vector<16xi32>
      %gather3A_270 = tpu.vector_load_idx %arg14[%add3A_269] : memref<1280xf32, #tpu.memory_space<vmem>>[vector<16xi32>], vector<16xf32>,
      %add3A_271 = arith.addf %add3A_266, %gather3A_270 : vector<16xf32>
      %add3A_272 = arith.constant 4 : i32
      %add3A_273 = vector.broadcast %add3A_272 : i32 to vector<16xi32>
      %add3A_274 = arith.addi %mul3A_255, %add3A_273 : vector<16xi32>
      %gather3A_275 = tpu.vector_load_idx %arg14[%add3A_274] : memref<1280xf32, #tpu.memory_space<vmem>>[vector<16xi32>], vector<16xf32>,
      %add3A_276 = arith.addf %add3A_271, %gather3A_275 : vector<16xf32>
      %add3A_277 = arith.constant 5 : i32
      %add3A_278 = vector.broadcast %add3A_277 : i32 to vector<16xi32>
      %add3A_279 = arith.addi %mul3A_255, %add3A_278 : vector<16xi32>
      %gather3A_280 = tpu.vector_load_idx %arg14[%add3A_279] : memref<1280xf32, #tpu.memory_space<vmem>>[vector<16xi32>], vector<16xf32>,
      %add3A_281 = arith.addf %add3A_276, %gather3A_280 : vector<16xf32>
      %add3A_282 = arith.constant 6 : i32
      %add3A_283 = vector.broadcast %add3A_282 : i32 to vector<16xi32>
      %add3A_284 = arith.addi %mul3A_255, %add3A_283 : vector<16xi32>
      %gather3A_285 = tpu.vector_load_idx %arg14[%add3A_284] : memref<1280xf32, #tpu.memory_space<vmem>>[vector<16xi32>], vector<16xf32>,
      %add3A_286 = arith.addf %add3A_281, %gather3A_285 : vector<16xf32>
      %add3A_287 = arith.constant 7 : i32
      %add3A_288 = vector.broadcast %add3A_287 : i32 to vector<16xi32>
      %add3A_289 = arith.addi %mul3A_255, %add3A_288 : vector<16xi32>
      %gather3A_290 = tpu.vector_load_idx %arg14[%add3A_289] : memref<1280xf32, #tpu.memory_space<vmem>>[vector<16xi32>], vector<16xf32>,
      %add3A_291 = arith.addf %add3A_286, %gather3A_290 : vector<16xf32>
      %add3A_292 = arith.constant 8 : i32
      %add3A_293 = vector.broadcast %add3A_292 : i32 to vector<16xi32>
      %add3A_294 = arith.addi %mul3A_255, %add3A_293 : vector<16xi32>
      %gather3A_295 = tpu.vector_load_idx %arg14[%add3A_294] : memref<1280xf32, #tpu.memory_space<vmem>>[vector<16xi32>], vector<16xf32>,
      %add3A_296 = arith.addf %add3A_291, %gather3A_295 : vector<16xf32>
      %add3A_297 = arith.constant 9 : i32
      %add3A_298 = vector.broadcast %add3A_297 : i32 to vector<16xi32>
      %add3A_299 = arith.addi %mul3A_255, %add3A_298 : vector<16xi32>
      %gather3A_300 = tpu.vector_load_idx %arg14[%add3A_299] : memref<1280xf32, #tpu.memory_space<vmem>>[vector<16xi32>], vector<16xf32>,
      %add3A_301 = arith.addf %add3A_296, %gather3A_300 : vector<16xf32>
      %add3A_302 = arith.constant 10 : i32
      %add3A_303 = vector.broadcast %add3A_302 : i32 to vector<16xi32>
      %add3A_304 = arith.addi %mul3A_255, %add3A_303 : vector<16xi32>
      %gather3A_305 = tpu.vector_load_idx %arg14[%add3A_304] : memref<1280xf32, #tpu.memory_space<vmem>>[vector<16xi32>], vector<16xf32>,
      %add3A_306 = arith.addf %add3A_301, %gather3A_305 : vector<16xf32>
      %add3A_307 = arith.constant 11 : i32
      %add3A_308 = vector.broadcast %add3A_307 : i32 to vector<16xi32>
      %add3A_309 = arith.addi %mul3A_255, %add3A_308 : vector<16xi32>
      %gather3A_310 = tpu.vector_load_idx %arg14[%add3A_309] : memref<1280xf32, #tpu.memory_space<vmem>>[vector<16xi32>], vector<16xf32>,
      %add3A_311 = arith.addf %add3A_306, %gather3A_310 : vector<16xf32>
      %add3A_312 = arith.constant 12 : i32
      %add3A_313 = vector.broadcast %add3A_312 : i32 to vector<16xi32>
      %add3A_314 = arith.addi %mul3A_255, %add3A_313 : vector<16xi32>
      %gather3A_315 = tpu.vector_load_idx %arg14[%add3A_314] : memref<1280xf32, #tpu.memory_space<vmem>>[vector<16xi32>], vector<16xf32>,
      %add3A_316 = arith.addf %add3A_311, %gather3A_315 : vector<16xf32>
      %add3A_317 = arith.constant 13 : i32
      %add3A_318 = vector.broadcast %add3A_317 : i32 to vector<16xi32>
      %add3A_319 = arith.addi %mul3A_255, %add3A_318 : vector<16xi32>
      %gather3A_320 = tpu.vector_load_idx %arg14[%add3A_319] : memref<1280xf32, #tpu.memory_space<vmem>>[vector<16xi32>], vector<16xf32>,
      %add3A_321 = arith.addf %add3A_316, %gather3A_320 : vector<16xf32>
      %add3A_322 = arith.constant 14 : i32
      %add3A_323 = vector.broadcast %add3A_322 : i32 to vector<16xi32>
      %add3A_324 = arith.addi %mul3A_255, %add3A_323 : vector<16xi32>
      %gather3A_325 = tpu.vector_load_idx %arg14[%add3A_324] : memref<1280xf32, #tpu.memory_space<vmem>>[vector<16xi32>], vector<16xf32>,
      %add3A_326 = arith.addf %add3A_321, %gather3A_325 : vector<16xf32>
      %add3A_327 = arith.constant 15 : i32
      %add3A_328 = vector.broadcast %add3A_327 : i32 to vector<16xi32>
      %add3A_329 = arith.addi %mul3A_255, %add3A_328 : vector<16xi32>
      %gather3A_330 = tpu.vector_load_idx %arg14[%add3A_329] : memref<1280xf32, #tpu.memory_space<vmem>>[vector<16xi32>], vector<16xf32>,
      %add3A_331 = arith.addf %add3A_326, %gather3A_330 : vector<16xf32>
      %mul3A_332 = arith.constant 16 : i32
      %mul3A_333 = arith.muli %scan3A_248, %mul3A_332 : i32
      %add3A_334 = arith.constant 9840 : i32
      %add3A_335 = arith.addi %add3A_334, %mul3A_333 : i32
      %swap3A_336 = arith.index_cast %add3A_335 : i32 to index
      %swap3A_337 = tpu.vector_load %arg15[%swap3A_336] {strides = array<i32>} : memref<10000xf32, #tpu.memory_space<vmem>>, vector<16xf32>,
      tpu.vector_store %arg15[%swap3A_336], %add3A_331 {strides = array<i32>} : memref<10000xf32, #tpu.memory_space<vmem>>, vector<16xf32>,
      %scan3A_338 = arith.constant 1 : i32
      %scan3A_339 = arith.addi %scan3A_248, %scan3A_338 : i32
      %mul3A_340 = arith.constant 16 : i32
      %mul3A_341 = arith.muli %scan3A_339, %mul3A_340 : i32
      %add3A_342 = vector.broadcast %mul3A_341 : i32 to vector<16xi32>
      %add3A_343 = arith.addi %iota3A, %add3A_342 : vector<16xi32>
      %mul3A_344 = arith.constant 16 : i32
      %mul3A_345 = vector.broadcast %mul3A_344 : i32 to vector<16xi32>
      %mul3A_346 = arith.muli %add3A_343, %mul3A_345 : vector<16xi32>
      %gather3A_347 = tpu.vector_load_idx %arg14[%mul3A_346] : memref<1280xf32, #tpu.memory_space<vmem>>[vector<16xi32>], vector<16xf32>,
      %add3A_348 = arith.constant 1 : i32
      %add3A_349 = vector.broadcast %add3A_348 : i32 to vector<16xi32>
      %add3A_350 = arith.addi %mul3A_346, %add3A_349 : vector<16xi32>
      %gather3A_351 = tpu.vector_load_idx %arg14[%add3A_350] : memref<1280xf32, #tpu.memory_space<vmem>>[vector<16xi32>], vector<16xf32>,
      %add3A_352 = arith.addf %gather3A_347, %gather3A_351 : vector<16xf32>
      %add3A_353 = arith.constant 2 : i32
      %add3A_354 = vector.broadcast %add3A_353 : i32 to vector<16xi32>
      %add3A_355 = arith.addi %mul3A_346, %add3A_354 : vector<16xi32>
      %gather3A_356 = tpu.vector_load_idx %arg14[%add3A_355] : memref<1280xf32, #tpu.memory_space<vmem>>[vector<16xi32>], vector<16xf32>,
      %add3A_357 = arith.addf %add3A_352, %gather3A_356 : vector<16xf32>
      %add3A_358 = arith.constant 3 : i32
      %add3A_359 = vector.broadcast %add3A_358 : i32 to vector<16xi32>
      %add3A_360 = arith.addi %mul3A_346, %add3A_359 : vector<16xi32>
      %gather3A_361 = tpu.vector_load_idx %arg14[%add3A_360] : memref<1280xf32, #tpu.memory_space<vmem>>[vector<16xi32>], vector<16xf32>,
      %add3A_362 = arith.addf %add3A_357, %gather3A_361 : vector<16xf32>
      %add3A_363 = arith.constant 4 : i32
      %add3A_364 = vector.broadcast %add3A_363 : i32 to vector<16xi32>
      %add3A_365 = arith.addi %mul3A_346, %add3A_364 : vector<16xi32>
      %gather3A_366 = tpu.vector_load_idx %arg14[%add3A_365] : memref<1280xf32, #tpu.memory_space<vmem>>[vector<16xi32>], vector<16xf32>,
      %add3A_367 = arith.addf %add3A_362, %gather3A_366 : vector<16xf32>
      %add3A_368 = arith.constant 5 : i32
      %add3A_369 = vector.broadcast %add3A_368 : i32 to vector<16xi32>
      %add3A_370 = arith.addi %mul3A_346, %add3A_369 : vector<16xi32>
      %gather3A_371 = tpu.vector_load_idx %arg14[%add3A_370] : memref<1280xf32, #tpu.memory_space<vmem>>[vector<16xi32>], vector<16xf32>,
      %add3A_372 = arith.addf %add3A_367, %gather3A_371 : vector<16xf32>
      %add3A_373 = arith.constant 6 : i32
      %add3A_374 = vector.broadcast %add3A_373 : i32 to vector<16xi32>
      %add3A_375 = arith.addi %mul3A_346, %add3A_374 : vector<16xi32>
      %gather3A_376 = tpu.vector_load_idx %arg14[%add3A_375] : memref<1280xf32, #tpu.memory_space<vmem>>[vector<16xi32>], vector<16xf32>,
      %add3A_377 = arith.addf %add3A_372, %gather3A_376 : vector<16xf32>
      %add3A_378 = arith.constant 7 : i32
      %add3A_379 = vector.broadcast %add3A_378 : i32 to vector<16xi32>
      %add3A_380 = arith.addi %mul3A_346, %add3A_379 : vector<16xi32>
      %gather3A_381 = tpu.vector_load_idx %arg14[%add3A_380] : memref<1280xf32, #tpu.memory_space<vmem>>[vector<16xi32>], vector<16xf32>,
      %add3A_382 = arith.addf %add3A_377, %gather3A_381 : vector<16xf32>
      %add3A_383 = arith.constant 8 : i32
      %add3A_384 = vector.broadcast %add3A_383 : i32 to vector<16xi32>
      %add3A_385 = arith.addi %mul3A_346, %add3A_384 : vector<16xi32>
      %gather3A_386 = tpu.vector_load_idx %arg14[%add3A_385] : memref<1280xf32, #tpu.memory_space<vmem>>[vector<16xi32>], vector<16xf32>,
      %add3A_387 = arith.addf %add3A_382, %gather3A_386 : vector<16xf32>
      %add3A_388 = arith.constant 9 : i32
      %add3A_389 = vector.broadcast %add3A_388 : i32 to vector<16xi32>
      %add3A_390 = arith.addi %mul3A_346, %add3A_389 : vector<16xi32>
      %gather3A_391 = tpu.vector_load_idx %arg14[%add3A_390] : memref<1280xf32, #tpu.memory_space<vmem>>[vector<16xi32>], vector<16xf32>,
      %add3A_392 = arith.addf %add3A_387, %gather3A_391 : vector<16xf32>
      %add3A_393 = arith.constant 10 : i32
      %add3A_394 = vector.broadcast %add3A_393 : i32 to vector<16xi32>
      %add3A_395 = arith.addi %mul3A_346, %add3A_394 : vector<16xi32>
      %gather3A_396 = tpu.vector_load_idx %arg14[%add3A_395] : memref<1280xf32, #tpu.memory_space<vmem>>[vector<16xi32>], vector<16xf32>,
      %add3A_397 = arith.addf %add3A_392, %gather3A_396 : vector<16xf32>
      %add3A_398 = arith.constant 11 : i32
      %add3A_399 = vector.broadcast %add3A_398 : i32 to vector<16xi32>
      %add3A_400 = arith.addi %mul3A_346, %add3A_399 : vector<16xi32>
      %gather3A_401 = tpu.vector_load_idx %arg14[%add3A_400] : memref<1280xf32, #tpu.memory_space<vmem>>[vector<16xi32>], vector<16xf32>,
      %add3A_402 = arith.addf %add3A_397, %gather3A_401 : vector<16xf32>
      %add3A_403 = arith.constant 12 : i32
      %add3A_404 = vector.broadcast %add3A_403 : i32 to vector<16xi32>
      %add3A_405 = arith.addi %mul3A_346, %add3A_404 : vector<16xi32>
      %gather3A_406 = tpu.vector_load_idx %arg14[%add3A_405] : memref<1280xf32, #tpu.memory_space<vmem>>[vector<16xi32>], vector<16xf32>,
      %add3A_407 = arith.addf %add3A_402, %gather3A_406 : vector<16xf32>
      %add3A_408 = arith.constant 13 : i32
      %add3A_409 = vector.broadcast %add3A_408 : i32 to vector<16xi32>
      %add3A_410 = arith.addi %mul3A_346, %add3A_409 : vector<16xi32>
      %gather3A_411 = tpu.vector_load_idx %arg14[%add3A_410] : memref<1280xf32, #tpu.memory_space<vmem>>[vector<16xi32>], vector<16xf32>,
      %add3A_412 = arith.addf %add3A_407, %gather3A_411 : vector<16xf32>
      %add3A_413 = arith.constant 14 : i32
      %add3A_414 = vector.broadcast %add3A_413 : i32 to vector<16xi32>
      %add3A_415 = arith.addi %mul3A_346, %add3A_414 : vector<16xi32>
      %gather3A_416 = tpu.vector_load_idx %arg14[%add3A_415] : memref<1280xf32, #tpu.memory_space<vmem>>[vector<16xi32>], vector<16xf32>,
      %add3A_417 = arith.addf %add3A_412, %gather3A_416 : vector<16xf32>
      %add3A_418 = arith.constant 15 : i32
      %add3A_419 = vector.broadcast %add3A_418 : i32 to vector<16xi32>
      %add3A_420 = arith.addi %mul3A_346, %add3A_419 : vector<16xi32>
      %gather3A_421 = tpu.vector_load_idx %arg14[%add3A_420] : memref<1280xf32, #tpu.memory_space<vmem>>[vector<16xi32>], vector<16xf32>,
      %add3A_422 = arith.addf %add3A_417, %gather3A_421 : vector<16xf32>
      %mul3A_423 = arith.constant 16 : i32
      %mul3A_424 = arith.muli %scan3A_339, %mul3A_423 : i32
      %add3A_425 = arith.constant 9840 : i32
      %add3A_426 = arith.addi %add3A_425, %mul3A_424 : i32
      %swap3A_427 = arith.index_cast %add3A_426 : i32 to index
      %swap3A_428 = tpu.vector_load %arg15[%swap3A_427] {strides = array<i32>} : memref<10000xf32, #tpu.memory_space<vmem>>, vector<16xf32>,
      tpu.vector_store %arg15[%swap3A_427], %add3A_422 {strides = array<i32>} : memref<10000xf32, #tpu.memory_space<vmem>>, vector<16xf32>,
    }
    %scan3A_55 = arith.constant 4 : i32
    %scan3A_56 = arith.addi %scan3A_51, %scan3A_55 : i32
    %mul3A_57 = arith.constant 16 : i32
    %mul3A_58 = arith.muli %scan3A_56, %mul3A_57 : i32
    %add3A_59 = vector.broadcast %mul3A_58 : i32 to vector<16xi32>
    %add3A_60 = arith.addi %iota3A, %add3A_59 : vector<16xi32>
    %mul3A_61 = arith.constant 16 : i32
    %mul3A_62 = vector.broadcast %mul3A_61 : i32 to vector<16xi32>
    %mul3A_63 = arith.muli %add3A_60, %mul3A_62 : vector<16xi32>
    %gather3A = tpu.vector_load_idx %arg14[%mul3A_63] : memref<1280xf32, #tpu.memory_space<vmem>>[vector<16xi32>], vector<16xf32>,
    %add3A_64 = arith.constant 1 : i32
    %add3A_65 = vector.broadcast %add3A_64 : i32 to vector<16xi32>
    %add3A_66 = arith.addi %mul3A_63, %add3A_65 : vector<16xi32>
    %gather3A_67 = tpu.vector_load_idx %arg14[%add3A_66] : memref<1280xf32, #tpu.memory_space<vmem>>[vector<16xi32>], vector<16xf32>,
    %add3A_68 = arith.addf %gather3A, %gather3A_67 : vector<16xf32>
    %add3A_69 = arith.constant 2 : i32
    %add3A_70 = vector.broadcast %add3A_69 : i32 to vector<16xi32>
    %add3A_71 = arith.addi %mul3A_63, %add3A_70 : vector<16xi32>
    %gather3A_72 = tpu.vector_load_idx %arg14[%add3A_71] : memref<1280xf32, #tpu.memory_space<vmem>>[vector<16xi32>], vector<16xf32>,
    %add3A_73 = arith.addf %add3A_68, %gather3A_72 : vector<16xf32>
    %add3A_74 = arith.constant 3 : i32
    %add3A_75 = vector.broadcast %add3A_74 : i32 to vector<16xi32>
    %add3A_76 = arith.addi %mul3A_63, %add3A_75 : vector<16xi32>
    %gather3A_77 = tpu.vector_load_idx %arg14[%add3A_76] : memref<1280xf32, #tpu.memory_space<vmem>>[vector<16xi32>], vector<16xf32>,
    %add3A_78 = arith.addf %add3A_73, %gather3A_77 : vector<16xf32>
    %add3A_79 = arith.constant 4 : i32
    %add3A_80 = vector.broadcast %add3A_79 : i32 to vector<16xi32>
    %add3A_81 = arith.addi %mul3A_63, %add3A_80 : vector<16xi32>
    %gather3A_82 = tpu.vector_load_idx %arg14[%add3A_81] : memref<1280xf32, #tpu.memory_space<vmem>>[vector<16xi32>], vector<16xf32>,
    %add3A_83 = arith.addf %add3A_78, %gather3A_82 : vector<16xf32>
    %add3A_84 = arith.constant 5 : i32
    %add3A_85 = vector.broadcast %add3A_84 : i32 to vector<16xi32>
    %add3A_86 = arith.addi %mul3A_63, %add3A_85 : vector<16xi32>
    %gather3A_87 = tpu.vector_load_idx %arg14[%add3A_86] : memref<1280xf32, #tpu.memory_space<vmem>>[vector<16xi32>], vector<16xf32>,
    %add3A_88 = arith.addf %add3A_83, %gather3A_87 : vector<16xf32>
    %add3A_89 = arith.constant 6 : i32
    %add3A_90 = vector.broadcast %add3A_89 : i32 to vector<16xi32>
    %add3A_91 = arith.addi %mul3A_63, %add3A_90 : vector<16xi32>
    %gather3A_92 = tpu.vector_load_idx %arg14[%add3A_91] : memref<1280xf32, #tpu.memory_space<vmem>>[vector<16xi32>], vector<16xf32>,
    %add3A_93 = arith.addf %add3A_88, %gather3A_92 : vector<16xf32>
    %add3A_94 = arith.constant 7 : i32
    %add3A_95 = vector.broadcast %add3A_94 : i32 to vector<16xi32>
    %add3A_96 = arith.addi %mul3A_63, %add3A_95 : vector<16xi32>
    %gather3A_97 = tpu.vector_load_idx %arg14[%add3A_96] : memref<1280xf32, #tpu.memory_space<vmem>>[vector<16xi32>], vector<16xf32>,
    %add3A_98 = arith.addf %add3A_93, %gather3A_97 : vector<16xf32>
    %add3A_99 = arith.constant 8 : i32
    %add3A_100 = vector.broadcast %add3A_99 : i32 to vector<16xi32>
    %add3A_101 = arith.addi %mul3A_63, %add3A_100 : vector<16xi32>
    %gather3A_102 = tpu.vector_load_idx %arg14[%add3A_101] : memref<1280xf32, #tpu.memory_space<vmem>>[vector<16xi32>], vector<16xf32>,
    %add3A_103 = arith.addf %add3A_98, %gather3A_102 : vector<16xf32>
    %add3A_104 = arith.constant 9 : i32
    %add3A_105 = vector.broadcast %add3A_104 : i32 to vector<16xi32>
    %add3A_106 = arith.addi %mul3A_63, %add3A_105 : vector<16xi32>
    %gather3A_107 = tpu.vector_load_idx %arg14[%add3A_106] : memref<1280xf32, #tpu.memory_space<vmem>>[vector<16xi32>], vector<16xf32>,
    %add3A_108 = arith.addf %add3A_103, %gather3A_107 : vector<16xf32>
    %add3A_109 = arith.constant 10 : i32
    %add3A_110 = vector.broadcast %add3A_109 : i32 to vector<16xi32>
    %add3A_111 = arith.addi %mul3A_63, %add3A_110 : vector<16xi32>
    %gather3A_112 = tpu.vector_load_idx %arg14[%add3A_111] : memref<1280xf32, #tpu.memory_space<vmem>>[vector<16xi32>], vector<16xf32>,
    %add3A_113 = arith.addf %add3A_108, %gather3A_112 : vector<16xf32>
    %add3A_114 = arith.constant 11 : i32
    %add3A_115 = vector.broadcast %add3A_114 : i32 to vector<16xi32>
    %add3A_116 = arith.addi %mul3A_63, %add3A_115 : vector<16xi32>
    %gather3A_117 = tpu.vector_load_idx %arg14[%add3A_116] : memref<1280xf32, #tpu.memory_space<vmem>>[vector<16xi32>], vector<16xf32>,
    %add3A_118 = arith.addf %add3A_113, %gather3A_117 : vector<16xf32>
    %add3A_119 = arith.constant 12 : i32
    %add3A_120 = vector.broadcast %add3A_119 : i32 to vector<16xi32>
    %add3A_121 = arith.addi %mul3A_63, %add3A_120 : vector<16xi32>
    %gather3A_122 = tpu.vector_load_idx %arg14[%add3A_121] : memref<1280xf32, #tpu.memory_space<vmem>>[vector<16xi32>], vector<16xf32>,
    %add3A_123 = arith.addf %add3A_118, %gather3A_122 : vector<16xf32>
    %add3A_124 = arith.constant 13 : i32
    %add3A_125 = vector.broadcast %add3A_124 : i32 to vector<16xi32>
    %add3A_126 = arith.addi %mul3A_63, %add3A_125 : vector<16xi32>
    %gather3A_127 = tpu.vector_load_idx %arg14[%add3A_126] : memref<1280xf32, #tpu.memory_space<vmem>>[vector<16xi32>], vector<16xf32>,
    %add3A_128 = arith.addf %add3A_123, %gather3A_127 : vector<16xf32>
    %add3A_129 = arith.constant 14 : i32
    %add3A_130 = vector.broadcast %add3A_129 : i32 to vector<16xi32>
    %add3A_131 = arith.addi %mul3A_63, %add3A_130 : vector<16xi32>
    %gather3A_132 = tpu.vector_load_idx %arg14[%add3A_131] : memref<1280xf32, #tpu.memory_space<vmem>>[vector<16xi32>], vector<16xf32>,
    %add3A_133 = arith.addf %add3A_128, %gather3A_132 : vector<16xf32>
    %add3A_134 = arith.constant 15 : i32
    %add3A_135 = vector.broadcast %add3A_134 : i32 to vector<16xi32>
    %add3A_136 = arith.addi %mul3A_63, %add3A_135 : vector<16xi32>
    %gather3A_137 = tpu.vector_load_idx %arg14[%add3A_136] : memref<1280xf32, #tpu.memory_space<vmem>>[vector<16xi32>], vector<16xf32>,
    %add3A_138 = arith.addf %add3A_133, %gather3A_137 : vector<16xf32>
    %mul3A_139 = arith.constant 16 : i32
    %mul3A_140 = arith.muli %scan3A_56, %mul3A_139 : i32
    %add3A_141 = arith.constant 9840 : i32
    %add3A_142 = arith.addi %add3A_141, %mul3A_140 : i32
    %swap3A = arith.index_cast %add3A_142 : i32 to index
    %swap3A_143 = tpu.vector_load %arg15[%swap3A] {strides = array<i32>} : memref<10000xf32, #tpu.memory_space<vmem>>, vector<16xf32>,
    tpu.vector_store %arg15[%swap3A], %add3A_138 {strides = array<i32>} : memref<10000xf32, #tpu.memory_space<vmem>>, vector<16xf32>,
    %scan3A_144 = arith.constant 5 : i32
    tpu.wait_dma2 semaphore(%arg22 : memref<!tpu.dma_semaphore, #tpu.memory_space<semaphore_mem>>) src(%arg3 : memref<10000x128xf32, #tpu.memory_space<hbm>>) dst(%arg12 : memref<80x128xf32, #tpu.memory_space<vmem>>)
    %scan3A_145 = arith.constant 0 : i32
    %scan3A_146 = arith.constant 0 : i32
    %scan3A_147 = arith.constant 80 : i32
    %scan3A_148 = arith.addi %scan3A_146, %scan3A_147 : i32
    %scan3A_149 = arith.constant 4 : i32
    scf.for %scan3A_248 = %scan3A_146 to %scan3A_148 step %scan3A_149  : i32 {
      %get3A_249 = arith.index_cast %scan3A_248 : i32 to index
      %get3A_250 = arith.constant 0 : index
      %get3A_251 = tpu.vector_load %arg12[%get3A_249, %get3A_250] {strides = array<i32>} : memref<80x128xf32, #tpu.memory_space<vmem>>, vector<16xf32>,
      %max3A = arith.constant 0.000000e+00 : f32
      %max3A_252 = vector.broadcast %max3A : f32 to vector<16xf32>
      %max3A_253 = arith.maximumf %get3A_251, %max3A_252 : vector<16xf32>
      %mul3A_254 = arith.mulf %max3A_253, %get3A_3 : vector<16xf32>
      %add3A_255 = arith.addf %get3A_19, %mul3A_254 : vector<16xf32>
      %get3A_256 = arith.index_cast %scan3A_248 : i32 to index
      %get3A_257 = arith.constant 16 : index
      %get3A_258 = tpu.vector_load %arg12[%get3A_256, %get3A_257] {strides = array<i32>} : memref<80x128xf32, #tpu.memory_space<vmem>>, vector<16xf32>,
      %max3A_259 = arith.constant 0.000000e+00 : f32
      %max3A_260 = vector.broadcast %max3A_259 : f32 to vector<16xf32>
      %max3A_261 = arith.maximumf %get3A_258, %max3A_260 : vector<16xf32>
      %mul3A_262 = arith.mulf %max3A_261, %get3A_5 : vector<16xf32>
      %add3A_263 = arith.addf %add3A_255, %mul3A_262 : vector<16xf32>
      %get3A_264 = arith.index_cast %scan3A_248 : i32 to index
      %get3A_265 = arith.constant 32 : index
      %get3A_266 = tpu.vector_load %arg12[%get3A_264, %get3A_265] {strides = array<i32>} : memref<80x128xf32, #tpu.memory_space<vmem>>, vector<16xf32>,
      %max3A_267 = arith.constant 0.000000e+00 : f32
      %max3A_268 = vector.broadcast %max3A_267 : f32 to vector<16xf32>
      %max3A_269 = arith.maximumf %get3A_266, %max3A_268 : vector<16xf32>
      %mul3A_270 = arith.mulf %max3A_269, %get3A_7 : vector<16xf32>
      %add3A_271 = arith.addf %add3A_263, %mul3A_270 : vector<16xf32>
      %get3A_272 = arith.index_cast %scan3A_248 : i32 to index
      %get3A_273 = arith.constant 48 : index
      %get3A_274 = tpu.vector_load %arg12[%get3A_272, %get3A_273] {strides = array<i32>} : memref<80x128xf32, #tpu.memory_space<vmem>>, vector<16xf32>,
      %max3A_275 = arith.constant 0.000000e+00 : f32
      %max3A_276 = vector.broadcast %max3A_275 : f32 to vector<16xf32>
      %max3A_277 = arith.maximumf %get3A_274, %max3A_276 : vector<16xf32>
      %mul3A_278 = arith.mulf %max3A_277, %get3A_9 : vector<16xf32>
      %add3A_279 = arith.addf %add3A_271, %mul3A_278 : vector<16xf32>
      %get3A_280 = arith.index_cast %scan3A_248 : i32 to index
      %get3A_281 = arith.constant 64 : index
      %get3A_282 = tpu.vector_load %arg12[%get3A_280, %get3A_281] {strides = array<i32>} : memref<80x128xf32, #tpu.memory_space<vmem>>, vector<16xf32>,
      %max3A_283 = arith.constant 0.000000e+00 : f32
      %max3A_284 = vector.broadcast %max3A_283 : f32 to vector<16xf32>
      %max3A_285 = arith.maximumf %get3A_282, %max3A_284 : vector<16xf32>
      %mul3A_286 = arith.mulf %max3A_285, %get3A_11 : vector<16xf32>
      %add3A_287 = arith.addf %add3A_279, %mul3A_286 : vector<16xf32>
      %get3A_288 = arith.index_cast %scan3A_248 : i32 to index
      %get3A_289 = arith.constant 80 : index
      %get3A_290 = tpu.vector_load %arg12[%get3A_288, %get3A_289] {strides = array<i32>} : memref<80x128xf32, #tpu.memory_space<vmem>>, vector<16xf32>,
      %max3A_291 = arith.constant 0.000000e+00 : f32
      %max3A_292 = vector.broadcast %max3A_291 : f32 to vector<16xf32>
      %max3A_293 = arith.maximumf %get3A_290, %max3A_292 : vector<16xf32>
      %mul3A_294 = arith.mulf %max3A_293, %get3A_13 : vector<16xf32>
      %add3A_295 = arith.addf %add3A_287, %mul3A_294 : vector<16xf32>
      %get3A_296 = arith.index_cast %scan3A_248 : i32 to index
      %get3A_297 = arith.constant 96 : index
      %get3A_298 = tpu.vector_load %arg12[%get3A_296, %get3A_297] {strides = array<i32>} : memref<80x128xf32, #tpu.memory_space<vmem>>, vector<16xf32>,
      %max3A_299 = arith.constant 0.000000e+00 : f32
      %max3A_300 = vector.broadcast %max3A_299 : f32 to vector<16xf32>
      %max3A_301 = arith.maximumf %get3A_298, %max3A_300 : vector<16xf32>
      %mul3A_302 = arith.mulf %max3A_301, %get3A_15 : vector<16xf32>
      %add3A_303 = arith.addf %add3A_295, %mul3A_302 : vector<16xf32>
      %get3A_304 = arith.index_cast %scan3A_248 : i32 to index
      %get3A_305 = arith.constant 112 : index
      %get3A_306 = tpu.vector_load %arg12[%get3A_304, %get3A_305] {strides = array<i32>} : memref<80x128xf32, #tpu.memory_space<vmem>>, vector<16xf32>,
      %max3A_307 = arith.constant 0.000000e+00 : f32
      %max3A_308 = vector.broadcast %max3A_307 : f32 to vector<16xf32>
      %max3A_309 = arith.maximumf %get3A_306, %max3A_308 : vector<16xf32>
      %mul3A_310 = arith.mulf %max3A_309, %get3A_17 : vector<16xf32>
      %add3A_311 = arith.addf %add3A_303, %mul3A_310 : vector<16xf32>
      %mul3A_312 = arith.constant 16 : i32
      %mul3A_313 = arith.muli %scan3A_248, %mul3A_312 : i32
      %swap3A_314 = arith.index_cast %mul3A_313 : i32 to index
      %swap3A_315 = tpu.vector_load %arg14[%swap3A_314] {strides = array<i32>} : memref<1280xf32, #tpu.memory_space<vmem>>, vector<16xf32>,
      tpu.vector_store %arg14[%swap3A_314], %add3A_311 {strides = array<i32>} : memref<1280xf32, #tpu.memory_space<vmem>>, vector<16xf32>,
      %scan3A_316 = arith.constant 1 : i32
      %scan3A_317 = arith.addi %scan3A_248, %scan3A_316 : i32
      %get3A_318 = arith.index_cast %scan3A_317 : i32 to index
      %get3A_319 = arith.constant 0 : index
      %get3A_320 = tpu.vector_load %arg12[%get3A_318, %get3A_319] {strides = array<i32>} : memref<80x128xf32, #tpu.memory_space<vmem>>, vector<16xf32>,
      %max3A_321 = arith.constant 0.000000e+00 : f32
      %max3A_322 = vector.broadcast %max3A_321 : f32 to vector<16xf32>
      %max3A_323 = arith.maximumf %get3A_320, %max3A_322 : vector<16xf32>
      %mul3A_324 = arith.mulf %max3A_323, %get3A_3 : vector<16xf32>
      %add3A_325 = arith.addf %get3A_19, %mul3A_324 : vector<16xf32>
      %get3A_326 = arith.index_cast %scan3A_317 : i32 to index
      %get3A_327 = arith.constant 16 : index
      %get3A_328 = tpu.vector_load %arg12[%get3A_326, %get3A_327] {strides = array<i32>} : memref<80x128xf32, #tpu.memory_space<vmem>>, vector<16xf32>,
      %max3A_329 = arith.constant 0.000000e+00 : f32
      %max3A_330 = vector.broadcast %max3A_329 : f32 to vector<16xf32>
      %max3A_331 = arith.maximumf %get3A_328, %max3A_330 : vector<16xf32>
      %mul3A_332 = arith.mulf %max3A_331, %get3A_5 : vector<16xf32>
      %add3A_333 = arith.addf %add3A_325, %mul3A_332 : vector<16xf32>
      %get3A_334 = arith.index_cast %scan3A_317 : i32 to index
      %get3A_335 = arith.constant 32 : index
      %get3A_336 = tpu.vector_load %arg12[%get3A_334, %get3A_335] {strides = array<i32>} : memref<80x128xf32, #tpu.memory_space<vmem>>, vector<16xf32>,
      %max3A_337 = arith.constant 0.000000e+00 : f32
      %max3A_338 = vector.broadcast %max3A_337 : f32 to vector<16xf32>
      %max3A_339 = arith.maximumf %get3A_336, %max3A_338 : vector<16xf32>
      %mul3A_340 = arith.mulf %max3A_339, %get3A_7 : vector<16xf32>
      %add3A_341 = arith.addf %add3A_333, %mul3A_340 : vector<16xf32>
      %get3A_342 = arith.index_cast %scan3A_317 : i32 to index
      %get3A_343 = arith.constant 48 : index
      %get3A_344 = tpu.vector_load %arg12[%get3A_342, %get3A_343] {strides = array<i32>} : memref<80x128xf32, #tpu.memory_space<vmem>>, vector<16xf32>,
      %max3A_345 = arith.constant 0.000000e+00 : f32
      %max3A_346 = vector.broadcast %max3A_345 : f32 to vector<16xf32>
      %max3A_347 = arith.maximumf %get3A_344, %max3A_346 : vector<16xf32>
      %mul3A_348 = arith.mulf %max3A_347, %get3A_9 : vector<16xf32>
      %add3A_349 = arith.addf %add3A_341, %mul3A_348 : vector<16xf32>
      %get3A_350 = arith.index_cast %scan3A_317 : i32 to index
      %get3A_351 = arith.constant 64 : index
      %get3A_352 = tpu.vector_load %arg12[%get3A_350, %get3A_351] {strides = array<i32>} : memref<80x128xf32, #tpu.memory_space<vmem>>, vector<16xf32>,
      %max3A_353 = arith.constant 0.000000e+00 : f32
      %max3A_354 = vector.broadcast %max3A_353 : f32 to vector<16xf32>
      %max3A_355 = arith.maximumf %get3A_352, %max3A_354 : vector<16xf32>
      %mul3A_356 = arith.mulf %max3A_355, %get3A_11 : vector<16xf32>
      %add3A_357 = arith.addf %add3A_349, %mul3A_356 : vector<16xf32>
      %get3A_358 = arith.index_cast %scan3A_317 : i32 to index
      %get3A_359 = arith.constant 80 : index
      %get3A_360 = tpu.vector_load %arg12[%get3A_358, %get3A_359] {strides = array<i32>} : memref<80x128xf32, #tpu.memory_space<vmem>>, vector<16xf32>,
      %max3A_361 = arith.constant 0.000000e+00 : f32
      %max3A_362 = vector.broadcast %max3A_361 : f32 to vector<16xf32>
      %max3A_363 = arith.maximumf %get3A_360, %max3A_362 : vector<16xf32>
      %mul3A_364 = arith.mulf %max3A_363, %get3A_13 : vector<16xf32>
      %add3A_365 = arith.addf %add3A_357, %mul3A_364 : vector<16xf32>
      %get3A_366 = arith.index_cast %scan3A_317 : i32 to index
      %get3A_367 = arith.constant 96 : index
      %get3A_368 = tpu.vector_load %arg12[%get3A_366, %get3A_367] {strides = array<i32>} : memref<80x128xf32, #tpu.memory_space<vmem>>, vector<16xf32>,
      %max3A_369 = arith.constant 0.000000e+00 : f32
      %max3A_370 = vector.broadcast %max3A_369 : f32 to vector<16xf32>
      %max3A_371 = arith.maximumf %get3A_368, %max3A_370 : vector<16xf32>
      %mul3A_372 = arith.mulf %max3A_371, %get3A_15 : vector<16xf32>
      %add3A_373 = arith.addf %add3A_365, %mul3A_372 : vector<16xf32>
      %get3A_374 = arith.index_cast %scan3A_317 : i32 to index
      %get3A_375 = arith.constant 112 : index
      %get3A_376 = tpu.vector_load %arg12[%get3A_374, %get3A_375] {strides = array<i32>} : memref<80x128xf32, #tpu.memory_space<vmem>>, vector<16xf32>,
      %max3A_377 = arith.constant 0.000000e+00 : f32
      %max3A_378 = vector.broadcast %max3A_377 : f32 to vector<16xf32>
      %max3A_379 = arith.maximumf %get3A_376, %max3A_378 : vector<16xf32>
      %mul3A_380 = arith.mulf %max3A_379, %get3A_17 : vector<16xf32>
      %add3A_381 = arith.addf %add3A_373, %mul3A_380 : vector<16xf32>
      %mul3A_382 = arith.constant 16 : i32
      %mul3A_383 = arith.muli %scan3A_317, %mul3A_382 : i32
      %swap3A_384 = arith.index_cast %mul3A_383 : i32 to index
      %swap3A_385 = tpu.vector_load %arg14[%swap3A_384] {strides = array<i32>} : memref<1280xf32, #tpu.memory_space<vmem>>, vector<16xf32>,
      tpu.vector_store %arg14[%swap3A_384], %add3A_381 {strides = array<i32>} : memref<1280xf32, #tpu.memory_space<vmem>>, vector<16xf32>,
      %scan3A_386 = arith.constant 2 : i32
      %scan3A_387 = arith.addi %scan3A_248, %scan3A_386 : i32
      %get3A_388 = arith.index_cast %scan3A_387 : i32 to index
      %get3A_389 = arith.constant 0 : index
      %get3A_390 = tpu.vector_load %arg12[%get3A_388, %get3A_389] {strides = array<i32>} : memref<80x128xf32, #tpu.memory_space<vmem>>, vector<16xf32>,
      %max3A_391 = arith.constant 0.000000e+00 : f32
      %max3A_392 = vector.broadcast %max3A_391 : f32 to vector<16xf32>
      %max3A_393 = arith.maximumf %get3A_390, %max3A_392 : vector<16xf32>
      %mul3A_394 = arith.mulf %max3A_393, %get3A_3 : vector<16xf32>
      %add3A_395 = arith.addf %get3A_19, %mul3A_394 : vector<16xf32>
      %get3A_396 = arith.index_cast %scan3A_387 : i32 to index
      %get3A_397 = arith.constant 16 : index
      %get3A_398 = tpu.vector_load %arg12[%get3A_396, %get3A_397] {strides = array<i32>} : memref<80x128xf32, #tpu.memory_space<vmem>>, vector<16xf32>,
      %max3A_399 = arith.constant 0.000000e+00 : f32
      %max3A_400 = vector.broadcast %max3A_399 : f32 to vector<16xf32>
      %max3A_401 = arith.maximumf %get3A_398, %max3A_400 : vector<16xf32>
      %mul3A_402 = arith.mulf %max3A_401, %get3A_5 : vector<16xf32>
      %add3A_403 = arith.addf %add3A_395, %mul3A_402 : vector<16xf32>
      %get3A_404 = arith.index_cast %scan3A_387 : i32 to index
      %get3A_405 = arith.constant 32 : index
      %get3A_406 = tpu.vector_load %arg12[%get3A_404, %get3A_405] {strides = array<i32>} : memref<80x128xf32, #tpu.memory_space<vmem>>, vector<16xf32>,
      %max3A_407 = arith.constant 0.000000e+00 : f32
      %max3A_408 = vector.broadcast %max3A_407 : f32 to vector<16xf32>
      %max3A_409 = arith.maximumf %get3A_406, %max3A_408 : vector<16xf32>
      %mul3A_410 = arith.mulf %max3A_409, %get3A_7 : vector<16xf32>
      %add3A_411 = arith.addf %add3A_403, %mul3A_410 : vector<16xf32>
      %get3A_412 = arith.index_cast %scan3A_387 : i32 to index
      %get3A_413 = arith.constant 48 : index
      %get3A_414 = tpu.vector_load %arg12[%get3A_412, %get3A_413] {strides = array<i32>} : memref<80x128xf32, #tpu.memory_space<vmem>>, vector<16xf32>,
      %max3A_415 = arith.constant 0.000000e+00 : f32
      %max3A_416 = vector.broadcast %max3A_415 : f32 to vector<16xf32>
      %max3A_417 = arith.maximumf %get3A_414, %max3A_416 : vector<16xf32>
      %mul3A_418 = arith.mulf %max3A_417, %get3A_9 : vector<16xf32>
      %add3A_419 = arith.addf %add3A_411, %mul3A_418 : vector<16xf32>
      %get3A_420 = arith.index_cast %scan3A_387 : i32 to index
      %get3A_421 = arith.constant 64 : index
      %get3A_422 = tpu.vector_load %arg12[%get3A_420, %get3A_421] {strides = array<i32>} : memref<80x128xf32, #tpu.memory_space<vmem>>, vector<16xf32>,
      %max3A_423 = arith.constant 0.000000e+00 : f32
      %max3A_424 = vector.broadcast %max3A_423 : f32 to vector<16xf32>
      %max3A_425 = arith.maximumf %get3A_422, %max3A_424 : vector<16xf32>
      %mul3A_426 = arith.mulf %max3A_425, %get3A_11 : vector<16xf32>
      %add3A_427 = arith.addf %add3A_419, %mul3A_426 : vector<16xf32>
      %get3A_428 = arith.index_cast %scan3A_387 : i32 to index
      %get3A_429 = arith.constant 80 : index
      %get3A_430 = tpu.vector_load %arg12[%get3A_428, %get3A_429] {strides = array<i32>} : memref<80x128xf32, #tpu.memory_space<vmem>>, vector<16xf32>,
      %max3A_431 = arith.constant 0.000000e+00 : f32
      %max3A_432 = vector.broadcast %max3A_431 : f32 to vector<16xf32>
      %max3A_433 = arith.maximumf %get3A_430, %max3A_432 : vector<16xf32>
      %mul3A_434 = arith.mulf %max3A_433, %get3A_13 : vector<16xf32>
      %add3A_435 = arith.addf %add3A_427, %mul3A_434 : vector<16xf32>
      %get3A_436 = arith.index_cast %scan3A_387 : i32 to index
      %get3A_437 = arith.constant 96 : index
      %get3A_438 = tpu.vector_load %arg12[%get3A_436, %get3A_437] {strides = array<i32>} : memref<80x128xf32, #tpu.memory_space<vmem>>, vector<16xf32>,
      %max3A_439 = arith.constant 0.000000e+00 : f32
      %max3A_440 = vector.broadcast %max3A_439 : f32 to vector<16xf32>
      %max3A_441 = arith.maximumf %get3A_438, %max3A_440 : vector<16xf32>
      %mul3A_442 = arith.mulf %max3A_441, %get3A_15 : vector<16xf32>
      %add3A_443 = arith.addf %add3A_435, %mul3A_442 : vector<16xf32>
      %get3A_444 = arith.index_cast %scan3A_387 : i32 to index
      %get3A_445 = arith.constant 112 : index
      %get3A_446 = tpu.vector_load %arg12[%get3A_444, %get3A_445] {strides = array<i32>} : memref<80x128xf32, #tpu.memory_space<vmem>>, vector<16xf32>,
      %max3A_447 = arith.constant 0.000000e+00 : f32
      %max3A_448 = vector.broadcast %max3A_447 : f32 to vector<16xf32>
      %max3A_449 = arith.maximumf %get3A_446, %max3A_448 : vector<16xf32>
      %mul3A_450 = arith.mulf %max3A_449, %get3A_17 : vector<16xf32>
      %add3A_451 = arith.addf %add3A_443, %mul3A_450 : vector<16xf32>
      %mul3A_452 = arith.constant 16 : i32
      %mul3A_453 = arith.muli %scan3A_387, %mul3A_452 : i32
      %swap3A_454 = arith.index_cast %mul3A_453 : i32 to index
      %swap3A_455 = tpu.vector_load %arg14[%swap3A_454] {strides = array<i32>} : memref<1280xf32, #tpu.memory_space<vmem>>, vector<16xf32>,
      tpu.vector_store %arg14[%swap3A_454], %add3A_451 {strides = array<i32>} : memref<1280xf32, #tpu.memory_space<vmem>>, vector<16xf32>,
      %scan3A_456 = arith.constant 3 : i32
      %scan3A_457 = arith.addi %scan3A_248, %scan3A_456 : i32
      %get3A_458 = arith.index_cast %scan3A_457 : i32 to index
      %get3A_459 = arith.constant 0 : index
      %get3A_460 = tpu.vector_load %arg12[%get3A_458, %get3A_459] {strides = array<i32>} : memref<80x128xf32, #tpu.memory_space<vmem>>, vector<16xf32>,
      %max3A_461 = arith.constant 0.000000e+00 : f32
      %max3A_462 = vector.broadcast %max3A_461 : f32 to vector<16xf32>
      %max3A_463 = arith.maximumf %get3A_460, %max3A_462 : vector<16xf32>
      %mul3A_464 = arith.mulf %max3A_463, %get3A_3 : vector<16xf32>
      %add3A_465 = arith.addf %get3A_19, %mul3A_464 : vector<16xf32>
      %get3A_466 = arith.index_cast %scan3A_457 : i32 to index
      %get3A_467 = arith.constant 16 : index
      %get3A_468 = tpu.vector_load %arg12[%get3A_466, %get3A_467] {strides = array<i32>} : memref<80x128xf32, #tpu.memory_space<vmem>>, vector<16xf32>,
      %max3A_469 = arith.constant 0.000000e+00 : f32
      %max3A_470 = vector.broadcast %max3A_469 : f32 to vector<16xf32>
      %max3A_471 = arith.maximumf %get3A_468, %max3A_470 : vector<16xf32>
      %mul3A_472 = arith.mulf %max3A_471, %get3A_5 : vector<16xf32>
      %add3A_473 = arith.addf %add3A_465, %mul3A_472 : vector<16xf32>
      %get3A_474 = arith.index_cast %scan3A_457 : i32 to index
      %get3A_475 = arith.constant 32 : index
      %get3A_476 = tpu.vector_load %arg12[%get3A_474, %get3A_475] {strides = array<i32>} : memref<80x128xf32, #tpu.memory_space<vmem>>, vector<16xf32>,
      %max3A_477 = arith.constant 0.000000e+00 : f32
      %max3A_478 = vector.broadcast %max3A_477 : f32 to vector<16xf32>
      %max3A_479 = arith.maximumf %get3A_476, %max3A_478 : vector<16xf32>
      %mul3A_480 = arith.mulf %max3A_479, %get3A_7 : vector<16xf32>
      %add3A_481 = arith.addf %add3A_473, %mul3A_480 : vector<16xf32>
      %get3A_482 = arith.index_cast %scan3A_457 : i32 to index
      %get3A_483 = arith.constant 48 : index
      %get3A_484 = tpu.vector_load %arg12[%get3A_482, %get3A_483] {strides = array<i32>} : memref<80x128xf32, #tpu.memory_space<vmem>>, vector<16xf32>,
      %max3A_485 = arith.constant 0.000000e+00 : f32
      %max3A_486 = vector.broadcast %max3A_485 : f32 to vector<16xf32>
      %max3A_487 = arith.maximumf %get3A_484, %max3A_486 : vector<16xf32>
      %mul3A_488 = arith.mulf %max3A_487, %get3A_9 : vector<16xf32>
      %add3A_489 = arith.addf %add3A_481, %mul3A_488 : vector<16xf32>
      %get3A_490 = arith.index_cast %scan3A_457 : i32 to index
      %get3A_491 = arith.constant 64 : index
      %get3A_492 = tpu.vector_load %arg12[%get3A_490, %get3A_491] {strides = array<i32>} : memref<80x128xf32, #tpu.memory_space<vmem>>, vector<16xf32>,
      %max3A_493 = arith.constant 0.000000e+00 : f32
      %max3A_494 = vector.broadcast %max3A_493 : f32 to vector<16xf32>
      %max3A_495 = arith.maximumf %get3A_492, %max3A_494 : vector<16xf32>
      %mul3A_496 = arith.mulf %max3A_495, %get3A_11 : vector<16xf32>
      %add3A_497 = arith.addf %add3A_489, %mul3A_496 : vector<16xf32>
      %get3A_498 = arith.index_cast %scan3A_457 : i32 to index
      %get3A_499 = arith.constant 80 : index
      %get3A_500 = tpu.vector_load %arg12[%get3A_498, %get3A_499] {strides = array<i32>} : memref<80x128xf32, #tpu.memory_space<vmem>>, vector<16xf32>,
      %max3A_501 = arith.constant 0.000000e+00 : f32
      %max3A_502 = vector.broadcast %max3A_501 : f32 to vector<16xf32>
      %max3A_503 = arith.maximumf %get3A_500, %max3A_502 : vector<16xf32>
      %mul3A_504 = arith.mulf %max3A_503, %get3A_13 : vector<16xf32>
      %add3A_505 = arith.addf %add3A_497, %mul3A_504 : vector<16xf32>
      %get3A_506 = arith.index_cast %scan3A_457 : i32 to index
      %get3A_507 = arith.constant 96 : index
      %get3A_508 = tpu.vector_load %arg12[%get3A_506, %get3A_507] {strides = array<i32>} : memref<80x128xf32, #tpu.memory_space<vmem>>, vector<16xf32>,
      %max3A_509 = arith.constant 0.000000e+00 : f32
      %max3A_510 = vector.broadcast %max3A_509 : f32 to vector<16xf32>
      %max3A_511 = arith.maximumf %get3A_508, %max3A_510 : vector<16xf32>
      %mul3A_512 = arith.mulf %max3A_511, %get3A_15 : vector<16xf32>
      %add3A_513 = arith.addf %add3A_505, %mul3A_512 : vector<16xf32>
      %get3A_514 = arith.index_cast %scan3A_457 : i32 to index
      %get3A_515 = arith.constant 112 : index
      %get3A_516 = tpu.vector_load %arg12[%get3A_514, %get3A_515] {strides = array<i32>} : memref<80x128xf32, #tpu.memory_space<vmem>>, vector<16xf32>,
      %max3A_517 = arith.constant 0.000000e+00 : f32
      %max3A_518 = vector.broadcast %max3A_517 : f32 to vector<16xf32>
      %max3A_519 = arith.maximumf %get3A_516, %max3A_518 : vector<16xf32>
      %mul3A_520 = arith.mulf %max3A_519, %get3A_17 : vector<16xf32>
      %add3A_521 = arith.addf %add3A_513, %mul3A_520 : vector<16xf32>
      %mul3A_522 = arith.constant 16 : i32
      %mul3A_523 = arith.muli %scan3A_457, %mul3A_522 : i32
      %swap3A_524 = arith.index_cast %mul3A_523 : i32 to index
      %swap3A_525 = tpu.vector_load %arg14[%swap3A_524] {strides = array<i32>} : memref<1280xf32, #tpu.memory_space<vmem>>, vector<16xf32>,
      tpu.vector_store %arg14[%swap3A_524], %add3A_521 {strides = array<i32>} : memref<1280xf32, #tpu.memory_space<vmem>>, vector<16xf32>,
    }
    %scan3A_150 = arith.constant 80 : i32
    %scan3A_151 = arith.constant 0 : i32
    %scan3A_152 = arith.constant 0 : i32
    %scan3A_153 = arith.constant 4 : i32
    %scan3A_154 = arith.addi %scan3A_152, %scan3A_153 : i32
    %scan3A_155 = arith.constant 2 : i32
    scf.for %scan3A_248 = %scan3A_152 to %scan3A_154 step %scan3A_155  : i32 {
      %mul3A_249 = arith.constant 16 : i32
      %mul3A_250 = arith.muli %scan3A_248, %mul3A_249 : i32
      %add3A_251 = vector.broadcast %mul3A_250 : i32 to vector<16xi32>
      %add3A_252 = arith.addi %iota3A, %add3A_251 : vector<16xi32>
      %mul3A_253 = arith.constant 16 : i32
      %mul3A_254 = vector.broadcast %mul3A_253 : i32 to vector<16xi32>
      %mul3A_255 = arith.muli %add3A_252, %mul3A_254 : vector<16xi32>
      %gather3A_256 = tpu.vector_load_idx %arg14[%mul3A_255] : memref<1280xf32, #tpu.memory_space<vmem>>[vector<16xi32>], vector<16xf32>,
      %add3A_257 = arith.constant 1 : i32
      %add3A_258 = vector.broadcast %add3A_257 : i32 to vector<16xi32>
      %add3A_259 = arith.addi %mul3A_255, %add3A_258 : vector<16xi32>
      %gather3A_260 = tpu.vector_load_idx %arg14[%add3A_259] : memref<1280xf32, #tpu.memory_space<vmem>>[vector<16xi32>], vector<16xf32>,
      %add3A_261 = arith.addf %gather3A_256, %gather3A_260 : vector<16xf32>
      %add3A_262 = arith.constant 2 : i32
      %add3A_263 = vector.broadcast %add3A_262 : i32 to vector<16xi32>
      %add3A_264 = arith.addi %mul3A_255, %add3A_263 : vector<16xi32>
      %gather3A_265 = tpu.vector_load_idx %arg14[%add3A_264] : memref<1280xf32, #tpu.memory_space<vmem>>[vector<16xi32>], vector<16xf32>,
      %add3A_266 = arith.addf %add3A_261, %gather3A_265 : vector<16xf32>
      %add3A_267 = arith.constant 3 : i32
      %add3A_268 = vector.broadcast %add3A_267 : i32 to vector<16xi32>
      %add3A_269 = arith.addi %mul3A_255, %add3A_268 : vector<16xi32>
      %gather3A_270 = tpu.vector_load_idx %arg14[%add3A_269] : memref<1280xf32, #tpu.memory_space<vmem>>[vector<16xi32>], vector<16xf32>,
      %add3A_271 = arith.addf %add3A_266, %gather3A_270 : vector<16xf32>
      %add3A_272 = arith.constant 4 : i32
      %add3A_273 = vector.broadcast %add3A_272 : i32 to vector<16xi32>
      %add3A_274 = arith.addi %mul3A_255, %add3A_273 : vector<16xi32>
      %gather3A_275 = tpu.vector_load_idx %arg14[%add3A_274] : memref<1280xf32, #tpu.memory_space<vmem>>[vector<16xi32>], vector<16xf32>,
      %add3A_276 = arith.addf %add3A_271, %gather3A_275 : vector<16xf32>
      %add3A_277 = arith.constant 5 : i32
      %add3A_278 = vector.broadcast %add3A_277 : i32 to vector<16xi32>
      %add3A_279 = arith.addi %mul3A_255, %add3A_278 : vector<16xi32>
      %gather3A_280 = tpu.vector_load_idx %arg14[%add3A_279] : memref<1280xf32, #tpu.memory_space<vmem>>[vector<16xi32>], vector<16xf32>,
      %add3A_281 = arith.addf %add3A_276, %gather3A_280 : vector<16xf32>
      %add3A_282 = arith.constant 6 : i32
      %add3A_283 = vector.broadcast %add3A_282 : i32 to vector<16xi32>
      %add3A_284 = arith.addi %mul3A_255, %add3A_283 : vector<16xi32>
      %gather3A_285 = tpu.vector_load_idx %arg14[%add3A_284] : memref<1280xf32, #tpu.memory_space<vmem>>[vector<16xi32>], vector<16xf32>,
      %add3A_286 = arith.addf %add3A_281, %gather3A_285 : vector<16xf32>
      %add3A_287 = arith.constant 7 : i32
      %add3A_288 = vector.broadcast %add3A_287 : i32 to vector<16xi32>
      %add3A_289 = arith.addi %mul3A_255, %add3A_288 : vector<16xi32>
      %gather3A_290 = tpu.vector_load_idx %arg14[%add3A_289] : memref<1280xf32, #tpu.memory_space<vmem>>[vector<16xi32>], vector<16xf32>,
      %add3A_291 = arith.addf %add3A_286, %gather3A_290 : vector<16xf32>
      %add3A_292 = arith.constant 8 : i32
      %add3A_293 = vector.broadcast %add3A_292 : i32 to vector<16xi32>
      %add3A_294 = arith.addi %mul3A_255, %add3A_293 : vector<16xi32>
      %gather3A_295 = tpu.vector_load_idx %arg14[%add3A_294] : memref<1280xf32, #tpu.memory_space<vmem>>[vector<16xi32>], vector<16xf32>,
      %add3A_296 = arith.addf %add3A_291, %gather3A_295 : vector<16xf32>
      %add3A_297 = arith.constant 9 : i32
      %add3A_298 = vector.broadcast %add3A_297 : i32 to vector<16xi32>
      %add3A_299 = arith.addi %mul3A_255, %add3A_298 : vector<16xi32>
      %gather3A_300 = tpu.vector_load_idx %arg14[%add3A_299] : memref<1280xf32, #tpu.memory_space<vmem>>[vector<16xi32>], vector<16xf32>,
      %add3A_301 = arith.addf %add3A_296, %gather3A_300 : vector<16xf32>
      %add3A_302 = arith.constant 10 : i32
      %add3A_303 = vector.broadcast %add3A_302 : i32 to vector<16xi32>
      %add3A_304 = arith.addi %mul3A_255, %add3A_303 : vector<16xi32>
      %gather3A_305 = tpu.vector_load_idx %arg14[%add3A_304] : memref<1280xf32, #tpu.memory_space<vmem>>[vector<16xi32>], vector<16xf32>,
      %add3A_306 = arith.addf %add3A_301, %gather3A_305 : vector<16xf32>
      %add3A_307 = arith.constant 11 : i32
      %add3A_308 = vector.broadcast %add3A_307 : i32 to vector<16xi32>
      %add3A_309 = arith.addi %mul3A_255, %add3A_308 : vector<16xi32>
      %gather3A_310 = tpu.vector_load_idx %arg14[%add3A_309] : memref<1280xf32, #tpu.memory_space<vmem>>[vector<16xi32>], vector<16xf32>,
      %add3A_311 = arith.addf %add3A_306, %gather3A_310 : vector<16xf32>
      %add3A_312 = arith.constant 12 : i32
      %add3A_313 = vector.broadcast %add3A_312 : i32 to vector<16xi32>
      %add3A_314 = arith.addi %mul3A_255, %add3A_313 : vector<16xi32>
      %gather3A_315 = tpu.vector_load_idx %arg14[%add3A_314] : memref<1280xf32, #tpu.memory_space<vmem>>[vector<16xi32>], vector<16xf32>,
      %add3A_316 = arith.addf %add3A_311, %gather3A_315 : vector<16xf32>
      %add3A_317 = arith.constant 13 : i32
      %add3A_318 = vector.broadcast %add3A_317 : i32 to vector<16xi32>
      %add3A_319 = arith.addi %mul3A_255, %add3A_318 : vector<16xi32>
      %gather3A_320 = tpu.vector_load_idx %arg14[%add3A_319] : memref<1280xf32, #tpu.memory_space<vmem>>[vector<16xi32>], vector<16xf32>,
      %add3A_321 = arith.addf %add3A_316, %gather3A_320 : vector<16xf32>
      %add3A_322 = arith.constant 14 : i32
      %add3A_323 = vector.broadcast %add3A_322 : i32 to vector<16xi32>
      %add3A_324 = arith.addi %mul3A_255, %add3A_323 : vector<16xi32>
      %gather3A_325 = tpu.vector_load_idx %arg14[%add3A_324] : memref<1280xf32, #tpu.memory_space<vmem>>[vector<16xi32>], vector<16xf32>,
      %add3A_326 = arith.addf %add3A_321, %gather3A_325 : vector<16xf32>
      %add3A_327 = arith.constant 15 : i32
      %add3A_328 = vector.broadcast %add3A_327 : i32 to vector<16xi32>
      %add3A_329 = arith.addi %mul3A_255, %add3A_328 : vector<16xi32>
      %gather3A_330 = tpu.vector_load_idx %arg14[%add3A_329] : memref<1280xf32, #tpu.memory_space<vmem>>[vector<16xi32>], vector<16xf32>,
      %add3A_331 = arith.addf %add3A_326, %gather3A_330 : vector<16xf32>
      %mul3A_332 = arith.constant 16 : i32
      %mul3A_333 = arith.muli %scan3A_248, %mul3A_332 : i32
      %add3A_334 = arith.constant 9920 : i32
      %add3A_335 = arith.addi %add3A_334, %mul3A_333 : i32
      %swap3A_336 = arith.index_cast %add3A_335 : i32 to index
      %swap3A_337 = tpu.vector_load %arg15[%swap3A_336] {strides = array<i32>} : memref<10000xf32, #tpu.memory_space<vmem>>, vector<16xf32>,
      tpu.vector_store %arg15[%swap3A_336], %add3A_331 {strides = array<i32>} : memref<10000xf32, #tpu.memory_space<vmem>>, vector<16xf32>,
      %scan3A_338 = arith.constant 1 : i32
      %scan3A_339 = arith.addi %scan3A_248, %scan3A_338 : i32
      %mul3A_340 = arith.constant 16 : i32
      %mul3A_341 = arith.muli %scan3A_339, %mul3A_340 : i32
      %add3A_342 = vector.broadcast %mul3A_341 : i32 to vector<16xi32>
      %add3A_343 = arith.addi %iota3A, %add3A_342 : vector<16xi32>
      %mul3A_344 = arith.constant 16 : i32
      %mul3A_345 = vector.broadcast %mul3A_344 : i32 to vector<16xi32>
      %mul3A_346 = arith.muli %add3A_343, %mul3A_345 : vector<16xi32>
      %gather3A_347 = tpu.vector_load_idx %arg14[%mul3A_346] : memref<1280xf32, #tpu.memory_space<vmem>>[vector<16xi32>], vector<16xf32>,
      %add3A_348 = arith.constant 1 : i32
      %add3A_349 = vector.broadcast %add3A_348 : i32 to vector<16xi32>
      %add3A_350 = arith.addi %mul3A_346, %add3A_349 : vector<16xi32>
      %gather3A_351 = tpu.vector_load_idx %arg14[%add3A_350] : memref<1280xf32, #tpu.memory_space<vmem>>[vector<16xi32>], vector<16xf32>,
      %add3A_352 = arith.addf %gather3A_347, %gather3A_351 : vector<16xf32>
      %add3A_353 = arith.constant 2 : i32
      %add3A_354 = vector.broadcast %add3A_353 : i32 to vector<16xi32>
      %add3A_355 = arith.addi %mul3A_346, %add3A_354 : vector<16xi32>
      %gather3A_356 = tpu.vector_load_idx %arg14[%add3A_355] : memref<1280xf32, #tpu.memory_space<vmem>>[vector<16xi32>], vector<16xf32>,
      %add3A_357 = arith.addf %add3A_352, %gather3A_356 : vector<16xf32>
      %add3A_358 = arith.constant 3 : i32
      %add3A_359 = vector.broadcast %add3A_358 : i32 to vector<16xi32>
      %add3A_360 = arith.addi %mul3A_346, %add3A_359 : vector<16xi32>
      %gather3A_361 = tpu.vector_load_idx %arg14[%add3A_360] : memref<1280xf32, #tpu.memory_space<vmem>>[vector<16xi32>], vector<16xf32>,
      %add3A_362 = arith.addf %add3A_357, %gather3A_361 : vector<16xf32>
      %add3A_363 = arith.constant 4 : i32
      %add3A_364 = vector.broadcast %add3A_363 : i32 to vector<16xi32>
      %add3A_365 = arith.addi %mul3A_346, %add3A_364 : vector<16xi32>
      %gather3A_366 = tpu.vector_load_idx %arg14[%add3A_365] : memref<1280xf32, #tpu.memory_space<vmem>>[vector<16xi32>], vector<16xf32>,
      %add3A_367 = arith.addf %add3A_362, %gather3A_366 : vector<16xf32>
      %add3A_368 = arith.constant 5 : i32
      %add3A_369 = vector.broadcast %add3A_368 : i32 to vector<16xi32>
      %add3A_370 = arith.addi %mul3A_346, %add3A_369 : vector<16xi32>
      %gather3A_371 = tpu.vector_load_idx %arg14[%add3A_370] : memref<1280xf32, #tpu.memory_space<vmem>>[vector<16xi32>], vector<16xf32>,
      %add3A_372 = arith.addf %add3A_367, %gather3A_371 : vector<16xf32>
      %add3A_373 = arith.constant 6 : i32
      %add3A_374 = vector.broadcast %add3A_373 : i32 to vector<16xi32>
      %add3A_375 = arith.addi %mul3A_346, %add3A_374 : vector<16xi32>
      %gather3A_376 = tpu.vector_load_idx %arg14[%add3A_375] : memref<1280xf32, #tpu.memory_space<vmem>>[vector<16xi32>], vector<16xf32>,
      %add3A_377 = arith.addf %add3A_372, %gather3A_376 : vector<16xf32>
      %add3A_378 = arith.constant 7 : i32
      %add3A_379 = vector.broadcast %add3A_378 : i32 to vector<16xi32>
      %add3A_380 = arith.addi %mul3A_346, %add3A_379 : vector<16xi32>
      %gather3A_381 = tpu.vector_load_idx %arg14[%add3A_380] : memref<1280xf32, #tpu.memory_space<vmem>>[vector<16xi32>], vector<16xf32>,
      %add3A_382 = arith.addf %add3A_377, %gather3A_381 : vector<16xf32>
      %add3A_383 = arith.constant 8 : i32
      %add3A_384 = vector.broadcast %add3A_383 : i32 to vector<16xi32>
      %add3A_385 = arith.addi %mul3A_346, %add3A_384 : vector<16xi32>
      %gather3A_386 = tpu.vector_load_idx %arg14[%add3A_385] : memref<1280xf32, #tpu.memory_space<vmem>>[vector<16xi32>], vector<16xf32>,
      %add3A_387 = arith.addf %add3A_382, %gather3A_386 : vector<16xf32>
      %add3A_388 = arith.constant 9 : i32
      %add3A_389 = vector.broadcast %add3A_388 : i32 to vector<16xi32>
      %add3A_390 = arith.addi %mul3A_346, %add3A_389 : vector<16xi32>
      %gather3A_391 = tpu.vector_load_idx %arg14[%add3A_390] : memref<1280xf32, #tpu.memory_space<vmem>>[vector<16xi32>], vector<16xf32>,
      %add3A_392 = arith.addf %add3A_387, %gather3A_391 : vector<16xf32>
      %add3A_393 = arith.constant 10 : i32
      %add3A_394 = vector.broadcast %add3A_393 : i32 to vector<16xi32>
      %add3A_395 = arith.addi %mul3A_346, %add3A_394 : vector<16xi32>
      %gather3A_396 = tpu.vector_load_idx %arg14[%add3A_395] : memref<1280xf32, #tpu.memory_space<vmem>>[vector<16xi32>], vector<16xf32>,
      %add3A_397 = arith.addf %add3A_392, %gather3A_396 : vector<16xf32>
      %add3A_398 = arith.constant 11 : i32
      %add3A_399 = vector.broadcast %add3A_398 : i32 to vector<16xi32>
      %add3A_400 = arith.addi %mul3A_346, %add3A_399 : vector<16xi32>
      %gather3A_401 = tpu.vector_load_idx %arg14[%add3A_400] : memref<1280xf32, #tpu.memory_space<vmem>>[vector<16xi32>], vector<16xf32>,
      %add3A_402 = arith.addf %add3A_397, %gather3A_401 : vector<16xf32>
      %add3A_403 = arith.constant 12 : i32
      %add3A_404 = vector.broadcast %add3A_403 : i32 to vector<16xi32>
      %add3A_405 = arith.addi %mul3A_346, %add3A_404 : vector<16xi32>
      %gather3A_406 = tpu.vector_load_idx %arg14[%add3A_405] : memref<1280xf32, #tpu.memory_space<vmem>>[vector<16xi32>], vector<16xf32>,
      %add3A_407 = arith.addf %add3A_402, %gather3A_406 : vector<16xf32>
      %add3A_408 = arith.constant 13 : i32
      %add3A_409 = vector.broadcast %add3A_408 : i32 to vector<16xi32>
      %add3A_410 = arith.addi %mul3A_346, %add3A_409 : vector<16xi32>
      %gather3A_411 = tpu.vector_load_idx %arg14[%add3A_410] : memref<1280xf32, #tpu.memory_space<vmem>>[vector<16xi32>], vector<16xf32>,
      %add3A_412 = arith.addf %add3A_407, %gather3A_411 : vector<16xf32>
      %add3A_413 = arith.constant 14 : i32
      %add3A_414 = vector.broadcast %add3A_413 : i32 to vector<16xi32>
      %add3A_415 = arith.addi %mul3A_346, %add3A_414 : vector<16xi32>
      %gather3A_416 = tpu.vector_load_idx %arg14[%add3A_415] : memref<1280xf32, #tpu.memory_space<vmem>>[vector<16xi32>], vector<16xf32>,
      %add3A_417 = arith.addf %add3A_412, %gather3A_416 : vector<16xf32>
      %add3A_418 = arith.constant 15 : i32
      %add3A_419 = vector.broadcast %add3A_418 : i32 to vector<16xi32>
      %add3A_420 = arith.addi %mul3A_346, %add3A_419 : vector<16xi32>
      %gather3A_421 = tpu.vector_load_idx %arg14[%add3A_420] : memref<1280xf32, #tpu.memory_space<vmem>>[vector<16xi32>], vector<16xf32>,
      %add3A_422 = arith.addf %add3A_417, %gather3A_421 : vector<16xf32>
      %mul3A_423 = arith.constant 16 : i32
      %mul3A_424 = arith.muli %scan3A_339, %mul3A_423 : i32
      %add3A_425 = arith.constant 9920 : i32
      %add3A_426 = arith.addi %add3A_425, %mul3A_424 : i32
      %swap3A_427 = arith.index_cast %add3A_426 : i32 to index
      %swap3A_428 = tpu.vector_load %arg15[%swap3A_427] {strides = array<i32>} : memref<10000xf32, #tpu.memory_space<vmem>>, vector<16xf32>,
      tpu.vector_store %arg15[%swap3A_427], %add3A_422 {strides = array<i32>} : memref<10000xf32, #tpu.memory_space<vmem>>, vector<16xf32>,
    }
    %scan3A_156 = arith.constant 4 : i32
    %scan3A_157 = arith.addi %scan3A_152, %scan3A_156 : i32
    %mul3A_158 = arith.constant 16 : i32
    %mul3A_159 = arith.muli %scan3A_157, %mul3A_158 : i32
    %add3A_160 = vector.broadcast %mul3A_159 : i32 to vector<16xi32>
    %add3A_161 = arith.addi %iota3A, %add3A_160 : vector<16xi32>
    %mul3A_162 = arith.constant 16 : i32
    %mul3A_163 = vector.broadcast %mul3A_162 : i32 to vector<16xi32>
    %mul3A_164 = arith.muli %add3A_161, %mul3A_163 : vector<16xi32>
    %gather3A_165 = tpu.vector_load_idx %arg14[%mul3A_164] : memref<1280xf32, #tpu.memory_space<vmem>>[vector<16xi32>], vector<16xf32>,
    %add3A_166 = arith.constant 1 : i32
    %add3A_167 = vector.broadcast %add3A_166 : i32 to vector<16xi32>
    %add3A_168 = arith.addi %mul3A_164, %add3A_167 : vector<16xi32>
    %gather3A_169 = tpu.vector_load_idx %arg14[%add3A_168] : memref<1280xf32, #tpu.memory_space<vmem>>[vector<16xi32>], vector<16xf32>,
    %add3A_170 = arith.addf %gather3A_165, %gather3A_169 : vector<16xf32>
    %add3A_171 = arith.constant 2 : i32
    %add3A_172 = vector.broadcast %add3A_171 : i32 to vector<16xi32>
    %add3A_173 = arith.addi %mul3A_164, %add3A_172 : vector<16xi32>
    %gather3A_174 = tpu.vector_load_idx %arg14[%add3A_173] : memref<1280xf32, #tpu.memory_space<vmem>>[vector<16xi32>], vector<16xf32>,
    %add3A_175 = arith.addf %add3A_170, %gather3A_174 : vector<16xf32>
    %add3A_176 = arith.constant 3 : i32
    %add3A_177 = vector.broadcast %add3A_176 : i32 to vector<16xi32>
    %add3A_178 = arith.addi %mul3A_164, %add3A_177 : vector<16xi32>
    %gather3A_179 = tpu.vector_load_idx %arg14[%add3A_178] : memref<1280xf32, #tpu.memory_space<vmem>>[vector<16xi32>], vector<16xf32>,
    %add3A_180 = arith.addf %add3A_175, %gather3A_179 : vector<16xf32>
    %add3A_181 = arith.constant 4 : i32
    %add3A_182 = vector.broadcast %add3A_181 : i32 to vector<16xi32>
    %add3A_183 = arith.addi %mul3A_164, %add3A_182 : vector<16xi32>
    %gather3A_184 = tpu.vector_load_idx %arg14[%add3A_183] : memref<1280xf32, #tpu.memory_space<vmem>>[vector<16xi32>], vector<16xf32>,
    %add3A_185 = arith.addf %add3A_180, %gather3A_184 : vector<16xf32>
    %add3A_186 = arith.constant 5 : i32
    %add3A_187 = vector.broadcast %add3A_186 : i32 to vector<16xi32>
    %add3A_188 = arith.addi %mul3A_164, %add3A_187 : vector<16xi32>
    %gather3A_189 = tpu.vector_load_idx %arg14[%add3A_188] : memref<1280xf32, #tpu.memory_space<vmem>>[vector<16xi32>], vector<16xf32>,
    %add3A_190 = arith.addf %add3A_185, %gather3A_189 : vector<16xf32>
    %add3A_191 = arith.constant 6 : i32
    %add3A_192 = vector.broadcast %add3A_191 : i32 to vector<16xi32>
    %add3A_193 = arith.addi %mul3A_164, %add3A_192 : vector<16xi32>
    %gather3A_194 = tpu.vector_load_idx %arg14[%add3A_193] : memref<1280xf32, #tpu.memory_space<vmem>>[vector<16xi32>], vector<16xf32>,
    %add3A_195 = arith.addf %add3A_190, %gather3A_194 : vector<16xf32>
    %add3A_196 = arith.constant 7 : i32
    %add3A_197 = vector.broadcast %add3A_196 : i32 to vector<16xi32>
    %add3A_198 = arith.addi %mul3A_164, %add3A_197 : vector<16xi32>
    %gather3A_199 = tpu.vector_load_idx %arg14[%add3A_198] : memref<1280xf32, #tpu.memory_space<vmem>>[vector<16xi32>], vector<16xf32>,
    %add3A_200 = arith.addf %add3A_195, %gather3A_199 : vector<16xf32>
    %add3A_201 = arith.constant 8 : i32
    %add3A_202 = vector.broadcast %add3A_201 : i32 to vector<16xi32>
    %add3A_203 = arith.addi %mul3A_164, %add3A_202 : vector<16xi32>
    %gather3A_204 = tpu.vector_load_idx %arg14[%add3A_203] : memref<1280xf32, #tpu.memory_space<vmem>>[vector<16xi32>], vector<16xf32>,
    %add3A_205 = arith.addf %add3A_200, %gather3A_204 : vector<16xf32>
    %add3A_206 = arith.constant 9 : i32
    %add3A_207 = vector.broadcast %add3A_206 : i32 to vector<16xi32>
    %add3A_208 = arith.addi %mul3A_164, %add3A_207 : vector<16xi32>
    %gather3A_209 = tpu.vector_load_idx %arg14[%add3A_208] : memref<1280xf32, #tpu.memory_space<vmem>>[vector<16xi32>], vector<16xf32>,
    %add3A_210 = arith.addf %add3A_205, %gather3A_209 : vector<16xf32>
    %add3A_211 = arith.constant 10 : i32
    %add3A_212 = vector.broadcast %add3A_211 : i32 to vector<16xi32>
    %add3A_213 = arith.addi %mul3A_164, %add3A_212 : vector<16xi32>
    %gather3A_214 = tpu.vector_load_idx %arg14[%add3A_213] : memref<1280xf32, #tpu.memory_space<vmem>>[vector<16xi32>], vector<16xf32>,
    %add3A_215 = arith.addf %add3A_210, %gather3A_214 : vector<16xf32>
    %add3A_216 = arith.constant 11 : i32
    %add3A_217 = vector.broadcast %add3A_216 : i32 to vector<16xi32>
    %add3A_218 = arith.addi %mul3A_164, %add3A_217 : vector<16xi32>
    %gather3A_219 = tpu.vector_load_idx %arg14[%add3A_218] : memref<1280xf32, #tpu.memory_space<vmem>>[vector<16xi32>], vector<16xf32>,
    %add3A_220 = arith.addf %add3A_215, %gather3A_219 : vector<16xf32>
    %add3A_221 = arith.constant 12 : i32
    %add3A_222 = vector.broadcast %add3A_221 : i32 to vector<16xi32>
    %add3A_223 = arith.addi %mul3A_164, %add3A_222 : vector<16xi32>
    %gather3A_224 = tpu.vector_load_idx %arg14[%add3A_223] : memref<1280xf32, #tpu.memory_space<vmem>>[vector<16xi32>], vector<16xf32>,
    %add3A_225 = arith.addf %add3A_220, %gather3A_224 : vector<16xf32>
    %add3A_226 = arith.constant 13 : i32
    %add3A_227 = vector.broadcast %add3A_226 : i32 to vector<16xi32>
    %add3A_228 = arith.addi %mul3A_164, %add3A_227 : vector<16xi32>
    %gather3A_229 = tpu.vector_load_idx %arg14[%add3A_228] : memref<1280xf32, #tpu.memory_space<vmem>>[vector<16xi32>], vector<16xf32>,
    %add3A_230 = arith.addf %add3A_225, %gather3A_229 : vector<16xf32>
    %add3A_231 = arith.constant 14 : i32
    %add3A_232 = vector.broadcast %add3A_231 : i32 to vector<16xi32>
    %add3A_233 = arith.addi %mul3A_164, %add3A_232 : vector<16xi32>
    %gather3A_234 = tpu.vector_load_idx %arg14[%add3A_233] : memref<1280xf32, #tpu.memory_space<vmem>>[vector<16xi32>], vector<16xf32>,
    %add3A_235 = arith.addf %add3A_230, %gather3A_234 : vector<16xf32>
    %add3A_236 = arith.constant 15 : i32
    %add3A_237 = vector.broadcast %add3A_236 : i32 to vector<16xi32>
    %add3A_238 = arith.addi %mul3A_164, %add3A_237 : vector<16xi32>
    %gather3A_239 = tpu.vector_load_idx %arg14[%add3A_238] : memref<1280xf32, #tpu.memory_space<vmem>>[vector<16xi32>], vector<16xf32>,
    %add3A_240 = arith.addf %add3A_235, %gather3A_239 : vector<16xf32>
    %mul3A_241 = arith.constant 16 : i32
    %mul3A_242 = arith.muli %scan3A_157, %mul3A_241 : i32
    %add3A_243 = arith.constant 9920 : i32
    %add3A_244 = arith.addi %add3A_243, %mul3A_242 : i32
    %swap3A_245 = arith.index_cast %add3A_244 : i32 to index
    %swap3A_246 = tpu.vector_load %arg15[%swap3A_245] {strides = array<i32>} : memref<10000xf32, #tpu.memory_space<vmem>>, vector<16xf32>,
    tpu.vector_store %arg15[%swap3A_245], %add3A_240 {strides = array<i32>} : memref<10000xf32, #tpu.memory_space<vmem>>, vector<16xf32>,
    %scan3A_247 = arith.constant 5 : i32
    "tpu.region"() ({
      %run_scoped3A = tpu.sem_alloc : memref<!tpu.dma_semaphore, #tpu.memory_space<semaphore_mem>>
      %dma_start3A_248 = tpu.memref_slice %arg8[%mul3A_2] : memref<320000xf32, #tpu.memory_space<hbm>> -> memref<10000xf32, #tpu.memory_space<hbm>>
      %dma_start3A_249 = tpu.memref_slice %arg8[%mul3A_2] : memref<320000xf32, #tpu.memory_space<hbm>> -> memref<10000xf32, #tpu.memory_space<hbm>>
      tpu.enqueue_dma source(%arg15 : memref<10000xf32, #tpu.memory_space<vmem>>) target(%dma_start3A_249 : memref<10000xf32, #tpu.memory_space<hbm>>) target_semaphore(%run_scoped3A : memref<!tpu.dma_semaphore, #tpu.memory_space<semaphore_mem>>)
      %dma_wait3A = tpu.memref_slice %arg8[%mul3A_2] : memref<320000xf32, #tpu.memory_space<hbm>> -> memref<10000xf32, #tpu.memory_space<hbm>>
      %dma_wait3A_250 = tpu.memref_slice %arg8[%mul3A_2] : memref<320000xf32, #tpu.memory_space<hbm>> -> memref<10000xf32, #tpu.memory_space<hbm>>
      tpu.wait_dma2 semaphore(%run_scoped3A : memref<!tpu.dma_semaphore, #tpu.memory_space<semaphore_mem>>) src(%arg15 : memref<10000xf32, #tpu.memory_space<vmem>>) dst(%dma_wait3A_250 : memref<10000xf32, #tpu.memory_space<hbm>>)
      tpu.yield
    }) : () -> ()
    return
  }
}

module attributes {stable_mosaic.version = 14 : i64} {
  func.func @_proj_body(%arg0: memref<10000x128xf32, #tpu.memory_space<vmem>>, %arg1: memref<10000x128xf32, #tpu.memory_space<vmem>>, %arg2: memref<128x128xf32, #tpu.memory_space<vmem>>, %arg3: memref<128x128xf32, #tpu.memory_space<vmem>>, %arg4: memref<1x128xf32, #tpu.memory_space<vmem>>, %arg5: memref<10000x128xf32, #tpu.memory_space<vmem>>, %arg6: memref<10000x128xf32, #tpu.memory_space<vmem>>) attributes {dimension_semantics = [], scalar_prefetch = 0 : i64, scratch_operands = 0 : i64, tpu.core_type = #tpu.core_type<tc>} {
    %get3A = arith.constant 0 : index
    %get3A_0 = arith.constant 0 : index
    %get3A_1 = vector.load %arg0[%get3A, %get3A_0] : memref<10000x128xf32, #tpu.memory_space<vmem>>, vector<10000x128xf32>
    %get3A_2 = arith.constant 0 : index
    %get3A_3 = arith.constant 0 : index
    %get3A_4 = vector.load %arg2[%get3A_2, %get3A_3] : memref<128x128xf32, #tpu.memory_space<vmem>>, vector<128x128xf32>
    %dot_general3A = arith.constant dense<0.000000e+00> : vector<10000x128xf32>
    %dot_general3A_5 = tpu.matmul %get3A_1, %get3A_4, %dot_general3A {dimension_numbers = #tpu.dot_dimension_numbers<[1], [0], [0], [1], [0, 0, 1, 1], [], []>, transpose_lhs_hint = false} : vector<10000x128xf32>, vector<128x128xf32>, vector<10000x128xf32> -> vector<10000x128xf32>
    %get3A_6 = arith.constant 0 : index
    %get3A_7 = arith.constant 0 : index
    %get3A_8 = vector.load %arg4[%get3A_6, %get3A_7] : memref<1x128xf32, #tpu.memory_space<vmem>>, vector<1x128xf32>
    %add3A = vector.broadcast %get3A_8 : vector<1x128xf32> to vector<10000x128xf32>
    %add3A_9 = arith.addf %dot_general3A_5, %add3A : vector<10000x128xf32>
    %swap3A = arith.constant 0 : index
    %swap3A_10 = arith.constant 0 : index
    %swap3A_11 = vector.load %arg5[%swap3A, %swap3A_10] : memref<10000x128xf32, #tpu.memory_space<vmem>>, vector<10000x128xf32>
    tpu.vector_store %arg5[%swap3A, %swap3A_10], %add3A_9 {strides = array<i32>} : memref<10000x128xf32, #tpu.memory_space<vmem>>, vector<10000x128xf32>,
    %get3A_12 = arith.constant 0 : index
    %get3A_13 = arith.constant 0 : index
    %get3A_14 = vector.load %arg1[%get3A_12, %get3A_13] : memref<10000x128xf32, #tpu.memory_space<vmem>>, vector<10000x128xf32>
    %get3A_15 = arith.constant 0 : index
    %get3A_16 = arith.constant 0 : index
    %get3A_17 = vector.load %arg3[%get3A_15, %get3A_16] : memref<128x128xf32, #tpu.memory_space<vmem>>, vector<128x128xf32>
    %dot_general3A_18 = arith.constant dense<0.000000e+00> : vector<10000x128xf32>
    %dot_general3A_19 = tpu.matmul %get3A_14, %get3A_17, %dot_general3A_18 {dimension_numbers = #tpu.dot_dimension_numbers<[1], [0], [0], [1], [0, 0, 1, 1], [], []>, transpose_lhs_hint = false} : vector<10000x128xf32>, vector<128x128xf32>, vector<10000x128xf32> -> vector<10000x128xf32>
    %swap3A_20 = arith.constant 0 : index
    %swap3A_21 = arith.constant 0 : index
    %swap3A_22 = vector.load %arg6[%swap3A_20, %swap3A_21] : memref<10000x128xf32, #tpu.memory_space<vmem>>, vector<10000x128xf32>
    tpu.vector_store %arg6[%swap3A_20, %swap3A_21], %dot_general3A_19 {strides = array<i32>} : memref<10000x128xf32, #tpu.memory_space<vmem>>, vector<10000x128xf32>,
    return
  }
}

</mosaic_0001>

<sc_bundles>
// kernel: kernel.4.cloned.1.call-start
scs
__scs_entry_jumppad:
0x0: {  	(pc) =	sbr.rel $0x88, $3  }
0x1: {  	(tag) =	ssettag $0x0;
	lr =	simm.s32 $0x1  }
0x2: {  	[smem:$0x3F9A] =	sst lr;
	_ =	strace $0xD0000000  }
0x3: {  	_ = 	snop  }
0x4: {  	_ = 	snop  }
0x5: {  	_ = 	snop  }
0x6: {  	_ = 	snop  }
0x7: {  	_ = 	snop  }
__scs_overlays_trampoline_lowered:
0x8: {  	[smem:$0x3FA9] =	sst s0  }
0x9: {  	[smem:$0x3FAA] =	sst s1  }
0xa: {  	[smem:$0x3FAB] =	sst s2  }
0xb: {  	[smem:$0x3FAC] =	sst s3  }
0xc: {  	[smem:$0x3FAD] =	sst s4  }
0xd: {  	[smem:$0x3FAE] =	sst s5  }
0xe: {  	[smem:$0x3FAF] =	sst s6  }
0xf: {  	[smem:$0x3FB0] =	sst s7  }
0x10: {  	[smem:$0x3FB1] =	sst s8  }
0x11: {  	[smem:$0x3FB2] =	sst s9;
	s0 =	simm.s32 @!p0 $0x0  }
0x12: {  	s1 =	sld [smem:$0x3F98];
	s0 =	simm.s32 @p0 $0x1  }
0x13: {  	[smem:$0x3FB3] =	sst s0;
	s0 =	simm.s32 @!p1 $0x0  }
0x14: {  	s2 =	sld [smem:$0x3F97];
	s0 =	simm.s32 @p1 $0x1  }
0x15: {  	[smem:$0x3FB4] =	sst s0;
	s0 =	simm.s32 @!p2 $0x0  }
0x16: {  	s3 =	sld [smem:$0x3FDB];
	s0 =	simm.s32 @p2 $0x1  }
0x17: {  	s4 =	simm.s32 $0x1BF5;
	[smem:$0x3FB6] =	sst s0  }
0x18: {  	s0 =	sld [smem:$0x3F99];
	_ =	swait.ge [sflag:s4], $0x0  }
0x19: {  	s7 =	sld [smem:$0x3F9A]  }
0x1a: {  	s8 =	sadd.s32 $0xFFFFE003, lr  }
0x1b: {  	s9 =	sadd.s32 $0xFFFFFEF7, lr;
	s5 =	simm.s32 $0xFFFFFFFF;
	p2 =	slt.u32 s8, $0xFFFFF086  }
0x1c: {  	p1 =	slt.u32 s9, $0xF7A;
	s5 =	simm.s32 @!p2 $0x0  }
0x1d: {  	s5 =	simm.s32 @p1 $0x1;
	p0 =	seq.s32 s7, s2  }
0x1e: {  	s7 =	smul.u32 @!p0 $0xF7A, s2;
	p2 =	seq.s32 @!p0 s5, $0x0  }
0x1f: {  	s9 =	smul.u32 $0xF7A, s1;
	s8 =	simm.s32 @!p0 $0x1BF5;
	p2 =	por !p2, p0  }
0x20: {  	[sflag:s8] =	ssyncset.s32 @!p0 $0xFFFFF086;
	s6 =	sadd.s32 @!p0 s3, s7;
	s7 =	simm.s32 @!p0 $0x108  }
0x21: {  	s3 =	sadd.s32 s3, s9;
	s6 =	sadd.s32 @!p0 $0x88, s6;
	s7 =	simm.s32 @p2 $0x1082  }
0x22: {  	[simem:s7], [sflag:s8] =	dma.local @!p0 [hbm:s6], $0xF7A  }
0x23: {  	s9 =	sor.u32 $0xD0000000, s2;
	s6 =	simm.s32 $0x108;
	_ =	swait.ge @!p0 [sflag:s8], $0x0  }
0x24: {  	s3 =	sadd.s32 $0x88, s3;
	s6 =	simm.s32 @!p1 $0x1082;
	[sflag:s4] =	ssyncset.s32 $0xFFFFF086  }
0x25: {  	[simem:s6], [sflag:s4] =	dma.local [hbm:s3], $0xF7A  }
0x26: {  	[smem:$0x3F9A] =	sst s1;
	(tag) =	ssettag s2;
	_ =	strace s9  }
0x27: {  	s1 =	sld [smem:$0x3FAA]  }
0x28: {  	s2 =	sld [smem:$0x3FAB]  }
0x29: {  	s4 =	sld [smem:$0x3FAD]  }
0x2a: {  	p0 =	seq.s32 s5, $0x0;
	s5 =	sld [smem:$0x3FAE]  }
0x2b: {  	s6 =	sld [smem:$0x3FAF]  }
0x2c: {  	s7 =	sld [smem:$0x3FB0]  }
0x2d: {  	s3 =	simm.s32 $0x108;
	s8 =	sld [smem:$0x3FB1]  }
0x2e: {  	s3 =	simm.s32 @!p0 $0x1082;
	s9 =	sld [smem:$0x3FB2]  }
0x2f: {  	lr =	sadd.s32 s0, s3;
	s0 =	sld [smem:$0x3FA9]  }
0x30: {  	s3 =	sld [smem:$0x3FAC]  }
0x31: {  	[smem:$0x3FB5] =	sst s10  }
0x32: {  	s10 =	sld [smem:$0x3FB3];
	_ =	sdelay $0x3  }
0x33: {  	p0 =	seq.s32 s10, $0x1;
	s10 =	sld [smem:$0x3FB5];
	_ =	sdelay $0x3  }
0x34: {  	[smem:$0x3FB5] =	sst s10  }
0x35: {  	s10 =	sld [smem:$0x3FB4];
	_ =	sdelay $0x3  }
0x36: {  	p1 =	seq.s32 s10, $0x1;
	s10 =	sld [smem:$0x3FB5];
	_ =	sdelay $0x3  }
0x37: {  	[smem:$0x3FB5] =	sst s10  }
0x38: {  	s10 =	sld [smem:$0x3FB6]  }
0x39: {  	_ = 	snop;
	(pc) =	sbr.ind lr, $3  }
0x3a: {  	_ = 	snop  }
0x3b: {  	_ = 	snop  }
0x3c: {  	p2 =	seq.s32 s10, $0x1;
	s10 =	sld [smem:$0x3FB5]  }
0x3d: {  	_ =	shalt  }
0x3e: {  	_ =	shalt  }
0x3f: {  	_ =	shalt  }
0x40: {  	_ =	shalt  }
0x41: {  	_ =	shalt  }
0x42: {  	_ =	shalt  }
0x43: {  	_ =	shalt  }
0x44: {  	_ =	shalt  }
0x45: {  	_ =	shalt  }
0x46: {  	_ =	shalt  }
0x47: {  	_ =	shalt  }
0x48: {  	_ =	shalt  }
0x49: {  	_ =	shalt  }
0x4a: {  	_ =	shalt  }
0x4b: {  	_ =	shalt  }
0x4c: {  	_ =	shalt  }
0x4d: {  	_ =	shalt  }
0x4e: {  	_ =	shalt  }
0x4f: {  	_ =	shalt  }
0x50: {  	_ =	shalt  }
0x51: {  	_ =	shalt  }
0x52: {  	_ =	shalt  }
0x53: {  	_ =	shalt  }
0x54: {  	_ =	shalt  }
0x55: {  	_ =	shalt  }
0x56: {  	_ =	shalt  }
0x57: {  	_ =	shalt  }
0x58: {  	_ =	shalt  }
0x59: {  	_ =	shalt  }
0x5a: {  	_ =	shalt  }
0x5b: {  	_ =	shalt  }
0x5c: {  	_ =	shalt  }
0x5d: {  	_ =	shalt  }
0x5e: {  	_ =	shalt  }
0x5f: {  	_ =	shalt  }
0x60: {  	_ =	shalt  }
0x61: {  	_ =	shalt  }
0x62: {  	_ =	shalt  }
0x63: {  	_ =	shalt  }
0x64: {  	_ =	shalt  }
0x65: {  	_ =	shalt  }
0x66: {  	_ =	shalt  }
0x67: {  	_ =	shalt  }
0x68: {  	_ =	shalt  }
0x69: {  	_ =	shalt  }
0x6a: {  	_ =	shalt  }
0x6b: {  	_ =	shalt  }
0x6c: {  	_ =	shalt  }
0x6d: {  	_ =	shalt  }
0x6e: {  	_ =	shalt  }
0x6f: {  	_ =	shalt  }
0x70: {  	_ =	shalt  }
0x71: {  	_ =	shalt  }
0x72: {  	_ =	shalt  }
0x73: {  	_ =	shalt  }
0x74: {  	_ =	shalt  }
0x75: {  	_ =	shalt  }
0x76: {  	_ =	shalt  }
0x77: {  	_ =	shalt  }
0x78: {  	_ =	shalt  }
0x79: {  	_ =	shalt  }
0x7a: {  	_ =	shalt  }
0x7b: {  	_ =	shalt  }
0x7c: {  	_ =	shalt  }
0x7d: {  	_ =	shalt  }
0x7e: {  	_ =	shalt  }
0x7f: {  	_ =	shalt  }
0x80: {  	_ =	shalt  }
0x81: {  	_ =	shalt  }
0x82: {  	_ =	shalt  }
0x83: {  	_ =	shalt  }
0x84: {  	_ =	shalt  }
0x85: {  	_ =	shalt  }
0x86: {  	_ =	shalt  }
0x87: {  	_ =	shalt  }
.Lfunc_end0:
.L_simem_size_0:
called_computation_lowered:
.L_overlay_start_0:
0x88: {  	s2 =	sld [smem:$0x3FD9]  }
0x89: {  	s3 =	sld [smem:$0x3FFE];
	_ =	sdelay $0x1  }
0x8a: {  	s1 =	srdreg.scid  }
0x8b: {  	s0 =	sand.u32 $0x1, s1  }
0x8c: {  	s17 =	sshll.u32 s0, $0xA;
	s2 =	sadd.s32 s3, s2  }
0x8d: {  	s2 =	sadd.s32 s2, s17  }
0x8e: {  	[smem:$0x3FC1] =	sst s2  }
0x8f: {  	_ = 	snop  }
0x90: {  	s2 =	sld [smem:$0x3FC4]  }
0x91: {  	s18 =	sld [smem:$0x3FD0];
	(tm) =	ssettm $0x1  }
0x92: {  	s4 =	sld [smem:$0x3FFB];
	_ =	sdelay $0x3  }
0x93: {  	_ =	strace s4  }
0x94: {  	s4 =	sld [smem:$0x3FFC];
	_ =	sdelay $0x3  }
0x95: {  	_ =	strace s4  }
0x96: {  	s4 =	sld [smem:$0x3FFD];
	_ =	sdelay $0x3  }
0x97: {  	_ =	strace s4  }
0x98: {  	_ =	strace $0x8FFFFFFF  }
0x99: {  	s19 =	sld [smem:$0x3FDB];
	_ =	sdelay $0x1  }
0x9a: {  	s5 =	simm.s32 $_scs_section_size  }
0x9b: {  	s6 =	simm.s32 $_size__tile_overlayer_lowered;
	s7 =	simm.s32 $_tile_overlayer_lowered  }
0x9c: {  	s22 =	simm.s32 $0x1BFF;
	s21 =	sshll.u32 s7, $0x1;
	s4 =	sadd.s32 s5, s19  }
0x9d: {  	s8 =	simm.s32 $0x0;
	s20 =	sshll.u32 s6, $0x1;
	s6 =	sadd.s32 s21, s4  }
0x9e: {  	[timem:s8], [sflag:s22] =	dma.local [hbm:s6], s20  }
0x9f: {  	_ =	swait.ge [sflag:s22], s20  }
0xa0: {  	s5 =	ssub.s32 $0x0, s20;
	[sflag:s22] =	ssyncset.done $0x0  }
0xa1: {  	[sflag:s22] =	ssyncadd.s32 s5;
	_ =	sdelay $0x1  }
0xa2: {  	s23 =	simm.s32 $0x1B8B  }
0xa3: {  	_ =	swait.ge [sflag:s23], $0x1  }
0xa4: {  	[sflag:s23] =	ssyncset.done $0x0  }
0xa5: {  	s25 =	simm.s32 $0x1B8E;
	s24 =	sld [smem:$0x3FFE];
	[sflag:s23] =	ssyncadd.s32 $0xFFFFFFFF  }
0xa6: {  	s26 =	simm.s32 $execute0_lowered;
	[smem:$0x3FD2] =	sst s25  }
0xa7: {  	s6 =	sshll.u32 s26, $0x1;
	_ =	strace $0x80000046;
	[dreg:$0x1] =	wrdreg $0xFFFFFFFF  }
0xa8: {  	s28 =	simm.s32 $_size_execute0_lowered;
	s4 =	sadd.s32 s4, s6;
	[dreg:$0x0] =	wrdreg $0x0  }
0xa9: {  	s6 =	sshll.u32 s28, $0x1;
	[dreg:$0x2] =	wrdreg s4  }
0xaa: {  	[dreg:$0x3] =	wrdreg s6  }
0xab: {  	[dreg:$0x4] =	wrdreg $0xC0  }
0xac: {  	_ =	task [dreg:s8], $0x5FFFF  }
0xad: {  	[dreg:$0x1] =	wrdreg $0xFFFFFFFF  }
0xae: {  	[dreg:$0x0] =	wrdreg $0x60  }
0xaf: {  	[dreg:$0x2] =	wrdreg s24  }
0xb0: {  	[dreg:$0x3] =	wrdreg s2  }
0xb1: {  	[dreg:$0x4] =	wrdreg s18  }
0xb2: {  	[dreg:$0x5] =	wrdreg $0x9  }
0xb3: {  	_ =	task.clear_ibuf [dreg:s8], $0x6FFFF;
	_ =	strace $0x90000046  }
0xb4: {  	s29 =	simm.s32 $0x9;
	_ =	strace $0x80000048  }
0xb5: {  	_ =	swait.ge [sflag:s29], $0x1  }
0xb6: {  	[sflag:s29] =	ssyncadd.s32 $0xFFFFFFFF  }
0xb7: {  	_ =	strace $0x90000048  }
0xb8: {  	_ =	sfence  }
0xb9: {  	s30 =	sld [smem:$0x0];
	_ =	sdelay $0x2  }
0xba: {  	s31 =	sshll.u32 s1, $0xD;
	s1 =	sshrl.u32 s1, $0x2  }
0xbb: {  	s3 =	sand.u32 $0x4000, s31;
	s1 =	sadd.s32 s1, s30  }
0xbc: {  	s0 =	sor.u32 s3, s0;
	s1 =	sshll.u32 s1, $0x11  }
0xbd: {  	s0 =	sor.u32 s1, s0  }
0xbe: {  	s0 =	sadd.s32 $0x8F2B, s0  }
0xbf: {  	[sflag:s0] =	ssyncadd.remote.s32 $0x1  }
0xc0: {  	_ =	sfence.sel $0xFFFF  }
0xc1: {  	[dreg:$0x0] =	wrdreg $0xFFFFFFFF;
	(pc) =	sbr.abs _section_cstart, $3  }
0xc2: {  	[dreg:$0x1] =	wrdreg $0xFFFFFFFF  }
0xc3: {  	_ =	task.clear_ibuf [dreg:s8], $0x2FFFF;
	_ =	strace $0x9FFFFFFF  }
0xc4: {  	(tm) =	ssettm $0x7FFFFFFF  }
0xc5: {  	_ =	shalt  }
tec
execute0_lowered:
.L_overlay_start_1:
0x0: {  	(tag) =	ssettag $0x1  }
0x1: {  	s0 =	rddreg [dreg:$0x0]  }
0x2: {  	s1 =	srdreg.scid;
	s3 =	stileid.u32  }
0x3: {  	s2 =	rddreg [dreg:$0x2];
	s12 =	simm.s32 $0x7;
	s14 =	simm.s32 $0x2780  }
0x4: {  	s15 =	simm.s32 $0x50;
	s16 =	simm.s32 $0x4F00;
	s17 =	simm.s32 $0x7700  }
0x5: {  	v0 =	vlaneseq.u32;
	s18 =	simm.s32 $0x1;
	s19 =	simm.s32 $0x2;
	s20 =	simm.s32 $0x9F00  }
0x6: {  	s21 =	simm.s32 $0x4;
	s22 =	simm.s32 $0xC700;
	s23 =	simm.s32 $0x3;
	v0 =	vmul.u32 $0x10, v0  }
0x7: {  	s24 =	simm.s32 $0x5;
	s25 =	simm.s32 $0x6;
	s29 =	simm.s32 $0x0  }
0x8: {  	s1 =	sand.u32 $0x1, s1;
	s4 =	sshll.u32 s3, $0x1;
	s3 =	simm.s32 $0x0;
	v1 =	vor.u32 $0x400, v0  }
0x9: {  	s5 =	sadd.s32 $0x3BA00, s0;
	s6 =	sadd.s32 $0x14600, s0;
	s4 =	sor.u32 s1, s4;
	v2 =	vor.u32 $0x401, v0;
	v3 =	vor.u32 $0x402, v0;
	v4 =	vor.u32 $0x403, v0  }
0xa: {  	[smem:$0x7FF] =	sst s3;
	s1 =	ssub.s32 $0x2, s1;
	s9 =	smul.u32 $0x4E2, s4;
	v5 =	vor.u32 $0x404, v0;
	v6 =	vor.u32 $0x405, v0;
	v7 =	vor.u32 $0x406, v0  }
0xb: {  	_ =	strace $0x80000047;
	s4 =	sadd.s32 $0x14800, s0;
	s7 =	sshrl.u32 s1, $0x1;
	v8 =	vor.u32 $0x407, v0;
	v9 =	vor.u32 $0x408, v0;
	v10 =	vor.u32 $0x409, v0  }
0xc: {  	v11 =	vor.u32 $0x40A, v0;
	v12 =	vor.u32 $0x40B, v0;
	v13 =	vor.u32 $0x40C, v0;
	s31 =	ssub.s32 s1, s7;
	s8 =	sadd.s32 s9, s0;
	s9 =	sadd.s32 s2, s9  }
0xd: {  	v14 =	vor.u32 $0x40D, v0;
	v15 =	vor.u32 $0x40E, v0;
	v16 =	vor.u32 $0x40F, v0;
	s10 =	smax.u32 s31, $0x1;
	s7 =	sadd.s32 $0xA800, s8;
	s8 =	sadd.s32 $0xA00, s8  }
.LBB2_1:
0xe: {  	s0 =	rddreg [dreg:$0x1];
	s1 =	simm.s32 $0xF380  }
0xf: {  	[tilespmem:s1], [sflag:$0x7] =	stream.linear.gather [hbm4b:s0+s3], $0x80, $0x38;
	[tilespmem:$0xF480] =	vst v63  }
0x10: {  	_ =	swait.ge [sflag:s12], $0x80  }
0x11: {  	[sflag:s12] =	ssyncset.done $0x0  }
0x12: {  	s31 =	simm.s32 $0xF400;
	[sflag:s12] =	ssyncadd.s32 $0xFFFFFF80  }
0x13: {  	[tilespmem:s31], [sflag:$0x7] =	stream.linear.gather [hbm4b:s6+s3], $0x80, $0x38;
	[tilespmem:$0xF480] =	vst v63  }
0x14: {  	_ =	swait.ge [sflag:s12], $0x80  }
0x15: {  	[sflag:s12] =	ssyncset.done $0x0  }
0x16: {  	[sflag:s12] =	ssyncadd.s32 $0xFFFFFF80  }
0x17: {  	[tilespmem:s3], [sflag:$0x7] =	stream.linear.gather [hbm4b:s7+s3], $0x2710, $0x38;
	[tilespmem:$0xF480] =	vst v63  }
0x18: {  	_ =	swait.ge [sflag:s12], $0x2710  }
0x19: {  	[sflag:s12] =	ssyncset.done $0x0  }
0x1a: {  	[sflag:s12] =	ssyncadd.s32 $0xFFFFD8F0  }
0x1b: {  	[tilespmem:s14], [sflag:$0x7] =	stream.linear.gather [hbm4b:s8+s3], $0x2710, $0x38;
	[tilespmem:$0xF480] =	vst v63  }
0x1c: {  	_ =	swait.ge [sflag:s12], $0x2710  }
0x1d: {  	[sflag:s12] =	ssyncset.done $0x0  }
0x1e: {  	[sflag:s12] =	ssyncadd.s32 $0xFFFFD8F0  }
0x1f: {  	v17 =	vld [tilespmem:$0xF380]  }
0x20: {  	v18 =	vld [tilespmem:$0xF390]  }
0x21: {  	v19 =	vld [tilespmem:$0xF3A0]  }
0x22: {  	v20 =	vld [tilespmem:$0xF3B0]  }
0x23: {  	v21 =	vld [tilespmem:$0xF3C0]  }
0x24: {  	v22 =	vld [tilespmem:$0xF3D0]  }
0x25: {  	v23 =	vld [tilespmem:$0xF3E0]  }
0x26: {  	v24 =	vld [tilespmem:$0xF3F0]  }
0x27: {  	v25 =	vld [tilespmem:$0xF400];
	[tilespmem:s16], [sflag:$0x1] =	stream.indirect.gather [hbm4b:s4+s15], $0x80, s3, s15, $0xb8  }
0x28: {  	_ = 	snop  }
0x29: {  	[tilespmem:s17], [sflag:$0x2] =	stream.indirect.gather [hbm4b:s4+s15], $0x80, s15, s15, $0xb8;
	[tilespmem:$0xF480] =	vst v63  }
0x2a: {  	_ =	swait.ge [sflag:s18], $0x2800  }
0x2b: {  	[sflag:s18] =	ssyncset.done $0x0  }
0x2c: {  	s30 =	simm.s32 $0x0;
	[sflag:s18] =	ssyncadd.s32 $0xFFFFD800  }
0x2d: {  	[tilespmem:s16], [sflag:$0x4] =	stream.indirect.gather.add.f32 [hbm:s5], $0x80, s14, s15, $0xb8;
	[tilespmem:$0xF480] =	vst v63  }
.LBB2_2:
0x2e: {  	_ =	swait.ge [sflag:s19], $0x2800;
	s31 =	smul.u32 $0xF0, s30  }
0x2f: {  	[sflag:s19] =	ssyncset.done $0x0  }
0x30: {  	[sflag:s19] =	ssyncadd.s32 $0xFFFFD800;
	s0 =	sadd.s32 $0x27D0, s31  }
0x31: {  	[tilespmem:s17], [sflag:$0x5] =	stream.indirect.gather.add.f32 [hbm:s5], $0x80, s0, s15, $0xb8;
	[tilespmem:$0xF480] =	vst v63  }
0x32: {  	s1 =	sadd.s32 $0xA0, s31  }
0x33: {  	[tilespmem:s20], [sflag:$0x3] =	stream.indirect.gather [hbm4b:s4+s15], $0x80, s1, s15, $0xb8;
	[tilespmem:$0xF480] =	vst v63  }
0x34: {  	_ =	swait.ge [sflag:s21], $0x2800  }
0x35: {  	[sflag:s21] =	ssyncset.done $0x0  }
0x36: {  	s11 =	simm.s32 $0x5000;
	[sflag:s21] =	ssyncadd.s32 $0xFFFFD800  }
0x37: {  	v26 =	vld [tilespmem:s11+$0xFFFFFF00];
	_ =	sdelay $0x1  }
0x38: {  	v27 =	vld [tilespmem:s11+$0xFFFFFF10];
	_ =	sdelay $0x1  }
0x39: {  	v28 =	vld [tilespmem:s11+$0xFFFFFF20]  }
0x3a: {  	v26 =	vmax.f32 v26, $0.0e+00  }
0x3b: {  	v29 =	vld [tilespmem:s11+$0xFFFFFF30];
	v26 =	vmul.f32 v26, v17  }
0x3c: {  	v27 =	vmax.f32 v27, $0.0e+00  }
0x3d: {  	v30 =	vld [tilespmem:s11+$0xFFFFFF40];
	v27 =	vmul.f32 v27, v18;
	v26 =	vadd.f32 v26, v25  }
0x3e: {  	v28 =	vmax.f32 v28, $0.0e+00  }
0x3f: {  	v33 =	vld [tilespmem:s11+$0xFFFFFF50];
	v26 =	vadd.f32 v27, v26;
	v27 =	vmul.f32 v28, v19  }
0x40: {  	v29 =	vmax.f32 v29, $0.0e+00  }
0x41: {  	v34 =	vld [tilespmem:s11+$0xFFFFFF60];
	v26 =	vadd.f32 v27, v26;
	v27 =	vmul.f32 v29, v20  }
0x42: {  	v30 =	vmax.f32 v30, $0.0e+00  }
0x43: {  	v35 =	vld [tilespmem:s11+$0xFFFFFF70];
	v26 =	vadd.f32 v27, v26;
	v27 =	vmul.f32 v30, v21  }
0x44: {  	v28 =	vmax.f32 v33, $0.0e+00  }
0x45: {  	v26 =	vadd.f32 v27, v26;
	v27 =	vmul.f32 v28, v22  }
0x46: {  	v36 =	vmax.f32 v34, $0.0e+00  }
0x47: {  	v26 =	vadd.f32 v27, v26;
	v27 =	vmul.f32 v36, v23  }
0x48: {  	v37 =	vmax.f32 v35, $0.0e+00  }
0x49: {  	v26 =	vadd.f32 v27, v26;
	v27 =	vmul.f32 v37, v24;
	_ =	sdelay $0x1  }
0x4a: {  	v26 =	vadd.f32 v27, v26  }
0x4b: {  	s2 =	simm.s32 $0xC720  }
0x4c: {  	[tilespmem:s2+$0xFFFFFFE0] =	vst v26  }
0x4d: {  	v26 =	vld [tilespmem:s11+$0xFFFFFF80];
	_ =	sdelay $0x1  }
0x4e: {  	v27 =	vld [tilespmem:s11+$0xFFFFFF90];
	_ =	sdelay $0x1  }
0x4f: {  	v38 =	vld [tilespmem:s11+$0xFFFFFFA0]  }
0x50: {  	v26 =	vmax.f32 v26, $0.0e+00  }
0x51: {  	v39 =	vld [tilespmem:s11+$0xFFFFFFB0];
	v26 =	vmul.f32 v26, v17  }
0x52: {  	v27 =	vmax.f32 v27, $0.0e+00  }
0x53: {  	v40 =	vld [tilespmem:s11+$0xFFFFFFC0];
	v27 =	vmul.f32 v27, v18;
	v26 =	vadd.f32 v26, v25  }
0x54: {  	v28 =	vmax.f32 v38, $0.0e+00  }
0x55: {  	v41 =	vld [tilespmem:s11+$0xFFFFFFD0];
	v26 =	vadd.f32 v27, v26;
	v27 =	vmul.f32 v28, v19  }
0x56: {  	v29 =	vmax.f32 v39, $0.0e+00  }
0x57: {  	v42 =	vld [tilespmem:s11+$0xFFFFFFE0];
	v26 =	vadd.f32 v27, v26;
	v27 =	vmul.f32 v29, v20  }
0x58: {  	v30 =	vmax.f32 v40, $0.0e+00  }
0x59: {  	v43 =	vld [tilespmem:s11+$0xFFFFFFF0];
	v26 =	vadd.f32 v27, v26;
	v27 =	vmul.f32 v30, v21  }
0x5a: {  	v28 =	vmax.f32 v41, $0.0e+00  }
0x5b: {  	v26 =	vadd.f32 v27, v26;
	v27 =	vmul.f32 v28, v22  }
0x5c: {  	v44 =	vmax.f32 v42, $0.0e+00  }
0x5d: {  	v26 =	vadd.f32 v27, v26;
	v27 =	vmul.f32 v44, v23  }
0x5e: {  	v45 =	vmax.f32 v43, $0.0e+00  }
0x5f: {  	v26 =	vadd.f32 v27, v26;
	v27 =	vmul.f32 v45, v24;
	_ =	sdelay $0x1  }
0x60: {  	v26 =	vadd.f32 v27, v26;
	_ =	sdelay $0x1  }
0x61: {  	[tilespmem:s2+$0xFFFFFFF0] =	vst v26  }
0x62: {  	v26 =	vld [tilespmem:s11+$0x0];
	_ =	sdelay $0x1  }
0x63: {  	v27 =	vld [tilespmem:s11+$0x10];
	_ =	sdelay $0x1  }
0x64: {  	v46 =	vld [tilespmem:s11+$0x20]  }
0x65: {  	v26 =	vmax.f32 v26, $0.0e+00  }
0x66: {  	v47 =	vld [tilespmem:s11+$0x30];
	v26 =	vmul.f32 v26, v17  }
0x67: {  	v27 =	vmax.f32 v27, $0.0e+00  }
0x68: {  	v48 =	vld [tilespmem:s11+$0x40];
	v27 =	vmul.f32 v27, v18;
	v26 =	vadd.f32 v26, v25  }
0x69: {  	v28 =	vmax.f32 v46, $0.0e+00  }
0x6a: {  	v49 =	vld [tilespmem:s11+$0x50];
	v26 =	vadd.f32 v27, v26;
	v27 =	vmul.f32 v28, v19  }
0x6b: {  	v29 =	vmax.f32 v47, $0.0e+00  }
0x6c: {  	v50 =	vld [tilespmem:s11+$0x60];
	v26 =	vadd.f32 v27, v26;
	v27 =	vmul.f32 v29, v20  }
0x6d: {  	v30 =	vmax.f32 v48, $0.0e+00  }
0x6e: {  	v51 =	vld [tilespmem:s11+$0x70];
	v26 =	vadd.f32 v27, v26;
	v27 =	vmul.f32 v30, v21  }
0x6f: {  	v28 =	vmax.f32 v49, $0.0e+00  }
0x70: {  	v26 =	vadd.f32 v27, v26;
	v27 =	vmul.f32 v28, v22  }
0x71: {  	v52 =	vmax.f32 v50, $0.0e+00  }
0x72: {  	v26 =	vadd.f32 v27, v26;
	v27 =	vmul.f32 v52, v23  }
0x73: {  	v53 =	vmax.f32 v51, $0.0e+00  }
0x74: {  	v26 =	vadd.f32 v27, v26;
	v27 =	vmul.f32 v53, v24;
	_ =	sdelay $0x1  }
0x75: {  	v26 =	vadd.f32 v27, v26;
	_ =	sdelay $0x1  }
0x76: {  	[tilespmem:s2+$0x0] =	vst v26  }
0x77: {  	v26 =	vld [tilespmem:s11+$0x80];
	_ =	sdelay $0x1  }
0x78: {  	v27 =	vld [tilespmem:s11+$0x90];
	_ =	sdelay $0x1  }
0x79: {  	v54 =	vld [tilespmem:s11+$0xA0]  }
0x7a: {  	v26 =	vmax.f32 v26, $0.0e+00  }
0x7b: {  	v55 =	vld [tilespmem:s11+$0xB0];
	v26 =	vmul.f32 v26, v17  }
0x7c: {  	v27 =	vmax.f32 v27, $0.0e+00  }
0x7d: {  	v56 =	vld [tilespmem:s11+$0xC0];
	v27 =	vmul.f32 v27, v18;
	v26 =	vadd.f32 v26, v25  }
0x7e: {  	v28 =	vmax.f32 v54, $0.0e+00  }
0x7f: {  	v31 =	vld [tilespmem:s11+$0xD0];
	v26 =	vadd.f32 v27, v26;
	v27 =	vmul.f32 v28, v19  }
0x80: {  	v57 =	vmax.f32 v55, $0.0e+00  }
0x81: {  	v58 =	vld [tilespmem:s11+$0xE0];
	v26 =	vadd.f32 v27, v26;
	v27 =	vmul.f32 v57, v20  }
0x82: {  	v59 =	vmax.f32 v56, $0.0e+00  }
0x83: {  	v60 =	vld [tilespmem:s11+$0xF0];
	v26 =	vadd.f32 v27, v26;
	v27 =	vmul.f32 v59, v21  }
0x84: {  	v61 =	vmax.f32 v31, $0.0e+00  }
0x85: {  	v26 =	vadd.f32 v27, v26;
	v27 =	vmul.f32 v61, v22  }
0x86: {  	v62 =	vmax.f32 v58, $0.0e+00  }
0x87: {  	v26 =	vadd.f32 v27, v26;
	v27 =	vmul.f32 v62, v23  }
0x88: {  	v63 =	vmax.f32 v60, $0.0e+00  }
0x89: {  	v26 =	vadd.f32 v27, v26;
	v27 =	vmul.f32 v63, v24;
	_ =	sdelay $0x1  }
0x8a: {  	s13 =	simm.s32 $0x0;
	s0 =	sadd.s32 $0x50, s31;
	v26 =	vadd.f32 v27, v26  }
.LBB2_3:
0x8b: {  	_ = 	snop  }
0x8c: {  	s13 =	sadd.s32 $0x4, s13;
	s11 =	sadd.s32 $0x200, s11;
	[tilespmem:s2+$0x10] =	vst v26;
	s2 =	sadd.s32 $0x40, s2  }
0x8d: {  	p0 =	slt.u32 s13, $0x4C;
	v26 =	vld [tilespmem:s11+$0xFFFFFF00];
	_ =	sdelay $0x1  }
0x8e: {  	v27 =	vld [tilespmem:s11+$0xFFFFFF10];
	_ =	sdelay $0x1  }
0x8f: {  	v28 =	vld [tilespmem:s11+$0xFFFFFF20]  }
0x90: {  	v26 =	vmax.f32 v26, $0.0e+00  }
0x91: {  	v26 =	vmul.f32 v26, v17;
	v29 =	vld [tilespmem:s11+$0xFFFFFF30]  }
0x92: {  	v27 =	vmax.f32 v27, $0.0e+00  }
0x93: {  	v26 =	vadd.f32 v26, v25;
	v27 =	vmul.f32 v27, v18;
	v30 =	vld [tilespmem:s11+$0xFFFFFF40]  }
0x94: {  	v28 =	vmax.f32 v28, $0.0e+00  }
0x95: {  	v26 =	vadd.f32 v27, v26;
	v27 =	vmul.f32 v28, v19;
	v28 =	vld [tilespmem:s11+$0xFFFFFF50]  }
0x96: {  	v29 =	vmax.f32 v29, $0.0e+00  }
0x97: {  	v26 =	vadd.f32 v27, v26;
	v27 =	vmul.f32 v29, v20;
	v29 =	vld [tilespmem:s11+$0xFFFFFF60]  }
0x98: {  	v30 =	vmax.f32 v30, $0.0e+00  }
0x99: {  	v26 =	vadd.f32 v27, v26;
	v27 =	vmul.f32 v30, v21;
	v30 =	vld [tilespmem:s11+$0xFFFFFF70]  }
0x9a: {  	v28 =	vmax.f32 v28, $0.0e+00  }
0x9b: {  	v26 =	vadd.f32 v27, v26;
	v27 =	vmul.f32 v28, v22  }
0x9c: {  	v28 =	vmax.f32 v29, $0.0e+00  }
0x9d: {  	v26 =	vadd.f32 v27, v26;
	v27 =	vmul.f32 v28, v23  }
0x9e: {  	v28 =	vmax.f32 v30, $0.0e+00  }
0x9f: {  	v26 =	vadd.f32 v27, v26;
	v27 =	vmul.f32 v28, v24;
	_ =	sdelay $0x1  }
0xa0: {  	v26 =	vadd.f32 v27, v26;
	_ =	sdelay $0x1  }
0xa1: {  	[tilespmem:s2+$0xFFFFFFE0] =	vst v26  }
0xa2: {  	v26 =	vld [tilespmem:s11+$0xFFFFFF80];
	_ =	sdelay $0x1  }
0xa3: {  	v27 =	vld [tilespmem:s11+$0xFFFFFF90];
	_ =	sdelay $0x1  }
0xa4: {  	v28 =	vld [tilespmem:s11+$0xFFFFFFA0]  }
0xa5: {  	v26 =	vmax.f32 v26, $0.0e+00  }
0xa6: {  	v26 =	vmul.f32 v26, v17;
	v29 =	vld [tilespmem:s11+$0xFFFFFFB0]  }
0xa7: {  	v27 =	vmax.f32 v27, $0.0e+00  }
0xa8: {  	v26 =	vadd.f32 v26, v25;
	v27 =	vmul.f32 v27, v18;
	v30 =	vld [tilespmem:s11+$0xFFFFFFC0]  }
0xa9: {  	v28 =	vmax.f32 v28, $0.0e+00  }
0xaa: {  	v26 =	vadd.f32 v27, v26;
	v27 =	vmul.f32 v28, v19;
	v28 =	vld [tilespmem:s11+$0xFFFFFFD0]  }
0xab: {  	v29 =	vmax.f32 v29, $0.0e+00  }
0xac: {  	v26 =	vadd.f32 v27, v26;
	v27 =	vmul.f32 v29, v20;
	v29 =	vld [tilespmem:s11+$0xFFFFFFE0]  }
0xad: {  	v30 =	vmax.f32 v30, $0.0e+00  }
0xae: {  	v26 =	vadd.f32 v27, v26;
	v27 =	vmul.f32 v30, v21;
	v30 =	vld [tilespmem:s11+$0xFFFFFFF0]  }
0xaf: {  	v28 =	vmax.f32 v28, $0.0e+00  }
0xb0: {  	v26 =	vadd.f32 v27, v26;
	v27 =	vmul.f32 v28, v22  }
0xb1: {  	v28 =	vmax.f32 v29, $0.0e+00  }
0xb2: {  	v26 =	vadd.f32 v27, v26;
	v27 =	vmul.f32 v28, v23  }
0xb3: {  	v28 =	vmax.f32 v30, $0.0e+00  }
0xb4: {  	v26 =	vadd.f32 v27, v26;
	v27 =	vmul.f32 v28, v24;
	_ =	sdelay $0x1  }
0xb5: {  	v26 =	vadd.f32 v27, v26;
	_ =	sdelay $0x1  }
0xb6: {  	[tilespmem:s2+$0xFFFFFFF0] =	vst v26  }
0xb7: {  	v26 =	vld [tilespmem:s11+$0x0];
	_ =	sdelay $0x1  }
0xb8: {  	v27 =	vld [tilespmem:s11+$0x10];
	_ =	sdelay $0x1  }
0xb9: {  	v28 =	vld [tilespmem:s11+$0x20]  }
0xba: {  	v26 =	vmax.f32 v26, $0.0e+00  }
0xbb: {  	v26 =	vmul.f32 v26, v17;
	v29 =	vld [tilespmem:s11+$0x30]  }
0xbc: {  	v27 =	vmax.f32 v27, $0.0e+00  }
0xbd: {  	v26 =	vadd.f32 v26, v25;
	v27 =	vmul.f32 v27, v18;
	v30 =	vld [tilespmem:s11+$0x40]  }
0xbe: {  	v28 =	vmax.f32 v28, $0.0e+00  }
0xbf: {  	v26 =	vadd.f32 v27, v26;
	v27 =	vmul.f32 v28, v19;
	v28 =	vld [tilespmem:s11+$0x50]  }
0xc0: {  	v29 =	vmax.f32 v29, $0.0e+00  }
0xc1: {  	v26 =	vadd.f32 v27, v26;
	v27 =	vmul.f32 v29, v20;
	v29 =	vld [tilespmem:s11+$0x60]  }
0xc2: {  	v30 =	vmax.f32 v30, $0.0e+00  }
0xc3: {  	v26 =	vadd.f32 v27, v26;
	v27 =	vmul.f32 v30, v21;
	v30 =	vld [tilespmem:s11+$0x70]  }
0xc4: {  	v28 =	vmax.f32 v28, $0.0e+00  }
0xc5: {  	v26 =	vadd.f32 v27, v26;
	v27 =	vmul.f32 v28, v22  }
0xc6: {  	v28 =	vmax.f32 v29, $0.0e+00  }
0xc7: {  	v26 =	vadd.f32 v27, v26;
	v27 =	vmul.f32 v28, v23  }
0xc8: {  	v28 =	vmax.f32 v30, $0.0e+00  }
0xc9: {  	v26 =	vadd.f32 v27, v26;
	v27 =	vmul.f32 v28, v24;
	_ =	sdelay $0x1  }
0xca: {  	v26 =	vadd.f32 v27, v26;
	_ =	sdelay $0x1  }
0xcb: {  	[tilespmem:s2+$0x0] =	vst v26  }
0xcc: {  	v26 =	vld [tilespmem:s11+$0x80]  }
0xcd: {  	v27 =	vld [tilespmem:s11+$0x90]  }
0xce: {  	v28 =	vld [tilespmem:s11+$0xA0]  }
0xcf: {  	v29 =	vld [tilespmem:s11+$0xB0]  }
0xd0: {  	v30 =	vld [tilespmem:s11+$0xC0]  }
0xd1: {  	v26 =	vmax.f32 v26, $0.0e+00;
	v31 =	vld [tilespmem:s11+$0xD0]  }
0xd2: {  	v26 =	vmul.f32 v26, v17;
	v27 =	vmax.f32 v27, $0.0e+00;
	v32 =	vld [tilespmem:s11+$0xE0]  }
0xd3: {  	v28 =	vmax.f32 v28, $0.0e+00;
	v33 =	vld [tilespmem:s11+$0xF0]  }
0xd4: {  	v27 =	vmul.f32 v27, v18;
	v26 =	vadd.f32 v26, v25;
	v29 =	vmax.f32 v29, $0.0e+00  }
0xd5: {  	v30 =	vmax.f32 v30, $0.0e+00  }
0xd6: {  	v26 =	vadd.f32 v27, v26;
	v27 =	vmul.f32 v28, v19;
	v28 =	vmax.f32 v31, $0.0e+00  }
0xd7: {  	v31 =	vmax.f32 v32, $0.0e+00  }
0xd8: {  	v26 =	vadd.f32 v27, v26;
	v27 =	vmul.f32 v29, v20;
	v29 =	vmax.f32 v33, $0.0e+00;
	_ =	sdelay $0x1  }
0xd9: {  	v26 =	vadd.f32 v27, v26;
	v27 =	vmul.f32 v30, v21;
	_ =	sdelay $0x1  }
0xda: {  	v26 =	vadd.f32 v27, v26;
	v27 =	vmul.f32 v28, v22;
	_ =	sdelay $0x1  }
.Ltmp0:
0xdb: {  	v26 =	vadd.f32 v27, v26;
	v27 =	vmul.f32 v31, v23;
	(pc) =	sbr.rel @p0 .LBB2_3-.Ltmp0, $3  }
0xdc: {  	_ = 	snop  }
0xdd: {  	v26 =	vadd.f32 v27, v26;
	v27 =	vmul.f32 v29, v24;
	_ =	sdelay $0x1  }
0xde: {  	v26 =	vadd.f32 v27, v26  }
0xdf: {  	s11 =	sadd.s32 $0xCC00, s31  }
0xe0: {  	p0 =	por $0x1, $0x1;
	[tilespmem:s2+$0x10] =	vst v26;
	s2 =	simm.s32 $0x0;
	v26 =	vmov s11  }
.LBB2_5:
0xe1: {  	v27 =	vmov s2  }
0xe2: {  	v27 =	vshll.u32 v27, $0x4  }
0xe3: {  	v27 =	vor.u32 v0, v27  }
0xe4: {  	v28 =	vor.u32 $0x1, v27;
	_ =	sdelay $0x1  }
0xe5: {  	v29 =	vor.u32 $0x2, v27;
	_ =	sdelay $0x1  }
0xe6: {  	v31 =	vor.u32 $0x3, v27;
	v30 =	vld.idx.msk [tilespmem:v27+s22+$0x0], $0xffff  }
0xe7: {  	v28 =	vld.idx.msk [tilespmem:v28+s22+$0x0], $0xffff  }
0xe8: {  	v32 =	vor.u32 $0x4, v27  }
0xe9: {  	v29 =	vld.idx.msk [tilespmem:v29+s22+$0x0], $0xffff  }
0xea: {  	v33 =	vor.u32 $0x5, v27  }
0xeb: {  	v31 =	vld.idx.msk [tilespmem:v31+s22+$0x0], $0xffff  }
0xec: {  	v37 =	vor.u32 $0x6, v27;
	v28 =	vadd.f32 v28, v30  }
0xed: {  	v32 =	vld.idx.msk [tilespmem:v32+s22+$0x0], $0xffff  }
0xee: {  	v38 =	vor.u32 $0x7, v27;
	v28 =	vadd.f32 v29, v28  }
0xef: {  	v33 =	vld.idx.msk [tilespmem:v33+s22+$0x0], $0xffff  }
0xf0: {  	v39 =	vor.u32 $0x8, v27;
	v28 =	vadd.f32 v31, v28  }
0xf1: {  	v30 =	vld.idx.msk [tilespmem:v37+s22+$0x0], $0xffff  }
0xf2: {  	v40 =	vor.u32 $0x9, v27;
	v28 =	vadd.f32 v32, v28  }
0xf3: {  	v29 =	vld.idx.msk [tilespmem:v38+s22+$0x0], $0xffff  }
0xf4: {  	v41 =	vor.u32 $0xA, v27;
	v28 =	vadd.f32 v33, v28  }
0xf5: {  	v31 =	vld.idx.msk [tilespmem:v39+s22+$0x0], $0xffff  }
0xf6: {  	v42 =	vor.u32 $0xB, v27;
	v28 =	vadd.f32 v30, v28  }
0xf7: {  	v32 =	vld.idx.msk [tilespmem:v40+s22+$0x0], $0xffff  }
0xf8: {  	v43 =	vor.u32 $0xC, v27;
	v28 =	vadd.f32 v29, v28  }
0xf9: {  	v33 =	vld.idx.msk [tilespmem:v41+s22+$0x0], $0xffff  }
0xfa: {  	v44 =	vor.u32 $0xD, v27;
	v28 =	vadd.f32 v31, v28  }
0xfb: {  	v30 =	vld.idx.msk [tilespmem:v42+s22+$0x0], $0xffff  }
0xfc: {  	v45 =	vor.u32 $0xE, v27;
	v28 =	vadd.f32 v32, v28  }
0xfd: {  	v29 =	vld.idx.msk [tilespmem:v43+s22+$0x0], $0xffff  }
0xfe: {  	v27 =	vor.u32 $0xF, v27;
	v28 =	vadd.f32 v33, v28  }
0xff: {  	v31 =	vld.idx.msk [tilespmem:v44+s22+$0x0], $0xffff  }
0x100: {  	v28 =	vadd.f32 v30, v28  }
0x101: {  	v46 =	vld.idx.msk [tilespmem:v45+s22+$0x0], $0xffff  }
0x102: {  	v28 =	vadd.f32 v29, v28  }
0x103: {  	s11 =	sor.u32 $0x10, s2;
	v27 =	vld.idx.msk [tilespmem:v27+s22+$0x0], $0xffff  }
0x104: {  	v47 =	vmov s11;
	v28 =	vadd.f32 v31, v28  }
0x105: {  	v29 =	vshll.u32 v47, $0x4  }
0x106: {  	v29 =	vor.u32 v0, v29;
	v28 =	vadd.f32 v46, v28  }
0x107: {  	v48 =	vor.u32 $0x1, v29  }
0x108: {  	v27 =	vadd.f32 v27, v28  }
0x109: {  	v49 =	vor.u32 $0x2, v29  }
0x10a: {  	[tilespmem:v26+s2+$0x0 ss:$0x1] =	vst.idx.msk $0xffff, v27  }
0x10b: {  	v50 =	vor.u32 $0x3, v29;
	v27 =	vld.idx.msk [tilespmem:v29+s22+$0x0], $0xffff  }
0x10c: {  	v30 =	vld.idx.msk [tilespmem:v48+s22+$0x0], $0xffff  }
0x10d: {  	v51 =	vor.u32 $0x4, v29  }
0x10e: {  	v28 =	vld.idx.msk [tilespmem:v49+s22+$0x0], $0xffff  }
0x10f: {  	v52 =	vor.u32 $0x5, v29  }
0x110: {  	v31 =	vld.idx.msk [tilespmem:v50+s22+$0x0], $0xffff  }
0x111: {  	v53 =	vor.u32 $0x6, v29;
	v27 =	vadd.f32 v30, v27  }
0x112: {  	v32 =	vld.idx.msk [tilespmem:v51+s22+$0x0], $0xffff  }
0x113: {  	v54 =	vor.u32 $0x7, v29;
	v27 =	vadd.f32 v28, v27  }
0x114: {  	v33 =	vld.idx.msk [tilespmem:v52+s22+$0x0], $0xffff  }
0x115: {  	v55 =	vor.u32 $0x8, v29;
	v27 =	vadd.f32 v31, v27  }
0x116: {  	v30 =	vld.idx.msk [tilespmem:v53+s22+$0x0], $0xffff  }
0x117: {  	v56 =	vor.u32 $0x9, v29;
	v27 =	vadd.f32 v32, v27  }
0x118: {  	v28 =	vld.idx.msk [tilespmem:v54+s22+$0x0], $0xffff  }
0x119: {  	v57 =	vor.u32 $0xA, v29;
	v27 =	vadd.f32 v33, v27  }
0x11a: {  	v31 =	vld.idx.msk [tilespmem:v55+s22+$0x0], $0xffff  }
0x11b: {  	v58 =	vor.u32 $0xB, v29;
	v27 =	vadd.f32 v30, v27  }
0x11c: {  	v32 =	vld.idx.msk [tilespmem:v56+s22+$0x0], $0xffff  }
0x11d: {  	v59 =	vor.u32 $0xC, v29;
	v27 =	vadd.f32 v28, v27  }
0x11e: {  	v33 =	vld.idx.msk [tilespmem:v57+s22+$0x0], $0xffff  }
0x11f: {  	v60 =	vor.u32 $0xD, v29;
	v27 =	vadd.f32 v31, v27  }
0x120: {  	v30 =	vld.idx.msk [tilespmem:v58+s22+$0x0], $0xffff  }
0x121: {  	v61 =	vor.u32 $0xE, v29;
	v27 =	vadd.f32 v32, v27  }
0x122: {  	v28 =	vld.idx.msk [tilespmem:v59+s22+$0x0], $0xffff  }
0x123: {  	v29 =	vor.u32 $0xF, v29;
	v27 =	vadd.f32 v33, v27  }
0x124: {  	v31 =	vld.idx.msk [tilespmem:v60+s22+$0x0], $0xffff  }
0x125: {  	v27 =	vadd.f32 v30, v27  }
0x126: {  	v62 =	vld.idx.msk [tilespmem:v61+s22+$0x0], $0xffff  }
0x127: {  	v27 =	vadd.f32 v28, v27  }
0x128: {  	v63 =	vld.idx.msk [tilespmem:v29+s22+$0x0], $0xffff  }
0x129: {  	v27 =	vadd.f32 v31, v27  }
0x12a: {  	p1 =	por p0, p0  }
.Ltmp1:
0x12b: {  	v27 =	vadd.f32 v62, v27;
	(pc) =	sbr.rel @p1 .LBB2_5-.Ltmp1, $3  }
0x12c: {  	_ = 	snop  }
0x12d: {  	v27 =	vadd.f32 v63, v27;
	_ =	sdelay $0x1  }
0x12e: {  	p0 =	por $0x0, $0x0;
	s2 =	simm.s32 $0x20;
	[tilespmem:v26+s11+$0x0 ss:$0x1] =	vst.idx.msk $0xffff, v27  }
0x12f: {  	_ =	sdelay $0x3  }
0x130: {  	v26 =	vld.idx.msk [tilespmem:v1+s22+$0x0], $0xffff  }
0x131: {  	v27 =	vld.idx.msk [tilespmem:v2+s22+$0x0], $0xffff;
	_ =	sdelay $0x1  }
0x132: {  	v28 =	vld.idx.msk [tilespmem:v3+s22+$0x0], $0xffff;
	_ =	sdelay $0x1  }
0x133: {  	v29 =	vld.idx.msk [tilespmem:v4+s22+$0x0], $0xffff  }
0x134: {  	v26 =	vadd.f32 v27, v26  }
0x135: {  	v27 =	vld.idx.msk [tilespmem:v5+s22+$0x0], $0xffff  }
0x136: {  	v26 =	vadd.f32 v28, v26  }
0x137: {  	v54 =	vld.idx.msk [tilespmem:v6+s22+$0x0], $0xffff  }
0x138: {  	v26 =	vadd.f32 v29, v26  }
0x139: {  	v55 =	vld.idx.msk [tilespmem:v7+s22+$0x0], $0xffff  }
0x13a: {  	v26 =	vadd.f32 v27, v26  }
0x13b: {  	v27 =	vld.idx.msk [tilespmem:v8+s22+$0x0], $0xffff  }
0x13c: {  	v26 =	vadd.f32 v54, v26  }
0x13d: {  	v56 =	vld.idx.msk [tilespmem:v9+s22+$0x0], $0xffff  }
0x13e: {  	v26 =	vadd.f32 v55, v26  }
0x13f: {  	v57 =	vld.idx.msk [tilespmem:v10+s22+$0x0], $0xffff  }
0x140: {  	v26 =	vadd.f32 v27, v26  }
0x141: {  	v27 =	vld.idx.msk [tilespmem:v11+s22+$0x0], $0xffff  }
0x142: {  	v26 =	vadd.f32 v56, v26  }
0x143: {  	v58 =	vld.idx.msk [tilespmem:v12+s22+$0x0], $0xffff  }
0x144: {  	v26 =	vadd.f32 v57, v26  }
0x145: {  	v59 =	vld.idx.msk [tilespmem:v13+s22+$0x0], $0xffff  }
0x146: {  	v26 =	vadd.f32 v27, v26  }
0x147: {  	v27 =	vld.idx.msk [tilespmem:v14+s22+$0x0], $0xffff  }
0x148: {  	v26 =	vadd.f32 v58, v26  }
0x149: {  	v60 =	vld.idx.msk [tilespmem:v15+s22+$0x0], $0xffff  }
0x14a: {  	v26 =	vadd.f32 v59, v26  }
0x14b: {  	v61 =	vld.idx.msk [tilespmem:v16+s22+$0x0], $0xffff  }
0x14c: {  	v26 =	vadd.f32 v27, v26;
	_ =	sdelay $0x1  }
0x14d: {  	v26 =	vadd.f32 v60, v26  }
0x14e: {  	s2 =	smul.u32 $0x3C0, s30  }
0x14f: {  	v26 =	vadd.f32 v61, v26  }
0x150: {  	s2 =	sshra.s32 s2, $0x2  }
0x151: {  	[tilespmem:s2+$0xCC40] =	vst v26  }
0x152: {  	_ =	swait.ge [sflag:s23], $0x2800  }
0x153: {  	[sflag:s23] =	ssyncset.done $0x0  }
0x154: {  	s11 =	sadd.s32 $0x2780, s1;
	[sflag:s23] =	ssyncadd.s32 $0xFFFFD800  }
0x155: {  	[tilespmem:s20], [sflag:$0x6] =	stream.indirect.gather.add.f32 [hbm:s5], $0x80, s11, s15, $0xb8;
	[tilespmem:$0xF480] =	vst v63  }
0x156: {  	s11 =	sadd.s32 $0xF0, s31  }
0x157: {  	[tilespmem:s16], [sflag:$0x1] =	stream.indirect.gather [hbm4b:s4+s15], $0x80, s11, s15, $0xb8;
	[tilespmem:$0xF480] =	vst v63  }
0x158: {  	_ =	swait.ge [sflag:s24], $0x2800  }
0x159: {  	[sflag:s24] =	ssyncset.done $0x0  }
0x15a: {  	s26 =	simm.s32 $0x7800;
	[sflag:s24] =	ssyncadd.s32 $0xFFFFD800  }
0x15b: {  	v26 =	vld [tilespmem:s26+$0xFFFFFF00];
	_ =	sdelay $0x1  }
0x15c: {  	v27 =	vld [tilespmem:s26+$0xFFFFFF10];
	_ =	sdelay $0x1  }
0x15d: {  	v62 =	vld [tilespmem:s26+$0xFFFFFF20]  }
0x15e: {  	v26 =	vmax.f32 v26, $0.0e+00  }
0x15f: {  	v63 =	vld [tilespmem:s26+$0xFFFFFF30];
	v26 =	vmul.f32 v26, v17  }
0x160: {  	v27 =	vmax.f32 v27, $0.0e+00  }
0x161: {  	v30 =	vld [tilespmem:s26+$0xFFFFFF40];
	v27 =	vmul.f32 v27, v18;
	v26 =	vadd.f32 v26, v25  }
0x162: {  	v28 =	vmax.f32 v62, $0.0e+00  }
0x163: {  	v33 =	vld [tilespmem:s26+$0xFFFFFF50];
	v26 =	vadd.f32 v27, v26;
	v27 =	vmul.f32 v28, v19  }
0x164: {  	v29 =	vmax.f32 v63, $0.0e+00  }
0x165: {  	v34 =	vld [tilespmem:s26+$0xFFFFFF60];
	v26 =	vadd.f32 v27, v26;
	v27 =	vmul.f32 v29, v20  }
0x166: {  	v30 =	vmax.f32 v30, $0.0e+00  }
0x167: {  	v35 =	vld [tilespmem:s26+$0xFFFFFF70];
	v26 =	vadd.f32 v27, v26;
	v27 =	vmul.f32 v30, v21  }
0x168: {  	v28 =	vmax.f32 v33, $0.0e+00  }
0x169: {  	v26 =	vadd.f32 v27, v26;
	v27 =	vmul.f32 v28, v22  }
0x16a: {  	v36 =	vmax.f32 v34, $0.0e+00  }
0x16b: {  	v26 =	vadd.f32 v27, v26;
	v27 =	vmul.f32 v36, v23  }
0x16c: {  	v37 =	vmax.f32 v35, $0.0e+00  }
0x16d: {  	v26 =	vadd.f32 v27, v26;
	v27 =	vmul.f32 v37, v24;
	_ =	sdelay $0x1  }
0x16e: {  	v26 =	vadd.f32 v27, v26  }
0x16f: {  	s13 =	simm.s32 $0xC720  }
0x170: {  	[tilespmem:s13+$0xFFFFFFE0] =	vst v26  }
0x171: {  	v26 =	vld [tilespmem:s26+$0xFFFFFF80];
	_ =	sdelay $0x1  }
0x172: {  	v27 =	vld [tilespmem:s26+$0xFFFFFF90];
	_ =	sdelay $0x1  }
0x173: {  	v38 =	vld [tilespmem:s26+$0xFFFFFFA0]  }
0x174: {  	v26 =	vmax.f32 v26, $0.0e+00  }
0x175: {  	v39 =	vld [tilespmem:s26+$0xFFFFFFB0];
	v26 =	vmul.f32 v26, v17  }
0x176: {  	v27 =	vmax.f32 v27, $0.0e+00  }
0x177: {  	v40 =	vld [tilespmem:s26+$0xFFFFFFC0];
	v27 =	vmul.f32 v27, v18;
	v26 =	vadd.f32 v26, v25  }
0x178: {  	v28 =	vmax.f32 v38, $0.0e+00  }
0x179: {  	v41 =	vld [tilespmem:s26+$0xFFFFFFD0];
	v26 =	vadd.f32 v27, v26;
	v27 =	vmul.f32 v28, v19  }
0x17a: {  	v29 =	vmax.f32 v39, $0.0e+00  }
0x17b: {  	v42 =	vld [tilespmem:s26+$0xFFFFFFE0];
	v26 =	vadd.f32 v27, v26;
	v27 =	vmul.f32 v29, v20  }
0x17c: {  	v30 =	vmax.f32 v40, $0.0e+00  }
0x17d: {  	v43 =	vld [tilespmem:s26+$0xFFFFFFF0];
	v26 =	vadd.f32 v27, v26;
	v27 =	vmul.f32 v30, v21  }
0x17e: {  	v28 =	vmax.f32 v41, $0.0e+00  }
0x17f: {  	v26 =	vadd.f32 v27, v26;
	v27 =	vmul.f32 v28, v22  }
0x180: {  	v44 =	vmax.f32 v42, $0.0e+00  }
0x181: {  	v26 =	vadd.f32 v27, v26;
	v27 =	vmul.f32 v44, v23  }
0x182: {  	v45 =	vmax.f32 v43, $0.0e+00  }
0x183: {  	v26 =	vadd.f32 v27, v26;
	v27 =	vmul.f32 v45, v24;
	_ =	sdelay $0x1  }
0x184: {  	v26 =	vadd.f32 v27, v26;
	_ =	sdelay $0x1  }
0x185: {  	[tilespmem:s13+$0xFFFFFFF0] =	vst v26  }
0x186: {  	v26 =	vld [tilespmem:s26+$0x0];
	_ =	sdelay $0x1  }
0x187: {  	v27 =	vld [tilespmem:s26+$0x10];
	_ =	sdelay $0x1  }
0x188: {  	v46 =	vld [tilespmem:s26+$0x20]  }
0x189: {  	v26 =	vmax.f32 v26, $0.0e+00  }
0x18a: {  	v47 =	vld [tilespmem:s26+$0x30];
	v26 =	vmul.f32 v26, v17  }
0x18b: {  	v27 =	vmax.f32 v27, $0.0e+00  }
0x18c: {  	v48 =	vld [tilespmem:s26+$0x40];
	v27 =	vmul.f32 v27, v18;
	v26 =	vadd.f32 v26, v25  }
0x18d: {  	v28 =	vmax.f32 v46, $0.0e+00  }
0x18e: {  	v49 =	vld [tilespmem:s26+$0x50];
	v26 =	vadd.f32 v27, v26;
	v27 =	vmul.f32 v28, v19  }
0x18f: {  	v29 =	vmax.f32 v47, $0.0e+00  }
0x190: {  	v50 =	vld [tilespmem:s26+$0x60];
	v26 =	vadd.f32 v27, v26;
	v27 =	vmul.f32 v29, v20  }
0x191: {  	v30 =	vmax.f32 v48, $0.0e+00  }
0x192: {  	v51 =	vld [tilespmem:s26+$0x70];
	v26 =	vadd.f32 v27, v26;
	v27 =	vmul.f32 v30, v21  }
0x193: {  	v28 =	vmax.f32 v49, $0.0e+00  }
0x194: {  	v26 =	vadd.f32 v27, v26;
	v27 =	vmul.f32 v28, v22  }
0x195: {  	v52 =	vmax.f32 v50, $0.0e+00  }
0x196: {  	v26 =	vadd.f32 v27, v26;
	v27 =	vmul.f32 v52, v23  }
0x197: {  	v53 =	vmax.f32 v51, $0.0e+00  }
0x198: {  	v26 =	vadd.f32 v27, v26;
	v27 =	vmul.f32 v53, v24;
	_ =	sdelay $0x1  }
0x199: {  	v26 =	vadd.f32 v27, v26;
	_ =	sdelay $0x1  }
0x19a: {  	[tilespmem:s13+$0x0] =	vst v26  }
0x19b: {  	v26 =	vld [tilespmem:s26+$0x80];
	_ =	sdelay $0x1  }
0x19c: {  	v27 =	vld [tilespmem:s26+$0x90];
	_ =	sdelay $0x1  }
0x19d: {  	v54 =	vld [tilespmem:s26+$0xA0]  }
0x19e: {  	v26 =	vmax.f32 v26, $0.0e+00  }
0x19f: {  	v55 =	vld [tilespmem:s26+$0xB0];
	v26 =	vmul.f32 v26, v17  }
0x1a0: {  	v27 =	vmax.f32 v27, $0.0e+00  }
0x1a1: {  	v56 =	vld [tilespmem:s26+$0xC0];
	v27 =	vmul.f32 v27, v18;
	v26 =	vadd.f32 v26, v25  }
0x1a2: {  	v28 =	vmax.f32 v54, $0.0e+00  }
0x1a3: {  	v31 =	vld [tilespmem:s26+$0xD0];
	v26 =	vadd.f32 v27, v26;
	v27 =	vmul.f32 v28, v19  }
0x1a4: {  	v57 =	vmax.f32 v55, $0.0e+00  }
0x1a5: {  	v58 =	vld [tilespmem:s26+$0xE0];
	v26 =	vadd.f32 v27, v26;
	v27 =	vmul.f32 v57, v20  }
0x1a6: {  	v59 =	vmax.f32 v56, $0.0e+00  }
0x1a7: {  	v60 =	vld [tilespmem:s26+$0xF0];
	v26 =	vadd.f32 v27, v26;
	v27 =	vmul.f32 v59, v21  }
0x1a8: {  	v61 =	vmax.f32 v31, $0.0e+00  }
0x1a9: {  	v26 =	vadd.f32 v27, v26;
	v27 =	vmul.f32 v61, v22  }
0x1aa: {  	v62 =	vmax.f32 v58, $0.0e+00  }
0x1ab: {  	v26 =	vadd.f32 v27, v26;
	v27 =	vmul.f32 v62, v23  }
0x1ac: {  	v63 =	vmax.f32 v60, $0.0e+00  }
0x1ad: {  	v26 =	vadd.f32 v27, v26;
	v27 =	vmul.f32 v63, v24;
	_ =	sdelay $0x1  }
0x1ae: {  	s28 =	simm.s32 $0x0;
	v26 =	vadd.f32 v27, v26  }
.LBB2_7:
0x1af: {  	_ = 	snop  }
0x1b0: {  	s28 =	sadd.s32 $0x4, s28;
	s26 =	sadd.s32 $0x200, s26;
	[tilespmem:s13+$0x10] =	vst v26;
	s13 =	sadd.s32 $0x40, s13  }
0x1b1: {  	p0 =	slt.u32 s28, $0x4C;
	v26 =	vld [tilespmem:s26+$0xFFFFFF00];
	_ =	sdelay $0x1  }
0x1b2: {  	v27 =	vld [tilespmem:s26+$0xFFFFFF10];
	_ =	sdelay $0x1  }
0x1b3: {  	v28 =	vld [tilespmem:s26+$0xFFFFFF20]  }
0x1b4: {  	v26 =	vmax.f32 v26, $0.0e+00  }
0x1b5: {  	v26 =	vmul.f32 v26, v17;
	v29 =	vld [tilespmem:s26+$0xFFFFFF30]  }
0x1b6: {  	v27 =	vmax.f32 v27, $0.0e+00  }
0x1b7: {  	v26 =	vadd.f32 v26, v25;
	v27 =	vmul.f32 v27, v18;
	v30 =	vld [tilespmem:s26+$0xFFFFFF40]  }
0x1b8: {  	v28 =	vmax.f32 v28, $0.0e+00  }
0x1b9: {  	v26 =	vadd.f32 v27, v26;
	v27 =	vmul.f32 v28, v19;
	v28 =	vld [tilespmem:s26+$0xFFFFFF50]  }
0x1ba: {  	v29 =	vmax.f32 v29, $0.0e+00  }
0x1bb: {  	v26 =	vadd.f32 v27, v26;
	v27 =	vmul.f32 v29, v20;
	v29 =	vld [tilespmem:s26+$0xFFFFFF60]  }
0x1bc: {  	v30 =	vmax.f32 v30, $0.0e+00  }
0x1bd: {  	v26 =	vadd.f32 v27, v26;
	v27 =	vmul.f32 v30, v21;
	v30 =	vld [tilespmem:s26+$0xFFFFFF70]  }
0x1be: {  	v28 =	vmax.f32 v28, $0.0e+00  }
0x1bf: {  	v26 =	vadd.f32 v27, v26;
	v27 =	vmul.f32 v28, v22  }
0x1c0: {  	v28 =	vmax.f32 v29, $0.0e+00  }
0x1c1: {  	v26 =	vadd.f32 v27, v26;
	v27 =	vmul.f32 v28, v23  }
0x1c2: {  	v28 =	vmax.f32 v30, $0.0e+00  }
0x1c3: {  	v26 =	vadd.f32 v27, v26;
	v27 =	vmul.f32 v28, v24;
	_ =	sdelay $0x1  }
0x1c4: {  	v26 =	vadd.f32 v27, v26;
	_ =	sdelay $0x1  }
0x1c5: {  	[tilespmem:s13+$0xFFFFFFE0] =	vst v26  }
0x1c6: {  	v26 =	vld [tilespmem:s26+$0xFFFFFF80];
	_ =	sdelay $0x1  }
0x1c7: {  	v27 =	vld [tilespmem:s26+$0xFFFFFF90];
	_ =	sdelay $0x1  }
0x1c8: {  	v28 =	vld [tilespmem:s26+$0xFFFFFFA0]  }
0x1c9: {  	v26 =	vmax.f32 v26, $0.0e+00  }
0x1ca: {  	v26 =	vmul.f32 v26, v17;
	v29 =	vld [tilespmem:s26+$0xFFFFFFB0]  }
0x1cb: {  	v27 =	vmax.f32 v27, $0.0e+00  }
0x1cc: {  	v26 =	vadd.f32 v26, v25;
	v27 =	vmul.f32 v27, v18;
	v30 =	vld [tilespmem:s26+$0xFFFFFFC0]  }
0x1cd: {  	v28 =	vmax.f32 v28, $0.0e+00  }
0x1ce: {  	v26 =	vadd.f32 v27, v26;
	v27 =	vmul.f32 v28, v19;
	v28 =	vld [tilespmem:s26+$0xFFFFFFD0]  }
0x1cf: {  	v29 =	vmax.f32 v29, $0.0e+00  }
0x1d0: {  	v26 =	vadd.f32 v27, v26;
	v27 =	vmul.f32 v29, v20;
	v29 =	vld [tilespmem:s26+$0xFFFFFFE0]  }
0x1d1: {  	v30 =	vmax.f32 v30, $0.0e+00  }
0x1d2: {  	v26 =	vadd.f32 v27, v26;
	v27 =	vmul.f32 v30, v21;
	v30 =	vld [tilespmem:s26+$0xFFFFFFF0]  }
0x1d3: {  	v28 =	vmax.f32 v28, $0.0e+00  }
0x1d4: {  	v26 =	vadd.f32 v27, v26;
	v27 =	vmul.f32 v28, v22  }
0x1d5: {  	v28 =	vmax.f32 v29, $0.0e+00  }
0x1d6: {  	v26 =	vadd.f32 v27, v26;
	v27 =	vmul.f32 v28, v23  }
0x1d7: {  	v28 =	vmax.f32 v30, $0.0e+00  }
0x1d8: {  	v26 =	vadd.f32 v27, v26;
	v27 =	vmul.f32 v28, v24;
	_ =	sdelay $0x1  }
0x1d9: {  	v26 =	vadd.f32 v27, v26;
	_ =	sdelay $0x1  }
0x1da: {  	[tilespmem:s13+$0xFFFFFFF0] =	vst v26  }
0x1db: {  	v26 =	vld [tilespmem:s26+$0x0];
	_ =	sdelay $0x1  }
0x1dc: {  	v27 =	vld [tilespmem:s26+$0x10];
	_ =	sdelay $0x1  }
0x1dd: {  	v28 =	vld [tilespmem:s26+$0x20]  }
0x1de: {  	v26 =	vmax.f32 v26, $0.0e+00  }
0x1df: {  	v26 =	vmul.f32 v26, v17;
	v29 =	vld [tilespmem:s26+$0x30]  }
0x1e0: {  	v27 =	vmax.f32 v27, $0.0e+00  }
0x1e1: {  	v26 =	vadd.f32 v26, v25;
	v27 =	vmul.f32 v27, v18;
	v30 =	vld [tilespmem:s26+$0x40]  }
0x1e2: {  	v28 =	vmax.f32 v28, $0.0e+00  }
0x1e3: {  	v26 =	vadd.f32 v27, v26;
	v27 =	vmul.f32 v28, v19;
	v28 =	vld [tilespmem:s26+$0x50]  }
0x1e4: {  	v29 =	vmax.f32 v29, $0.0e+00  }
0x1e5: {  	v26 =	vadd.f32 v27, v26;
	v27 =	vmul.f32 v29, v20;
	v29 =	vld [tilespmem:s26+$0x60]  }
0x1e6: {  	v30 =	vmax.f32 v30, $0.0e+00  }
0x1e7: {  	v26 =	vadd.f32 v27, v26;
	v27 =	vmul.f32 v30, v21;
	v30 =	vld [tilespmem:s26+$0x70]  }
0x1e8: {  	v28 =	vmax.f32 v28, $0.0e+00  }
0x1e9: {  	v26 =	vadd.f32 v27, v26;
	v27 =	vmul.f32 v28, v22  }
0x1ea: {  	v28 =	vmax.f32 v29, $0.0e+00  }
0x1eb: {  	v26 =	vadd.f32 v27, v26;
	v27 =	vmul.f32 v28, v23  }
0x1ec: {  	v28 =	vmax.f32 v30, $0.0e+00  }
0x1ed: {  	v26 =	vadd.f32 v27, v26;
	v27 =	vmul.f32 v28, v24;
	_ =	sdelay $0x1  }
0x1ee: {  	v26 =	vadd.f32 v27, v26;
	_ =	sdelay $0x1  }
0x1ef: {  	[tilespmem:s13+$0x0] =	vst v26  }
0x1f0: {  	v26 =	vld [tilespmem:s26+$0x80]  }
0x1f1: {  	v27 =	vld [tilespmem:s26+$0x90]  }
0x1f2: {  	v28 =	vld [tilespmem:s26+$0xA0]  }
0x1f3: {  	v29 =	vld [tilespmem:s26+$0xB0]  }
0x1f4: {  	v30 =	vld [tilespmem:s26+$0xC0]  }
0x1f5: {  	v26 =	vmax.f32 v26, $0.0e+00;
	v31 =	vld [tilespmem:s26+$0xD0]  }
0x1f6: {  	v26 =	vmul.f32 v26, v17;
	v27 =	vmax.f32 v27, $0.0e+00;
	v32 =	vld [tilespmem:s26+$0xE0]  }
0x1f7: {  	v28 =	vmax.f32 v28, $0.0e+00;
	v33 =	vld [tilespmem:s26+$0xF0]  }
0x1f8: {  	v27 =	vmul.f32 v27, v18;
	v26 =	vadd.f32 v26, v25;
	v29 =	vmax.f32 v29, $0.0e+00  }
0x1f9: {  	v30 =	vmax.f32 v30, $0.0e+00  }
0x1fa: {  	v26 =	vadd.f32 v27, v26;
	v27 =	vmul.f32 v28, v19;
	v28 =	vmax.f32 v31, $0.0e+00  }
0x1fb: {  	v31 =	vmax.f32 v32, $0.0e+00  }
0x1fc: {  	v26 =	vadd.f32 v27, v26;
	v27 =	vmul.f32 v29, v20;
	v29 =	vmax.f32 v33, $0.0e+00;
	_ =	sdelay $0x1  }
0x1fd: {  	v26 =	vadd.f32 v27, v26;
	v27 =	vmul.f32 v30, v21;
	_ =	sdelay $0x1  }
0x1fe: {  	v26 =	vadd.f32 v27, v26;
	v27 =	vmul.f32 v28, v22;
	_ =	sdelay $0x1  }
.Ltmp2:
0x1ff: {  	v26 =	vadd.f32 v27, v26;
	v27 =	vmul.f32 v31, v23;
	(pc) =	sbr.rel @p0 .LBB2_7-.Ltmp2, $3  }
0x200: {  	_ = 	snop  }
0x201: {  	v26 =	vadd.f32 v27, v26;
	v27 =	vmul.f32 v29, v24;
	_ =	sdelay $0x1  }
0x202: {  	v26 =	vadd.f32 v27, v26  }
0x203: {  	s28 =	sadd.s32 $0xCC00, s0  }
0x204: {  	s0 =	simm.s32 $0x0;
	p0 =	por $0x1, $0x1;
	[tilespmem:s13+$0x10] =	vst v26;
	v26 =	vmov s28  }
.LBB2_9:
0x205: {  	v27 =	vmov s0  }
0x206: {  	v27 =	vshll.u32 v27, $0x4  }
0x207: {  	v27 =	vor.u32 v0, v27  }
0x208: {  	v28 =	vor.u32 $0x1, v27;
	_ =	sdelay $0x1  }
0x209: {  	v29 =	vor.u32 $0x2, v27;
	_ =	sdelay $0x1  }
0x20a: {  	v31 =	vor.u32 $0x3, v27;
	v30 =	vld.idx.msk [tilespmem:v27+s22+$0x0], $0xffff  }
0x20b: {  	v28 =	vld.idx.msk [tilespmem:v28+s22+$0x0], $0xffff  }
0x20c: {  	v32 =	vor.u32 $0x4, v27  }
0x20d: {  	v29 =	vld.idx.msk [tilespmem:v29+s22+$0x0], $0xffff  }
0x20e: {  	v33 =	vor.u32 $0x5, v27  }
0x20f: {  	v31 =	vld.idx.msk [tilespmem:v31+s22+$0x0], $0xffff  }
0x210: {  	v37 =	vor.u32 $0x6, v27;
	v28 =	vadd.f32 v28, v30  }
0x211: {  	v32 =	vld.idx.msk [tilespmem:v32+s22+$0x0], $0xffff  }
0x212: {  	v38 =	vor.u32 $0x7, v27;
	v28 =	vadd.f32 v29, v28  }
0x213: {  	v33 =	vld.idx.msk [tilespmem:v33+s22+$0x0], $0xffff  }
0x214: {  	v39 =	vor.u32 $0x8, v27;
	v28 =	vadd.f32 v31, v28  }
0x215: {  	v30 =	vld.idx.msk [tilespmem:v37+s22+$0x0], $0xffff  }
0x216: {  	v40 =	vor.u32 $0x9, v27;
	v28 =	vadd.f32 v32, v28  }
0x217: {  	v29 =	vld.idx.msk [tilespmem:v38+s22+$0x0], $0xffff  }
0x218: {  	v41 =	vor.u32 $0xA, v27;
	v28 =	vadd.f32 v33, v28  }
0x219: {  	v31 =	vld.idx.msk [tilespmem:v39+s22+$0x0], $0xffff  }
0x21a: {  	v42 =	vor.u32 $0xB, v27;
	v28 =	vadd.f32 v30, v28  }
0x21b: {  	v32 =	vld.idx.msk [tilespmem:v40+s22+$0x0], $0xffff  }
0x21c: {  	v43 =	vor.u32 $0xC, v27;
	v28 =	vadd.f32 v29, v28  }
0x21d: {  	v33 =	vld.idx.msk [tilespmem:v41+s22+$0x0], $0xffff  }
0x21e: {  	v44 =	vor.u32 $0xD, v27;
	v28 =	vadd.f32 v31, v28  }
0x21f: {  	v30 =	vld.idx.msk [tilespmem:v42+s22+$0x0], $0xffff  }
0x220: {  	v45 =	vor.u32 $0xE, v27;
	v28 =	vadd.f32 v32, v28  }
0x221: {  	v29 =	vld.idx.msk [tilespmem:v43+s22+$0x0], $0xffff  }
0x222: {  	v27 =	vor.u32 $0xF, v27;
	v28 =	vadd.f32 v33, v28  }
0x223: {  	v31 =	vld.idx.msk [tilespmem:v44+s22+$0x0], $0xffff  }
0x224: {  	v28 =	vadd.f32 v30, v28  }
0x225: {  	v46 =	vld.idx.msk [tilespmem:v45+s22+$0x0], $0xffff  }
0x226: {  	v28 =	vadd.f32 v29, v28  }
0x227: {  	s13 =	sor.u32 $0x10, s0;
	v27 =	vld.idx.msk [tilespmem:v27+s22+$0x0], $0xffff  }
0x228: {  	v47 =	vmov s13;
	v28 =	vadd.f32 v31, v28  }
0x229: {  	v29 =	vshll.u32 v47, $0x4  }
0x22a: {  	v29 =	vor.u32 v0, v29;
	v28 =	vadd.f32 v46, v28  }
0x22b: {  	v48 =	vor.u32 $0x1, v29  }
0x22c: {  	v27 =	vadd.f32 v27, v28  }
0x22d: {  	v49 =	vor.u32 $0x2, v29  }
0x22e: {  	[tilespmem:v26+s0+$0x0 ss:$0x1] =	vst.idx.msk $0xffff, v27  }
0x22f: {  	v50 =	vor.u32 $0x3, v29;
	v27 =	vld.idx.msk [tilespmem:v29+s22+$0x0], $0xffff  }
0x230: {  	v30 =	vld.idx.msk [tilespmem:v48+s22+$0x0], $0xffff  }
0x231: {  	v51 =	vor.u32 $0x4, v29  }
0x232: {  	v28 =	vld.idx.msk [tilespmem:v49+s22+$0x0], $0xffff  }
0x233: {  	v52 =	vor.u32 $0x5, v29  }
0x234: {  	v31 =	vld.idx.msk [tilespmem:v50+s22+$0x0], $0xffff  }
0x235: {  	v53 =	vor.u32 $0x6, v29;
	v27 =	vadd.f32 v30, v27  }
0x236: {  	v32 =	vld.idx.msk [tilespmem:v51+s22+$0x0], $0xffff  }
0x237: {  	v54 =	vor.u32 $0x7, v29;
	v27 =	vadd.f32 v28, v27  }
0x238: {  	v33 =	vld.idx.msk [tilespmem:v52+s22+$0x0], $0xffff  }
0x239: {  	v55 =	vor.u32 $0x8, v29;
	v27 =	vadd.f32 v31, v27  }
0x23a: {  	v30 =	vld.idx.msk [tilespmem:v53+s22+$0x0], $0xffff  }
0x23b: {  	v56 =	vor.u32 $0x9, v29;
	v27 =	vadd.f32 v32, v27  }
0x23c: {  	v28 =	vld.idx.msk [tilespmem:v54+s22+$0x0], $0xffff  }
0x23d: {  	v57 =	vor.u32 $0xA, v29;
	v27 =	vadd.f32 v33, v27  }
0x23e: {  	v31 =	vld.idx.msk [tilespmem:v55+s22+$0x0], $0xffff  }
0x23f: {  	v58 =	vor.u32 $0xB, v29;
	v27 =	vadd.f32 v30, v27  }
0x240: {  	v32 =	vld.idx.msk [tilespmem:v56+s22+$0x0], $0xffff  }
0x241: {  	v59 =	vor.u32 $0xC, v29;
	v27 =	vadd.f32 v28, v27  }
0x242: {  	v33 =	vld.idx.msk [tilespmem:v57+s22+$0x0], $0xffff  }
0x243: {  	v60 =	vor.u32 $0xD, v29;
	v27 =	vadd.f32 v31, v27  }
0x244: {  	v30 =	vld.idx.msk [tilespmem:v58+s22+$0x0], $0xffff  }
0x245: {  	v61 =	vor.u32 $0xE, v29;
	v27 =	vadd.f32 v32, v27  }
0x246: {  	v28 =	vld.idx.msk [tilespmem:v59+s22+$0x0], $0xffff  }
0x247: {  	v29 =	vor.u32 $0xF, v29;
	v27 =	vadd.f32 v33, v27  }
0x248: {  	v31 =	vld.idx.msk [tilespmem:v60+s22+$0x0], $0xffff  }
0x249: {  	v27 =	vadd.f32 v30, v27  }
0x24a: {  	v62 =	vld.idx.msk [tilespmem:v61+s22+$0x0], $0xffff  }
0x24b: {  	v27 =	vadd.f32 v28, v27  }
0x24c: {  	v63 =	vld.idx.msk [tilespmem:v29+s22+$0x0], $0xffff  }
0x24d: {  	v27 =	vadd.f32 v31, v27  }
0x24e: {  	p1 =	por p0, p0  }
.Ltmp3:
0x24f: {  	v27 =	vadd.f32 v62, v27;
	(pc) =	sbr.rel @p1 .LBB2_9-.Ltmp3, $3  }
0x250: {  	_ = 	snop  }
0x251: {  	v27 =	vadd.f32 v63, v27;
	_ =	sdelay $0x1  }
0x252: {  	p0 =	por $0x0, $0x0;
	s0 =	simm.s32 $0x20;
	[tilespmem:v26+s13+$0x0 ss:$0x1] =	vst.idx.msk $0xffff, v27  }
0x253: {  	_ =	sdelay $0x3  }
0x254: {  	v26 =	vld.idx.msk [tilespmem:v1+s22+$0x0], $0xffff  }
0x255: {  	v27 =	vld.idx.msk [tilespmem:v2+s22+$0x0], $0xffff;
	_ =	sdelay $0x1  }
0x256: {  	v28 =	vld.idx.msk [tilespmem:v3+s22+$0x0], $0xffff;
	_ =	sdelay $0x1  }
0x257: {  	v29 =	vld.idx.msk [tilespmem:v4+s22+$0x0], $0xffff  }
0x258: {  	v26 =	vadd.f32 v27, v26  }
0x259: {  	v27 =	vld.idx.msk [tilespmem:v5+s22+$0x0], $0xffff  }
0x25a: {  	v26 =	vadd.f32 v28, v26  }
0x25b: {  	v54 =	vld.idx.msk [tilespmem:v6+s22+$0x0], $0xffff  }
0x25c: {  	v26 =	vadd.f32 v29, v26  }
0x25d: {  	v55 =	vld.idx.msk [tilespmem:v7+s22+$0x0], $0xffff  }
0x25e: {  	v26 =	vadd.f32 v27, v26  }
0x25f: {  	v27 =	vld.idx.msk [tilespmem:v8+s22+$0x0], $0xffff  }
0x260: {  	v26 =	vadd.f32 v54, v26  }
0x261: {  	v56 =	vld.idx.msk [tilespmem:v9+s22+$0x0], $0xffff  }
0x262: {  	v26 =	vadd.f32 v55, v26  }
0x263: {  	v57 =	vld.idx.msk [tilespmem:v10+s22+$0x0], $0xffff  }
0x264: {  	v26 =	vadd.f32 v27, v26  }
0x265: {  	v27 =	vld.idx.msk [tilespmem:v11+s22+$0x0], $0xffff  }
0x266: {  	v26 =	vadd.f32 v56, v26  }
0x267: {  	v58 =	vld.idx.msk [tilespmem:v12+s22+$0x0], $0xffff  }
0x268: {  	v26 =	vadd.f32 v57, v26  }
0x269: {  	v59 =	vld.idx.msk [tilespmem:v13+s22+$0x0], $0xffff  }
0x26a: {  	v26 =	vadd.f32 v27, v26  }
0x26b: {  	v27 =	vld.idx.msk [tilespmem:v14+s22+$0x0], $0xffff  }
0x26c: {  	v26 =	vadd.f32 v58, v26  }
0x26d: {  	v60 =	vld.idx.msk [tilespmem:v15+s22+$0x0], $0xffff  }
0x26e: {  	v26 =	vadd.f32 v59, v26  }
0x26f: {  	v61 =	vld.idx.msk [tilespmem:v16+s22+$0x0], $0xffff  }
0x270: {  	v26 =	vadd.f32 v27, v26;
	_ =	sdelay $0x1  }
0x271: {  	v26 =	vadd.f32 v60, v26;
	_ =	sdelay $0x1  }
0x272: {  	v26 =	vadd.f32 v61, v26;
	_ =	sdelay $0x1  }
0x273: {  	[tilespmem:s31+$0xCC90] =	vst v26  }
0x274: {  	_ =	swait.ge [sflag:s18], $0x2800  }
0x275: {  	[sflag:s18] =	ssyncset.done $0x0  }
0x276: {  	s0 =	sadd.s32 $0x2780, s11;
	[sflag:s18] =	ssyncadd.s32 $0xFFFFD800  }
0x277: {  	[tilespmem:s16], [sflag:$0x4] =	stream.indirect.gather.add.f32 [hbm:s5], $0x80, s0, s15, $0xb8;
	[tilespmem:$0xF480] =	vst v63  }
0x278: {  	s28 =	sadd.s32 $0x140, s2  }
0x279: {  	[tilespmem:s17], [sflag:$0x2] =	stream.indirect.gather [hbm4b:s4+s15], $0x80, s28, s15, $0xb8;
	[tilespmem:$0xF480] =	vst v63  }
0x27a: {  	_ =	swait.ge [sflag:s25], $0x2800  }
0x27b: {  	[sflag:s25] =	ssyncset.done $0x0  }
0x27c: {  	s2 =	simm.s32 $0xA000;
	[sflag:s25] =	ssyncadd.s32 $0xFFFFD800  }
0x27d: {  	v26 =	vld [tilespmem:s2+$0xFFFFFF00];
	_ =	sdelay $0x1  }
0x27e: {  	v27 =	vld [tilespmem:s2+$0xFFFFFF10];
	_ =	sdelay $0x1  }
0x27f: {  	v62 =	vld [tilespmem:s2+$0xFFFFFF20]  }
0x280: {  	v26 =	vmax.f32 v26, $0.0e+00  }
0x281: {  	v63 =	vld [tilespmem:s2+$0xFFFFFF30];
	v26 =	vmul.f32 v26, v17  }
0x282: {  	v27 =	vmax.f32 v27, $0.0e+00  }
0x283: {  	v30 =	vld [tilespmem:s2+$0xFFFFFF40];
	v27 =	vmul.f32 v27, v18;
	v26 =	vadd.f32 v26, v25  }
0x284: {  	v28 =	vmax.f32 v62, $0.0e+00  }
0x285: {  	v33 =	vld [tilespmem:s2+$0xFFFFFF50];
	v26 =	vadd.f32 v27, v26;
	v27 =	vmul.f32 v28, v19  }
0x286: {  	v29 =	vmax.f32 v63, $0.0e+00  }
0x287: {  	v34 =	vld [tilespmem:s2+$0xFFFFFF60];
	v26 =	vadd.f32 v27, v26;
	v27 =	vmul.f32 v29, v20  }
0x288: {  	v30 =	vmax.f32 v30, $0.0e+00  }
0x289: {  	v35 =	vld [tilespmem:s2+$0xFFFFFF70];
	v26 =	vadd.f32 v27, v26;
	v27 =	vmul.f32 v30, v21  }
0x28a: {  	v28 =	vmax.f32 v33, $0.0e+00  }
0x28b: {  	v26 =	vadd.f32 v27, v26;
	v27 =	vmul.f32 v28, v22  }
0x28c: {  	v36 =	vmax.f32 v34, $0.0e+00  }
0x28d: {  	v26 =	vadd.f32 v27, v26;
	v27 =	vmul.f32 v36, v23  }
0x28e: {  	v37 =	vmax.f32 v35, $0.0e+00  }
0x28f: {  	v26 =	vadd.f32 v27, v26;
	v27 =	vmul.f32 v37, v24;
	_ =	sdelay $0x1  }
0x290: {  	v26 =	vadd.f32 v27, v26  }
0x291: {  	s0 =	simm.s32 $0xC720  }
0x292: {  	[tilespmem:s0+$0xFFFFFFE0] =	vst v26  }
0x293: {  	v26 =	vld [tilespmem:s2+$0xFFFFFF80];
	_ =	sdelay $0x1  }
0x294: {  	v27 =	vld [tilespmem:s2+$0xFFFFFF90];
	_ =	sdelay $0x1  }
0x295: {  	v38 =	vld [tilespmem:s2+$0xFFFFFFA0]  }
0x296: {  	v26 =	vmax.f32 v26, $0.0e+00  }
0x297: {  	v39 =	vld [tilespmem:s2+$0xFFFFFFB0];
	v26 =	vmul.f32 v26, v17  }
0x298: {  	v27 =	vmax.f32 v27, $0.0e+00  }
0x299: {  	v40 =	vld [tilespmem:s2+$0xFFFFFFC0];
	v27 =	vmul.f32 v27, v18;
	v26 =	vadd.f32 v26, v25  }
0x29a: {  	v28 =	vmax.f32 v38, $0.0e+00  }
0x29b: {  	v41 =	vld [tilespmem:s2+$0xFFFFFFD0];
	v26 =	vadd.f32 v27, v26;
	v27 =	vmul.f32 v28, v19  }
0x29c: {  	v29 =	vmax.f32 v39, $0.0e+00  }
0x29d: {  	v42 =	vld [tilespmem:s2+$0xFFFFFFE0];
	v26 =	vadd.f32 v27, v26;
	v27 =	vmul.f32 v29, v20  }
0x29e: {  	v30 =	vmax.f32 v40, $0.0e+00  }
0x29f: {  	v43 =	vld [tilespmem:s2+$0xFFFFFFF0];
	v26 =	vadd.f32 v27, v26;
	v27 =	vmul.f32 v30, v21  }
0x2a0: {  	v28 =	vmax.f32 v41, $0.0e+00  }
0x2a1: {  	v26 =	vadd.f32 v27, v26;
	v27 =	vmul.f32 v28, v22  }
0x2a2: {  	v44 =	vmax.f32 v42, $0.0e+00  }
0x2a3: {  	v26 =	vadd.f32 v27, v26;
	v27 =	vmul.f32 v44, v23  }
0x2a4: {  	v45 =	vmax.f32 v43, $0.0e+00  }
0x2a5: {  	v26 =	vadd.f32 v27, v26;
	v27 =	vmul.f32 v45, v24;
	_ =	sdelay $0x1  }
0x2a6: {  	v26 =	vadd.f32 v27, v26;
	_ =	sdelay $0x1  }
0x2a7: {  	[tilespmem:s0+$0xFFFFFFF0] =	vst v26  }
0x2a8: {  	v26 =	vld [tilespmem:s2+$0x0];
	_ =	sdelay $0x1  }
0x2a9: {  	v27 =	vld [tilespmem:s2+$0x10];
	_ =	sdelay $0x1  }
0x2aa: {  	v46 =	vld [tilespmem:s2+$0x20]  }
0x2ab: {  	v26 =	vmax.f32 v26, $0.0e+00  }
0x2ac: {  	v47 =	vld [tilespmem:s2+$0x30];
	v26 =	vmul.f32 v26, v17  }
0x2ad: {  	v27 =	vmax.f32 v27, $0.0e+00  }
0x2ae: {  	v48 =	vld [tilespmem:s2+$0x40];
	v27 =	vmul.f32 v27, v18;
	v26 =	vadd.f32 v26, v25  }
0x2af: {  	v28 =	vmax.f32 v46, $0.0e+00  }
0x2b0: {  	v49 =	vld [tilespmem:s2+$0x50];
	v26 =	vadd.f32 v27, v26;
	v27 =	vmul.f32 v28, v19  }
0x2b1: {  	v29 =	vmax.f32 v47, $0.0e+00  }
0x2b2: {  	v50 =	vld [tilespmem:s2+$0x60];
	v26 =	vadd.f32 v27, v26;
	v27 =	vmul.f32 v29, v20  }
0x2b3: {  	v30 =	vmax.f32 v48, $0.0e+00  }
0x2b4: {  	v51 =	vld [tilespmem:s2+$0x70];
	v26 =	vadd.f32 v27, v26;
	v27 =	vmul.f32 v30, v21  }
0x2b5: {  	v28 =	vmax.f32 v49, $0.0e+00  }
0x2b6: {  	v26 =	vadd.f32 v27, v26;
	v27 =	vmul.f32 v28, v22  }
0x2b7: {  	v52 =	vmax.f32 v50, $0.0e+00  }
0x2b8: {  	v26 =	vadd.f32 v27, v26;
	v27 =	vmul.f32 v52, v23  }
0x2b9: {  	v53 =	vmax.f32 v51, $0.0e+00  }
0x2ba: {  	v26 =	vadd.f32 v27, v26;
	v27 =	vmul.f32 v53, v24;
	_ =	sdelay $0x1  }
0x2bb: {  	v26 =	vadd.f32 v27, v26;
	_ =	sdelay $0x1  }
0x2bc: {  	[tilespmem:s0+$0x0] =	vst v26  }
0x2bd: {  	v26 =	vld [tilespmem:s2+$0x80];
	_ =	sdelay $0x1  }
0x2be: {  	v27 =	vld [tilespmem:s2+$0x90];
	_ =	sdelay $0x1  }
0x2bf: {  	v54 =	vld [tilespmem:s2+$0xA0]  }
0x2c0: {  	v26 =	vmax.f32 v26, $0.0e+00  }
0x2c1: {  	v55 =	vld [tilespmem:s2+$0xB0];
	v26 =	vmul.f32 v26, v17  }
0x2c2: {  	v27 =	vmax.f32 v27, $0.0e+00  }
0x2c3: {  	v56 =	vld [tilespmem:s2+$0xC0];
	v27 =	vmul.f32 v27, v18;
	v26 =	vadd.f32 v26, v25  }
0x2c4: {  	v28 =	vmax.f32 v54, $0.0e+00  }
0x2c5: {  	v31 =	vld [tilespmem:s2+$0xD0];
	v26 =	vadd.f32 v27, v26;
	v27 =	vmul.f32 v28, v19  }
0x2c6: {  	v57 =	vmax.f32 v55, $0.0e+00  }
0x2c7: {  	v58 =	vld [tilespmem:s2+$0xE0];
	v26 =	vadd.f32 v27, v26;
	v27 =	vmul.f32 v57, v20  }
0x2c8: {  	v59 =	vmax.f32 v56, $0.0e+00  }
0x2c9: {  	v60 =	vld [tilespmem:s2+$0xF0];
	v26 =	vadd.f32 v27, v26;
	v27 =	vmul.f32 v59, v21  }
0x2ca: {  	v61 =	vmax.f32 v31, $0.0e+00  }
0x2cb: {  	v26 =	vadd.f32 v27, v26;
	v27 =	vmul.f32 v61, v22  }
0x2cc: {  	v62 =	vmax.f32 v58, $0.0e+00  }
0x2cd: {  	v26 =	vadd.f32 v27, v26;
	v27 =	vmul.f32 v62, v23  }
0x2ce: {  	v63 =	vmax.f32 v60, $0.0e+00  }
0x2cf: {  	v26 =	vadd.f32 v27, v26;
	v27 =	vmul.f32 v63, v24;
	_ =	sdelay $0x1  }
0x2d0: {  	s11 =	simm.s32 $0x0;
	v26 =	vadd.f32 v27, v26  }
.LBB2_11:
0x2d1: {  	_ = 	snop  }
0x2d2: {  	s11 =	sadd.s32 $0x4, s11;
	s2 =	sadd.s32 $0x200, s2;
	[tilespmem:s0+$0x10] =	vst v26;
	s0 =	sadd.s32 $0x40, s0  }
0x2d3: {  	p0 =	slt.u32 s11, $0x4C;
	v26 =	vld [tilespmem:s2+$0xFFFFFF00];
	_ =	sdelay $0x1  }
0x2d4: {  	v27 =	vld [tilespmem:s2+$0xFFFFFF10];
	_ =	sdelay $0x1  }
0x2d5: {  	v28 =	vld [tilespmem:s2+$0xFFFFFF20]  }
0x2d6: {  	v26 =	vmax.f32 v26, $0.0e+00  }
0x2d7: {  	v26 =	vmul.f32 v26, v17;
	v29 =	vld [tilespmem:s2+$0xFFFFFF30]  }
0x2d8: {  	v27 =	vmax.f32 v27, $0.0e+00  }
0x2d9: {  	v26 =	vadd.f32 v26, v25;
	v27 =	vmul.f32 v27, v18;
	v30 =	vld [tilespmem:s2+$0xFFFFFF40]  }
0x2da: {  	v28 =	vmax.f32 v28, $0.0e+00  }
0x2db: {  	v26 =	vadd.f32 v27, v26;
	v27 =	vmul.f32 v28, v19;
	v28 =	vld [tilespmem:s2+$0xFFFFFF50]  }
0x2dc: {  	v29 =	vmax.f32 v29, $0.0e+00  }
0x2dd: {  	v26 =	vadd.f32 v27, v26;
	v27 =	vmul.f32 v29, v20;
	v29 =	vld [tilespmem:s2+$0xFFFFFF60]  }
0x2de: {  	v30 =	vmax.f32 v30, $0.0e+00  }
0x2df: {  	v26 =	vadd.f32 v27, v26;
	v27 =	vmul.f32 v30, v21;
	v30 =	vld [tilespmem:s2+$0xFFFFFF70]  }
0x2e0: {  	v28 =	vmax.f32 v28, $0.0e+00  }
0x2e1: {  	v26 =	vadd.f32 v27, v26;
	v27 =	vmul.f32 v28, v22  }
0x2e2: {  	v28 =	vmax.f32 v29, $0.0e+00  }
0x2e3: {  	v26 =	vadd.f32 v27, v26;
	v27 =	vmul.f32 v28, v23  }
0x2e4: {  	v28 =	vmax.f32 v30, $0.0e+00  }
0x2e5: {  	v26 =	vadd.f32 v27, v26;
	v27 =	vmul.f32 v28, v24;
	_ =	sdelay $0x1  }
0x2e6: {  	v26 =	vadd.f32 v27, v26;
	_ =	sdelay $0x1  }
0x2e7: {  	[tilespmem:s0+$0xFFFFFFE0] =	vst v26  }
0x2e8: {  	v26 =	vld [tilespmem:s2+$0xFFFFFF80];
	_ =	sdelay $0x1  }
0x2e9: {  	v27 =	vld [tilespmem:s2+$0xFFFFFF90];
	_ =	sdelay $0x1  }
0x2ea: {  	v28 =	vld [tilespmem:s2+$0xFFFFFFA0]  }
0x2eb: {  	v26 =	vmax.f32 v26, $0.0e+00  }
0x2ec: {  	v26 =	vmul.f32 v26, v17;
	v29 =	vld [tilespmem:s2+$0xFFFFFFB0]  }
0x2ed: {  	v27 =	vmax.f32 v27, $0.0e+00  }
0x2ee: {  	v26 =	vadd.f32 v26, v25;
	v27 =	vmul.f32 v27, v18;
	v30 =	vld [tilespmem:s2+$0xFFFFFFC0]  }
0x2ef: {  	v28 =	vmax.f32 v28, $0.0e+00  }
0x2f0: {  	v26 =	vadd.f32 v27, v26;
	v27 =	vmul.f32 v28, v19;
	v28 =	vld [tilespmem:s2+$0xFFFFFFD0]  }
0x2f1: {  	v29 =	vmax.f32 v29, $0.0e+00  }
0x2f2: {  	v26 =	vadd.f32 v27, v26;
	v27 =	vmul.f32 v29, v20;
	v29 =	vld [tilespmem:s2+$0xFFFFFFE0]  }
0x2f3: {  	v30 =	vmax.f32 v30, $0.0e+00  }
0x2f4: {  	v26 =	vadd.f32 v27, v26;
	v27 =	vmul.f32 v30, v21;
	v30 =	vld [tilespmem:s2+$0xFFFFFFF0]  }
0x2f5: {  	v28 =	vmax.f32 v28, $0.0e+00  }
0x2f6: {  	v26 =	vadd.f32 v27, v26;
	v27 =	vmul.f32 v28, v22  }
0x2f7: {  	v28 =	vmax.f32 v29, $0.0e+00  }
0x2f8: {  	v26 =	vadd.f32 v27, v26;
	v27 =	vmul.f32 v28, v23  }
0x2f9: {  	v28 =	vmax.f32 v30, $0.0e+00  }
0x2fa: {  	v26 =	vadd.f32 v27, v26;
	v27 =	vmul.f32 v28, v24;
	_ =	sdelay $0x1  }
0x2fb: {  	v26 =	vadd.f32 v27, v26;
	_ =	sdelay $0x1  }
0x2fc: {  	[tilespmem:s0+$0xFFFFFFF0] =	vst v26  }
0x2fd: {  	v26 =	vld [tilespmem:s2+$0x0];
	_ =	sdelay $0x1  }
0x2fe: {  	v27 =	vld [tilespmem:s2+$0x10];
	_ =	sdelay $0x1  }
0x2ff: {  	v28 =	vld [tilespmem:s2+$0x20]  }
0x300: {  	v26 =	vmax.f32 v26, $0.0e+00  }
0x301: {  	v26 =	vmul.f32 v26, v17;
	v29 =	vld [tilespmem:s2+$0x30]  }
0x302: {  	v27 =	vmax.f32 v27, $0.0e+00  }
0x303: {  	v26 =	vadd.f32 v26, v25;
	v27 =	vmul.f32 v27, v18;
	v30 =	vld [tilespmem:s2+$0x40]  }
0x304: {  	v28 =	vmax.f32 v28, $0.0e+00  }
0x305: {  	v26 =	vadd.f32 v27, v26;
	v27 =	vmul.f32 v28, v19;
	v28 =	vld [tilespmem:s2+$0x50]  }
0x306: {  	v29 =	vmax.f32 v29, $0.0e+00  }
0x307: {  	v26 =	vadd.f32 v27, v26;
	v27 =	vmul.f32 v29, v20;
	v29 =	vld [tilespmem:s2+$0x60]  }
0x308: {  	v30 =	vmax.f32 v30, $0.0e+00  }
0x309: {  	v26 =	vadd.f32 v27, v26;
	v27 =	vmul.f32 v30, v21;
	v30 =	vld [tilespmem:s2+$0x70]  }
0x30a: {  	v28 =	vmax.f32 v28, $0.0e+00  }
0x30b: {  	v26 =	vadd.f32 v27, v26;
	v27 =	vmul.f32 v28, v22  }
0x30c: {  	v28 =	vmax.f32 v29, $0.0e+00  }
0x30d: {  	v26 =	vadd.f32 v27, v26;
	v27 =	vmul.f32 v28, v23  }
0x30e: {  	v28 =	vmax.f32 v30, $0.0e+00  }
0x30f: {  	v26 =	vadd.f32 v27, v26;
	v27 =	vmul.f32 v28, v24;
	_ =	sdelay $0x1  }
0x310: {  	v26 =	vadd.f32 v27, v26;
	_ =	sdelay $0x1  }
0x311: {  	[tilespmem:s0+$0x0] =	vst v26  }
0x312: {  	v26 =	vld [tilespmem:s2+$0x80]  }
0x313: {  	v27 =	vld [tilespmem:s2+$0x90]  }
0x314: {  	v28 =	vld [tilespmem:s2+$0xA0]  }
0x315: {  	v29 =	vld [tilespmem:s2+$0xB0]  }
0x316: {  	v30 =	vld [tilespmem:s2+$0xC0]  }
0x317: {  	v26 =	vmax.f32 v26, $0.0e+00;
	v31 =	vld [tilespmem:s2+$0xD0]  }
0x318: {  	v26 =	vmul.f32 v26, v17;
	v27 =	vmax.f32 v27, $0.0e+00;
	v32 =	vld [tilespmem:s2+$0xE0]  }
0x319: {  	v28 =	vmax.f32 v28, $0.0e+00;
	v33 =	vld [tilespmem:s2+$0xF0]  }
0x31a: {  	v27 =	vmul.f32 v27, v18;
	v26 =	vadd.f32 v26, v25;
	v29 =	vmax.f32 v29, $0.0e+00  }
0x31b: {  	v30 =	vmax.f32 v30, $0.0e+00  }
0x31c: {  	v26 =	vadd.f32 v27, v26;
	v27 =	vmul.f32 v28, v19;
	v28 =	vmax.f32 v31, $0.0e+00  }
0x31d: {  	v31 =	vmax.f32 v32, $0.0e+00  }
0x31e: {  	v26 =	vadd.f32 v27, v26;
	v27 =	vmul.f32 v29, v20;
	v29 =	vmax.f32 v33, $0.0e+00;
	_ =	sdelay $0x1  }
0x31f: {  	v26 =	vadd.f32 v27, v26;
	v27 =	vmul.f32 v30, v21;
	_ =	sdelay $0x1  }
0x320: {  	v26 =	vadd.f32 v27, v26;
	v27 =	vmul.f32 v28, v22;
	_ =	sdelay $0x1  }
.Ltmp4:
0x321: {  	v26 =	vadd.f32 v27, v26;
	v27 =	vmul.f32 v31, v23;
	(pc) =	sbr.rel @p0 .LBB2_11-.Ltmp4, $3  }
0x322: {  	_ = 	snop  }
0x323: {  	v26 =	vadd.f32 v27, v26;
	v27 =	vmul.f32 v29, v24;
	_ =	sdelay $0x1  }
0x324: {  	v26 =	vadd.f32 v27, v26  }
0x325: {  	s1 =	sadd.s32 $0xCC00, s1  }
0x326: {  	p0 =	por $0x1, $0x1;
	[tilespmem:s0+$0x10] =	vst v26;
	s0 =	simm.s32 $0x0;
	v26 =	vmov s1  }
.LBB2_13:
0x327: {  	v27 =	vmov s0  }
0x328: {  	v27 =	vshll.u32 v27, $0x4  }
0x329: {  	v27 =	vor.u32 v0, v27  }
0x32a: {  	v28 =	vor.u32 $0x1, v27;
	_ =	sdelay $0x1  }
0x32b: {  	v29 =	vor.u32 $0x2, v27;
	_ =	sdelay $0x1  }
0x32c: {  	v31 =	vor.u32 $0x3, v27;
	v30 =	vld.idx.msk [tilespmem:v27+s22+$0x0], $0xffff  }
0x32d: {  	v28 =	vld.idx.msk [tilespmem:v28+s22+$0x0], $0xffff  }
0x32e: {  	v32 =	vor.u32 $0x4, v27  }
0x32f: {  	v29 =	vld.idx.msk [tilespmem:v29+s22+$0x0], $0xffff  }
0x330: {  	v33 =	vor.u32 $0x5, v27  }
0x331: {  	v31 =	vld.idx.msk [tilespmem:v31+s22+$0x0], $0xffff  }
0x332: {  	v37 =	vor.u32 $0x6, v27;
	v28 =	vadd.f32 v28, v30  }
0x333: {  	v32 =	vld.idx.msk [tilespmem:v32+s22+$0x0], $0xffff  }
0x334: {  	v38 =	vor.u32 $0x7, v27;
	v28 =	vadd.f32 v29, v28  }
0x335: {  	v33 =	vld.idx.msk [tilespmem:v33+s22+$0x0], $0xffff  }
0x336: {  	v39 =	vor.u32 $0x8, v27;
	v28 =	vadd.f32 v31, v28  }
0x337: {  	v30 =	vld.idx.msk [tilespmem:v37+s22+$0x0], $0xffff  }
0x338: {  	v40 =	vor.u32 $0x9, v27;
	v28 =	vadd.f32 v32, v28  }
0x339: {  	v29 =	vld.idx.msk [tilespmem:v38+s22+$0x0], $0xffff  }
0x33a: {  	v41 =	vor.u32 $0xA, v27;
	v28 =	vadd.f32 v33, v28  }
0x33b: {  	v31 =	vld.idx.msk [tilespmem:v39+s22+$0x0], $0xffff  }
0x33c: {  	v42 =	vor.u32 $0xB, v27;
	v28 =	vadd.f32 v30, v28  }
0x33d: {  	v32 =	vld.idx.msk [tilespmem:v40+s22+$0x0], $0xffff  }
0x33e: {  	v43 =	vor.u32 $0xC, v27;
	v28 =	vadd.f32 v29, v28  }
0x33f: {  	v33 =	vld.idx.msk [tilespmem:v41+s22+$0x0], $0xffff  }
0x340: {  	v44 =	vor.u32 $0xD, v27;
	v28 =	vadd.f32 v31, v28  }
0x341: {  	v30 =	vld.idx.msk [tilespmem:v42+s22+$0x0], $0xffff  }
0x342: {  	v45 =	vor.u32 $0xE, v27;
	v28 =	vadd.f32 v32, v28  }
0x343: {  	v29 =	vld.idx.msk [tilespmem:v43+s22+$0x0], $0xffff  }
0x344: {  	v27 =	vor.u32 $0xF, v27;
	v28 =	vadd.f32 v33, v28  }
0x345: {  	v31 =	vld.idx.msk [tilespmem:v44+s22+$0x0], $0xffff  }
0x346: {  	v28 =	vadd.f32 v30, v28  }
0x347: {  	v46 =	vld.idx.msk [tilespmem:v45+s22+$0x0], $0xffff  }
0x348: {  	v28 =	vadd.f32 v29, v28  }
0x349: {  	s1 =	sor.u32 $0x10, s0;
	v27 =	vld.idx.msk [tilespmem:v27+s22+$0x0], $0xffff  }
0x34a: {  	v47 =	vmov s1;
	v28 =	vadd.f32 v31, v28  }
0x34b: {  	v29 =	vshll.u32 v47, $0x4  }
0x34c: {  	v29 =	vor.u32 v0, v29;
	v28 =	vadd.f32 v46, v28  }
0x34d: {  	v48 =	vor.u32 $0x1, v29  }
0x34e: {  	v27 =	vadd.f32 v27, v28  }
0x34f: {  	v49 =	vor.u32 $0x2, v29  }
0x350: {  	[tilespmem:v26+s0+$0x0 ss:$0x1] =	vst.idx.msk $0xffff, v27  }
0x351: {  	v50 =	vor.u32 $0x3, v29;
	v27 =	vld.idx.msk [tilespmem:v29+s22+$0x0], $0xffff  }
0x352: {  	v30 =	vld.idx.msk [tilespmem:v48+s22+$0x0], $0xffff  }
0x353: {  	v51 =	vor.u32 $0x4, v29  }
0x354: {  	v28 =	vld.idx.msk [tilespmem:v49+s22+$0x0], $0xffff  }
0x355: {  	v52 =	vor.u32 $0x5, v29  }
0x356: {  	v31 =	vld.idx.msk [tilespmem:v50+s22+$0x0], $0xffff  }
0x357: {  	v53 =	vor.u32 $0x6, v29;
	v27 =	vadd.f32 v30, v27  }
0x358: {  	v32 =	vld.idx.msk [tilespmem:v51+s22+$0x0], $0xffff  }
0x359: {  	v54 =	vor.u32 $0x7, v29;
	v27 =	vadd.f32 v28, v27  }
0x35a: {  	v33 =	vld.idx.msk [tilespmem:v52+s22+$0x0], $0xffff  }
0x35b: {  	v55 =	vor.u32 $0x8, v29;
	v27 =	vadd.f32 v31, v27  }
0x35c: {  	v30 =	vld.idx.msk [tilespmem:v53+s22+$0x0], $0xffff  }
0x35d: {  	v56 =	vor.u32 $0x9, v29;
	v27 =	vadd.f32 v32, v27  }
0x35e: {  	v28 =	vld.idx.msk [tilespmem:v54+s22+$0x0], $0xffff  }
0x35f: {  	v57 =	vor.u32 $0xA, v29;
	v27 =	vadd.f32 v33, v27  }
0x360: {  	v31 =	vld.idx.msk [tilespmem:v55+s22+$0x0], $0xffff  }
0x361: {  	v58 =	vor.u32 $0xB, v29;
	v27 =	vadd.f32 v30, v27  }
0x362: {  	v32 =	vld.idx.msk [tilespmem:v56+s22+$0x0], $0xffff  }
0x363: {  	v59 =	vor.u32 $0xC, v29;
	v27 =	vadd.f32 v28, v27  }
0x364: {  	v33 =	vld.idx.msk [tilespmem:v57+s22+$0x0], $0xffff  }
0x365: {  	v60 =	vor.u32 $0xD, v29;
	v27 =	vadd.f32 v31, v27  }
0x366: {  	v30 =	vld.idx.msk [tilespmem:v58+s22+$0x0], $0xffff  }
0x367: {  	v61 =	vor.u32 $0xE, v29;
	v27 =	vadd.f32 v32, v27  }
0x368: {  	v28 =	vld.idx.msk [tilespmem:v59+s22+$0x0], $0xffff  }
0x369: {  	v29 =	vor.u32 $0xF, v29;
	v27 =	vadd.f32 v33, v27  }
0x36a: {  	v31 =	vld.idx.msk [tilespmem:v60+s22+$0x0], $0xffff  }
0x36b: {  	v27 =	vadd.f32 v30, v27  }
0x36c: {  	v62 =	vld.idx.msk [tilespmem:v61+s22+$0x0], $0xffff  }
0x36d: {  	v27 =	vadd.f32 v28, v27  }
0x36e: {  	v63 =	vld.idx.msk [tilespmem:v29+s22+$0x0], $0xffff  }
0x36f: {  	v27 =	vadd.f32 v31, v27  }
0x370: {  	p1 =	por p0, p0  }
.Ltmp5:
0x371: {  	v27 =	vadd.f32 v62, v27;
	(pc) =	sbr.rel @p1 .LBB2_13-.Ltmp5, $3  }
0x372: {  	_ = 	snop  }
0x373: {  	v27 =	vadd.f32 v63, v27;
	_ =	sdelay $0x1  }
0x374: {  	p0 =	por $0x0, $0x0;
	s0 =	simm.s32 $0x20;
	[tilespmem:v26+s1+$0x0 ss:$0x1] =	vst.idx.msk $0xffff, v27  }
0x375: {  	_ =	sdelay $0x3  }
0x376: {  	v26 =	vld.idx.msk [tilespmem:v1+s22+$0x0], $0xffff  }
0x377: {  	v27 =	vld.idx.msk [tilespmem:v2+s22+$0x0], $0xffff;
	_ =	sdelay $0x1  }
0x378: {  	v28 =	vld.idx.msk [tilespmem:v3+s22+$0x0], $0xffff;
	_ =	sdelay $0x1  }
0x379: {  	v29 =	vld.idx.msk [tilespmem:v4+s22+$0x0], $0xffff  }
0x37a: {  	v26 =	vadd.f32 v27, v26  }
0x37b: {  	v27 =	vld.idx.msk [tilespmem:v5+s22+$0x0], $0xffff  }
0x37c: {  	v26 =	vadd.f32 v28, v26  }
0x37d: {  	v56 =	vld.idx.msk [tilespmem:v6+s22+$0x0], $0xffff  }
0x37e: {  	v26 =	vadd.f32 v29, v26  }
0x37f: {  	v57 =	vld.idx.msk [tilespmem:v7+s22+$0x0], $0xffff  }
0x380: {  	v26 =	vadd.f32 v27, v26  }
0x381: {  	v27 =	vld.idx.msk [tilespmem:v8+s22+$0x0], $0xffff  }
0x382: {  	v26 =	vadd.f32 v56, v26  }
0x383: {  	v58 =	vld.idx.msk [tilespmem:v9+s22+$0x0], $0xffff  }
0x384: {  	v26 =	vadd.f32 v57, v26  }
0x385: {  	v59 =	vld.idx.msk [tilespmem:v10+s22+$0x0], $0xffff  }
0x386: {  	v26 =	vadd.f32 v27, v26  }
0x387: {  	v27 =	vld.idx.msk [tilespmem:v11+s22+$0x0], $0xffff  }
0x388: {  	v26 =	vadd.f32 v58, v26  }
0x389: {  	v60 =	vld.idx.msk [tilespmem:v12+s22+$0x0], $0xffff  }
0x38a: {  	v26 =	vadd.f32 v59, v26  }
0x38b: {  	v61 =	vld.idx.msk [tilespmem:v13+s22+$0x0], $0xffff  }
0x38c: {  	v26 =	vadd.f32 v27, v26  }
0x38d: {  	v27 =	vld.idx.msk [tilespmem:v14+s22+$0x0], $0xffff  }
0x38e: {  	v26 =	vadd.f32 v60, v26  }
0x38f: {  	v62 =	vld.idx.msk [tilespmem:v15+s22+$0x0], $0xffff  }
0x390: {  	v26 =	vadd.f32 v61, v26  }
0x391: {  	v63 =	vld.idx.msk [tilespmem:v16+s22+$0x0], $0xffff  }
0x392: {  	s30 =	sadd.s32 $0x1, s30;
	v26 =	vadd.f32 v27, v26  }
0x393: {  	p0 =	sne.s32 s30, $0x29  }
.Ltmp6:
0x394: {  	v26 =	vadd.f32 v62, v26;
	(pc) =	sbr.rel @p0 .LBB2_2-.Ltmp6, $3  }
0x395: {  	_ = 	snop  }
0x396: {  	v26 =	vadd.f32 v63, v26;
	_ =	sdelay $0x1  }
0x397: {  	[tilespmem:s31+$0xCCE0] =	vst v26  }
0x398: {  	_ =	swait.ge [sflag:s19], $0x2800  }
0x399: {  	[sflag:s19] =	ssyncset.done $0x0  }
0x39a: {  	s0 =	simm.s32 $0x4E40;
	[sflag:s19] =	ssyncadd.s32 $0xFFFFD800  }
0x39b: {  	[tilespmem:s17], [sflag:$0x5] =	stream.indirect.gather.add.f32 [hbm:s5], $0x80, s0, s15, $0xb8;
	[tilespmem:$0xF480] =	vst v63  }
0x39c: {  	_ =	swait.ge [sflag:s21], $0x2800  }
0x39d: {  	[sflag:s21] =	ssyncset.done $0x0  }
0x39e: {  	s0 =	simm.s32 $0x5000;
	[sflag:s21] =	ssyncadd.s32 $0xFFFFD800  }
0x39f: {  	v26 =	vld [tilespmem:s0+$0xFFFFFF00];
	_ =	sdelay $0x1  }
0x3a0: {  	v27 =	vld [tilespmem:s0+$0xFFFFFF10];
	_ =	sdelay $0x1  }
0x3a1: {  	v28 =	vld [tilespmem:s0+$0xFFFFFF20]  }
0x3a2: {  	v26 =	vmax.f32 v26, $0.0e+00  }
0x3a3: {  	v29 =	vld [tilespmem:s0+$0xFFFFFF30];
	v26 =	vmul.f32 v26, v17  }
0x3a4: {  	v27 =	vmax.f32 v27, $0.0e+00  }
0x3a5: {  	v30 =	vld [tilespmem:s0+$0xFFFFFF40];
	v27 =	vmul.f32 v27, v18;
	v26 =	vadd.f32 v26, v25  }
0x3a6: {  	v28 =	vmax.f32 v28, $0.0e+00  }
0x3a7: {  	v33 =	vld [tilespmem:s0+$0xFFFFFF50];
	v26 =	vadd.f32 v27, v26;
	v27 =	vmul.f32 v28, v19  }
0x3a8: {  	v29 =	vmax.f32 v29, $0.0e+00  }
0x3a9: {  	v34 =	vld [tilespmem:s0+$0xFFFFFF60];
	v26 =	vadd.f32 v27, v26;
	v27 =	vmul.f32 v29, v20  }
0x3aa: {  	v30 =	vmax.f32 v30, $0.0e+00  }
0x3ab: {  	v35 =	vld [tilespmem:s0+$0xFFFFFF70];
	v26 =	vadd.f32 v27, v26;
	v27 =	vmul.f32 v30, v21  }
0x3ac: {  	v28 =	vmax.f32 v33, $0.0e+00  }
0x3ad: {  	v26 =	vadd.f32 v27, v26;
	v27 =	vmul.f32 v28, v22  }
0x3ae: {  	v36 =	vmax.f32 v34, $0.0e+00  }
0x3af: {  	v26 =	vadd.f32 v27, v26;
	v27 =	vmul.f32 v36, v23  }
0x3b0: {  	v37 =	vmax.f32 v35, $0.0e+00  }
0x3b1: {  	v26 =	vadd.f32 v27, v26;
	v27 =	vmul.f32 v37, v24;
	_ =	sdelay $0x1  }
0x3b2: {  	v26 =	vadd.f32 v27, v26  }
0x3b3: {  	s1 =	simm.s32 $0xC720  }
0x3b4: {  	[tilespmem:s1+$0xFFFFFFE0] =	vst v26  }
0x3b5: {  	v26 =	vld [tilespmem:s0+$0xFFFFFF80];
	_ =	sdelay $0x1  }
0x3b6: {  	v27 =	vld [tilespmem:s0+$0xFFFFFF90];
	_ =	sdelay $0x1  }
0x3b7: {  	v38 =	vld [tilespmem:s0+$0xFFFFFFA0]  }
0x3b8: {  	v26 =	vmax.f32 v26, $0.0e+00  }
0x3b9: {  	v39 =	vld [tilespmem:s0+$0xFFFFFFB0];
	v26 =	vmul.f32 v26, v17  }
0x3ba: {  	v27 =	vmax.f32 v27, $0.0e+00  }
0x3bb: {  	v40 =	vld [tilespmem:s0+$0xFFFFFFC0];
	v27 =	vmul.f32 v27, v18;
	v26 =	vadd.f32 v26, v25  }
0x3bc: {  	v28 =	vmax.f32 v38, $0.0e+00  }
0x3bd: {  	v41 =	vld [tilespmem:s0+$0xFFFFFFD0];
	v26 =	vadd.f32 v27, v26;
	v27 =	vmul.f32 v28, v19  }
0x3be: {  	v29 =	vmax.f32 v39, $0.0e+00  }
0x3bf: {  	v42 =	vld [tilespmem:s0+$0xFFFFFFE0];
	v26 =	vadd.f32 v27, v26;
	v27 =	vmul.f32 v29, v20  }
0x3c0: {  	v30 =	vmax.f32 v40, $0.0e+00  }
0x3c1: {  	v43 =	vld [tilespmem:s0+$0xFFFFFFF0];
	v26 =	vadd.f32 v27, v26;
	v27 =	vmul.f32 v30, v21  }
0x3c2: {  	v28 =	vmax.f32 v41, $0.0e+00  }
0x3c3: {  	v26 =	vadd.f32 v27, v26;
	v27 =	vmul.f32 v28, v22  }
0x3c4: {  	v44 =	vmax.f32 v42, $0.0e+00  }
0x3c5: {  	v26 =	vadd.f32 v27, v26;
	v27 =	vmul.f32 v44, v23  }
0x3c6: {  	v45 =	vmax.f32 v43, $0.0e+00  }
0x3c7: {  	v26 =	vadd.f32 v27, v26;
	v27 =	vmul.f32 v45, v24;
	_ =	sdelay $0x1  }
0x3c8: {  	v26 =	vadd.f32 v27, v26;
	_ =	sdelay $0x1  }
0x3c9: {  	[tilespmem:s1+$0xFFFFFFF0] =	vst v26  }
0x3ca: {  	v26 =	vld [tilespmem:s0+$0x0];
	_ =	sdelay $0x1  }
0x3cb: {  	v27 =	vld [tilespmem:s0+$0x10];
	_ =	sdelay $0x1  }
0x3cc: {  	v46 =	vld [tilespmem:s0+$0x20]  }
0x3cd: {  	v26 =	vmax.f32 v26, $0.0e+00  }
0x3ce: {  	v47 =	vld [tilespmem:s0+$0x30];
	v26 =	vmul.f32 v26, v17  }
0x3cf: {  	v27 =	vmax.f32 v27, $0.0e+00  }
0x3d0: {  	v48 =	vld [tilespmem:s0+$0x40];
	v27 =	vmul.f32 v27, v18;
	v26 =	vadd.f32 v26, v25  }
0x3d1: {  	v28 =	vmax.f32 v46, $0.0e+00  }
0x3d2: {  	v49 =	vld [tilespmem:s0+$0x50];
	v26 =	vadd.f32 v27, v26;
	v27 =	vmul.f32 v28, v19  }
0x3d3: {  	v29 =	vmax.f32 v47, $0.0e+00  }
0x3d4: {  	v50 =	vld [tilespmem:s0+$0x60];
	v26 =	vadd.f32 v27, v26;
	v27 =	vmul.f32 v29, v20  }
0x3d5: {  	v30 =	vmax.f32 v48, $0.0e+00  }
0x3d6: {  	v51 =	vld [tilespmem:s0+$0x70];
	v26 =	vadd.f32 v27, v26;
	v27 =	vmul.f32 v30, v21  }
0x3d7: {  	v28 =	vmax.f32 v49, $0.0e+00  }
0x3d8: {  	v26 =	vadd.f32 v27, v26;
	v27 =	vmul.f32 v28, v22  }
0x3d9: {  	v52 =	vmax.f32 v50, $0.0e+00  }
0x3da: {  	v26 =	vadd.f32 v27, v26;
	v27 =	vmul.f32 v52, v23  }
0x3db: {  	v53 =	vmax.f32 v51, $0.0e+00  }
0x3dc: {  	v26 =	vadd.f32 v27, v26;
	v27 =	vmul.f32 v53, v24;
	_ =	sdelay $0x1  }
0x3dd: {  	v26 =	vadd.f32 v27, v26;
	_ =	sdelay $0x1  }
0x3de: {  	[tilespmem:s1+$0x0] =	vst v26  }
0x3df: {  	v26 =	vld [tilespmem:s0+$0x80];
	_ =	sdelay $0x1  }
0x3e0: {  	v27 =	vld [tilespmem:s0+$0x90];
	_ =	sdelay $0x1  }
0x3e1: {  	v54 =	vld [tilespmem:s0+$0xA0]  }
0x3e2: {  	v26 =	vmax.f32 v26, $0.0e+00  }
0x3e3: {  	v55 =	vld [tilespmem:s0+$0xB0];
	v26 =	vmul.f32 v26, v17  }
0x3e4: {  	v27 =	vmax.f32 v27, $0.0e+00  }
0x3e5: {  	v56 =	vld [tilespmem:s0+$0xC0];
	v27 =	vmul.f32 v27, v18;
	v26 =	vadd.f32 v26, v25  }
0x3e6: {  	v28 =	vmax.f32 v54, $0.0e+00  }
0x3e7: {  	v31 =	vld [tilespmem:s0+$0xD0];
	v26 =	vadd.f32 v27, v26;
	v27 =	vmul.f32 v28, v19  }
0x3e8: {  	v57 =	vmax.f32 v55, $0.0e+00  }
0x3e9: {  	v58 =	vld [tilespmem:s0+$0xE0];
	v26 =	vadd.f32 v27, v26;
	v27 =	vmul.f32 v57, v20  }
0x3ea: {  	v59 =	vmax.f32 v56, $0.0e+00  }
0x3eb: {  	v60 =	vld [tilespmem:s0+$0xF0];
	v26 =	vadd.f32 v27, v26;
	v27 =	vmul.f32 v59, v21  }
0x3ec: {  	v61 =	vmax.f32 v31, $0.0e+00  }
0x3ed: {  	v26 =	vadd.f32 v27, v26;
	v27 =	vmul.f32 v61, v22  }
0x3ee: {  	v62 =	vmax.f32 v58, $0.0e+00  }
0x3ef: {  	v26 =	vadd.f32 v27, v26;
	v27 =	vmul.f32 v62, v23  }
0x3f0: {  	v63 =	vmax.f32 v60, $0.0e+00  }
0x3f1: {  	v26 =	vadd.f32 v27, v26;
	v27 =	vmul.f32 v63, v24;
	_ =	sdelay $0x1  }
0x3f2: {  	v26 =	vadd.f32 v27, v26  }
0x3f3: {  	s2 =	simm.s32 $0x0  }
.LBB2_16:
0x3f4: {  	s2 =	sadd.s32 $0x4, s2;
	[tilespmem:s1+$0x10] =	vst v26;
	s1 =	sadd.s32 $0x40, s1;
	s0 =	sadd.s32 $0x200, s0  }
0x3f5: {  	v26 =	vld [tilespmem:s0+$0xFFFFFF00];
	p0 =	slt.u32 s2, $0x4C;
	_ =	sdelay $0x1  }
0x3f6: {  	v27 =	vld [tilespmem:s0+$0xFFFFFF10];
	_ =	sdelay $0x1  }
0x3f7: {  	v28 =	vld [tilespmem:s0+$0xFFFFFF20]  }
0x3f8: {  	v26 =	vmax.f32 v26, $0.0e+00  }
0x3f9: {  	v26 =	vmul.f32 v26, v17;
	v29 =	vld [tilespmem:s0+$0xFFFFFF30]  }
0x3fa: {  	v27 =	vmax.f32 v27, $0.0e+00  }
0x3fb: {  	v26 =	vadd.f32 v26, v25;
	v27 =	vmul.f32 v27, v18;
	v30 =	vld [tilespmem:s0+$0xFFFFFF40]  }
0x3fc: {  	v28 =	vmax.f32 v28, $0.0e+00  }
0x3fd: {  	v26 =	vadd.f32 v27, v26;
	v27 =	vmul.f32 v28, v19;
	v28 =	vld [tilespmem:s0+$0xFFFFFF50]  }
0x3fe: {  	v29 =	vmax.f32 v29, $0.0e+00  }
0x3ff: {  	v26 =	vadd.f32 v27, v26;
	v27 =	vmul.f32 v29, v20;
	v29 =	vld [tilespmem:s0+$0xFFFFFF60]  }
0x400: {  	v30 =	vmax.f32 v30, $0.0e+00  }
0x401: {  	v26 =	vadd.f32 v27, v26;
	v27 =	vmul.f32 v30, v21;
	v30 =	vld [tilespmem:s0+$0xFFFFFF70]  }
0x402: {  	v28 =	vmax.f32 v28, $0.0e+00  }
0x403: {  	v26 =	vadd.f32 v27, v26;
	v27 =	vmul.f32 v28, v22  }
0x404: {  	v28 =	vmax.f32 v29, $0.0e+00  }
0x405: {  	v26 =	vadd.f32 v27, v26;
	v27 =	vmul.f32 v28, v23  }
0x406: {  	v28 =	vmax.f32 v30, $0.0e+00  }
0x407: {  	v26 =	vadd.f32 v27, v26;
	v27 =	vmul.f32 v28, v24;
	_ =	sdelay $0x1  }
0x408: {  	v26 =	vadd.f32 v27, v26;
	_ =	sdelay $0x1  }
0x409: {  	[tilespmem:s1+$0xFFFFFFE0] =	vst v26  }
0x40a: {  	v26 =	vld [tilespmem:s0+$0xFFFFFF80];
	_ =	sdelay $0x1  }
0x40b: {  	v27 =	vld [tilespmem:s0+$0xFFFFFF90];
	_ =	sdelay $0x1  }
0x40c: {  	v28 =	vld [tilespmem:s0+$0xFFFFFFA0]  }
0x40d: {  	v26 =	vmax.f32 v26, $0.0e+00  }
0x40e: {  	v26 =	vmul.f32 v26, v17;
	v29 =	vld [tilespmem:s0+$0xFFFFFFB0]  }
0x40f: {  	v27 =	vmax.f32 v27, $0.0e+00  }
0x410: {  	v26 =	vadd.f32 v26, v25;
	v27 =	vmul.f32 v27, v18;
	v30 =	vld [tilespmem:s0+$0xFFFFFFC0]  }
0x411: {  	v28 =	vmax.f32 v28, $0.0e+00  }
0x412: {  	v26 =	vadd.f32 v27, v26;
	v27 =	vmul.f32 v28, v19;
	v28 =	vld [tilespmem:s0+$0xFFFFFFD0]  }
0x413: {  	v29 =	vmax.f32 v29, $0.0e+00  }
0x414: {  	v26 =	vadd.f32 v27, v26;
	v27 =	vmul.f32 v29, v20;
	v29 =	vld [tilespmem:s0+$0xFFFFFFE0]  }
0x415: {  	v30 =	vmax.f32 v30, $0.0e+00  }
0x416: {  	v26 =	vadd.f32 v27, v26;
	v27 =	vmul.f32 v30, v21;
	v30 =	vld [tilespmem:s0+$0xFFFFFFF0]  }
0x417: {  	v28 =	vmax.f32 v28, $0.0e+00  }
0x418: {  	v26 =	vadd.f32 v27, v26;
	v27 =	vmul.f32 v28, v22  }
0x419: {  	v28 =	vmax.f32 v29, $0.0e+00  }
0x41a: {  	v26 =	vadd.f32 v27, v26;
	v27 =	vmul.f32 v28, v23  }
0x41b: {  	v28 =	vmax.f32 v30, $0.0e+00  }
0x41c: {  	v26 =	vadd.f32 v27, v26;
	v27 =	vmul.f32 v28, v24;
	_ =	sdelay $0x1  }
0x41d: {  	v26 =	vadd.f32 v27, v26;
	_ =	sdelay $0x1  }
0x41e: {  	[tilespmem:s1+$0xFFFFFFF0] =	vst v26  }
0x41f: {  	v26 =	vld [tilespmem:s0+$0x0];
	_ =	sdelay $0x1  }
0x420: {  	v27 =	vld [tilespmem:s0+$0x10];
	_ =	sdelay $0x1  }
0x421: {  	v28 =	vld [tilespmem:s0+$0x20]  }
0x422: {  	v26 =	vmax.f32 v26, $0.0e+00  }
0x423: {  	v26 =	vmul.f32 v26, v17;
	v29 =	vld [tilespmem:s0+$0x30]  }
0x424: {  	v27 =	vmax.f32 v27, $0.0e+00  }
0x425: {  	v26 =	vadd.f32 v26, v25;
	v27 =	vmul.f32 v27, v18;
	v30 =	vld [tilespmem:s0+$0x40]  }
0x426: {  	v28 =	vmax.f32 v28, $0.0e+00  }
0x427: {  	v26 =	vadd.f32 v27, v26;
	v27 =	vmul.f32 v28, v19;
	v28 =	vld [tilespmem:s0+$0x50]  }
0x428: {  	v29 =	vmax.f32 v29, $0.0e+00  }
0x429: {  	v26 =	vadd.f32 v27, v26;
	v27 =	vmul.f32 v29, v20;
	v29 =	vld [tilespmem:s0+$0x60]  }
0x42a: {  	v30 =	vmax.f32 v30, $0.0e+00  }
0x42b: {  	v26 =	vadd.f32 v27, v26;
	v27 =	vmul.f32 v30, v21;
	v30 =	vld [tilespmem:s0+$0x70]  }
0x42c: {  	v28 =	vmax.f32 v28, $0.0e+00  }
0x42d: {  	v26 =	vadd.f32 v27, v26;
	v27 =	vmul.f32 v28, v22  }
0x42e: {  	v28 =	vmax.f32 v29, $0.0e+00  }
0x42f: {  	v26 =	vadd.f32 v27, v26;
	v27 =	vmul.f32 v28, v23  }
0x430: {  	v28 =	vmax.f32 v30, $0.0e+00  }
0x431: {  	v26 =	vadd.f32 v27, v26;
	v27 =	vmul.f32 v28, v24;
	_ =	sdelay $0x1  }
0x432: {  	v26 =	vadd.f32 v27, v26;
	_ =	sdelay $0x1  }
0x433: {  	[tilespmem:s1+$0x0] =	vst v26  }
0x434: {  	v26 =	vld [tilespmem:s0+$0x80]  }
0x435: {  	v27 =	vld [tilespmem:s0+$0x90]  }
0x436: {  	v28 =	vld [tilespmem:s0+$0xA0]  }
0x437: {  	v29 =	vld [tilespmem:s0+$0xB0]  }
0x438: {  	v30 =	vld [tilespmem:s0+$0xC0]  }
0x439: {  	v26 =	vmax.f32 v26, $0.0e+00;
	v31 =	vld [tilespmem:s0+$0xD0]  }
0x43a: {  	v26 =	vmul.f32 v26, v17;
	v27 =	vmax.f32 v27, $0.0e+00;
	v32 =	vld [tilespmem:s0+$0xE0]  }
0x43b: {  	v28 =	vmax.f32 v28, $0.0e+00;
	v33 =	vld [tilespmem:s0+$0xF0]  }
0x43c: {  	v27 =	vmul.f32 v27, v18;
	v26 =	vadd.f32 v26, v25;
	v29 =	vmax.f32 v29, $0.0e+00  }
0x43d: {  	v30 =	vmax.f32 v30, $0.0e+00  }
0x43e: {  	v26 =	vadd.f32 v27, v26;
	v27 =	vmul.f32 v28, v19;
	v28 =	vmax.f32 v31, $0.0e+00  }
0x43f: {  	v31 =	vmax.f32 v32, $0.0e+00  }
0x440: {  	v26 =	vadd.f32 v27, v26;
	v27 =	vmul.f32 v29, v20;
	v29 =	vmax.f32 v33, $0.0e+00;
	_ =	sdelay $0x1  }
0x441: {  	v26 =	vadd.f32 v27, v26;
	v27 =	vmul.f32 v30, v21;
	_ =	sdelay $0x1  }
0x442: {  	v26 =	vadd.f32 v27, v26;
	v27 =	vmul.f32 v28, v22;
	_ =	sdelay $0x1  }
0x443: {  	v26 =	vadd.f32 v27, v26;
	v27 =	vmul.f32 v31, v23  }
.Ltmp7:
0x444: {  	(pc) =	sbr.rel @p0 .LBB2_16-.Ltmp7, $3  }
0x445: {  	v26 =	vadd.f32 v27, v26;
	v27 =	vmul.f32 v29, v24;
	_ =	sdelay $0x1  }
0x446: {  	v26 =	vadd.f32 v27, v26  }
0x447: {  	s11 =	simm.s32 $0x0;
	p1 =	por $0x1, $0x1  }
0x448: {  	[tilespmem:s1+$0x10] =	vst v26  }
.LBB2_18:
0x449: {  	v26 =	vmov s11  }
0x44a: {  	v26 =	vshll.u32 v26, $0x4  }
0x44b: {  	v26 =	vor.u32 v0, v26  }
0x44c: {  	v27 =	vor.u32 $0x1, v26;
	_ =	sdelay $0x1  }
0x44d: {  	v28 =	vor.u32 $0x2, v26;
	_ =	sdelay $0x1  }
0x44e: {  	v30 =	vor.u32 $0x3, v26;
	v29 =	vld.idx.msk [tilespmem:v26+s22+$0x0], $0xffff  }
0x44f: {  	v27 =	vld.idx.msk [tilespmem:v27+s22+$0x0], $0xffff  }
0x450: {  	v31 =	vor.u32 $0x4, v26  }
0x451: {  	v28 =	vld.idx.msk [tilespmem:v28+s22+$0x0], $0xffff  }
0x452: {  	v32 =	vor.u32 $0x5, v26  }
0x453: {  	v30 =	vld.idx.msk [tilespmem:v30+s22+$0x0], $0xffff  }
0x454: {  	v41 =	vor.u32 $0x6, v26;
	v27 =	vadd.f32 v27, v29  }
0x455: {  	v31 =	vld.idx.msk [tilespmem:v31+s22+$0x0], $0xffff  }
0x456: {  	v42 =	vor.u32 $0x7, v26;
	v27 =	vadd.f32 v28, v27  }
0x457: {  	v32 =	vld.idx.msk [tilespmem:v32+s22+$0x0], $0xffff  }
0x458: {  	v43 =	vor.u32 $0x8, v26;
	v27 =	vadd.f32 v30, v27  }
0x459: {  	v29 =	vld.idx.msk [tilespmem:v41+s22+$0x0], $0xffff  }
0x45a: {  	v44 =	vor.u32 $0x9, v26;
	v27 =	vadd.f32 v31, v27  }
0x45b: {  	v28 =	vld.idx.msk [tilespmem:v42+s22+$0x0], $0xffff  }
0x45c: {  	v45 =	vor.u32 $0xA, v26;
	v27 =	vadd.f32 v32, v27  }
0x45d: {  	v30 =	vld.idx.msk [tilespmem:v43+s22+$0x0], $0xffff  }
0x45e: {  	v46 =	vor.u32 $0xB, v26;
	v27 =	vadd.f32 v29, v27  }
0x45f: {  	v31 =	vld.idx.msk [tilespmem:v44+s22+$0x0], $0xffff  }
0x460: {  	v47 =	vor.u32 $0xC, v26;
	v27 =	vadd.f32 v28, v27  }
0x461: {  	v32 =	vld.idx.msk [tilespmem:v45+s22+$0x0], $0xffff  }
0x462: {  	v48 =	vor.u32 $0xD, v26;
	v27 =	vadd.f32 v30, v27  }
0x463: {  	v29 =	vld.idx.msk [tilespmem:v46+s22+$0x0], $0xffff  }
0x464: {  	v49 =	vor.u32 $0xE, v26;
	v27 =	vadd.f32 v31, v27  }
0x465: {  	v28 =	vld.idx.msk [tilespmem:v47+s22+$0x0], $0xffff  }
0x466: {  	v26 =	vor.u32 $0xF, v26;
	v27 =	vadd.f32 v32, v27  }
0x467: {  	v30 =	vld.idx.msk [tilespmem:v48+s22+$0x0], $0xffff  }
0x468: {  	v27 =	vadd.f32 v29, v27  }
0x469: {  	v50 =	vld.idx.msk [tilespmem:v49+s22+$0x0], $0xffff  }
0x46a: {  	v27 =	vadd.f32 v28, v27  }
0x46b: {  	s0 =	sor.u32 $0x10, s11;
	v26 =	vld.idx.msk [tilespmem:v26+s22+$0x0], $0xffff  }
0x46c: {  	v51 =	vmov s0;
	v27 =	vadd.f32 v30, v27  }
0x46d: {  	v28 =	vshll.u32 v51, $0x4  }
0x46e: {  	v28 =	vor.u32 v0, v28;
	v27 =	vadd.f32 v50, v27  }
0x46f: {  	v52 =	vor.u32 $0x1, v28  }
0x470: {  	v26 =	vadd.f32 v26, v27  }
0x471: {  	v27 =	vor.u32 $0x2, v28  }
0x472: {  	[tilespmem:s11+$0xF270] =	vst v26  }
0x473: {  	v53 =	vor.u32 $0x3, v28;
	v26 =	vld.idx.msk [tilespmem:v28+s22+$0x0], $0xffff  }
0x474: {  	v29 =	vld.idx.msk [tilespmem:v52+s22+$0x0], $0xffff  }
0x475: {  	v54 =	vor.u32 $0x4, v28  }
0x476: {  	v27 =	vld.idx.msk [tilespmem:v27+s22+$0x0], $0xffff  }
0x477: {  	v55 =	vor.u32 $0x5, v28  }
0x478: {  	v30 =	vld.idx.msk [tilespmem:v53+s22+$0x0], $0xffff  }
0x479: {  	v56 =	vor.u32 $0x6, v28;
	v26 =	vadd.f32 v29, v26  }
0x47a: {  	v31 =	vld.idx.msk [tilespmem:v54+s22+$0x0], $0xffff  }
0x47b: {  	v26 =	vadd.f32 v27, v26;
	v27 =	vor.u32 $0x7, v28  }
0x47c: {  	v32 =	vld.idx.msk [tilespmem:v55+s22+$0x0], $0xffff  }
0x47d: {  	v57 =	vor.u32 $0x8, v28;
	v26 =	vadd.f32 v30, v26  }
0x47e: {  	v29 =	vld.idx.msk [tilespmem:v56+s22+$0x0], $0xffff  }
0x47f: {  	v58 =	vor.u32 $0x9, v28;
	v26 =	vadd.f32 v31, v26  }
0x480: {  	v27 =	vld.idx.msk [tilespmem:v27+s22+$0x0], $0xffff  }
0x481: {  	v59 =	vor.u32 $0xA, v28;
	v26 =	vadd.f32 v32, v26  }
0x482: {  	v30 =	vld.idx.msk [tilespmem:v57+s22+$0x0], $0xffff  }
0x483: {  	v60 =	vor.u32 $0xB, v28;
	v26 =	vadd.f32 v29, v26  }
0x484: {  	v31 =	vld.idx.msk [tilespmem:v58+s22+$0x0], $0xffff  }
0x485: {  	v26 =	vadd.f32 v27, v26;
	v27 =	vor.u32 $0xC, v28  }
0x486: {  	v32 =	vld.idx.msk [tilespmem:v59+s22+$0x0], $0xffff  }
0x487: {  	v61 =	vor.u32 $0xD, v28;
	v26 =	vadd.f32 v30, v26  }
0x488: {  	v29 =	vld.idx.msk [tilespmem:v60+s22+$0x0], $0xffff  }
0x489: {  	v62 =	vor.u32 $0xE, v28;
	v26 =	vadd.f32 v31, v26  }
0x48a: {  	v27 =	vld.idx.msk [tilespmem:v27+s22+$0x0], $0xffff  }
0x48b: {  	v28 =	vor.u32 $0xF, v28;
	v26 =	vadd.f32 v32, v26  }
0x48c: {  	v30 =	vld.idx.msk [tilespmem:v61+s22+$0x0], $0xffff  }
0x48d: {  	v26 =	vadd.f32 v29, v26  }
0x48e: {  	v63 =	vld.idx.msk [tilespmem:v62+s22+$0x0], $0xffff  }
0x48f: {  	v26 =	vadd.f32 v27, v26  }
0x490: {  	v27 =	vld.idx.msk [tilespmem:v28+s22+$0x0], $0xffff  }
0x491: {  	v26 =	vadd.f32 v30, v26  }
0x492: {  	p0 =	por p1, p1  }
.Ltmp8:
0x493: {  	v26 =	vadd.f32 v63, v26;
	(pc) =	sbr.rel @p0 .LBB2_18-.Ltmp8, $3  }
0x494: {  	_ = 	snop  }
0x495: {  	v26 =	vadd.f32 v27, v26;
	_ =	sdelay $0x1  }
0x496: {  	p1 =	por $0x0, $0x0;
	[tilespmem:s11+$0xF280] =	vst v26;
	s11 =	simm.s32 $0x20  }
0x497: {  	_ =	sdelay $0x3  }
0x498: {  	v26 =	vld.idx.msk [tilespmem:v1+s22+$0x0], $0xffff  }
0x499: {  	v27 =	vld.idx.msk [tilespmem:v2+s22+$0x0], $0xffff;
	_ =	sdelay $0x1  }
0x49a: {  	v28 =	vld.idx.msk [tilespmem:v3+s22+$0x0], $0xffff;
	_ =	sdelay $0x1  }
0x49b: {  	v29 =	vld.idx.msk [tilespmem:v4+s22+$0x0], $0xffff  }
0x49c: {  	v26 =	vadd.f32 v27, v26  }
0x49d: {  	v27 =	vld.idx.msk [tilespmem:v5+s22+$0x0], $0xffff  }
0x49e: {  	v26 =	vadd.f32 v28, v26  }
0x49f: {  	v54 =	vld.idx.msk [tilespmem:v6+s22+$0x0], $0xffff  }
0x4a0: {  	v26 =	vadd.f32 v29, v26  }
0x4a1: {  	v55 =	vld.idx.msk [tilespmem:v7+s22+$0x0], $0xffff  }
0x4a2: {  	v26 =	vadd.f32 v27, v26  }
0x4a3: {  	v27 =	vld.idx.msk [tilespmem:v8+s22+$0x0], $0xffff  }
0x4a4: {  	v26 =	vadd.f32 v54, v26  }
0x4a5: {  	v56 =	vld.idx.msk [tilespmem:v9+s22+$0x0], $0xffff  }
0x4a6: {  	v26 =	vadd.f32 v55, v26  }
0x4a7: {  	v57 =	vld.idx.msk [tilespmem:v10+s22+$0x0], $0xffff  }
0x4a8: {  	v26 =	vadd.f32 v27, v26  }
0x4a9: {  	v27 =	vld.idx.msk [tilespmem:v11+s22+$0x0], $0xffff  }
0x4aa: {  	v26 =	vadd.f32 v56, v26  }
0x4ab: {  	v58 =	vld.idx.msk [tilespmem:v12+s22+$0x0], $0xffff  }
0x4ac: {  	v26 =	vadd.f32 v57, v26  }
0x4ad: {  	v59 =	vld.idx.msk [tilespmem:v13+s22+$0x0], $0xffff  }
0x4ae: {  	v26 =	vadd.f32 v27, v26  }
0x4af: {  	v27 =	vld.idx.msk [tilespmem:v14+s22+$0x0], $0xffff  }
0x4b0: {  	v26 =	vadd.f32 v58, v26  }
0x4b1: {  	v60 =	vld.idx.msk [tilespmem:v15+s22+$0x0], $0xffff  }
0x4b2: {  	v26 =	vadd.f32 v59, v26  }
0x4b3: {  	v61 =	vld.idx.msk [tilespmem:v16+s22+$0x0], $0xffff  }
0x4b4: {  	v26 =	vadd.f32 v27, v26;
	_ =	sdelay $0x1  }
0x4b5: {  	v26 =	vadd.f32 v60, v26;
	_ =	sdelay $0x1  }
0x4b6: {  	v26 =	vadd.f32 v61, v26;
	_ =	sdelay $0x1  }
0x4b7: {  	[tilespmem:$0xF2B0] =	vst v26  }
0x4b8: {  	_ =	swait.ge [sflag:s24], $0x2800  }
0x4b9: {  	[sflag:s24] =	ssyncset.done $0x0  }
0x4ba: {  	s0 =	simm.s32 $0x7800;
	[sflag:s24] =	ssyncadd.s32 $0xFFFFD800  }
0x4bb: {  	v26 =	vld [tilespmem:s0+$0xFFFFFF00];
	_ =	sdelay $0x1  }
0x4bc: {  	v27 =	vld [tilespmem:s0+$0xFFFFFF10];
	_ =	sdelay $0x1  }
0x4bd: {  	v62 =	vld [tilespmem:s0+$0xFFFFFF20]  }
0x4be: {  	v26 =	vmax.f32 v26, $0.0e+00  }
0x4bf: {  	v63 =	vld [tilespmem:s0+$0xFFFFFF30];
	v26 =	vmul.f32 v26, v17  }
0x4c0: {  	v27 =	vmax.f32 v27, $0.0e+00  }
0x4c1: {  	v30 =	vld [tilespmem:s0+$0xFFFFFF40];
	v27 =	vmul.f32 v27, v18;
	v26 =	vadd.f32 v26, v25  }
0x4c2: {  	v28 =	vmax.f32 v62, $0.0e+00  }
0x4c3: {  	v33 =	vld [tilespmem:s0+$0xFFFFFF50];
	v26 =	vadd.f32 v27, v26;
	v27 =	vmul.f32 v28, v19  }
0x4c4: {  	v29 =	vmax.f32 v63, $0.0e+00  }
0x4c5: {  	v34 =	vld [tilespmem:s0+$0xFFFFFF60];
	v26 =	vadd.f32 v27, v26;
	v27 =	vmul.f32 v29, v20  }
0x4c6: {  	v30 =	vmax.f32 v30, $0.0e+00  }
0x4c7: {  	v35 =	vld [tilespmem:s0+$0xFFFFFF70];
	v26 =	vadd.f32 v27, v26;
	v27 =	vmul.f32 v30, v21  }
0x4c8: {  	v28 =	vmax.f32 v33, $0.0e+00  }
0x4c9: {  	v26 =	vadd.f32 v27, v26;
	v27 =	vmul.f32 v28, v22  }
0x4ca: {  	v36 =	vmax.f32 v34, $0.0e+00  }
0x4cb: {  	v26 =	vadd.f32 v27, v26;
	v27 =	vmul.f32 v36, v23  }
0x4cc: {  	v37 =	vmax.f32 v35, $0.0e+00  }
0x4cd: {  	v26 =	vadd.f32 v27, v26;
	v27 =	vmul.f32 v37, v24;
	_ =	sdelay $0x1  }
0x4ce: {  	v26 =	vadd.f32 v27, v26  }
0x4cf: {  	s1 =	simm.s32 $0xC720  }
0x4d0: {  	[tilespmem:s1+$0xFFFFFFE0] =	vst v26  }
0x4d1: {  	v26 =	vld [tilespmem:s0+$0xFFFFFF80];
	_ =	sdelay $0x1  }
0x4d2: {  	v27 =	vld [tilespmem:s0+$0xFFFFFF90];
	_ =	sdelay $0x1  }
0x4d3: {  	v38 =	vld [tilespmem:s0+$0xFFFFFFA0]  }
0x4d4: {  	v26 =	vmax.f32 v26, $0.0e+00  }
0x4d5: {  	v39 =	vld [tilespmem:s0+$0xFFFFFFB0];
	v26 =	vmul.f32 v26, v17  }
0x4d6: {  	v27 =	vmax.f32 v27, $0.0e+00  }
0x4d7: {  	v40 =	vld [tilespmem:s0+$0xFFFFFFC0];
	v27 =	vmul.f32 v27, v18;
	v26 =	vadd.f32 v26, v25  }
0x4d8: {  	v28 =	vmax.f32 v38, $0.0e+00  }
0x4d9: {  	v41 =	vld [tilespmem:s0+$0xFFFFFFD0];
	v26 =	vadd.f32 v27, v26;
	v27 =	vmul.f32 v28, v19  }
0x4da: {  	v29 =	vmax.f32 v39, $0.0e+00  }
0x4db: {  	v42 =	vld [tilespmem:s0+$0xFFFFFFE0];
	v26 =	vadd.f32 v27, v26;
	v27 =	vmul.f32 v29, v20  }
0x4dc: {  	v30 =	vmax.f32 v40, $0.0e+00  }
0x4dd: {  	v43 =	vld [tilespmem:s0+$0xFFFFFFF0];
	v26 =	vadd.f32 v27, v26;
	v27 =	vmul.f32 v30, v21  }
0x4de: {  	v28 =	vmax.f32 v41, $0.0e+00  }
0x4df: {  	v26 =	vadd.f32 v27, v26;
	v27 =	vmul.f32 v28, v22  }
0x4e0: {  	v44 =	vmax.f32 v42, $0.0e+00  }
0x4e1: {  	v26 =	vadd.f32 v27, v26;
	v27 =	vmul.f32 v44, v23  }
0x4e2: {  	v45 =	vmax.f32 v43, $0.0e+00  }
0x4e3: {  	v26 =	vadd.f32 v27, v26;
	v27 =	vmul.f32 v45, v24;
	_ =	sdelay $0x1  }
0x4e4: {  	v26 =	vadd.f32 v27, v26;
	_ =	sdelay $0x1  }
0x4e5: {  	[tilespmem:s1+$0xFFFFFFF0] =	vst v26  }
0x4e6: {  	v26 =	vld [tilespmem:s0+$0x0];
	_ =	sdelay $0x1  }
0x4e7: {  	v27 =	vld [tilespmem:s0+$0x10];
	_ =	sdelay $0x1  }
0x4e8: {  	v46 =	vld [tilespmem:s0+$0x20]  }
0x4e9: {  	v26 =	vmax.f32 v26, $0.0e+00  }
0x4ea: {  	v47 =	vld [tilespmem:s0+$0x30];
	v26 =	vmul.f32 v26, v17  }
0x4eb: {  	v27 =	vmax.f32 v27, $0.0e+00  }
0x4ec: {  	v48 =	vld [tilespmem:s0+$0x40];
	v27 =	vmul.f32 v27, v18;
	v26 =	vadd.f32 v26, v25  }
0x4ed: {  	v28 =	vmax.f32 v46, $0.0e+00  }
0x4ee: {  	v49 =	vld [tilespmem:s0+$0x50];
	v26 =	vadd.f32 v27, v26;
	v27 =	vmul.f32 v28, v19  }
0x4ef: {  	v29 =	vmax.f32 v47, $0.0e+00  }
0x4f0: {  	v50 =	vld [tilespmem:s0+$0x60];
	v26 =	vadd.f32 v27, v26;
	v27 =	vmul.f32 v29, v20  }
0x4f1: {  	v30 =	vmax.f32 v48, $0.0e+00  }
0x4f2: {  	v51 =	vld [tilespmem:s0+$0x70];
	v26 =	vadd.f32 v27, v26;
	v27 =	vmul.f32 v30, v21  }
0x4f3: {  	v28 =	vmax.f32 v49, $0.0e+00  }
0x4f4: {  	v26 =	vadd.f32 v27, v26;
	v27 =	vmul.f32 v28, v22  }
0x4f5: {  	v52 =	vmax.f32 v50, $0.0e+00  }
0x4f6: {  	v26 =	vadd.f32 v27, v26;
	v27 =	vmul.f32 v52, v23  }
0x4f7: {  	v53 =	vmax.f32 v51, $0.0e+00  }
0x4f8: {  	v26 =	vadd.f32 v27, v26;
	v27 =	vmul.f32 v53, v24;
	_ =	sdelay $0x1  }
0x4f9: {  	v26 =	vadd.f32 v27, v26;
	_ =	sdelay $0x1  }
0x4fa: {  	[tilespmem:s1+$0x0] =	vst v26  }
0x4fb: {  	v26 =	vld [tilespmem:s0+$0x80];
	_ =	sdelay $0x1  }
0x4fc: {  	v27 =	vld [tilespmem:s0+$0x90];
	_ =	sdelay $0x1  }
0x4fd: {  	v54 =	vld [tilespmem:s0+$0xA0]  }
0x4fe: {  	v26 =	vmax.f32 v26, $0.0e+00  }
0x4ff: {  	v55 =	vld [tilespmem:s0+$0xB0];
	v26 =	vmul.f32 v26, v17  }
0x500: {  	v27 =	vmax.f32 v27, $0.0e+00  }
0x501: {  	v56 =	vld [tilespmem:s0+$0xC0];
	v27 =	vmul.f32 v27, v18;
	v26 =	vadd.f32 v26, v25  }
0x502: {  	v28 =	vmax.f32 v54, $0.0e+00  }
0x503: {  	v31 =	vld [tilespmem:s0+$0xD0];
	v26 =	vadd.f32 v27, v26;
	v27 =	vmul.f32 v28, v19  }
0x504: {  	v57 =	vmax.f32 v55, $0.0e+00  }
0x505: {  	v58 =	vld [tilespmem:s0+$0xE0];
	v26 =	vadd.f32 v27, v26;
	v27 =	vmul.f32 v57, v20  }
0x506: {  	v59 =	vmax.f32 v56, $0.0e+00  }
0x507: {  	v60 =	vld [tilespmem:s0+$0xF0];
	v26 =	vadd.f32 v27, v26;
	v27 =	vmul.f32 v59, v21  }
0x508: {  	v61 =	vmax.f32 v31, $0.0e+00  }
0x509: {  	v26 =	vadd.f32 v27, v26;
	v27 =	vmul.f32 v61, v22  }
0x50a: {  	v62 =	vmax.f32 v58, $0.0e+00  }
0x50b: {  	v26 =	vadd.f32 v27, v26;
	v27 =	vmul.f32 v62, v23  }
0x50c: {  	v63 =	vmax.f32 v60, $0.0e+00  }
0x50d: {  	v26 =	vadd.f32 v27, v26;
	v27 =	vmul.f32 v63, v24;
	_ =	sdelay $0x1  }
0x50e: {  	v26 =	vadd.f32 v27, v26  }
0x50f: {  	s2 =	simm.s32 $0x0  }
.LBB2_20:
0x510: {  	s2 =	sadd.s32 $0x4, s2;
	[tilespmem:s1+$0x10] =	vst v26;
	s1 =	sadd.s32 $0x40, s1;
	s0 =	sadd.s32 $0x200, s0  }
0x511: {  	v26 =	vld [tilespmem:s0+$0xFFFFFF00];
	p0 =	slt.u32 s2, $0x4C;
	_ =	sdelay $0x1  }
0x512: {  	v27 =	vld [tilespmem:s0+$0xFFFFFF10];
	_ =	sdelay $0x1  }
0x513: {  	v28 =	vld [tilespmem:s0+$0xFFFFFF20]  }
0x514: {  	v26 =	vmax.f32 v26, $0.0e+00  }
0x515: {  	v26 =	vmul.f32 v26, v17;
	v29 =	vld [tilespmem:s0+$0xFFFFFF30]  }
0x516: {  	v27 =	vmax.f32 v27, $0.0e+00  }
0x517: {  	v26 =	vadd.f32 v26, v25;
	v27 =	vmul.f32 v27, v18;
	v30 =	vld [tilespmem:s0+$0xFFFFFF40]  }
0x518: {  	v28 =	vmax.f32 v28, $0.0e+00  }
0x519: {  	v26 =	vadd.f32 v27, v26;
	v27 =	vmul.f32 v28, v19;
	v28 =	vld [tilespmem:s0+$0xFFFFFF50]  }
0x51a: {  	v29 =	vmax.f32 v29, $0.0e+00  }
0x51b: {  	v26 =	vadd.f32 v27, v26;
	v27 =	vmul.f32 v29, v20;
	v29 =	vld [tilespmem:s0+$0xFFFFFF60]  }
0x51c: {  	v30 =	vmax.f32 v30, $0.0e+00  }
0x51d: {  	v26 =	vadd.f32 v27, v26;
	v27 =	vmul.f32 v30, v21;
	v30 =	vld [tilespmem:s0+$0xFFFFFF70]  }
0x51e: {  	v28 =	vmax.f32 v28, $0.0e+00  }
0x51f: {  	v26 =	vadd.f32 v27, v26;
	v27 =	vmul.f32 v28, v22  }
0x520: {  	v28 =	vmax.f32 v29, $0.0e+00  }
0x521: {  	v26 =	vadd.f32 v27, v26;
	v27 =	vmul.f32 v28, v23  }
0x522: {  	v28 =	vmax.f32 v30, $0.0e+00  }
0x523: {  	v26 =	vadd.f32 v27, v26;
	v27 =	vmul.f32 v28, v24;
	_ =	sdelay $0x1  }
0x524: {  	v26 =	vadd.f32 v27, v26;
	_ =	sdelay $0x1  }
0x525: {  	[tilespmem:s1+$0xFFFFFFE0] =	vst v26  }
0x526: {  	v26 =	vld [tilespmem:s0+$0xFFFFFF80];
	_ =	sdelay $0x1  }
0x527: {  	v27 =	vld [tilespmem:s0+$0xFFFFFF90];
	_ =	sdelay $0x1  }
0x528: {  	v28 =	vld [tilespmem:s0+$0xFFFFFFA0]  }
0x529: {  	v26 =	vmax.f32 v26, $0.0e+00  }
0x52a: {  	v26 =	vmul.f32 v26, v17;
	v29 =	vld [tilespmem:s0+$0xFFFFFFB0]  }
0x52b: {  	v27 =	vmax.f32 v27, $0.0e+00  }
0x52c: {  	v26 =	vadd.f32 v26, v25;
	v27 =	vmul.f32 v27, v18;
	v30 =	vld [tilespmem:s0+$0xFFFFFFC0]  }
0x52d: {  	v28 =	vmax.f32 v28, $0.0e+00  }
0x52e: {  	v26 =	vadd.f32 v27, v26;
	v27 =	vmul.f32 v28, v19;
	v28 =	vld [tilespmem:s0+$0xFFFFFFD0]  }
0x52f: {  	v29 =	vmax.f32 v29, $0.0e+00  }
0x530: {  	v26 =	vadd.f32 v27, v26;
	v27 =	vmul.f32 v29, v20;
	v29 =	vld [tilespmem:s0+$0xFFFFFFE0]  }
0x531: {  	v30 =	vmax.f32 v30, $0.0e+00  }
0x532: {  	v26 =	vadd.f32 v27, v26;
	v27 =	vmul.f32 v30, v21;
	v30 =	vld [tilespmem:s0+$0xFFFFFFF0]  }
0x533: {  	v28 =	vmax.f32 v28, $0.0e+00  }
0x534: {  	v26 =	vadd.f32 v27, v26;
	v27 =	vmul.f32 v28, v22  }
0x535: {  	v28 =	vmax.f32 v29, $0.0e+00  }
0x536: {  	v26 =	vadd.f32 v27, v26;
	v27 =	vmul.f32 v28, v23  }
0x537: {  	v28 =	vmax.f32 v30, $0.0e+00  }
0x538: {  	v26 =	vadd.f32 v27, v26;
	v27 =	vmul.f32 v28, v24;
	_ =	sdelay $0x1  }
0x539: {  	v26 =	vadd.f32 v27, v26;
	_ =	sdelay $0x1  }
0x53a: {  	[tilespmem:s1+$0xFFFFFFF0] =	vst v26  }
0x53b: {  	v26 =	vld [tilespmem:s0+$0x0];
	_ =	sdelay $0x1  }
0x53c: {  	v27 =	vld [tilespmem:s0+$0x10];
	_ =	sdelay $0x1  }
0x53d: {  	v28 =	vld [tilespmem:s0+$0x20]  }
0x53e: {  	v26 =	vmax.f32 v26, $0.0e+00  }
0x53f: {  	v26 =	vmul.f32 v26, v17;
	v29 =	vld [tilespmem:s0+$0x30]  }
0x540: {  	v27 =	vmax.f32 v27, $0.0e+00  }
0x541: {  	v26 =	vadd.f32 v26, v25;
	v27 =	vmul.f32 v27, v18;
	v30 =	vld [tilespmem:s0+$0x40]  }
0x542: {  	v28 =	vmax.f32 v28, $0.0e+00  }
0x543: {  	v26 =	vadd.f32 v27, v26;
	v27 =	vmul.f32 v28, v19;
	v28 =	vld [tilespmem:s0+$0x50]  }
0x544: {  	v29 =	vmax.f32 v29, $0.0e+00  }
0x545: {  	v26 =	vadd.f32 v27, v26;
	v27 =	vmul.f32 v29, v20;
	v29 =	vld [tilespmem:s0+$0x60]  }
0x546: {  	v30 =	vmax.f32 v30, $0.0e+00  }
0x547: {  	v26 =	vadd.f32 v27, v26;
	v27 =	vmul.f32 v30, v21;
	v30 =	vld [tilespmem:s0+$0x70]  }
0x548: {  	v28 =	vmax.f32 v28, $0.0e+00  }
0x549: {  	v26 =	vadd.f32 v27, v26;
	v27 =	vmul.f32 v28, v22  }
0x54a: {  	v28 =	vmax.f32 v29, $0.0e+00  }
0x54b: {  	v26 =	vadd.f32 v27, v26;
	v27 =	vmul.f32 v28, v23  }
0x54c: {  	v28 =	vmax.f32 v30, $0.0e+00  }
0x54d: {  	v26 =	vadd.f32 v27, v26;
	v27 =	vmul.f32 v28, v24;
	_ =	sdelay $0x1  }
0x54e: {  	v26 =	vadd.f32 v27, v26;
	_ =	sdelay $0x1  }
0x54f: {  	[tilespmem:s1+$0x0] =	vst v26  }
0x550: {  	v26 =	vld [tilespmem:s0+$0x80]  }
0x551: {  	v27 =	vld [tilespmem:s0+$0x90]  }
0x552: {  	v28 =	vld [tilespmem:s0+$0xA0]  }
0x553: {  	v29 =	vld [tilespmem:s0+$0xB0]  }
0x554: {  	v30 =	vld [tilespmem:s0+$0xC0]  }
0x555: {  	v26 =	vmax.f32 v26, $0.0e+00;
	v31 =	vld [tilespmem:s0+$0xD0]  }
0x556: {  	v26 =	vmul.f32 v26, v17;
	v27 =	vmax.f32 v27, $0.0e+00;
	v32 =	vld [tilespmem:s0+$0xE0]  }
0x557: {  	v28 =	vmax.f32 v28, $0.0e+00;
	v33 =	vld [tilespmem:s0+$0xF0]  }
0x558: {  	v27 =	vmul.f32 v27, v18;
	v26 =	vadd.f32 v26, v25;
	v29 =	vmax.f32 v29, $0.0e+00  }
0x559: {  	v30 =	vmax.f32 v30, $0.0e+00  }
0x55a: {  	v26 =	vadd.f32 v27, v26;
	v27 =	vmul.f32 v28, v19;
	v28 =	vmax.f32 v31, $0.0e+00  }
0x55b: {  	v31 =	vmax.f32 v32, $0.0e+00  }
0x55c: {  	v26 =	vadd.f32 v27, v26;
	v27 =	vmul.f32 v29, v20;
	v29 =	vmax.f32 v33, $0.0e+00;
	_ =	sdelay $0x1  }
0x55d: {  	v26 =	vadd.f32 v27, v26;
	v27 =	vmul.f32 v30, v21;
	_ =	sdelay $0x1  }
0x55e: {  	v26 =	vadd.f32 v27, v26;
	v27 =	vmul.f32 v28, v22;
	_ =	sdelay $0x1  }
0x55f: {  	v26 =	vadd.f32 v27, v26;
	v27 =	vmul.f32 v31, v23  }
.Ltmp9:
0x560: {  	(pc) =	sbr.rel @p0 .LBB2_20-.Ltmp9, $3  }
0x561: {  	v26 =	vadd.f32 v27, v26;
	v27 =	vmul.f32 v29, v24;
	_ =	sdelay $0x1  }
0x562: {  	v26 =	vadd.f32 v27, v26  }
0x563: {  	s11 =	simm.s32 $0x0;
	p1 =	por $0x1, $0x1  }
0x564: {  	[tilespmem:s1+$0x10] =	vst v26  }
.LBB2_22:
0x565: {  	v17 =	vmov s11  }
0x566: {  	v17 =	vshll.u32 v17, $0x4  }
0x567: {  	v17 =	vor.u32 v0, v17  }
0x568: {  	v18 =	vor.u32 $0x1, v17;
	_ =	sdelay $0x1  }
0x569: {  	v19 =	vor.u32 $0x2, v17;
	_ =	sdelay $0x1  }
0x56a: {  	v21 =	vor.u32 $0x3, v17;
	v20 =	vld.idx.msk [tilespmem:v17+s22+$0x0], $0xffff  }
0x56b: {  	v18 =	vld.idx.msk [tilespmem:v18+s22+$0x0], $0xffff  }
0x56c: {  	v22 =	vor.u32 $0x4, v17  }
0x56d: {  	v19 =	vld.idx.msk [tilespmem:v19+s22+$0x0], $0xffff  }
0x56e: {  	v23 =	vor.u32 $0x5, v17  }
0x56f: {  	v21 =	vld.idx.msk [tilespmem:v21+s22+$0x0], $0xffff  }
0x570: {  	v44 =	vor.u32 $0x6, v17;
	v18 =	vadd.f32 v18, v20  }
0x571: {  	v22 =	vld.idx.msk [tilespmem:v22+s22+$0x0], $0xffff  }
0x572: {  	v18 =	vadd.f32 v19, v18;
	v19 =	vor.u32 $0x7, v17  }
0x573: {  	v23 =	vld.idx.msk [tilespmem:v23+s22+$0x0], $0xffff  }
0x574: {  	v45 =	vor.u32 $0x8, v17;
	v18 =	vadd.f32 v21, v18  }
0x575: {  	v20 =	vld.idx.msk [tilespmem:v44+s22+$0x0], $0xffff  }
0x576: {  	v46 =	vor.u32 $0x9, v17;
	v18 =	vadd.f32 v22, v18  }
0x577: {  	v19 =	vld.idx.msk [tilespmem:v19+s22+$0x0], $0xffff  }
0x578: {  	v47 =	vor.u32 $0xA, v17;
	v18 =	vadd.f32 v23, v18  }
0x579: {  	v21 =	vld.idx.msk [tilespmem:v45+s22+$0x0], $0xffff  }
0x57a: {  	v48 =	vor.u32 $0xB, v17;
	v18 =	vadd.f32 v20, v18  }
0x57b: {  	v22 =	vld.idx.msk [tilespmem:v46+s22+$0x0], $0xffff  }
0x57c: {  	v18 =	vadd.f32 v19, v18;
	v19 =	vor.u32 $0xC, v17  }
0x57d: {  	v23 =	vld.idx.msk [tilespmem:v47+s22+$0x0], $0xffff  }
0x57e: {  	v49 =	vor.u32 $0xD, v17;
	v18 =	vadd.f32 v21, v18  }
0x57f: {  	v20 =	vld.idx.msk [tilespmem:v48+s22+$0x0], $0xffff  }
0x580: {  	v50 =	vor.u32 $0xE, v17;
	v18 =	vadd.f32 v22, v18  }
0x581: {  	v19 =	vld.idx.msk [tilespmem:v19+s22+$0x0], $0xffff  }
0x582: {  	v17 =	vor.u32 $0xF, v17;
	v18 =	vadd.f32 v23, v18  }
0x583: {  	v21 =	vld.idx.msk [tilespmem:v49+s22+$0x0], $0xffff  }
0x584: {  	v18 =	vadd.f32 v20, v18  }
0x585: {  	v51 =	vld.idx.msk [tilespmem:v50+s22+$0x0], $0xffff  }
0x586: {  	v18 =	vadd.f32 v19, v18  }
0x587: {  	s0 =	sor.u32 $0x10, s11;
	v17 =	vld.idx.msk [tilespmem:v17+s22+$0x0], $0xffff  }
0x588: {  	v19 =	vmov s0;
	v18 =	vadd.f32 v21, v18  }
0x589: {  	v19 =	vshll.u32 v19, $0x4  }
0x58a: {  	v19 =	vor.u32 v0, v19;
	v18 =	vadd.f32 v51, v18  }
0x58b: {  	v52 =	vor.u32 $0x1, v19  }
0x58c: {  	v17 =	vadd.f32 v17, v18  }
0x58d: {  	v18 =	vor.u32 $0x2, v19  }
0x58e: {  	[tilespmem:s11+$0xF2C0] =	vst v17  }
0x58f: {  	v53 =	vor.u32 $0x3, v19;
	v17 =	vld.idx.msk [tilespmem:v19+s22+$0x0], $0xffff  }
0x590: {  	v20 =	vld.idx.msk [tilespmem:v52+s22+$0x0], $0xffff  }
0x591: {  	v54 =	vor.u32 $0x4, v19  }
0x592: {  	v18 =	vld.idx.msk [tilespmem:v18+s22+$0x0], $0xffff  }
0x593: {  	v55 =	vor.u32 $0x5, v19  }
0x594: {  	v21 =	vld.idx.msk [tilespmem:v53+s22+$0x0], $0xffff  }
0x595: {  	v56 =	vor.u32 $0x6, v19;
	v17 =	vadd.f32 v20, v17  }
0x596: {  	v22 =	vld.idx.msk [tilespmem:v54+s22+$0x0], $0xffff  }
0x597: {  	v17 =	vadd.f32 v18, v17;
	v18 =	vor.u32 $0x7, v19  }
0x598: {  	v23 =	vld.idx.msk [tilespmem:v55+s22+$0x0], $0xffff  }
0x599: {  	v57 =	vor.u32 $0x8, v19;
	v17 =	vadd.f32 v21, v17  }
0x59a: {  	v20 =	vld.idx.msk [tilespmem:v56+s22+$0x0], $0xffff  }
0x59b: {  	v58 =	vor.u32 $0x9, v19;
	v17 =	vadd.f32 v22, v17  }
0x59c: {  	v18 =	vld.idx.msk [tilespmem:v18+s22+$0x0], $0xffff  }
0x59d: {  	v59 =	vor.u32 $0xA, v19;
	v17 =	vadd.f32 v23, v17  }
0x59e: {  	v21 =	vld.idx.msk [tilespmem:v57+s22+$0x0], $0xffff  }
0x59f: {  	v60 =	vor.u32 $0xB, v19;
	v17 =	vadd.f32 v20, v17  }
0x5a0: {  	v22 =	vld.idx.msk [tilespmem:v58+s22+$0x0], $0xffff  }
0x5a1: {  	v17 =	vadd.f32 v18, v17;
	v18 =	vor.u32 $0xC, v19  }
0x5a2: {  	v23 =	vld.idx.msk [tilespmem:v59+s22+$0x0], $0xffff  }
0x5a3: {  	v61 =	vor.u32 $0xD, v19;
	v17 =	vadd.f32 v21, v17  }
0x5a4: {  	v20 =	vld.idx.msk [tilespmem:v60+s22+$0x0], $0xffff  }
0x5a5: {  	v62 =	vor.u32 $0xE, v19;
	v17 =	vadd.f32 v22, v17  }
0x5a6: {  	v18 =	vld.idx.msk [tilespmem:v18+s22+$0x0], $0xffff  }
0x5a7: {  	v19 =	vor.u32 $0xF, v19;
	v17 =	vadd.f32 v23, v17  }
0x5a8: {  	v21 =	vld.idx.msk [tilespmem:v61+s22+$0x0], $0xffff  }
0x5a9: {  	v17 =	vadd.f32 v20, v17  }
0x5aa: {  	v63 =	vld.idx.msk [tilespmem:v62+s22+$0x0], $0xffff  }
0x5ab: {  	v17 =	vadd.f32 v18, v17  }
0x5ac: {  	v18 =	vld.idx.msk [tilespmem:v19+s22+$0x0], $0xffff  }
0x5ad: {  	v17 =	vadd.f32 v21, v17  }
0x5ae: {  	p0 =	por p1, p1  }
.Ltmp10:
0x5af: {  	v17 =	vadd.f32 v63, v17;
	(pc) =	sbr.rel @p0 .LBB2_22-.Ltmp10, $3  }
0x5b0: {  	_ = 	snop  }
0x5b1: {  	v17 =	vadd.f32 v18, v17;
	_ =	sdelay $0x1  }
0x5b2: {  	p1 =	por $0x0, $0x0;
	[tilespmem:s11+$0xF2D0] =	vst v17;
	s11 =	simm.s32 $0x20  }
0x5b3: {  	_ =	sdelay $0x3  }
0x5b4: {  	v17 =	vld.idx.msk [tilespmem:v1+s22+$0x0], $0xffff  }
0x5b5: {  	v18 =	vld.idx.msk [tilespmem:v2+s22+$0x0], $0xffff;
	_ =	sdelay $0x1  }
0x5b6: {  	v19 =	vld.idx.msk [tilespmem:v3+s22+$0x0], $0xffff;
	_ =	sdelay $0x1  }
0x5b7: {  	v20 =	vld.idx.msk [tilespmem:v4+s22+$0x0], $0xffff  }
0x5b8: {  	v17 =	vadd.f32 v18, v17  }
0x5b9: {  	v18 =	vld.idx.msk [tilespmem:v5+s22+$0x0], $0xffff  }
0x5ba: {  	v17 =	vadd.f32 v19, v17  }
0x5bb: {  	v19 =	vld.idx.msk [tilespmem:v6+s22+$0x0], $0xffff  }
0x5bc: {  	v17 =	vadd.f32 v20, v17  }
0x5bd: {  	v60 =	vld.idx.msk [tilespmem:v7+s22+$0x0], $0xffff  }
0x5be: {  	v17 =	vadd.f32 v18, v17  }
0x5bf: {  	v18 =	vld.idx.msk [tilespmem:v8+s22+$0x0], $0xffff  }
0x5c0: {  	v17 =	vadd.f32 v19, v17  }
0x5c1: {  	v19 =	vld.idx.msk [tilespmem:v9+s22+$0x0], $0xffff  }
0x5c2: {  	v17 =	vadd.f32 v60, v17  }
0x5c3: {  	v61 =	vld.idx.msk [tilespmem:v10+s22+$0x0], $0xffff  }
0x5c4: {  	v17 =	vadd.f32 v18, v17  }
0x5c5: {  	v18 =	vld.idx.msk [tilespmem:v11+s22+$0x0], $0xffff  }
0x5c6: {  	v17 =	vadd.f32 v19, v17  }
0x5c7: {  	v19 =	vld.idx.msk [tilespmem:v12+s22+$0x0], $0xffff  }
0x5c8: {  	v17 =	vadd.f32 v61, v17  }
0x5c9: {  	v62 =	vld.idx.msk [tilespmem:v13+s22+$0x0], $0xffff  }
0x5ca: {  	v17 =	vadd.f32 v18, v17  }
0x5cb: {  	v18 =	vld.idx.msk [tilespmem:v14+s22+$0x0], $0xffff  }
0x5cc: {  	v17 =	vadd.f32 v19, v17  }
0x5cd: {  	v19 =	vld.idx.msk [tilespmem:v15+s22+$0x0], $0xffff  }
0x5ce: {  	v17 =	vadd.f32 v62, v17  }
0x5cf: {  	v63 =	vld.idx.msk [tilespmem:v16+s22+$0x0], $0xffff  }
0x5d0: {  	v17 =	vadd.f32 v18, v17;
	_ =	sdelay $0x1  }
0x5d1: {  	v17 =	vadd.f32 v19, v17;
	_ =	sdelay $0x1  }
0x5d2: {  	s29 =	sadd.s32 $0x1, s29;
	v17 =	vadd.f32 v63, v17  }
0x5d3: {  	p0 =	sne.s32 s29, s10  }
.Ltmp11:
0x5d4: {  	s0 =	simm.s32 $0xCC00;
	[tilespmem:$0xF300] =	vst v17;
	(pc) =	sbr.rel @p0 .LBB2_1-.Ltmp11, $4  }
0x5d5: {  	[hbm4b:s9+s3] =	stream.linear.scatter [tilespmem:s0], [sflag:$0x7], $0x2710, $0x38;
	[tilespmem:$0xF480] =	vst v63  }
0x5d6: {  	_ =	swait.ge [sflag:s12], $0x2710  }
0x5d7: {  	[sflag:s12] =	ssyncset.done $0x0  }
0x5d8: {  	[sflag:s12] =	ssyncadd.s32 $0xFFFFD8F0  }
0x5d9: {  	_ =	sfence.sel $0x180000  }
0x5da: {  	[bflag:$0x0] =	sbarrier.arrive $0xFFFF  }
0x5db: {  	_ =	strace $0x90000047  }
0x5dc: {  	s0 =	stileid.u32;
	[bflag:$0x2] =	sbarrier.arrive $0xFFFF  }
0x5dd: {  	p0 =	sne.s32 s0, $0x0;
	s0 =	rddreg [dreg:$0x3]  }
0x5de: {  	s0 =	sadd.s32 @!p0 $0x100000, s0  }
0x5df: {  	[sflag:s0] =	ssyncadd.tile.s32 @!p0 $0x1;
	_ =	shalt  }
.Lfunc_end2:
_tile_overlayer_lowered:
.L_overlay_start_2:
0x5e0: {  	(tag) =	ssettag $0x2  }
0x5e1: {  	s0 =	rddreg [dreg:$0x0];
	s2 =	stileid.u32  }
0x5e2: {  	s1 =	rddreg [dreg:$0x1];
	p0 =	sne.s32 s2, $0x0  }
0x5e3: {  	s3 =	rddreg [dreg:$0x2];
	[bflag:$0x3] =	sbarrier.arrive $0xFFFF;
	s2 =	simm.s32 @!p0 $0x1C07  }
0x5e4: {  	[timem:s3], [sflag:s2] =	dma.local @!p0 [hbm:s0], s1  }
0x5e5: {  	s0 =	simm.s32 @!p0 $0x7  }
0x5e6: {  	_ =	swait.ge @!p0 [sflag:s0], s1  }
0x5e7: {  	s1 =	ssub.s32 @!p0 $0x0, s1;
	[sflag:s0] =	ssyncset.done @!p0 $0x0  }
0x5e8: {  	[sflag:s0] =	ssyncadd.s32 @!p0 s1  }
0x5e9: {  	[bflag:$0x3] =	sbarrier.arrive $0xFFFF  }
0x5ea: {  	_ =	shalt  }

</sc_bundles>
